<compile_context>
chip_gen: v7x
topology: tpu7x:2x2x1
jax: 0.10.2.dev20260603
libtpu: 0.0.44.dev20260713+nightly
codegen_flags: <defaults>
</compile_context>

<pallas_src>
import functools

import jax
import jax.numpy as jnp
from jax import lax
from jax.experimental import pallas as pl
from jax.experimental.pallas import tpu as pltpu
from jax.experimental.pallas import tpu_sc as plsc

E = 8
K = 2
D = 1024
FF = 2048
M = 256
FT = 512
NF = FF // FT
LANES = 128

NW = 32
CH = 72
NB = 1
NSEG = 4



def _router_body(x_ref, wg_ref, logits_ref, meta_ref):
    x = x_ref[...]
    wg = wg_ref[...]
    logits = lax.dot_general(x, wg, (((1,), (1,)), ((), ())),
                             preferred_element_type=jnp.float32)
    logits_ref[...] = logits
    lane = lax.broadcasted_iota(jnp.int32, logits.shape, 1)
    neg = jnp.float32(-1e30)
    masked = jnp.where(lane < E, logits, neg)
    m1 = jnp.max(masked, axis=1, keepdims=True)
    i1 = jnp.min(jnp.where(masked == m1, lane, LANES), axis=1, keepdims=True)
    masked2 = jnp.where(lane == i1, neg, masked)
    m2 = jnp.max(masked2, axis=1, keepdims=True)
    i2 = jnp.min(jnp.where(masked2 == m2, lane, LANES), axis=1, keepdims=True)
    g1 = jax.nn.sigmoid(m1 - m2)
    g2 = 1.0 - g1
    meta = jnp.where(lane == 0, i1.astype(jnp.float32),
           jnp.where(lane == 1, i2.astype(jnp.float32),
           jnp.where(lane == 2, g1,
           jnp.where(lane == 3, g2, 0.0))))
    meta_ref[...] = meta


def _router(x2d, wg_pad, n_tokens, rt):
    return pl.pallas_call(
        _router_body,
        grid=(n_tokens // rt,),
        in_specs=[
            pl.BlockSpec((rt, D), lambda t: (t, 0)),
            pl.BlockSpec((LANES, D), lambda t: (0, 0)),
        ],
        out_specs=[
            pl.BlockSpec((rt, LANES), lambda t: (t, 0)),
            pl.BlockSpec((rt, LANES), lambda t: (t, 0)),
        ],
        out_shape=[
            jax.ShapeDtypeStruct((n_tokens, LANES), jnp.float32),
            jax.ShapeDtypeStruct((n_tokens, LANES), jnp.float32),
        ],
    )(x2d, wg_pad)



@functools.cache
def _sc_mesh():
    return plsc.VectorSubcoreMesh(core_axis_name="c", subcore_axis_name="s")


def _ring(nch, start, drain):
    ins = [None] * nch
    outs = [None] * nch
    for c in range(nch):
        if c >= NB:
            outs[c - NB].wait()
        ins[c] = start(c)
        d = c - (NB - 1)
        if d >= 0:
            ins[d].wait()
            outs[d] = drain(d)
    for d in range(max(0, nch - NB + 1), nch):
        ins[d].wait()
        outs[d] = drain(d)
    for d in range(max(0, nch - NB), nch):
        outs[d].wait()


def _sc_gather(x2d, idx3, seg_rows):
    rows_w = seg_rows // NW
    nch = rows_w // CH

    @functools.partial(
        pl.kernel,
        out_type=jax.ShapeDtypeStruct((seg_rows, D), jnp.float32),
        mesh=_sc_mesh(),
        scratch_types=[
            pltpu.VMEM((nch, CH), jnp.int32),
            pltpu.VMEM((NB, CH, D), jnp.float32),
        ] + [pltpu.SemaphoreType.DMA] * (2 * NB),
    )
    def gather_k(x_hbm, idx_hbm, out_hbm, idx_v, bufs, *sems):
        isem, osem = sems[:NB], sems[NB:]
        wid = lax.axis_index("s") * 2 + lax.axis_index("c")
        pltpu.sync_copy(idx_hbm.at[wid], idx_v)

        def start(c):
            return pltpu.async_copy(
                x_hbm.at[idx_v.at[c]], bufs.at[c % NB], isem[c % NB])

        def drain(c):
            base = wid * rows_w + c * CH
            return pltpu.async_copy(
                bufs.at[c % NB], out_hbm.at[pl.ds(base, CH)], osem[c % NB])

        _ring(nch, start, drain)

    return gather_k(x2d, idx3)


def _sc_scatter(gy_segs, idx3, out_rows):
    seg_rows = gy_segs[0].shape[0]
    rows_w = seg_rows // NW
    nch_s = rows_w // CH
    nch = NSEG * nch_s

    @functools.partial(
        pl.kernel,
        out_type=jax.ShapeDtypeStruct((out_rows, D), jnp.float32),
        mesh=_sc_mesh(),
        scratch_types=[
            pltpu.VMEM((nch, CH), jnp.int32),
            pltpu.VMEM((NB, CH, D), jnp.float32),
        ] + [pltpu.SemaphoreType.DMA] * (2 * NB),
    )
    def scatter_k(*refs):
        srcs = list(refs[:NSEG])
        idx_hbm, out_hbm, idx_v, bufs = refs[NSEG:NSEG + 4]
        sems = refs[NSEG + 4:]
        isem, osem = sems[:NB], sems[NB:]
        wid = lax.axis_index("s") * 2 + lax.axis_index("c")
        pltpu.sync_copy(idx_hbm.at[wid], idx_v)

        def start(c):
            s, cc = divmod(c, nch_s)
            base = wid * rows_w + cc * CH
            return pltpu.async_copy(
                srcs[s].at[pl.ds(base, CH)], bufs.at[c % NB], isem[c % NB])

        def drain(c):
            return pltpu.async_copy(
                bufs.at[c % NB], out_hbm.at[idx_v.at[c]], osem[c % NB])

        _ring(nch, start, drain)

    return scatter_k(*gy_segs, idx3)



def _ffn_body(te_ref, x_ref, w1_ref, w2_ref, wo_ref, out_ref):
    x = x_ref[...].astype(jnp.bfloat16)
    h1 = lax.dot_general(x, w1_ref[0, 0], (((1,), (1,)), ((), ())),
                         preferred_element_type=jnp.float32)
    h2 = lax.dot_general(x, w2_ref[0, 0], (((1,), (1,)), ((), ())),
                         preferred_element_type=jnp.float32)
    g = ((h1 * jax.nn.sigmoid(h1)) * h2).astype(jnp.bfloat16)
    y = lax.dot_general(g, wo_ref[0, 0], (((1,), (1,)), ((), ())),
                        preferred_element_type=jnp.float32)
    out_ref[...] = y


def _ffn(xg, w_in_bf, w_out_bf, tile_expert, npad):
    t_tiles = npad // M
    grid_spec = pltpu.PrefetchScalarGridSpec(
        num_scalar_prefetch=1,
        grid=(t_tiles,),
        in_specs=[
            pl.BlockSpec((M, D), lambda t, te: (t, 0)),
            pl.BlockSpec((1, 1, FF, D), lambda t, te: (te[t], 0, 0, 0)),
            pl.BlockSpec((1, 1, FF, D), lambda t, te: (te[t], 1, 0, 0)),
            pl.BlockSpec((1, 1, D, FF), lambda t, te: (te[t], 0, 0, 0)),
        ],
        out_specs=pl.BlockSpec((M, D), lambda t, te: (t, 0)),
    )
    return pl.pallas_call(
        _ffn_body,
        grid_spec=grid_spec,
        out_shape=jax.ShapeDtypeStruct((npad, D), jnp.float32),
    )(tile_expert, xg, w_in_bf, w_in_bf, w_out_bf)



def _combine_body(c1_ref, c2_ref, meta_ref, out_ref):
    a = c1_ref[...]
    b = c2_ref[...]
    m = meta_ref[...]
    out_ref[...] = a * m[:, 2:3] + b * m[:, 3:4]


def _combine(c_buf, meta, n_tokens, rt):
    nt = n_tokens // rt
    return pl.pallas_call(
        _combine_body,
        grid=(nt,),
        in_specs=[
            pl.BlockSpec((rt, D), lambda t: (t, 0)),
            pl.BlockSpec((rt, D), lambda t, _nt=nt: (t + _nt, 0)),
            pl.BlockSpec((rt, LANES), lambda t: (t, 0)),
        ],
        out_specs=pl.BlockSpec((rt, D), lambda t: (t, 0)),
        out_shape=jax.ShapeDtypeStruct((n_tokens, D), jnp.float32),
    )(c_buf, c_buf, meta)



def kernel(layer_input, w_gate, w_in, w_out):
    bsz, length, emb = layer_input.shape
    n = bsz * length
    npairs = n * K
    npad = npairs + E * M
    x2d = layer_input.reshape(n, emb)

    wg_pad = jnp.zeros((LANES, D), jnp.float32).at[:E].set(w_gate)
    logits_pad, meta = _router(x2d, wg_pad, n, 512)
    logits = logits_pad[:, :E]

    i1 = meta[:, 0].astype(jnp.int32)
    i2 = meta[:, 1].astype(jnp.int32)
    e_flat = jnp.stack([i1, i2], axis=1).reshape(-1)
    onehot = (e_flat[:, None] == jnp.arange(E, dtype=jnp.int32)[None, :])
    csum = jnp.cumsum(onehot.astype(jnp.int32), axis=0)
    rank = jnp.take_along_axis(csum, e_flat[:, None], axis=1)[:, 0] - 1
    counts = csum[-1]
    cpad = ((counts + M - 1) // M) * M
    poff = jnp.concatenate([jnp.zeros((1,), jnp.int32),
                            jnp.cumsum(cpad)[:-1]])
    slot = poff[e_flat] + rank

    pair_tok = jnp.arange(npairs, dtype=jnp.int32) // K
    pair_k = jnp.arange(npairs, dtype=jnp.int32) % K
    seg_rows = npad // NSEG
    rows_w = seg_rows // NW
    nch_s = rows_w // CH
    src_token = jnp.zeros((npad,), jnp.int32).at[slot].set(
        pair_tok).reshape(NSEG, NW, nch_s, CH)
    dst_row = jnp.full((npad,), K * n, jnp.int32).at[slot].set(
        pair_tok + n * pair_k).reshape(NSEG, NW, nch_s, CH).transpose(
        1, 0, 2, 3).reshape(NW, NSEG * nch_s, CH)

    tps = seg_rows // M
    t_starts = jnp.arange(npad // M, dtype=jnp.int32) * M
    tile_expert = jnp.clip(
        jnp.sum((t_starts[:, None] >= poff[None, :]).astype(jnp.int32),
                axis=1) - 1, 0, E - 1)

    w_in_bf = w_in.reshape(E, 2, FF, D).astype(jnp.bfloat16)
    w_out_bf = w_out.reshape(E, 1, D, FF).astype(jnp.bfloat16)
    gy_segs = []
    for s in range(NSEG):
        xg = _sc_gather(x2d, src_token[s], seg_rows)
        gy_segs.append(_ffn(xg, w_in_bf, w_out_bf,
                            tile_expert[s * tps:(s + 1) * tps], seg_rows))
    c_buf = _sc_scatter(gy_segs, dst_row, K * n + 1)
    out = _combine(c_buf, meta, n, 512)

    return (out.reshape(bsz, length, emb), logits)

# --- scband reference (transcript-rebuilt; emitter-appended) ---
"""Pipeline reference for scband-granite-moe-mo-e-11201274708062 (READ-ONLY COPY).

The authoritative reference and input builder live on the scoring server;
editing this copy changes nothing except your own understanding.
"""

import jax, jax.numpy as jnp
import numpy as np

E = 8
TOP_K = 2
D = 1024
FF = 2048
B = 2
S = 4096


def setup_inputs(seed: int = 0) -> dict:
    key = jax.random.key(seed)
    k1, k2, k3, k4 = jax.random.split(key, 4)
    layer_input = jax.random.normal(k1, (B, S, D), dtype=jnp.float32)
    w_gate = jax.random.normal(k2, (E, D), dtype=jnp.float32) * 0.02
    w_in = jax.random.normal(k3, (E, 2 * FF, D), dtype=jnp.float32) * 0.02
    w_out = jax.random.normal(k4, (E, D, FF), dtype=jnp.float32) * 0.02
    return {"layer_input": layer_input, "w_gate": w_gate, "w_in": w_in, "w_out": w_out}


def reference(layer_input, w_gate, w_in, w_out):
    bsz, length, emb = layer_input.shape
    x = layer_input.reshape(-1, emb)
    # router: linear -> topk -> softmax over topk logits
    logits = (x @ w_gate.T).astype(jnp.float32)
    top_k_logits, top_k_indices = jax.lax.top_k(logits, TOP_K)
    top_k_gates = jax.nn.softmax(top_k_logits, axis=1).astype(x.dtype)
    top_k_experts = top_k_indices.reshape(-1)
    index_sorted_experts = jnp.argsort(top_k_experts)
    batch_index = index_sorted_experts // TOP_K
    batch_gates = top_k_gates.reshape(-1)[index_sorted_experts]
    sorted_experts = top_k_experts[index_sorted_experts]
    # gather grouped expert inputs
    expert_inputs = x[batch_index]
    num_experts = w_in.shape[0]
    expert_outputs = jnp.zeros((expert_inputs.shape[0], emb), dtype=x.dtype)
    for e in range(num_experts):
        h = expert_inputs @ w_in[e].T
        h1, h2 = jnp.split(h, 2, axis=-1)
        h = jax.nn.silu(h1) * h2
        y = h @ w_out[e].T
        expert_outputs = jnp.where((sorted_experts == e)[:, None], y, expert_outputs)
    expert_outputs = expert_outputs * batch_gates[:, None]
    layer_output = jnp.zeros((bsz * length, emb), dtype=expert_outputs.dtype).at[batch_index].add(expert_outputs)
    layer_output = layer_output.reshape(bsz, length, emb)
    return (layer_output, logits)

if __name__ == "__main__":
    import jax
    _d = setup_inputs()
    print(jax.jit(kernel)(*tuple(_d.values())))

</pallas_src>

<mosaic_0001>
#map = affine_map<(d0, d1) -> (0, 0)>
#map1 = affine_map<(d0, d1) -> (0, 0, 0)>
module attributes {stable_mosaic.version = 14 : i64} {
  func.func @gather_k(%arg0: i32, %arg1: i32, %arg2: memref<8192x1024xf32, #tpu.memory_space<hbm>>, %arg3: memref<32x2x72xi32, #tpu.memory_space<hbm>>, %arg4: memref<4608x1024xf32, #tpu.memory_space<hbm>>, %arg5: memref<2x72xi32, #tpu.memory_space<vmem>>, %arg6: memref<1x72x1024xf32, #tpu.memory_space<vmem>>, %arg7: memref<!tpu.dma_semaphore, #tpu.memory_space<semaphore_mem>>, %arg8: memref<!tpu.dma_semaphore, #tpu.memory_space<semaphore_mem>>) attributes {dimension_semantics = [#tpu.dimension_semantics<core_parallel>, #tpu.dimension_semantics<subcore_parallel>], iteration_bounds = array<i64: 2, 16>, scalar_prefetch = 0 : i64, scratch_operands = 4 : i64, tpu.core_type = #tpu.core_type<sc_vector_subcore>, window_params = [{transform_indices = #map}, {transform_indices = #map1}, {transform_indices = #map}]} {
    %mul3A = arith.constant 2 : i32
    %mul3A_0 = arith.muli %arg1, %mul3A : i32
    %add3A = arith.addi %mul3A_0, %arg0 : i32
    "tpu.region"() ({
      %run_scoped3A = tpu.sem_alloc : memref<!tpu.dma_semaphore, #tpu.memory_space<semaphore_mem>>
      %dma_start3A_107 = arith.constant 0 : i32
      %dma_start3A_108 = arith.constant 0 : i32
      %dma_start3A_109 = tpu.memref_slice %arg3[%add3A, %dma_start3A_107, %dma_start3A_108] : memref<32x2x72xi32, #tpu.memory_space<hbm>> -> memref<1x2x72xi32, #tpu.memory_space<hbm>>
      %dma_start3A_110 = tpu.memref_squeeze %dma_start3A_109 : memref<1x2x72xi32, #tpu.memory_space<hbm>> -> memref<2x72xi32, #tpu.memory_space<hbm>>
      %dma_start3A_111 = arith.constant 0 : i32
      %dma_start3A_112 = arith.constant 0 : i32
      %dma_start3A_113 = tpu.memref_slice %arg3[%add3A, %dma_start3A_111, %dma_start3A_112] : memref<32x2x72xi32, #tpu.memory_space<hbm>> -> memref<1x2x72xi32, #tpu.memory_space<hbm>>
      %dma_start3A_114 = tpu.memref_squeeze %dma_start3A_113 : memref<1x2x72xi32, #tpu.memory_space<hbm>> -> memref<2x72xi32, #tpu.memory_space<hbm>>
      tpu.enqueue_dma source(%dma_start3A_114 : memref<2x72xi32, #tpu.memory_space<hbm>>) target(%arg5 : memref<2x72xi32, #tpu.memory_space<vmem>>) target_semaphore(%run_scoped3A : memref<!tpu.dma_semaphore, #tpu.memory_space<semaphore_mem>>)
      %dma_wait3A_115 = arith.constant 0 : i32
      %dma_wait3A_116 = arith.constant 0 : i32
      %dma_wait3A_117 = tpu.memref_slice %arg3[%add3A, %dma_wait3A_115, %dma_wait3A_116] : memref<32x2x72xi32, #tpu.memory_space<hbm>> -> memref<1x2x72xi32, #tpu.memory_space<hbm>>
      %dma_wait3A_118 = tpu.memref_squeeze %dma_wait3A_117 : memref<1x2x72xi32, #tpu.memory_space<hbm>> -> memref<2x72xi32, #tpu.memory_space<hbm>>
      %dma_wait3A_119 = arith.constant 0 : i32
      %dma_wait3A_120 = arith.constant 0 : i32
      %dma_wait3A_121 = tpu.memref_slice %arg3[%add3A, %dma_wait3A_119, %dma_wait3A_120] : memref<32x2x72xi32, #tpu.memory_space<hbm>> -> memref<1x2x72xi32, #tpu.memory_space<hbm>>
      %dma_wait3A_122 = tpu.memref_squeeze %dma_wait3A_121 : memref<1x2x72xi32, #tpu.memory_space<hbm>> -> memref<2x72xi32, #tpu.memory_space<hbm>>
      tpu.wait_dma2 semaphore(%run_scoped3A : memref<!tpu.dma_semaphore, #tpu.memory_space<semaphore_mem>>) src(%dma_wait3A_122 : memref<2x72xi32, #tpu.memory_space<hbm>>) dst(%arg5 : memref<2x72xi32, #tpu.memory_space<vmem>>)
      tpu.yield
    }) : () -> ()
    %dma_start3A = arith.constant 0 : i32
    %dma_start3A_1 = arith.constant 0 : i32
    %dma_start3A_2 = arith.constant 0 : i32
    %dma_start3A_3 = arith.constant 0 : i32
    %dma_start3A_4 = tpu.memref_slice %arg6[%dma_start3A_1, %dma_start3A_2, %dma_start3A_3] : memref<1x72x1024xf32, #tpu.memory_space<vmem>> -> memref<1x72x1024xf32, #tpu.memory_space<vmem>>
    %dma_start3A_5 = tpu.memref_squeeze %dma_start3A_4 : memref<1x72x1024xf32, #tpu.memory_space<vmem>> -> memref<72x1024xf32, #tpu.memory_space<vmem>>
    %dma_start3A_6 = arith.constant 0 : i32
    %dma_start3A_7 = tpu.memref_slice %arg5[%dma_start3A, %dma_start3A_6] : memref<2x72xi32, #tpu.memory_space<vmem>> -> memref<1x72xi32, #tpu.memory_space<vmem>>
    %dma_start3A_8 = tpu.memref_squeeze %dma_start3A_7 : memref<1x72xi32, #tpu.memory_space<vmem>> -> memref<72xi32, #tpu.memory_space<vmem>>
    %dma_start3A_9 = arith.constant 0 : i32
    %dma_start3A_10 = arith.constant 0 : i32
    %dma_start3A_11 = tpu.memref_slice %arg2[%dma_start3A_9, %dma_start3A_10] : memref<8192x1024xf32, #tpu.memory_space<hbm>> -> memref<8192x1024xf32, #tpu.memory_space<hbm>>
    tpu.enqueue_indirect_dma source(%dma_start3A_11 : memref<8192x1024xf32, #tpu.memory_space<hbm>>) target(%dma_start3A_5 : memref<72x1024xf32, #tpu.memory_space<vmem>>) offsets(%dma_start3A_8 : memref<72xi32, #tpu.memory_space<vmem>>) semaphore(%arg7 : memref<!tpu.dma_semaphore, #tpu.memory_space<semaphore_mem>>)
    %dma_wait3A = arith.constant 0 : i32
    %dma_wait3A_12 = arith.constant 0 : i32
    %dma_wait3A_13 = arith.constant 0 : i32
    %dma_wait3A_14 = arith.constant 0 : i32
    %dma_wait3A_15 = tpu.memref_slice %arg6[%dma_wait3A_12, %dma_wait3A_13, %dma_wait3A_14] : memref<1x72x1024xf32, #tpu.memory_space<vmem>> -> memref<1x72x1024xf32, #tpu.memory_space<vmem>>
    %dma_wait3A_16 = tpu.memref_squeeze %dma_wait3A_15 : memref<1x72x1024xf32, #tpu.memory_space<vmem>> -> memref<72x1024xf32, #tpu.memory_space<vmem>>
    %dma_wait3A_17 = arith.constant 0 : i32
    %dma_wait3A_18 = tpu.memref_slice %arg5[%dma_wait3A, %dma_wait3A_17] : memref<2x72xi32, #tpu.memory_space<vmem>> -> memref<1x72xi32, #tpu.memory_space<vmem>>
    %dma_wait3A_19 = tpu.memref_squeeze %dma_wait3A_18 : memref<1x72xi32, #tpu.memory_space<vmem>> -> memref<72xi32, #tpu.memory_space<vmem>>
    %dma_wait3A_20 = arith.constant 0 : i32
    %dma_wait3A_21 = arith.constant 0 : i32
    %dma_wait3A_22 = tpu.memref_slice %arg2[%dma_wait3A_20, %dma_wait3A_21] : memref<8192x1024xf32, #tpu.memory_space<hbm>> -> memref<8192x1024xf32, #tpu.memory_space<hbm>>
    tpu.wait_indirect_dma semaphore(%arg7 : memref<!tpu.dma_semaphore, #tpu.memory_space<semaphore_mem>>) src(%dma_wait3A_22 : memref<8192x1024xf32, #tpu.memory_space<hbm>>) dst(%dma_wait3A_16 : memref<72x1024xf32, #tpu.memory_space<vmem>>)
    %mul3A_23 = arith.constant 144 : i32
    %mul3A_24 = arith.muli %add3A, %mul3A_23 : i32
    %add3A_25 = arith.constant 0 : i32
    %add3A_26 = arith.addi %mul3A_24, %add3A_25 : i32
    %dma_start3A_27 = arith.constant 0 : i32
    %dma_start3A_28 = arith.constant 0 : i32
    %dma_start3A_29 = arith.constant 0 : i32
    %dma_start3A_30 = tpu.memref_slice %arg6[%dma_start3A_27, %dma_start3A_28, %dma_start3A_29] : memref<1x72x1024xf32, #tpu.memory_space<vmem>> -> memref<1x72x1024xf32, #tpu.memory_space<vmem>>
    %dma_start3A_31 = tpu.memref_squeeze %dma_start3A_30 : memref<1x72x1024xf32, #tpu.memory_space<vmem>> -> memref<72x1024xf32, #tpu.memory_space<vmem>>
    %dma_start3A_32 = arith.constant 0 : i32
    %dma_start3A_33 = tpu.memref_slice %arg4[%add3A_26, %dma_start3A_32] : memref<4608x1024xf32, #tpu.memory_space<hbm>> -> memref<72x1024xf32, #tpu.memory_space<hbm>>
    %dma_start3A_34 = arith.constant 0 : i32
    %dma_start3A_35 = tpu.memref_slice %arg4[%add3A_26, %dma_start3A_34] : memref<4608x1024xf32, #tpu.memory_space<hbm>> -> memref<72x1024xf32, #tpu.memory_space<hbm>>
    %dma_start3A_36 = arith.constant 0 : i32
    %dma_start3A_37 = arith.constant 0 : i32
    %dma_start3A_38 = tpu.memref_slice %arg6[%dma_start3A_27, %dma_start3A_36, %dma_start3A_37] : memref<1x72x1024xf32, #tpu.memory_space<vmem>> -> memref<1x72x1024xf32, #tpu.memory_space<vmem>>
    %dma_start3A_39 = tpu.memref_squeeze %dma_start3A_38 : memref<1x72x1024xf32, #tpu.memory_space<vmem>> -> memref<72x1024xf32, #tpu.memory_space<vmem>>
    tpu.enqueue_dma source(%dma_start3A_39 : memref<72x1024xf32, #tpu.memory_space<vmem>>) target(%dma_start3A_35 : memref<72x1024xf32, #tpu.memory_space<hbm>>) target_semaphore(%arg8 : memref<!tpu.dma_semaphore, #tpu.memory_space<semaphore_mem>>)
    %dma_wait3A_40 = arith.constant 0 : i32
    %dma_wait3A_41 = arith.constant 0 : i32
    %dma_wait3A_42 = arith.constant 0 : i32
    %dma_wait3A_43 = tpu.memref_slice %arg6[%dma_wait3A_40, %dma_wait3A_41, %dma_wait3A_42] : memref<1x72x1024xf32, #tpu.memory_space<vmem>> -> memref<1x72x1024xf32, #tpu.memory_space<vmem>>
    %dma_wait3A_44 = tpu.memref_squeeze %dma_wait3A_43 : memref<1x72x1024xf32, #tpu.memory_space<vmem>> -> memref<72x1024xf32, #tpu.memory_space<vmem>>
    %dma_wait3A_45 = arith.constant 0 : i32
    %dma_wait3A_46 = tpu.memref_slice %arg4[%add3A_26, %dma_wait3A_45] : memref<4608x1024xf32, #tpu.memory_space<hbm>> -> memref<72x1024xf32, #tpu.memory_space<hbm>>
    %dma_wait3A_47 = arith.constant 0 : i32
    %dma_wait3A_48 = tpu.memref_slice %arg4[%add3A_26, %dma_wait3A_47] : memref<4608x1024xf32, #tpu.memory_space<hbm>> -> memref<72x1024xf32, #tpu.memory_space<hbm>>
    %dma_wait3A_49 = arith.constant 0 : i32
    %dma_wait3A_50 = arith.constant 0 : i32
    %dma_wait3A_51 = tpu.memref_slice %arg6[%dma_wait3A_40, %dma_wait3A_49, %dma_wait3A_50] : memref<1x72x1024xf32, #tpu.memory_space<vmem>> -> memref<1x72x1024xf32, #tpu.memory_space<vmem>>
    %dma_wait3A_52 = tpu.memref_squeeze %dma_wait3A_51 : memref<1x72x1024xf32, #tpu.memory_space<vmem>> -> memref<72x1024xf32, #tpu.memory_space<vmem>>
    tpu.wait_dma2 semaphore(%arg8 : memref<!tpu.dma_semaphore, #tpu.memory_space<semaphore_mem>>) src(%dma_wait3A_52 : memref<72x1024xf32, #tpu.memory_space<vmem>>) dst(%dma_wait3A_48 : memref<72x1024xf32, #tpu.memory_space<hbm>>)
    %dma_start3A_53 = arith.constant 1 : i32
    %dma_start3A_54 = arith.constant 0 : i32
    %dma_start3A_55 = arith.constant 0 : i32
    %dma_start3A_56 = arith.constant 0 : i32
    %dma_start3A_57 = tpu.memref_slice %arg6[%dma_start3A_54, %dma_start3A_55, %dma_start3A_56] : memref<1x72x1024xf32, #tpu.memory_space<vmem>> -> memref<1x72x1024xf32, #tpu.memory_space<vmem>>
    %dma_start3A_58 = tpu.memref_squeeze %dma_start3A_57 : memref<1x72x1024xf32, #tpu.memory_space<vmem>> -> memref<72x1024xf32, #tpu.memory_space<vmem>>
    %dma_start3A_59 = arith.constant 0 : i32
    %dma_start3A_60 = tpu.memref_slice %arg5[%dma_start3A_53, %dma_start3A_59] : memref<2x72xi32, #tpu.memory_space<vmem>> -> memref<1x72xi32, #tpu.memory_space<vmem>>
    %dma_start3A_61 = tpu.memref_squeeze %dma_start3A_60 : memref<1x72xi32, #tpu.memory_space<vmem>> -> memref<72xi32, #tpu.memory_space<vmem>>
    %dma_start3A_62 = arith.constant 0 : i32
    %dma_start3A_63 = arith.constant 0 : i32
    %dma_start3A_64 = tpu.memref_slice %arg2[%dma_start3A_62, %dma_start3A_63] : memref<8192x1024xf32, #tpu.memory_space<hbm>> -> memref<8192x1024xf32, #tpu.memory_space<hbm>>
    tpu.enqueue_indirect_dma source(%dma_start3A_64 : memref<8192x1024xf32, #tpu.memory_space<hbm>>) target(%dma_start3A_58 : memref<72x1024xf32, #tpu.memory_space<vmem>>) offsets(%dma_start3A_61 : memref<72xi32, #tpu.memory_space<vmem>>) semaphore(%arg7 : memref<!tpu.dma_semaphore, #tpu.memory_space<semaphore_mem>>)
    %dma_wait3A_65 = arith.constant 1 : i32
    %dma_wait3A_66 = arith.constant 0 : i32
    %dma_wait3A_67 = arith.constant 0 : i32
    %dma_wait3A_68 = arith.constant 0 : i32
    %dma_wait3A_69 = tpu.memref_slice %arg6[%dma_wait3A_66, %dma_wait3A_67, %dma_wait3A_68] : memref<1x72x1024xf32, #tpu.memory_space<vmem>> -> memref<1x72x1024xf32, #tpu.memory_space<vmem>>
    %dma_wait3A_70 = tpu.memref_squeeze %dma_wait3A_69 : memref<1x72x1024xf32, #tpu.memory_space<vmem>> -> memref<72x1024xf32, #tpu.memory_space<vmem>>
    %dma_wait3A_71 = arith.constant 0 : i32
    %dma_wait3A_72 = tpu.memref_slice %arg5[%dma_wait3A_65, %dma_wait3A_71] : memref<2x72xi32, #tpu.memory_space<vmem>> -> memref<1x72xi32, #tpu.memory_space<vmem>>
    %dma_wait3A_73 = tpu.memref_squeeze %dma_wait3A_72 : memref<1x72xi32, #tpu.memory_space<vmem>> -> memref<72xi32, #tpu.memory_space<vmem>>
    %dma_wait3A_74 = arith.constant 0 : i32
    %dma_wait3A_75 = arith.constant 0 : i32
    %dma_wait3A_76 = tpu.memref_slice %arg2[%dma_wait3A_74, %dma_wait3A_75] : memref<8192x1024xf32, #tpu.memory_space<hbm>> -> memref<8192x1024xf32, #tpu.memory_space<hbm>>
    tpu.wait_indirect_dma semaphore(%arg7 : memref<!tpu.dma_semaphore, #tpu.memory_space<semaphore_mem>>) src(%dma_wait3A_76 : memref<8192x1024xf32, #tpu.memory_space<hbm>>) dst(%dma_wait3A_70 : memref<72x1024xf32, #tpu.memory_space<vmem>>)
    %mul3A_77 = arith.constant 144 : i32
    %mul3A_78 = arith.muli %add3A, %mul3A_77 : i32
    %add3A_79 = arith.constant 72 : i32
    %add3A_80 = arith.addi %mul3A_78, %add3A_79 : i32
    %dma_start3A_81 = arith.constant 0 : i32
    %dma_start3A_82 = arith.constant 0 : i32
    %dma_start3A_83 = arith.constant 0 : i32
    %dma_start3A_84 = tpu.memref_slice %arg6[%dma_start3A_81, %dma_start3A_82, %dma_start3A_83] : memref<1x72x1024xf32, #tpu.memory_space<vmem>> -> memref<1x72x1024xf32, #tpu.memory_space<vmem>>
    %dma_start3A_85 = tpu.memref_squeeze %dma_start3A_84 : memref<1x72x1024xf32, #tpu.memory_space<vmem>> -> memref<72x1024xf32, #tpu.memory_space<vmem>>
    %dma_start3A_86 = arith.constant 0 : i32
    %dma_start3A_87 = tpu.memref_slice %arg4[%add3A_80, %dma_start3A_86] : memref<4608x1024xf32, #tpu.memory_space<hbm>> -> memref<72x1024xf32, #tpu.memory_space<hbm>>
    %dma_start3A_88 = arith.constant 0 : i32
    %dma_start3A_89 = tpu.memref_slice %arg4[%add3A_80, %dma_start3A_88] : memref<4608x1024xf32, #tpu.memory_space<hbm>> -> memref<72x1024xf32, #tpu.memory_space<hbm>>
    %dma_start3A_90 = arith.constant 0 : i32
    %dma_start3A_91 = arith.constant 0 : i32
    %dma_start3A_92 = tpu.memref_slice %arg6[%dma_start3A_81, %dma_start3A_90, %dma_start3A_91] : memref<1x72x1024xf32, #tpu.memory_space<vmem>> -> memref<1x72x1024xf32, #tpu.memory_space<vmem>>
    %dma_start3A_93 = tpu.memref_squeeze %dma_start3A_92 : memref<1x72x1024xf32, #tpu.memory_space<vmem>> -> memref<72x1024xf32, #tpu.memory_space<vmem>>
    tpu.enqueue_dma source(%dma_start3A_93 : memref<72x1024xf32, #tpu.memory_space<vmem>>) target(%dma_start3A_89 : memref<72x1024xf32, #tpu.memory_space<hbm>>) target_semaphore(%arg8 : memref<!tpu.dma_semaphore, #tpu.memory_space<semaphore_mem>>)
    %dma_wait3A_94 = arith.constant 0 : i32
    %dma_wait3A_95 = arith.constant 0 : i32
    %dma_wait3A_96 = arith.constant 0 : i32
    %dma_wait3A_97 = tpu.memref_slice %arg6[%dma_wait3A_94, %dma_wait3A_95, %dma_wait3A_96] : memref<1x72x1024xf32, #tpu.memory_space<vmem>> -> memref<1x72x1024xf32, #tpu.memory_space<vmem>>
    %dma_wait3A_98 = tpu.memref_squeeze %dma_wait3A_97 : memref<1x72x1024xf32, #tpu.memory_space<vmem>> -> memref<72x1024xf32, #tpu.memory_space<vmem>>
    %dma_wait3A_99 = arith.constant 0 : i32
    %dma_wait3A_100 = tpu.memref_slice %arg4[%add3A_80, %dma_wait3A_99] : memref<4608x1024xf32, #tpu.memory_space<hbm>> -> memref<72x1024xf32, #tpu.memory_space<hbm>>
    %dma_wait3A_101 = arith.constant 0 : i32
    %dma_wait3A_102 = tpu.memref_slice %arg4[%add3A_80, %dma_wait3A_101] : memref<4608x1024xf32, #tpu.memory_space<hbm>> -> memref<72x1024xf32, #tpu.memory_space<hbm>>
    %dma_wait3A_103 = arith.constant 0 : i32
    %dma_wait3A_104 = arith.constant 0 : i32
    %dma_wait3A_105 = tpu.memref_slice %arg6[%dma_wait3A_94, %dma_wait3A_103, %dma_wait3A_104] : memref<1x72x1024xf32, #tpu.memory_space<vmem>> -> memref<1x72x1024xf32, #tpu.memory_space<vmem>>
    %dma_wait3A_106 = tpu.memref_squeeze %dma_wait3A_105 : memref<1x72x1024xf32, #tpu.memory_space<vmem>> -> memref<72x1024xf32, #tpu.memory_space<vmem>>
    tpu.wait_dma2 semaphore(%arg8 : memref<!tpu.dma_semaphore, #tpu.memory_space<semaphore_mem>>) src(%dma_wait3A_106 : memref<72x1024xf32, #tpu.memory_space<vmem>>) dst(%dma_wait3A_102 : memref<72x1024xf32, #tpu.memory_space<hbm>>)
    return
  }
}

#map = affine_map<(d0, d1) -> (0, 0)>
#map1 = affine_map<(d0, d1) -> (0, 0, 0)>
module attributes {stable_mosaic.version = 14 : i64} {
  func.func @gather_k(%arg0: i32, %arg1: i32, %arg2: memref<8192x1024xf32, #tpu.memory_space<hbm>>, %arg3: memref<32x2x72xi32, #tpu.memory_space<hbm>>, %arg4: memref<4608x1024xf32, #tpu.memory_space<hbm>>, %arg5: memref<2x72xi32, #tpu.memory_space<vmem>>, %arg6: memref<1x72x1024xf32, #tpu.memory_space<vmem>>, %arg7: memref<!tpu.dma_semaphore, #tpu.memory_space<semaphore_mem>>, %arg8: memref<!tpu.dma_semaphore, #tpu.memory_space<semaphore_mem>>) attributes {dimension_semantics = [#tpu.dimension_semantics<core_parallel>, #tpu.dimension_semantics<subcore_parallel>], iteration_bounds = array<i64: 2, 16>, scalar_prefetch = 0 : i64, scratch_operands = 4 : i64, tpu.core_type = #tpu.core_type<sc_vector_subcore>, window_params = [{transform_indices = #map}, {transform_indices = #map1}, {transform_indices = #map}]} {
    %mul3A = arith.constant 2 : i32
    %mul3A_0 = arith.muli %arg1, %mul3A : i32
    %add3A = arith.addi %mul3A_0, %arg0 : i32
    "tpu.region"() ({
      %run_scoped3A = tpu.sem_alloc : memref<!tpu.dma_semaphore, #tpu.memory_space<semaphore_mem>>
      %dma_start3A_107 = arith.constant 0 : i32
      %dma_start3A_108 = arith.constant 0 : i32
      %dma_start3A_109 = tpu.memref_slice %arg3[%add3A, %dma_start3A_107, %dma_start3A_108] : memref<32x2x72xi32, #tpu.memory_space<hbm>> -> memref<1x2x72xi32, #tpu.memory_space<hbm>>
      %dma_start3A_110 = tpu.memref_squeeze %dma_start3A_109 : memref<1x2x72xi32, #tpu.memory_space<hbm>> -> memref<2x72xi32, #tpu.memory_space<hbm>>
      %dma_start3A_111 = arith.constant 0 : i32
      %dma_start3A_112 = arith.constant 0 : i32
      %dma_start3A_113 = tpu.memref_slice %arg3[%add3A, %dma_start3A_111, %dma_start3A_112] : memref<32x2x72xi32, #tpu.memory_space<hbm>> -> memref<1x2x72xi32, #tpu.memory_space<hbm>>
      %dma_start3A_114 = tpu.memref_squeeze %dma_start3A_113 : memref<1x2x72xi32, #tpu.memory_space<hbm>> -> memref<2x72xi32, #tpu.memory_space<hbm>>
      tpu.enqueue_dma source(%dma_start3A_114 : memref<2x72xi32, #tpu.memory_space<hbm>>) target(%arg5 : memref<2x72xi32, #tpu.memory_space<vmem>>) target_semaphore(%run_scoped3A : memref<!tpu.dma_semaphore, #tpu.memory_space<semaphore_mem>>)
      %dma_wait3A_115 = arith.constant 0 : i32
      %dma_wait3A_116 = arith.constant 0 : i32
      %dma_wait3A_117 = tpu.memref_slice %arg3[%add3A, %dma_wait3A_115, %dma_wait3A_116] : memref<32x2x72xi32, #tpu.memory_space<hbm>> -> memref<1x2x72xi32, #tpu.memory_space<hbm>>
      %dma_wait3A_118 = tpu.memref_squeeze %dma_wait3A_117 : memref<1x2x72xi32, #tpu.memory_space<hbm>> -> memref<2x72xi32, #tpu.memory_space<hbm>>
      %dma_wait3A_119 = arith.constant 0 : i32
      %dma_wait3A_120 = arith.constant 0 : i32
      %dma_wait3A_121 = tpu.memref_slice %arg3[%add3A, %dma_wait3A_119, %dma_wait3A_120] : memref<32x2x72xi32, #tpu.memory_space<hbm>> -> memref<1x2x72xi32, #tpu.memory_space<hbm>>
      %dma_wait3A_122 = tpu.memref_squeeze %dma_wait3A_121 : memref<1x2x72xi32, #tpu.memory_space<hbm>> -> memref<2x72xi32, #tpu.memory_space<hbm>>
      tpu.wait_dma2 semaphore(%run_scoped3A : memref<!tpu.dma_semaphore, #tpu.memory_space<semaphore_mem>>) src(%dma_wait3A_122 : memref<2x72xi32, #tpu.memory_space<hbm>>) dst(%arg5 : memref<2x72xi32, #tpu.memory_space<vmem>>)
      tpu.yield
    }) : () -> ()
    %dma_start3A = arith.constant 0 : i32
    %dma_start3A_1 = arith.constant 0 : i32
    %dma_start3A_2 = arith.constant 0 : i32
    %dma_start3A_3 = arith.constant 0 : i32
    %dma_start3A_4 = tpu.memref_slice %arg6[%dma_start3A_1, %dma_start3A_2, %dma_start3A_3] : memref<1x72x1024xf32, #tpu.memory_space<vmem>> -> memref<1x72x1024xf32, #tpu.memory_space<vmem>>
    %dma_start3A_5 = tpu.memref_squeeze %dma_start3A_4 : memref<1x72x1024xf32, #tpu.memory_space<vmem>> -> memref<72x1024xf32, #tpu.memory_space<vmem>>
    %dma_start3A_6 = arith.constant 0 : i32
    %dma_start3A_7 = tpu.memref_slice %arg5[%dma_start3A, %dma_start3A_6] : memref<2x72xi32, #tpu.memory_space<vmem>> -> memref<1x72xi32, #tpu.memory_space<vmem>>
    %dma_start3A_8 = tpu.memref_squeeze %dma_start3A_7 : memref<1x72xi32, #tpu.memory_space<vmem>> -> memref<72xi32, #tpu.memory_space<vmem>>
    %dma_start3A_9 = arith.constant 0 : i32
    %dma_start3A_10 = arith.constant 0 : i32
    %dma_start3A_11 = tpu.memref_slice %arg2[%dma_start3A_9, %dma_start3A_10] : memref<8192x1024xf32, #tpu.memory_space<hbm>> -> memref<8192x1024xf32, #tpu.memory_space<hbm>>
    tpu.enqueue_indirect_dma source(%dma_start3A_11 : memref<8192x1024xf32, #tpu.memory_space<hbm>>) target(%dma_start3A_5 : memref<72x1024xf32, #tpu.memory_space<vmem>>) offsets(%dma_start3A_8 : memref<72xi32, #tpu.memory_space<vmem>>) semaphore(%arg7 : memref<!tpu.dma_semaphore, #tpu.memory_space<semaphore_mem>>)
    %dma_wait3A = arith.constant 0 : i32
    %dma_wait3A_12 = arith.constant 0 : i32
    %dma_wait3A_13 = arith.constant 0 : i32
    %dma_wait3A_14 = arith.constant 0 : i32
    %dma_wait3A_15 = tpu.memref_slice %arg6[%dma_wait3A_12, %dma_wait3A_13, %dma_wait3A_14] : memref<1x72x1024xf32, #tpu.memory_space<vmem>> -> memref<1x72x1024xf32, #tpu.memory_space<vmem>>
    %dma_wait3A_16 = tpu.memref_squeeze %dma_wait3A_15 : memref<1x72x1024xf32, #tpu.memory_space<vmem>> -> memref<72x1024xf32, #tpu.memory_space<vmem>>
    %dma_wait3A_17 = arith.constant 0 : i32
    %dma_wait3A_18 = tpu.memref_slice %arg5[%dma_wait3A, %dma_wait3A_17] : memref<2x72xi32, #tpu.memory_space<vmem>> -> memref<1x72xi32, #tpu.memory_space<vmem>>
    %dma_wait3A_19 = tpu.memref_squeeze %dma_wait3A_18 : memref<1x72xi32, #tpu.memory_space<vmem>> -> memref<72xi32, #tpu.memory_space<vmem>>
    %dma_wait3A_20 = arith.constant 0 : i32
    %dma_wait3A_21 = arith.constant 0 : i32
    %dma_wait3A_22 = tpu.memref_slice %arg2[%dma_wait3A_20, %dma_wait3A_21] : memref<8192x1024xf32, #tpu.memory_space<hbm>> -> memref<8192x1024xf32, #tpu.memory_space<hbm>>
    tpu.wait_indirect_dma semaphore(%arg7 : memref<!tpu.dma_semaphore, #tpu.memory_space<semaphore_mem>>) src(%dma_wait3A_22 : memref<8192x1024xf32, #tpu.memory_space<hbm>>) dst(%dma_wait3A_16 : memref<72x1024xf32, #tpu.memory_space<vmem>>)
    %mul3A_23 = arith.constant 144 : i32
    %mul3A_24 = arith.muli %add3A, %mul3A_23 : i32
    %add3A_25 = arith.constant 0 : i32
    %add3A_26 = arith.addi %mul3A_24, %add3A_25 : i32
    %dma_start3A_27 = arith.constant 0 : i32
    %dma_start3A_28 = arith.constant 0 : i32
    %dma_start3A_29 = arith.constant 0 : i32
    %dma_start3A_30 = tpu.memref_slice %arg6[%dma_start3A_27, %dma_start3A_28, %dma_start3A_29] : memref<1x72x1024xf32, #tpu.memory_space<vmem>> -> memref<1x72x1024xf32, #tpu.memory_space<vmem>>
    %dma_start3A_31 = tpu.memref_squeeze %dma_start3A_30 : memref<1x72x1024xf32, #tpu.memory_space<vmem>> -> memref<72x1024xf32, #tpu.memory_space<vmem>>
    %dma_start3A_32 = arith.constant 0 : i32
    %dma_start3A_33 = tpu.memref_slice %arg4[%add3A_26, %dma_start3A_32] : memref<4608x1024xf32, #tpu.memory_space<hbm>> -> memref<72x1024xf32, #tpu.memory_space<hbm>>
    %dma_start3A_34 = arith.constant 0 : i32
    %dma_start3A_35 = tpu.memref_slice %arg4[%add3A_26, %dma_start3A_34] : memref<4608x1024xf32, #tpu.memory_space<hbm>> -> memref<72x1024xf32, #tpu.memory_space<hbm>>
    %dma_start3A_36 = arith.constant 0 : i32
    %dma_start3A_37 = arith.constant 0 : i32
    %dma_start3A_38 = tpu.memref_slice %arg6[%dma_start3A_27, %dma_start3A_36, %dma_start3A_37] : memref<1x72x1024xf32, #tpu.memory_space<vmem>> -> memref<1x72x1024xf32, #tpu.memory_space<vmem>>
    %dma_start3A_39 = tpu.memref_squeeze %dma_start3A_38 : memref<1x72x1024xf32, #tpu.memory_space<vmem>> -> memref<72x1024xf32, #tpu.memory_space<vmem>>
    tpu.enqueue_dma source(%dma_start3A_39 : memref<72x1024xf32, #tpu.memory_space<vmem>>) target(%dma_start3A_35 : memref<72x1024xf32, #tpu.memory_space<hbm>>) target_semaphore(%arg8 : memref<!tpu.dma_semaphore, #tpu.memory_space<semaphore_mem>>)
    %dma_wait3A_40 = arith.constant 0 : i32
    %dma_wait3A_41 = arith.constant 0 : i32
    %dma_wait3A_42 = arith.constant 0 : i32
    %dma_wait3A_43 = tpu.memref_slice %arg6[%dma_wait3A_40, %dma_wait3A_41, %dma_wait3A_42] : memref<1x72x1024xf32, #tpu.memory_space<vmem>> -> memref<1x72x1024xf32, #tpu.memory_space<vmem>>
    %dma_wait3A_44 = tpu.memref_squeeze %dma_wait3A_43 : memref<1x72x1024xf32, #tpu.memory_space<vmem>> -> memref<72x1024xf32, #tpu.memory_space<vmem>>
    %dma_wait3A_45 = arith.constant 0 : i32
    %dma_wait3A_46 = tpu.memref_slice %arg4[%add3A_26, %dma_wait3A_45] : memref<4608x1024xf32, #tpu.memory_space<hbm>> -> memref<72x1024xf32, #tpu.memory_space<hbm>>
    %dma_wait3A_47 = arith.constant 0 : i32
    %dma_wait3A_48 = tpu.memref_slice %arg4[%add3A_26, %dma_wait3A_47] : memref<4608x1024xf32, #tpu.memory_space<hbm>> -> memref<72x1024xf32, #tpu.memory_space<hbm>>
    %dma_wait3A_49 = arith.constant 0 : i32
    %dma_wait3A_50 = arith.constant 0 : i32
    %dma_wait3A_51 = tpu.memref_slice %arg6[%dma_wait3A_40, %dma_wait3A_49, %dma_wait3A_50] : memref<1x72x1024xf32, #tpu.memory_space<vmem>> -> memref<1x72x1024xf32, #tpu.memory_space<vmem>>
    %dma_wait3A_52 = tpu.memref_squeeze %dma_wait3A_51 : memref<1x72x1024xf32, #tpu.memory_space<vmem>> -> memref<72x1024xf32, #tpu.memory_space<vmem>>
    tpu.wait_dma2 semaphore(%arg8 : memref<!tpu.dma_semaphore, #tpu.memory_space<semaphore_mem>>) src(%dma_wait3A_52 : memref<72x1024xf32, #tpu.memory_space<vmem>>) dst(%dma_wait3A_48 : memref<72x1024xf32, #tpu.memory_space<hbm>>)
    %dma_start3A_53 = arith.constant 1 : i32
    %dma_start3A_54 = arith.constant 0 : i32
    %dma_start3A_55 = arith.constant 0 : i32
    %dma_start3A_56 = arith.constant 0 : i32
    %dma_start3A_57 = tpu.memref_slice %arg6[%dma_start3A_54, %dma_start3A_55, %dma_start3A_56] : memref<1x72x1024xf32, #tpu.memory_space<vmem>> -> memref<1x72x1024xf32, #tpu.memory_space<vmem>>
    %dma_start3A_58 = tpu.memref_squeeze %dma_start3A_57 : memref<1x72x1024xf32, #tpu.memory_space<vmem>> -> memref<72x1024xf32, #tpu.memory_space<vmem>>
    %dma_start3A_59 = arith.constant 0 : i32
    %dma_start3A_60 = tpu.memref_slice %arg5[%dma_start3A_53, %dma_start3A_59] : memref<2x72xi32, #tpu.memory_space<vmem>> -> memref<1x72xi32, #tpu.memory_space<vmem>>
    %dma_start3A_61 = tpu.memref_squeeze %dma_start3A_60 : memref<1x72xi32, #tpu.memory_space<vmem>> -> memref<72xi32, #tpu.memory_space<vmem>>
    %dma_start3A_62 = arith.constant 0 : i32
    %dma_start3A_63 = arith.constant 0 : i32
    %dma_start3A_64 = tpu.memref_slice %arg2[%dma_start3A_62, %dma_start3A_63] : memref<8192x1024xf32, #tpu.memory_space<hbm>> -> memref<8192x1024xf32, #tpu.memory_space<hbm>>
    tpu.enqueue_indirect_dma source(%dma_start3A_64 : memref<8192x1024xf32, #tpu.memory_space<hbm>>) target(%dma_start3A_58 : memref<72x1024xf32, #tpu.memory_space<vmem>>) offsets(%dma_start3A_61 : memref<72xi32, #tpu.memory_space<vmem>>) semaphore(%arg7 : memref<!tpu.dma_semaphore, #tpu.memory_space<semaphore_mem>>)
    %dma_wait3A_65 = arith.constant 1 : i32
    %dma_wait3A_66 = arith.constant 0 : i32
    %dma_wait3A_67 = arith.constant 0 : i32
    %dma_wait3A_68 = arith.constant 0 : i32
    %dma_wait3A_69 = tpu.memref_slice %arg6[%dma_wait3A_66, %dma_wait3A_67, %dma_wait3A_68] : memref<1x72x1024xf32, #tpu.memory_space<vmem>> -> memref<1x72x1024xf32, #tpu.memory_space<vmem>>
    %dma_wait3A_70 = tpu.memref_squeeze %dma_wait3A_69 : memref<1x72x1024xf32, #tpu.memory_space<vmem>> -> memref<72x1024xf32, #tpu.memory_space<vmem>>
    %dma_wait3A_71 = arith.constant 0 : i32
    %dma_wait3A_72 = tpu.memref_slice %arg5[%dma_wait3A_65, %dma_wait3A_71] : memref<2x72xi32, #tpu.memory_space<vmem>> -> memref<1x72xi32, #tpu.memory_space<vmem>>
    %dma_wait3A_73 = tpu.memref_squeeze %dma_wait3A_72 : memref<1x72xi32, #tpu.memory_space<vmem>> -> memref<72xi32, #tpu.memory_space<vmem>>
    %dma_wait3A_74 = arith.constant 0 : i32
    %dma_wait3A_75 = arith.constant 0 : i32
    %dma_wait3A_76 = tpu.memref_slice %arg2[%dma_wait3A_74, %dma_wait3A_75] : memref<8192x1024xf32, #tpu.memory_space<hbm>> -> memref<8192x1024xf32, #tpu.memory_space<hbm>>
    tpu.wait_indirect_dma semaphore(%arg7 : memref<!tpu.dma_semaphore, #tpu.memory_space<semaphore_mem>>) src(%dma_wait3A_76 : memref<8192x1024xf32, #tpu.memory_space<hbm>>) dst(%dma_wait3A_70 : memref<72x1024xf32, #tpu.memory_space<vmem>>)
    %mul3A_77 = arith.constant 144 : i32
    %mul3A_78 = arith.muli %add3A, %mul3A_77 : i32
    %add3A_79 = arith.constant 72 : i32
    %add3A_80 = arith.addi %mul3A_78, %add3A_79 : i32
    %dma_start3A_81 = arith.constant 0 : i32
    %dma_start3A_82 = arith.constant 0 : i32
    %dma_start3A_83 = arith.constant 0 : i32
    %dma_start3A_84 = tpu.memref_slice %arg6[%dma_start3A_81, %dma_start3A_82, %dma_start3A_83] : memref<1x72x1024xf32, #tpu.memory_space<vmem>> -> memref<1x72x1024xf32, #tpu.memory_space<vmem>>
    %dma_start3A_85 = tpu.memref_squeeze %dma_start3A_84 : memref<1x72x1024xf32, #tpu.memory_space<vmem>> -> memref<72x1024xf32, #tpu.memory_space<vmem>>
    %dma_start3A_86 = arith.constant 0 : i32
    %dma_start3A_87 = tpu.memref_slice %arg4[%add3A_80, %dma_start3A_86] : memref<4608x1024xf32, #tpu.memory_space<hbm>> -> memref<72x1024xf32, #tpu.memory_space<hbm>>
    %dma_start3A_88 = arith.constant 0 : i32
    %dma_start3A_89 = tpu.memref_slice %arg4[%add3A_80, %dma_start3A_88] : memref<4608x1024xf32, #tpu.memory_space<hbm>> -> memref<72x1024xf32, #tpu.memory_space<hbm>>
    %dma_start3A_90 = arith.constant 0 : i32
    %dma_start3A_91 = arith.constant 0 : i32
    %dma_start3A_92 = tpu.memref_slice %arg6[%dma_start3A_81, %dma_start3A_90, %dma_start3A_91] : memref<1x72x1024xf32, #tpu.memory_space<vmem>> -> memref<1x72x1024xf32, #tpu.memory_space<vmem>>
    %dma_start3A_93 = tpu.memref_squeeze %dma_start3A_92 : memref<1x72x1024xf32, #tpu.memory_space<vmem>> -> memref<72x1024xf32, #tpu.memory_space<vmem>>
    tpu.enqueue_dma source(%dma_start3A_93 : memref<72x1024xf32, #tpu.memory_space<vmem>>) target(%dma_start3A_89 : memref<72x1024xf32, #tpu.memory_space<hbm>>) target_semaphore(%arg8 : memref<!tpu.dma_semaphore, #tpu.memory_space<semaphore_mem>>)
    %dma_wait3A_94 = arith.constant 0 : i32
    %dma_wait3A_95 = arith.constant 0 : i32
    %dma_wait3A_96 = arith.constant 0 : i32
    %dma_wait3A_97 = tpu.memref_slice %arg6[%dma_wait3A_94, %dma_wait3A_95, %dma_wait3A_96] : memref<1x72x1024xf32, #tpu.memory_space<vmem>> -> memref<1x72x1024xf32, #tpu.memory_space<vmem>>
    %dma_wait3A_98 = tpu.memref_squeeze %dma_wait3A_97 : memref<1x72x1024xf32, #tpu.memory_space<vmem>> -> memref<72x1024xf32, #tpu.memory_space<vmem>>
    %dma_wait3A_99 = arith.constant 0 : i32
    %dma_wait3A_100 = tpu.memref_slice %arg4[%add3A_80, %dma_wait3A_99] : memref<4608x1024xf32, #tpu.memory_space<hbm>> -> memref<72x1024xf32, #tpu.memory_space<hbm>>
    %dma_wait3A_101 = arith.constant 0 : i32
    %dma_wait3A_102 = tpu.memref_slice %arg4[%add3A_80, %dma_wait3A_101] : memref<4608x1024xf32, #tpu.memory_space<hbm>> -> memref<72x1024xf32, #tpu.memory_space<hbm>>
    %dma_wait3A_103 = arith.constant 0 : i32
    %dma_wait3A_104 = arith.constant 0 : i32
    %dma_wait3A_105 = tpu.memref_slice %arg6[%dma_wait3A_94, %dma_wait3A_103, %dma_wait3A_104] : memref<1x72x1024xf32, #tpu.memory_space<vmem>> -> memref<1x72x1024xf32, #tpu.memory_space<vmem>>
    %dma_wait3A_106 = tpu.memref_squeeze %dma_wait3A_105 : memref<1x72x1024xf32, #tpu.memory_space<vmem>> -> memref<72x1024xf32, #tpu.memory_space<vmem>>
    tpu.wait_dma2 semaphore(%arg8 : memref<!tpu.dma_semaphore, #tpu.memory_space<semaphore_mem>>) src(%dma_wait3A_106 : memref<72x1024xf32, #tpu.memory_space<vmem>>) dst(%dma_wait3A_102 : memref<72x1024xf32, #tpu.memory_space<hbm>>)
    return
  }
}

#map = affine_map<(d0, d1) -> (0, 0)>
#map1 = affine_map<(d0, d1) -> (0, 0, 0)>
module attributes {stable_mosaic.version = 14 : i64} {
  func.func @gather_k(%arg0: i32, %arg1: i32, %arg2: memref<8192x1024xf32, #tpu.memory_space<hbm>>, %arg3: memref<32x2x72xi32, #tpu.memory_space<hbm>>, %arg4: memref<4608x1024xf32, #tpu.memory_space<hbm>>, %arg5: memref<2x72xi32, #tpu.memory_space<vmem>>, %arg6: memref<1x72x1024xf32, #tpu.memory_space<vmem>>, %arg7: memref<!tpu.dma_semaphore, #tpu.memory_space<semaphore_mem>>, %arg8: memref<!tpu.dma_semaphore, #tpu.memory_space<semaphore_mem>>) attributes {dimension_semantics = [#tpu.dimension_semantics<core_parallel>, #tpu.dimension_semantics<subcore_parallel>], iteration_bounds = array<i64: 2, 16>, scalar_prefetch = 0 : i64, scratch_operands = 4 : i64, tpu.core_type = #tpu.core_type<sc_vector_subcore>, window_params = [{transform_indices = #map}, {transform_indices = #map1}, {transform_indices = #map}]} {
    %mul3A = arith.constant 2 : i32
    %mul3A_0 = arith.muli %arg1, %mul3A : i32
    %add3A = arith.addi %mul3A_0, %arg0 : i32
    "tpu.region"() ({
      %run_scoped3A = tpu.sem_alloc : memref<!tpu.dma_semaphore, #tpu.memory_space<semaphore_mem>>
      %dma_start3A_107 = arith.constant 0 : i32
      %dma_start3A_108 = arith.constant 0 : i32
      %dma_start3A_109 = tpu.memref_slice %arg3[%add3A, %dma_start3A_107, %dma_start3A_108] : memref<32x2x72xi32, #tpu.memory_space<hbm>> -> memref<1x2x72xi32, #tpu.memory_space<hbm>>
      %dma_start3A_110 = tpu.memref_squeeze %dma_start3A_109 : memref<1x2x72xi32, #tpu.memory_space<hbm>> -> memref<2x72xi32, #tpu.memory_space<hbm>>
      %dma_start3A_111 = arith.constant 0 : i32
      %dma_start3A_112 = arith.constant 0 : i32
      %dma_start3A_113 = tpu.memref_slice %arg3[%add3A, %dma_start3A_111, %dma_start3A_112] : memref<32x2x72xi32, #tpu.memory_space<hbm>> -> memref<1x2x72xi32, #tpu.memory_space<hbm>>
      %dma_start3A_114 = tpu.memref_squeeze %dma_start3A_113 : memref<1x2x72xi32, #tpu.memory_space<hbm>> -> memref<2x72xi32, #tpu.memory_space<hbm>>
      tpu.enqueue_dma source(%dma_start3A_114 : memref<2x72xi32, #tpu.memory_space<hbm>>) target(%arg5 : memref<2x72xi32, #tpu.memory_space<vmem>>) target_semaphore(%run_scoped3A : memref<!tpu.dma_semaphore, #tpu.memory_space<semaphore_mem>>)
      %dma_wait3A_115 = arith.constant 0 : i32
      %dma_wait3A_116 = arith.constant 0 : i32
      %dma_wait3A_117 = tpu.memref_slice %arg3[%add3A, %dma_wait3A_115, %dma_wait3A_116] : memref<32x2x72xi32, #tpu.memory_space<hbm>> -> memref<1x2x72xi32, #tpu.memory_space<hbm>>
      %dma_wait3A_118 = tpu.memref_squeeze %dma_wait3A_117 : memref<1x2x72xi32, #tpu.memory_space<hbm>> -> memref<2x72xi32, #tpu.memory_space<hbm>>
      %dma_wait3A_119 = arith.constant 0 : i32
      %dma_wait3A_120 = arith.constant 0 : i32
      %dma_wait3A_121 = tpu.memref_slice %arg3[%add3A, %dma_wait3A_119, %dma_wait3A_120] : memref<32x2x72xi32, #tpu.memory_space<hbm>> -> memref<1x2x72xi32, #tpu.memory_space<hbm>>
      %dma_wait3A_122 = tpu.memref_squeeze %dma_wait3A_121 : memref<1x2x72xi32, #tpu.memory_space<hbm>> -> memref<2x72xi32, #tpu.memory_space<hbm>>
      tpu.wait_dma2 semaphore(%run_scoped3A : memref<!tpu.dma_semaphore, #tpu.memory_space<semaphore_mem>>) src(%dma_wait3A_122 : memref<2x72xi32, #tpu.memory_space<hbm>>) dst(%arg5 : memref<2x72xi32, #tpu.memory_space<vmem>>)
      tpu.yield
    }) : () -> ()
    %dma_start3A = arith.constant 0 : i32
    %dma_start3A_1 = arith.constant 0 : i32
    %dma_start3A_2 = arith.constant 0 : i32
    %dma_start3A_3 = arith.constant 0 : i32
    %dma_start3A_4 = tpu.memref_slice %arg6[%dma_start3A_1, %dma_start3A_2, %dma_start3A_3] : memref<1x72x1024xf32, #tpu.memory_space<vmem>> -> memref<1x72x1024xf32, #tpu.memory_space<vmem>>
    %dma_start3A_5 = tpu.memref_squeeze %dma_start3A_4 : memref<1x72x1024xf32, #tpu.memory_space<vmem>> -> memref<72x1024xf32, #tpu.memory_space<vmem>>
    %dma_start3A_6 = arith.constant 0 : i32
    %dma_start3A_7 = tpu.memref_slice %arg5[%dma_start3A, %dma_start3A_6] : memref<2x72xi32, #tpu.memory_space<vmem>> -> memref<1x72xi32, #tpu.memory_space<vmem>>
    %dma_start3A_8 = tpu.memref_squeeze %dma_start3A_7 : memref<1x72xi32, #tpu.memory_space<vmem>> -> memref<72xi32, #tpu.memory_space<vmem>>
    %dma_start3A_9 = arith.constant 0 : i32
    %dma_start3A_10 = arith.constant 0 : i32
    %dma_start3A_11 = tpu.memref_slice %arg2[%dma_start3A_9, %dma_start3A_10] : memref<8192x1024xf32, #tpu.memory_space<hbm>> -> memref<8192x1024xf32, #tpu.memory_space<hbm>>
    tpu.enqueue_indirect_dma source(%dma_start3A_11 : memref<8192x1024xf32, #tpu.memory_space<hbm>>) target(%dma_start3A_5 : memref<72x1024xf32, #tpu.memory_space<vmem>>) offsets(%dma_start3A_8 : memref<72xi32, #tpu.memory_space<vmem>>) semaphore(%arg7 : memref<!tpu.dma_semaphore, #tpu.memory_space<semaphore_mem>>)
    %dma_wait3A = arith.constant 0 : i32
    %dma_wait3A_12 = arith.constant 0 : i32
    %dma_wait3A_13 = arith.constant 0 : i32
    %dma_wait3A_14 = arith.constant 0 : i32
    %dma_wait3A_15 = tpu.memref_slice %arg6[%dma_wait3A_12, %dma_wait3A_13, %dma_wait3A_14] : memref<1x72x1024xf32, #tpu.memory_space<vmem>> -> memref<1x72x1024xf32, #tpu.memory_space<vmem>>
    %dma_wait3A_16 = tpu.memref_squeeze %dma_wait3A_15 : memref<1x72x1024xf32, #tpu.memory_space<vmem>> -> memref<72x1024xf32, #tpu.memory_space<vmem>>
    %dma_wait3A_17 = arith.constant 0 : i32
    %dma_wait3A_18 = tpu.memref_slice %arg5[%dma_wait3A, %dma_wait3A_17] : memref<2x72xi32, #tpu.memory_space<vmem>> -> memref<1x72xi32, #tpu.memory_space<vmem>>
    %dma_wait3A_19 = tpu.memref_squeeze %dma_wait3A_18 : memref<1x72xi32, #tpu.memory_space<vmem>> -> memref<72xi32, #tpu.memory_space<vmem>>
    %dma_wait3A_20 = arith.constant 0 : i32
    %dma_wait3A_21 = arith.constant 0 : i32
    %dma_wait3A_22 = tpu.memref_slice %arg2[%dma_wait3A_20, %dma_wait3A_21] : memref<8192x1024xf32, #tpu.memory_space<hbm>> -> memref<8192x1024xf32, #tpu.memory_space<hbm>>
    tpu.wait_indirect_dma semaphore(%arg7 : memref<!tpu.dma_semaphore, #tpu.memory_space<semaphore_mem>>) src(%dma_wait3A_22 : memref<8192x1024xf32, #tpu.memory_space<hbm>>) dst(%dma_wait3A_16 : memref<72x1024xf32, #tpu.memory_space<vmem>>)
    %mul3A_23 = arith.constant 144 : i32
    %mul3A_24 = arith.muli %add3A, %mul3A_23 : i32
    %add3A_25 = arith.constant 0 : i32
    %add3A_26 = arith.addi %mul3A_24, %add3A_25 : i32
    %dma_start3A_27 = arith.constant 0 : i32
    %dma_start3A_28 = arith.constant 0 : i32
    %dma_start3A_29 = arith.constant 0 : i32
    %dma_start3A_30 = tpu.memref_slice %arg6[%dma_start3A_27, %dma_start3A_28, %dma_start3A_29] : memref<1x72x1024xf32, #tpu.memory_space<vmem>> -> memref<1x72x1024xf32, #tpu.memory_space<vmem>>
    %dma_start3A_31 = tpu.memref_squeeze %dma_start3A_30 : memref<1x72x1024xf32, #tpu.memory_space<vmem>> -> memref<72x1024xf32, #tpu.memory_space<vmem>>
    %dma_start3A_32 = arith.constant 0 : i32
    %dma_start3A_33 = tpu.memref_slice %arg4[%add3A_26, %dma_start3A_32] : memref<4608x1024xf32, #tpu.memory_space<hbm>> -> memref<72x1024xf32, #tpu.memory_space<hbm>>
    %dma_start3A_34 = arith.constant 0 : i32
    %dma_start3A_35 = tpu.memref_slice %arg4[%add3A_26, %dma_start3A_34] : memref<4608x1024xf32, #tpu.memory_space<hbm>> -> memref<72x1024xf32, #tpu.memory_space<hbm>>
    %dma_start3A_36 = arith.constant 0 : i32
    %dma_start3A_37 = arith.constant 0 : i32
    %dma_start3A_38 = tpu.memref_slice %arg6[%dma_start3A_27, %dma_start3A_36, %dma_start3A_37] : memref<1x72x1024xf32, #tpu.memory_space<vmem>> -> memref<1x72x1024xf32, #tpu.memory_space<vmem>>
    %dma_start3A_39 = tpu.memref_squeeze %dma_start3A_38 : memref<1x72x1024xf32, #tpu.memory_space<vmem>> -> memref<72x1024xf32, #tpu.memory_space<vmem>>
    tpu.enqueue_dma source(%dma_start3A_39 : memref<72x1024xf32, #tpu.memory_space<vmem>>) target(%dma_start3A_35 : memref<72x1024xf32, #tpu.memory_space<hbm>>) target_semaphore(%arg8 : memref<!tpu.dma_semaphore, #tpu.memory_space<semaphore_mem>>)
    %dma_wait3A_40 = arith.constant 0 : i32
    %dma_wait3A_41 = arith.constant 0 : i32
    %dma_wait3A_42 = arith.constant 0 : i32
    %dma_wait3A_43 = tpu.memref_slice %arg6[%dma_wait3A_40, %dma_wait3A_41, %dma_wait3A_42] : memref<1x72x1024xf32, #tpu.memory_space<vmem>> -> memref<1x72x1024xf32, #tpu.memory_space<vmem>>
    %dma_wait3A_44 = tpu.memref_squeeze %dma_wait3A_43 : memref<1x72x1024xf32, #tpu.memory_space<vmem>> -> memref<72x1024xf32, #tpu.memory_space<vmem>>
    %dma_wait3A_45 = arith.constant 0 : i32
    %dma_wait3A_46 = tpu.memref_slice %arg4[%add3A_26, %dma_wait3A_45] : memref<4608x1024xf32, #tpu.memory_space<hbm>> -> memref<72x1024xf32, #tpu.memory_space<hbm>>
    %dma_wait3A_47 = arith.constant 0 : i32
    %dma_wait3A_48 = tpu.memref_slice %arg4[%add3A_26, %dma_wait3A_47] : memref<4608x1024xf32, #tpu.memory_space<hbm>> -> memref<72x1024xf32, #tpu.memory_space<hbm>>
    %dma_wait3A_49 = arith.constant 0 : i32
    %dma_wait3A_50 = arith.constant 0 : i32
    %dma_wait3A_51 = tpu.memref_slice %arg6[%dma_wait3A_40, %dma_wait3A_49, %dma_wait3A_50] : memref<1x72x1024xf32, #tpu.memory_space<vmem>> -> memref<1x72x1024xf32, #tpu.memory_space<vmem>>
    %dma_wait3A_52 = tpu.memref_squeeze %dma_wait3A_51 : memref<1x72x1024xf32, #tpu.memory_space<vmem>> -> memref<72x1024xf32, #tpu.memory_space<vmem>>
    tpu.wait_dma2 semaphore(%arg8 : memref<!tpu.dma_semaphore, #tpu.memory_space<semaphore_mem>>) src(%dma_wait3A_52 : memref<72x1024xf32, #tpu.memory_space<vmem>>) dst(%dma_wait3A_48 : memref<72x1024xf32, #tpu.memory_space<hbm>>)
    %dma_start3A_53 = arith.constant 1 : i32
    %dma_start3A_54 = arith.constant 0 : i32
    %dma_start3A_55 = arith.constant 0 : i32
    %dma_start3A_56 = arith.constant 0 : i32
    %dma_start3A_57 = tpu.memref_slice %arg6[%dma_start3A_54, %dma_start3A_55, %dma_start3A_56] : memref<1x72x1024xf32, #tpu.memory_space<vmem>> -> memref<1x72x1024xf32, #tpu.memory_space<vmem>>
    %dma_start3A_58 = tpu.memref_squeeze %dma_start3A_57 : memref<1x72x1024xf32, #tpu.memory_space<vmem>> -> memref<72x1024xf32, #tpu.memory_space<vmem>>
    %dma_start3A_59 = arith.constant 0 : i32
    %dma_start3A_60 = tpu.memref_slice %arg5[%dma_start3A_53, %dma_start3A_59] : memref<2x72xi32, #tpu.memory_space<vmem>> -> memref<1x72xi32, #tpu.memory_space<vmem>>
    %dma_start3A_61 = tpu.memref_squeeze %dma_start3A_60 : memref<1x72xi32, #tpu.memory_space<vmem>> -> memref<72xi32, #tpu.memory_space<vmem>>
    %dma_start3A_62 = arith.constant 0 : i32
    %dma_start3A_63 = arith.constant 0 : i32
    %dma_start3A_64 = tpu.memref_slice %arg2[%dma_start3A_62, %dma_start3A_63] : memref<8192x1024xf32, #tpu.memory_space<hbm>> -> memref<8192x1024xf32, #tpu.memory_space<hbm>>
    tpu.enqueue_indirect_dma source(%dma_start3A_64 : memref<8192x1024xf32, #tpu.memory_space<hbm>>) target(%dma_start3A_58 : memref<72x1024xf32, #tpu.memory_space<vmem>>) offsets(%dma_start3A_61 : memref<72xi32, #tpu.memory_space<vmem>>) semaphore(%arg7 : memref<!tpu.dma_semaphore, #tpu.memory_space<semaphore_mem>>)
    %dma_wait3A_65 = arith.constant 1 : i32
    %dma_wait3A_66 = arith.constant 0 : i32
    %dma_wait3A_67 = arith.constant 0 : i32
    %dma_wait3A_68 = arith.constant 0 : i32
    %dma_wait3A_69 = tpu.memref_slice %arg6[%dma_wait3A_66, %dma_wait3A_67, %dma_wait3A_68] : memref<1x72x1024xf32, #tpu.memory_space<vmem>> -> memref<1x72x1024xf32, #tpu.memory_space<vmem>>
    %dma_wait3A_70 = tpu.memref_squeeze %dma_wait3A_69 : memref<1x72x1024xf32, #tpu.memory_space<vmem>> -> memref<72x1024xf32, #tpu.memory_space<vmem>>
    %dma_wait3A_71 = arith.constant 0 : i32
    %dma_wait3A_72 = tpu.memref_slice %arg5[%dma_wait3A_65, %dma_wait3A_71] : memref<2x72xi32, #tpu.memory_space<vmem>> -> memref<1x72xi32, #tpu.memory_space<vmem>>
    %dma_wait3A_73 = tpu.memref_squeeze %dma_wait3A_72 : memref<1x72xi32, #tpu.memory_space<vmem>> -> memref<72xi32, #tpu.memory_space<vmem>>
    %dma_wait3A_74 = arith.constant 0 : i32
    %dma_wait3A_75 = arith.constant 0 : i32
    %dma_wait3A_76 = tpu.memref_slice %arg2[%dma_wait3A_74, %dma_wait3A_75] : memref<8192x1024xf32, #tpu.memory_space<hbm>> -> memref<8192x1024xf32, #tpu.memory_space<hbm>>
    tpu.wait_indirect_dma semaphore(%arg7 : memref<!tpu.dma_semaphore, #tpu.memory_space<semaphore_mem>>) src(%dma_wait3A_76 : memref<8192x1024xf32, #tpu.memory_space<hbm>>) dst(%dma_wait3A_70 : memref<72x1024xf32, #tpu.memory_space<vmem>>)
    %mul3A_77 = arith.constant 144 : i32
    %mul3A_78 = arith.muli %add3A, %mul3A_77 : i32
    %add3A_79 = arith.constant 72 : i32
    %add3A_80 = arith.addi %mul3A_78, %add3A_79 : i32
    %dma_start3A_81 = arith.constant 0 : i32
    %dma_start3A_82 = arith.constant 0 : i32
    %dma_start3A_83 = arith.constant 0 : i32
    %dma_start3A_84 = tpu.memref_slice %arg6[%dma_start3A_81, %dma_start3A_82, %dma_start3A_83] : memref<1x72x1024xf32, #tpu.memory_space<vmem>> -> memref<1x72x1024xf32, #tpu.memory_space<vmem>>
    %dma_start3A_85 = tpu.memref_squeeze %dma_start3A_84 : memref<1x72x1024xf32, #tpu.memory_space<vmem>> -> memref<72x1024xf32, #tpu.memory_space<vmem>>
    %dma_start3A_86 = arith.constant 0 : i32
    %dma_start3A_87 = tpu.memref_slice %arg4[%add3A_80, %dma_start3A_86] : memref<4608x1024xf32, #tpu.memory_space<hbm>> -> memref<72x1024xf32, #tpu.memory_space<hbm>>
    %dma_start3A_88 = arith.constant 0 : i32
    %dma_start3A_89 = tpu.memref_slice %arg4[%add3A_80, %dma_start3A_88] : memref<4608x1024xf32, #tpu.memory_space<hbm>> -> memref<72x1024xf32, #tpu.memory_space<hbm>>
    %dma_start3A_90 = arith.constant 0 : i32
    %dma_start3A_91 = arith.constant 0 : i32
    %dma_start3A_92 = tpu.memref_slice %arg6[%dma_start3A_81, %dma_start3A_90, %dma_start3A_91] : memref<1x72x1024xf32, #tpu.memory_space<vmem>> -> memref<1x72x1024xf32, #tpu.memory_space<vmem>>
    %dma_start3A_93 = tpu.memref_squeeze %dma_start3A_92 : memref<1x72x1024xf32, #tpu.memory_space<vmem>> -> memref<72x1024xf32, #tpu.memory_space<vmem>>
    tpu.enqueue_dma source(%dma_start3A_93 : memref<72x1024xf32, #tpu.memory_space<vmem>>) target(%dma_start3A_89 : memref<72x1024xf32, #tpu.memory_space<hbm>>) target_semaphore(%arg8 : memref<!tpu.dma_semaphore, #tpu.memory_space<semaphore_mem>>)
    %dma_wait3A_94 = arith.constant 0 : i32
    %dma_wait3A_95 = arith.constant 0 : i32
    %dma_wait3A_96 = arith.constant 0 : i32
    %dma_wait3A_97 = tpu.memref_slice %arg6[%dma_wait3A_94, %dma_wait3A_95, %dma_wait3A_96] : memref<1x72x1024xf32, #tpu.memory_space<vmem>> -> memref<1x72x1024xf32, #tpu.memory_space<vmem>>
    %dma_wait3A_98 = tpu.memref_squeeze %dma_wait3A_97 : memref<1x72x1024xf32, #tpu.memory_space<vmem>> -> memref<72x1024xf32, #tpu.memory_space<vmem>>
    %dma_wait3A_99 = arith.constant 0 : i32
    %dma_wait3A_100 = tpu.memref_slice %arg4[%add3A_80, %dma_wait3A_99] : memref<4608x1024xf32, #tpu.memory_space<hbm>> -> memref<72x1024xf32, #tpu.memory_space<hbm>>
    %dma_wait3A_101 = arith.constant 0 : i32
    %dma_wait3A_102 = tpu.memref_slice %arg4[%add3A_80, %dma_wait3A_101] : memref<4608x1024xf32, #tpu.memory_space<hbm>> -> memref<72x1024xf32, #tpu.memory_space<hbm>>
    %dma_wait3A_103 = arith.constant 0 : i32
    %dma_wait3A_104 = arith.constant 0 : i32
    %dma_wait3A_105 = tpu.memref_slice %arg6[%dma_wait3A_94, %dma_wait3A_103, %dma_wait3A_104] : memref<1x72x1024xf32, #tpu.memory_space<vmem>> -> memref<1x72x1024xf32, #tpu.memory_space<vmem>>
    %dma_wait3A_106 = tpu.memref_squeeze %dma_wait3A_105 : memref<1x72x1024xf32, #tpu.memory_space<vmem>> -> memref<72x1024xf32, #tpu.memory_space<vmem>>
    tpu.wait_dma2 semaphore(%arg8 : memref<!tpu.dma_semaphore, #tpu.memory_space<semaphore_mem>>) src(%dma_wait3A_106 : memref<72x1024xf32, #tpu.memory_space<vmem>>) dst(%dma_wait3A_102 : memref<72x1024xf32, #tpu.memory_space<hbm>>)
    return
  }
}

#map = affine_map<(d0, d1) -> (0, 0)>
#map1 = affine_map<(d0, d1) -> (0, 0, 0)>
module attributes {stable_mosaic.version = 14 : i64} {
  func.func @gather_k(%arg0: i32, %arg1: i32, %arg2: memref<8192x1024xf32, #tpu.memory_space<hbm>>, %arg3: memref<32x2x72xi32, #tpu.memory_space<hbm>>, %arg4: memref<4608x1024xf32, #tpu.memory_space<hbm>>, %arg5: memref<2x72xi32, #tpu.memory_space<vmem>>, %arg6: memref<1x72x1024xf32, #tpu.memory_space<vmem>>, %arg7: memref<!tpu.dma_semaphore, #tpu.memory_space<semaphore_mem>>, %arg8: memref<!tpu.dma_semaphore, #tpu.memory_space<semaphore_mem>>) attributes {dimension_semantics = [#tpu.dimension_semantics<core_parallel>, #tpu.dimension_semantics<subcore_parallel>], iteration_bounds = array<i64: 2, 16>, scalar_prefetch = 0 : i64, scratch_operands = 4 : i64, tpu.core_type = #tpu.core_type<sc_vector_subcore>, window_params = [{transform_indices = #map}, {transform_indices = #map1}, {transform_indices = #map}]} {
    %mul3A = arith.constant 2 : i32
    %mul3A_0 = arith.muli %arg1, %mul3A : i32
    %add3A = arith.addi %mul3A_0, %arg0 : i32
    "tpu.region"() ({
      %run_scoped3A = tpu.sem_alloc : memref<!tpu.dma_semaphore, #tpu.memory_space<semaphore_mem>>
      %dma_start3A_107 = arith.constant 0 : i32
      %dma_start3A_108 = arith.constant 0 : i32
      %dma_start3A_109 = tpu.memref_slice %arg3[%add3A, %dma_start3A_107, %dma_start3A_108] : memref<32x2x72xi32, #tpu.memory_space<hbm>> -> memref<1x2x72xi32, #tpu.memory_space<hbm>>
      %dma_start3A_110 = tpu.memref_squeeze %dma_start3A_109 : memref<1x2x72xi32, #tpu.memory_space<hbm>> -> memref<2x72xi32, #tpu.memory_space<hbm>>
      %dma_start3A_111 = arith.constant 0 : i32
      %dma_start3A_112 = arith.constant 0 : i32
      %dma_start3A_113 = tpu.memref_slice %arg3[%add3A, %dma_start3A_111, %dma_start3A_112] : memref<32x2x72xi32, #tpu.memory_space<hbm>> -> memref<1x2x72xi32, #tpu.memory_space<hbm>>
      %dma_start3A_114 = tpu.memref_squeeze %dma_start3A_113 : memref<1x2x72xi32, #tpu.memory_space<hbm>> -> memref<2x72xi32, #tpu.memory_space<hbm>>
      tpu.enqueue_dma source(%dma_start3A_114 : memref<2x72xi32, #tpu.memory_space<hbm>>) target(%arg5 : memref<2x72xi32, #tpu.memory_space<vmem>>) target_semaphore(%run_scoped3A : memref<!tpu.dma_semaphore, #tpu.memory_space<semaphore_mem>>)
      %dma_wait3A_115 = arith.constant 0 : i32
      %dma_wait3A_116 = arith.constant 0 : i32
      %dma_wait3A_117 = tpu.memref_slice %arg3[%add3A, %dma_wait3A_115, %dma_wait3A_116] : memref<32x2x72xi32, #tpu.memory_space<hbm>> -> memref<1x2x72xi32, #tpu.memory_space<hbm>>
      %dma_wait3A_118 = tpu.memref_squeeze %dma_wait3A_117 : memref<1x2x72xi32, #tpu.memory_space<hbm>> -> memref<2x72xi32, #tpu.memory_space<hbm>>
      %dma_wait3A_119 = arith.constant 0 : i32
      %dma_wait3A_120 = arith.constant 0 : i32
      %dma_wait3A_121 = tpu.memref_slice %arg3[%add3A, %dma_wait3A_119, %dma_wait3A_120] : memref<32x2x72xi32, #tpu.memory_space<hbm>> -> memref<1x2x72xi32, #tpu.memory_space<hbm>>
      %dma_wait3A_122 = tpu.memref_squeeze %dma_wait3A_121 : memref<1x2x72xi32, #tpu.memory_space<hbm>> -> memref<2x72xi32, #tpu.memory_space<hbm>>
      tpu.wait_dma2 semaphore(%run_scoped3A : memref<!tpu.dma_semaphore, #tpu.memory_space<semaphore_mem>>) src(%dma_wait3A_122 : memref<2x72xi32, #tpu.memory_space<hbm>>) dst(%arg5 : memref<2x72xi32, #tpu.memory_space<vmem>>)
      tpu.yield
    }) : () -> ()
    %dma_start3A = arith.constant 0 : i32
    %dma_start3A_1 = arith.constant 0 : i32
    %dma_start3A_2 = arith.constant 0 : i32
    %dma_start3A_3 = arith.constant 0 : i32
    %dma_start3A_4 = tpu.memref_slice %arg6[%dma_start3A_1, %dma_start3A_2, %dma_start3A_3] : memref<1x72x1024xf32, #tpu.memory_space<vmem>> -> memref<1x72x1024xf32, #tpu.memory_space<vmem>>
    %dma_start3A_5 = tpu.memref_squeeze %dma_start3A_4 : memref<1x72x1024xf32, #tpu.memory_space<vmem>> -> memref<72x1024xf32, #tpu.memory_space<vmem>>
    %dma_start3A_6 = arith.constant 0 : i32
    %dma_start3A_7 = tpu.memref_slice %arg5[%dma_start3A, %dma_start3A_6] : memref<2x72xi32, #tpu.memory_space<vmem>> -> memref<1x72xi32, #tpu.memory_space<vmem>>
    %dma_start3A_8 = tpu.memref_squeeze %dma_start3A_7 : memref<1x72xi32, #tpu.memory_space<vmem>> -> memref<72xi32, #tpu.memory_space<vmem>>
    %dma_start3A_9 = arith.constant 0 : i32
    %dma_start3A_10 = arith.constant 0 : i32
    %dma_start3A_11 = tpu.memref_slice %arg2[%dma_start3A_9, %dma_start3A_10] : memref<8192x1024xf32, #tpu.memory_space<hbm>> -> memref<8192x1024xf32, #tpu.memory_space<hbm>>
    tpu.enqueue_indirect_dma source(%dma_start3A_11 : memref<8192x1024xf32, #tpu.memory_space<hbm>>) target(%dma_start3A_5 : memref<72x1024xf32, #tpu.memory_space<vmem>>) offsets(%dma_start3A_8 : memref<72xi32, #tpu.memory_space<vmem>>) semaphore(%arg7 : memref<!tpu.dma_semaphore, #tpu.memory_space<semaphore_mem>>)
    %dma_wait3A = arith.constant 0 : i32
    %dma_wait3A_12 = arith.constant 0 : i32
    %dma_wait3A_13 = arith.constant 0 : i32
    %dma_wait3A_14 = arith.constant 0 : i32
    %dma_wait3A_15 = tpu.memref_slice %arg6[%dma_wait3A_12, %dma_wait3A_13, %dma_wait3A_14] : memref<1x72x1024xf32, #tpu.memory_space<vmem>> -> memref<1x72x1024xf32, #tpu.memory_space<vmem>>
    %dma_wait3A_16 = tpu.memref_squeeze %dma_wait3A_15 : memref<1x72x1024xf32, #tpu.memory_space<vmem>> -> memref<72x1024xf32, #tpu.memory_space<vmem>>
    %dma_wait3A_17 = arith.constant 0 : i32
    %dma_wait3A_18 = tpu.memref_slice %arg5[%dma_wait3A, %dma_wait3A_17] : memref<2x72xi32, #tpu.memory_space<vmem>> -> memref<1x72xi32, #tpu.memory_space<vmem>>
    %dma_wait3A_19 = tpu.memref_squeeze %dma_wait3A_18 : memref<1x72xi32, #tpu.memory_space<vmem>> -> memref<72xi32, #tpu.memory_space<vmem>>
    %dma_wait3A_20 = arith.constant 0 : i32
    %dma_wait3A_21 = arith.constant 0 : i32
    %dma_wait3A_22 = tpu.memref_slice %arg2[%dma_wait3A_20, %dma_wait3A_21] : memref<8192x1024xf32, #tpu.memory_space<hbm>> -> memref<8192x1024xf32, #tpu.memory_space<hbm>>
    tpu.wait_indirect_dma semaphore(%arg7 : memref<!tpu.dma_semaphore, #tpu.memory_space<semaphore_mem>>) src(%dma_wait3A_22 : memref<8192x1024xf32, #tpu.memory_space<hbm>>) dst(%dma_wait3A_16 : memref<72x1024xf32, #tpu.memory_space<vmem>>)
    %mul3A_23 = arith.constant 144 : i32
    %mul3A_24 = arith.muli %add3A, %mul3A_23 : i32
    %add3A_25 = arith.constant 0 : i32
    %add3A_26 = arith.addi %mul3A_24, %add3A_25 : i32
    %dma_start3A_27 = arith.constant 0 : i32
    %dma_start3A_28 = arith.constant 0 : i32
    %dma_start3A_29 = arith.constant 0 : i32
    %dma_start3A_30 = tpu.memref_slice %arg6[%dma_start3A_27, %dma_start3A_28, %dma_start3A_29] : memref<1x72x1024xf32, #tpu.memory_space<vmem>> -> memref<1x72x1024xf32, #tpu.memory_space<vmem>>
    %dma_start3A_31 = tpu.memref_squeeze %dma_start3A_30 : memref<1x72x1024xf32, #tpu.memory_space<vmem>> -> memref<72x1024xf32, #tpu.memory_space<vmem>>
    %dma_start3A_32 = arith.constant 0 : i32
    %dma_start3A_33 = tpu.memref_slice %arg4[%add3A_26, %dma_start3A_32] : memref<4608x1024xf32, #tpu.memory_space<hbm>> -> memref<72x1024xf32, #tpu.memory_space<hbm>>
    %dma_start3A_34 = arith.constant 0 : i32
    %dma_start3A_35 = tpu.memref_slice %arg4[%add3A_26, %dma_start3A_34] : memref<4608x1024xf32, #tpu.memory_space<hbm>> -> memref<72x1024xf32, #tpu.memory_space<hbm>>
    %dma_start3A_36 = arith.constant 0 : i32
    %dma_start3A_37 = arith.constant 0 : i32
    %dma_start3A_38 = tpu.memref_slice %arg6[%dma_start3A_27, %dma_start3A_36, %dma_start3A_37] : memref<1x72x1024xf32, #tpu.memory_space<vmem>> -> memref<1x72x1024xf32, #tpu.memory_space<vmem>>
    %dma_start3A_39 = tpu.memref_squeeze %dma_start3A_38 : memref<1x72x1024xf32, #tpu.memory_space<vmem>> -> memref<72x1024xf32, #tpu.memory_space<vmem>>
    tpu.enqueue_dma source(%dma_start3A_39 : memref<72x1024xf32, #tpu.memory_space<vmem>>) target(%dma_start3A_35 : memref<72x1024xf32, #tpu.memory_space<hbm>>) target_semaphore(%arg8 : memref<!tpu.dma_semaphore, #tpu.memory_space<semaphore_mem>>)
    %dma_wait3A_40 = arith.constant 0 : i32
    %dma_wait3A_41 = arith.constant 0 : i32
    %dma_wait3A_42 = arith.constant 0 : i32
    %dma_wait3A_43 = tpu.memref_slice %arg6[%dma_wait3A_40, %dma_wait3A_41, %dma_wait3A_42] : memref<1x72x1024xf32, #tpu.memory_space<vmem>> -> memref<1x72x1024xf32, #tpu.memory_space<vmem>>
    %dma_wait3A_44 = tpu.memref_squeeze %dma_wait3A_43 : memref<1x72x1024xf32, #tpu.memory_space<vmem>> -> memref<72x1024xf32, #tpu.memory_space<vmem>>
    %dma_wait3A_45 = arith.constant 0 : i32
    %dma_wait3A_46 = tpu.memref_slice %arg4[%add3A_26, %dma_wait3A_45] : memref<4608x1024xf32, #tpu.memory_space<hbm>> -> memref<72x1024xf32, #tpu.memory_space<hbm>>
    %dma_wait3A_47 = arith.constant 0 : i32
    %dma_wait3A_48 = tpu.memref_slice %arg4[%add3A_26, %dma_wait3A_47] : memref<4608x1024xf32, #tpu.memory_space<hbm>> -> memref<72x1024xf32, #tpu.memory_space<hbm>>
    %dma_wait3A_49 = arith.constant 0 : i32
    %dma_wait3A_50 = arith.constant 0 : i32
    %dma_wait3A_51 = tpu.memref_slice %arg6[%dma_wait3A_40, %dma_wait3A_49, %dma_wait3A_50] : memref<1x72x1024xf32, #tpu.memory_space<vmem>> -> memref<1x72x1024xf32, #tpu.memory_space<vmem>>
    %dma_wait3A_52 = tpu.memref_squeeze %dma_wait3A_51 : memref<1x72x1024xf32, #tpu.memory_space<vmem>> -> memref<72x1024xf32, #tpu.memory_space<vmem>>
    tpu.wait_dma2 semaphore(%arg8 : memref<!tpu.dma_semaphore, #tpu.memory_space<semaphore_mem>>) src(%dma_wait3A_52 : memref<72x1024xf32, #tpu.memory_space<vmem>>) dst(%dma_wait3A_48 : memref<72x1024xf32, #tpu.memory_space<hbm>>)
    %dma_start3A_53 = arith.constant 1 : i32
    %dma_start3A_54 = arith.constant 0 : i32
    %dma_start3A_55 = arith.constant 0 : i32
    %dma_start3A_56 = arith.constant 0 : i32
    %dma_start3A_57 = tpu.memref_slice %arg6[%dma_start3A_54, %dma_start3A_55, %dma_start3A_56] : memref<1x72x1024xf32, #tpu.memory_space<vmem>> -> memref<1x72x1024xf32, #tpu.memory_space<vmem>>
    %dma_start3A_58 = tpu.memref_squeeze %dma_start3A_57 : memref<1x72x1024xf32, #tpu.memory_space<vmem>> -> memref<72x1024xf32, #tpu.memory_space<vmem>>
    %dma_start3A_59 = arith.constant 0 : i32
    %dma_start3A_60 = tpu.memref_slice %arg5[%dma_start3A_53, %dma_start3A_59] : memref<2x72xi32, #tpu.memory_space<vmem>> -> memref<1x72xi32, #tpu.memory_space<vmem>>
    %dma_start3A_61 = tpu.memref_squeeze %dma_start3A_60 : memref<1x72xi32, #tpu.memory_space<vmem>> -> memref<72xi32, #tpu.memory_space<vmem>>
    %dma_start3A_62 = arith.constant 0 : i32
    %dma_start3A_63 = arith.constant 0 : i32
    %dma_start3A_64 = tpu.memref_slice %arg2[%dma_start3A_62, %dma_start3A_63] : memref<8192x1024xf32, #tpu.memory_space<hbm>> -> memref<8192x1024xf32, #tpu.memory_space<hbm>>
    tpu.enqueue_indirect_dma source(%dma_start3A_64 : memref<8192x1024xf32, #tpu.memory_space<hbm>>) target(%dma_start3A_58 : memref<72x1024xf32, #tpu.memory_space<vmem>>) offsets(%dma_start3A_61 : memref<72xi32, #tpu.memory_space<vmem>>) semaphore(%arg7 : memref<!tpu.dma_semaphore, #tpu.memory_space<semaphore_mem>>)
    %dma_wait3A_65 = arith.constant 1 : i32
    %dma_wait3A_66 = arith.constant 0 : i32
    %dma_wait3A_67 = arith.constant 0 : i32
    %dma_wait3A_68 = arith.constant 0 : i32
    %dma_wait3A_69 = tpu.memref_slice %arg6[%dma_wait3A_66, %dma_wait3A_67, %dma_wait3A_68] : memref<1x72x1024xf32, #tpu.memory_space<vmem>> -> memref<1x72x1024xf32, #tpu.memory_space<vmem>>
    %dma_wait3A_70 = tpu.memref_squeeze %dma_wait3A_69 : memref<1x72x1024xf32, #tpu.memory_space<vmem>> -> memref<72x1024xf32, #tpu.memory_space<vmem>>
    %dma_wait3A_71 = arith.constant 0 : i32
    %dma_wait3A_72 = tpu.memref_slice %arg5[%dma_wait3A_65, %dma_wait3A_71] : memref<2x72xi32, #tpu.memory_space<vmem>> -> memref<1x72xi32, #tpu.memory_space<vmem>>
    %dma_wait3A_73 = tpu.memref_squeeze %dma_wait3A_72 : memref<1x72xi32, #tpu.memory_space<vmem>> -> memref<72xi32, #tpu.memory_space<vmem>>
    %dma_wait3A_74 = arith.constant 0 : i32
    %dma_wait3A_75 = arith.constant 0 : i32
    %dma_wait3A_76 = tpu.memref_slice %arg2[%dma_wait3A_74, %dma_wait3A_75] : memref<8192x1024xf32, #tpu.memory_space<hbm>> -> memref<8192x1024xf32, #tpu.memory_space<hbm>>
    tpu.wait_indirect_dma semaphore(%arg7 : memref<!tpu.dma_semaphore, #tpu.memory_space<semaphore_mem>>) src(%dma_wait3A_76 : memref<8192x1024xf32, #tpu.memory_space<hbm>>) dst(%dma_wait3A_70 : memref<72x1024xf32, #tpu.memory_space<vmem>>)
    %mul3A_77 = arith.constant 144 : i32
    %mul3A_78 = arith.muli %add3A, %mul3A_77 : i32
    %add3A_79 = arith.constant 72 : i32
    %add3A_80 = arith.addi %mul3A_78, %add3A_79 : i32
    %dma_start3A_81 = arith.constant 0 : i32
    %dma_start3A_82 = arith.constant 0 : i32
    %dma_start3A_83 = arith.constant 0 : i32
    %dma_start3A_84 = tpu.memref_slice %arg6[%dma_start3A_81, %dma_start3A_82, %dma_start3A_83] : memref<1x72x1024xf32, #tpu.memory_space<vmem>> -> memref<1x72x1024xf32, #tpu.memory_space<vmem>>
    %dma_start3A_85 = tpu.memref_squeeze %dma_start3A_84 : memref<1x72x1024xf32, #tpu.memory_space<vmem>> -> memref<72x1024xf32, #tpu.memory_space<vmem>>
    %dma_start3A_86 = arith.constant 0 : i32
    %dma_start3A_87 = tpu.memref_slice %arg4[%add3A_80, %dma_start3A_86] : memref<4608x1024xf32, #tpu.memory_space<hbm>> -> memref<72x1024xf32, #tpu.memory_space<hbm>>
    %dma_start3A_88 = arith.constant 0 : i32
    %dma_start3A_89 = tpu.memref_slice %arg4[%add3A_80, %dma_start3A_88] : memref<4608x1024xf32, #tpu.memory_space<hbm>> -> memref<72x1024xf32, #tpu.memory_space<hbm>>
    %dma_start3A_90 = arith.constant 0 : i32
    %dma_start3A_91 = arith.constant 0 : i32
    %dma_start3A_92 = tpu.memref_slice %arg6[%dma_start3A_81, %dma_start3A_90, %dma_start3A_91] : memref<1x72x1024xf32, #tpu.memory_space<vmem>> -> memref<1x72x1024xf32, #tpu.memory_space<vmem>>
    %dma_start3A_93 = tpu.memref_squeeze %dma_start3A_92 : memref<1x72x1024xf32, #tpu.memory_space<vmem>> -> memref<72x1024xf32, #tpu.memory_space<vmem>>
    tpu.enqueue_dma source(%dma_start3A_93 : memref<72x1024xf32, #tpu.memory_space<vmem>>) target(%dma_start3A_89 : memref<72x1024xf32, #tpu.memory_space<hbm>>) target_semaphore(%arg8 : memref<!tpu.dma_semaphore, #tpu.memory_space<semaphore_mem>>)
    %dma_wait3A_94 = arith.constant 0 : i32
    %dma_wait3A_95 = arith.constant 0 : i32
    %dma_wait3A_96 = arith.constant 0 : i32
    %dma_wait3A_97 = tpu.memref_slice %arg6[%dma_wait3A_94, %dma_wait3A_95, %dma_wait3A_96] : memref<1x72x1024xf32, #tpu.memory_space<vmem>> -> memref<1x72x1024xf32, #tpu.memory_space<vmem>>
    %dma_wait3A_98 = tpu.memref_squeeze %dma_wait3A_97 : memref<1x72x1024xf32, #tpu.memory_space<vmem>> -> memref<72x1024xf32, #tpu.memory_space<vmem>>
    %dma_wait3A_99 = arith.constant 0 : i32
    %dma_wait3A_100 = tpu.memref_slice %arg4[%add3A_80, %dma_wait3A_99] : memref<4608x1024xf32, #tpu.memory_space<hbm>> -> memref<72x1024xf32, #tpu.memory_space<hbm>>
    %dma_wait3A_101 = arith.constant 0 : i32
    %dma_wait3A_102 = tpu.memref_slice %arg4[%add3A_80, %dma_wait3A_101] : memref<4608x1024xf32, #tpu.memory_space<hbm>> -> memref<72x1024xf32, #tpu.memory_space<hbm>>
    %dma_wait3A_103 = arith.constant 0 : i32
    %dma_wait3A_104 = arith.constant 0 : i32
    %dma_wait3A_105 = tpu.memref_slice %arg6[%dma_wait3A_94, %dma_wait3A_103, %dma_wait3A_104] : memref<1x72x1024xf32, #tpu.memory_space<vmem>> -> memref<1x72x1024xf32, #tpu.memory_space<vmem>>
    %dma_wait3A_106 = tpu.memref_squeeze %dma_wait3A_105 : memref<1x72x1024xf32, #tpu.memory_space<vmem>> -> memref<72x1024xf32, #tpu.memory_space<vmem>>
    tpu.wait_dma2 semaphore(%arg8 : memref<!tpu.dma_semaphore, #tpu.memory_space<semaphore_mem>>) src(%dma_wait3A_106 : memref<72x1024xf32, #tpu.memory_space<vmem>>) dst(%dma_wait3A_102 : memref<72x1024xf32, #tpu.memory_space<hbm>>)
    return
  }
}

#map = affine_map<(d0, d1) -> (0, 0)>
#map1 = affine_map<(d0, d1) -> (0, 0, 0)>
module attributes {stable_mosaic.version = 14 : i64} {
  func.func @scatter_k(%arg0: i32, %arg1: i32, %arg2: memref<4608x1024xf32, #tpu.memory_space<hbm>>, %arg3: memref<4608x1024xf32, #tpu.memory_space<hbm>>, %arg4: memref<4608x1024xf32, #tpu.memory_space<hbm>>, %arg5: memref<4608x1024xf32, #tpu.memory_space<hbm>>, %arg6: memref<32x8x72xi32, #tpu.memory_space<hbm>>, %arg7: memref<16385x1024xf32, #tpu.memory_space<hbm>>, %arg8: memref<8x72xi32, #tpu.memory_space<vmem>>, %arg9: memref<1x72x1024xf32, #tpu.memory_space<vmem>>, %arg10: memref<!tpu.dma_semaphore, #tpu.memory_space<semaphore_mem>>, %arg11: memref<!tpu.dma_semaphore, #tpu.memory_space<semaphore_mem>>) attributes {dimension_semantics = [#tpu.dimension_semantics<core_parallel>, #tpu.dimension_semantics<subcore_parallel>], iteration_bounds = array<i64: 2, 16>, scalar_prefetch = 0 : i64, scratch_operands = 4 : i64, tpu.core_type = #tpu.core_type<sc_vector_subcore>, window_params = [{transform_indices = #map}, {transform_indices = #map}, {transform_indices = #map}, {transform_indices = #map}, {transform_indices = #map1}, {transform_indices = #map}]} {
    %mul3A = arith.constant 2 : i32
    %mul3A_0 = arith.muli %arg1, %mul3A : i32
    %add3A = arith.addi %mul3A_0, %arg0 : i32
    "tpu.region"() ({
      %run_scoped3A = tpu.sem_alloc : memref<!tpu.dma_semaphore, #tpu.memory_space<semaphore_mem>>
      %dma_start3A_431 = arith.constant 0 : i32
      %dma_start3A_432 = arith.constant 0 : i32
      %dma_start3A_433 = tpu.memref_slice %arg6[%add3A, %dma_start3A_431, %dma_start3A_432] : memref<32x8x72xi32, #tpu.memory_space<hbm>> -> memref<1x8x72xi32, #tpu.memory_space<hbm>>
      %dma_start3A_434 = tpu.memref_squeeze %dma_start3A_433 : memref<1x8x72xi32, #tpu.memory_space<hbm>> -> memref<8x72xi32, #tpu.memory_space<hbm>>
      %dma_start3A_435 = arith.constant 0 : i32
      %dma_start3A_436 = arith.constant 0 : i32
      %dma_start3A_437 = tpu.memref_slice %arg6[%add3A, %dma_start3A_435, %dma_start3A_436] : memref<32x8x72xi32, #tpu.memory_space<hbm>> -> memref<1x8x72xi32, #tpu.memory_space<hbm>>
      %dma_start3A_438 = tpu.memref_squeeze %dma_start3A_437 : memref<1x8x72xi32, #tpu.memory_space<hbm>> -> memref<8x72xi32, #tpu.memory_space<hbm>>
      tpu.enqueue_dma source(%dma_start3A_438 : memref<8x72xi32, #tpu.memory_space<hbm>>) target(%arg8 : memref<8x72xi32, #tpu.memory_space<vmem>>) target_semaphore(%run_scoped3A : memref<!tpu.dma_semaphore, #tpu.memory_space<semaphore_mem>>)
      %dma_wait3A_439 = arith.constant 0 : i32
      %dma_wait3A_440 = arith.constant 0 : i32
      %dma_wait3A_441 = tpu.memref_slice %arg6[%add3A, %dma_wait3A_439, %dma_wait3A_440] : memref<32x8x72xi32, #tpu.memory_space<hbm>> -> memref<1x8x72xi32, #tpu.memory_space<hbm>>
      %dma_wait3A_442 = tpu.memref_squeeze %dma_wait3A_441 : memref<1x8x72xi32, #tpu.memory_space<hbm>> -> memref<8x72xi32, #tpu.memory_space<hbm>>
      %dma_wait3A_443 = arith.constant 0 : i32
      %dma_wait3A_444 = arith.constant 0 : i32
      %dma_wait3A_445 = tpu.memref_slice %arg6[%add3A, %dma_wait3A_443, %dma_wait3A_444] : memref<32x8x72xi32, #tpu.memory_space<hbm>> -> memref<1x8x72xi32, #tpu.memory_space<hbm>>
      %dma_wait3A_446 = tpu.memref_squeeze %dma_wait3A_445 : memref<1x8x72xi32, #tpu.memory_space<hbm>> -> memref<8x72xi32, #tpu.memory_space<hbm>>
      tpu.wait_dma2 semaphore(%run_scoped3A : memref<!tpu.dma_semaphore, #tpu.memory_space<semaphore_mem>>) src(%dma_wait3A_446 : memref<8x72xi32, #tpu.memory_space<hbm>>) dst(%arg8 : memref<8x72xi32, #tpu.memory_space<vmem>>)
      tpu.yield
    }) : () -> ()
    %mul3A_1 = arith.constant 144 : i32
    %mul3A_2 = arith.muli %add3A, %mul3A_1 : i32
    %add3A_3 = arith.constant 0 : i32
    %add3A_4 = arith.addi %mul3A_2, %add3A_3 : i32
    %dma_start3A = arith.constant 0 : i32
    %dma_start3A_5 = arith.constant 0 : i32
    %dma_start3A_6 = arith.constant 0 : i32
    %dma_start3A_7 = tpu.memref_slice %arg9[%dma_start3A, %dma_start3A_5, %dma_start3A_6] : memref<1x72x1024xf32, #tpu.memory_space<vmem>> -> memref<1x72x1024xf32, #tpu.memory_space<vmem>>
    %dma_start3A_8 = tpu.memref_squeeze %dma_start3A_7 : memref<1x72x1024xf32, #tpu.memory_space<vmem>> -> memref<72x1024xf32, #tpu.memory_space<vmem>>
    %dma_start3A_9 = arith.constant 0 : i32
    %dma_start3A_10 = tpu.memref_slice %arg2[%add3A_4, %dma_start3A_9] : memref<4608x1024xf32, #tpu.memory_space<hbm>> -> memref<72x1024xf32, #tpu.memory_space<hbm>>
    %dma_start3A_11 = arith.constant 0 : i32
    %dma_start3A_12 = arith.constant 0 : i32
    %dma_start3A_13 = tpu.memref_slice %arg9[%dma_start3A, %dma_start3A_11, %dma_start3A_12] : memref<1x72x1024xf32, #tpu.memory_space<vmem>> -> memref<1x72x1024xf32, #tpu.memory_space<vmem>>
    %dma_start3A_14 = tpu.memref_squeeze %dma_start3A_13 : memref<1x72x1024xf32, #tpu.memory_space<vmem>> -> memref<72x1024xf32, #tpu.memory_space<vmem>>
    %dma_start3A_15 = arith.constant 0 : i32
    %dma_start3A_16 = tpu.memref_slice %arg2[%add3A_4, %dma_start3A_15] : memref<4608x1024xf32, #tpu.memory_space<hbm>> -> memref<72x1024xf32, #tpu.memory_space<hbm>>
    tpu.enqueue_dma source(%dma_start3A_16 : memref<72x1024xf32, #tpu.memory_space<hbm>>) target(%dma_start3A_14 : memref<72x1024xf32, #tpu.memory_space<vmem>>) target_semaphore(%arg10 : memref<!tpu.dma_semaphore, #tpu.memory_space<semaphore_mem>>)
    %dma_wait3A = arith.constant 0 : i32
    %dma_wait3A_17 = arith.constant 0 : i32
    %dma_wait3A_18 = arith.constant 0 : i32
    %dma_wait3A_19 = tpu.memref_slice %arg9[%dma_wait3A, %dma_wait3A_17, %dma_wait3A_18] : memref<1x72x1024xf32, #tpu.memory_space<vmem>> -> memref<1x72x1024xf32, #tpu.memory_space<vmem>>
    %dma_wait3A_20 = tpu.memref_squeeze %dma_wait3A_19 : memref<1x72x1024xf32, #tpu.memory_space<vmem>> -> memref<72x1024xf32, #tpu.memory_space<vmem>>
    %dma_wait3A_21 = arith.constant 0 : i32
    %dma_wait3A_22 = tpu.memref_slice %arg2[%add3A_4, %dma_wait3A_21] : memref<4608x1024xf32, #tpu.memory_space<hbm>> -> memref<72x1024xf32, #tpu.memory_space<hbm>>
    %dma_wait3A_23 = arith.constant 0 : i32
    %dma_wait3A_24 = arith.constant 0 : i32
    %dma_wait3A_25 = tpu.memref_slice %arg9[%dma_wait3A, %dma_wait3A_23, %dma_wait3A_24] : memref<1x72x1024xf32, #tpu.memory_space<vmem>> -> memref<1x72x1024xf32, #tpu.memory_space<vmem>>
    %dma_wait3A_26 = tpu.memref_squeeze %dma_wait3A_25 : memref<1x72x1024xf32, #tpu.memory_space<vmem>> -> memref<72x1024xf32, #tpu.memory_space<vmem>>
    %dma_wait3A_27 = arith.constant 0 : i32
    %dma_wait3A_28 = tpu.memref_slice %arg2[%add3A_4, %dma_wait3A_27] : memref<4608x1024xf32, #tpu.memory_space<hbm>> -> memref<72x1024xf32, #tpu.memory_space<hbm>>
    tpu.wait_dma2 semaphore(%arg10 : memref<!tpu.dma_semaphore, #tpu.memory_space<semaphore_mem>>) src(%dma_wait3A_28 : memref<72x1024xf32, #tpu.memory_space<hbm>>) dst(%dma_wait3A_26 : memref<72x1024xf32, #tpu.memory_space<vmem>>)
    %dma_start3A_29 = arith.constant 0 : i32
    %dma_start3A_30 = arith.constant 0 : i32
    %dma_start3A_31 = arith.constant 0 : i32
    %dma_start3A_32 = arith.constant 0 : i32
    %dma_start3A_33 = tpu.memref_slice %arg9[%dma_start3A_29, %dma_start3A_31, %dma_start3A_32] : memref<1x72x1024xf32, #tpu.memory_space<vmem>> -> memref<1x72x1024xf32, #tpu.memory_space<vmem>>
    %dma_start3A_34 = tpu.memref_squeeze %dma_start3A_33 : memref<1x72x1024xf32, #tpu.memory_space<vmem>> -> memref<72x1024xf32, #tpu.memory_space<vmem>>
    %dma_start3A_35 = arith.constant 0 : i32
    %dma_start3A_36 = tpu.memref_slice %arg8[%dma_start3A_30, %dma_start3A_35] : memref<8x72xi32, #tpu.memory_space<vmem>> -> memref<1x72xi32, #tpu.memory_space<vmem>>
    %dma_start3A_37 = tpu.memref_squeeze %dma_start3A_36 : memref<1x72xi32, #tpu.memory_space<vmem>> -> memref<72xi32, #tpu.memory_space<vmem>>
    %dma_start3A_38 = arith.constant 0 : i32
    %dma_start3A_39 = arith.constant 0 : i32
    %dma_start3A_40 = tpu.memref_slice %arg7[%dma_start3A_38, %dma_start3A_39] : memref<16385x1024xf32, #tpu.memory_space<hbm>> -> memref<16385x1024xf32, #tpu.memory_space<hbm>>
    tpu.enqueue_indirect_dma source(%dma_start3A_34 : memref<72x1024xf32, #tpu.memory_space<vmem>>) target(%dma_start3A_40 : memref<16385x1024xf32, #tpu.memory_space<hbm>>) offsets(%dma_start3A_37 : memref<72xi32, #tpu.memory_space<vmem>>) semaphore(%arg11 : memref<!tpu.dma_semaphore, #tpu.memory_space<semaphore_mem>>)
    %dma_wait3A_41 = arith.constant 0 : i32
    %dma_wait3A_42 = arith.constant 0 : i32
    %dma_wait3A_43 = arith.constant 0 : i32
    %dma_wait3A_44 = arith.constant 0 : i32
    %dma_wait3A_45 = tpu.memref_slice %arg9[%dma_wait3A_41, %dma_wait3A_43, %dma_wait3A_44] : memref<1x72x1024xf32, #tpu.memory_space<vmem>> -> memref<1x72x1024xf32, #tpu.memory_space<vmem>>
    %dma_wait3A_46 = tpu.memref_squeeze %dma_wait3A_45 : memref<1x72x1024xf32, #tpu.memory_space<vmem>> -> memref<72x1024xf32, #tpu.memory_space<vmem>>
    %dma_wait3A_47 = arith.constant 0 : i32
    %dma_wait3A_48 = tpu.memref_slice %arg8[%dma_wait3A_42, %dma_wait3A_47] : memref<8x72xi32, #tpu.memory_space<vmem>> -> memref<1x72xi32, #tpu.memory_space<vmem>>
    %dma_wait3A_49 = tpu.memref_squeeze %dma_wait3A_48 : memref<1x72xi32, #tpu.memory_space<vmem>> -> memref<72xi32, #tpu.memory_space<vmem>>
    %dma_wait3A_50 = arith.constant 0 : i32
    %dma_wait3A_51 = arith.constant 0 : i32
    %dma_wait3A_52 = tpu.memref_slice %arg7[%dma_wait3A_50, %dma_wait3A_51] : memref<16385x1024xf32, #tpu.memory_space<hbm>> -> memref<16385x1024xf32, #tpu.memory_space<hbm>>
    tpu.wait_indirect_dma semaphore(%arg11 : memref<!tpu.dma_semaphore, #tpu.memory_space<semaphore_mem>>) src(%dma_wait3A_46 : memref<72x1024xf32, #tpu.memory_space<vmem>>) dst(%dma_wait3A_52 : memref<16385x1024xf32, #tpu.memory_space<hbm>>)
    %mul3A_53 = arith.constant 144 : i32
    %mul3A_54 = arith.muli %add3A, %mul3A_53 : i32
    %add3A_55 = arith.constant 72 : i32
    %add3A_56 = arith.addi %mul3A_54, %add3A_55 : i32
    %dma_start3A_57 = arith.constant 0 : i32
    %dma_start3A_58 = arith.constant 0 : i32
    %dma_start3A_59 = arith.constant 0 : i32
    %dma_start3A_60 = tpu.memref_slice %arg9[%dma_start3A_57, %dma_start3A_58, %dma_start3A_59] : memref<1x72x1024xf32, #tpu.memory_space<vmem>> -> memref<1x72x1024xf32, #tpu.memory_space<vmem>>
    %dma_start3A_61 = tpu.memref_squeeze %dma_start3A_60 : memref<1x72x1024xf32, #tpu.memory_space<vmem>> -> memref<72x1024xf32, #tpu.memory_space<vmem>>
    %dma_start3A_62 = arith.constant 0 : i32
    %dma_start3A_63 = tpu.memref_slice %arg2[%add3A_56, %dma_start3A_62] : memref<4608x1024xf32, #tpu.memory_space<hbm>> -> memref<72x1024xf32, #tpu.memory_space<hbm>>
    %dma_start3A_64 = arith.constant 0 : i32
    %dma_start3A_65 = arith.constant 0 : i32
    %dma_start3A_66 = tpu.memref_slice %arg9[%dma_start3A_57, %dma_start3A_64, %dma_start3A_65] : memref<1x72x1024xf32, #tpu.memory_space<vmem>> -> memref<1x72x1024xf32, #tpu.memory_space<vmem>>
    %dma_start3A_67 = tpu.memref_squeeze %dma_start3A_66 : memref<1x72x1024xf32, #tpu.memory_space<vmem>> -> memref<72x1024xf32, #tpu.memory_space<vmem>>
    %dma_start3A_68 = arith.constant 0 : i32
    %dma_start3A_69 = tpu.memref_slice %arg2[%add3A_56, %dma_start3A_68] : memref<4608x1024xf32, #tpu.memory_space<hbm>> -> memref<72x1024xf32, #tpu.memory_space<hbm>>
    tpu.enqueue_dma source(%dma_start3A_69 : memref<72x1024xf32, #tpu.memory_space<hbm>>) target(%dma_start3A_67 : memref<72x1024xf32, #tpu.memory_space<vmem>>) target_semaphore(%arg10 : memref<!tpu.dma_semaphore, #tpu.memory_space<semaphore_mem>>)
    %dma_wait3A_70 = arith.constant 0 : i32
    %dma_wait3A_71 = arith.constant 0 : i32
    %dma_wait3A_72 = arith.constant 0 : i32
    %dma_wait3A_73 = tpu.memref_slice %arg9[%dma_wait3A_70, %dma_wait3A_71, %dma_wait3A_72] : memref<1x72x1024xf32, #tpu.memory_space<vmem>> -> memref<1x72x1024xf32, #tpu.memory_space<vmem>>
    %dma_wait3A_74 = tpu.memref_squeeze %dma_wait3A_73 : memref<1x72x1024xf32, #tpu.memory_space<vmem>> -> memref<72x1024xf32, #tpu.memory_space<vmem>>
    %dma_wait3A_75 = arith.constant 0 : i32
    %dma_wait3A_76 = tpu.memref_slice %arg2[%add3A_56, %dma_wait3A_75] : memref<4608x1024xf32, #tpu.memory_space<hbm>> -> memref<72x1024xf32, #tpu.memory_space<hbm>>
    %dma_wait3A_77 = arith.constant 0 : i32
    %dma_wait3A_78 = arith.constant 0 : i32
    %dma_wait3A_79 = tpu.memref_slice %arg9[%dma_wait3A_70, %dma_wait3A_77, %dma_wait3A_78] : memref<1x72x1024xf32, #tpu.memory_space<vmem>> -> memref<1x72x1024xf32, #tpu.memory_space<vmem>>
    %dma_wait3A_80 = tpu.memref_squeeze %dma_wait3A_79 : memref<1x72x1024xf32, #tpu.memory_space<vmem>> -> memref<72x1024xf32, #tpu.memory_space<vmem>>
    %dma_wait3A_81 = arith.constant 0 : i32
    %dma_wait3A_82 = tpu.memref_slice %arg2[%add3A_56, %dma_wait3A_81] : memref<4608x1024xf32, #tpu.memory_space<hbm>> -> memref<72x1024xf32, #tpu.memory_space<hbm>>
    tpu.wait_dma2 semaphore(%arg10 : memref<!tpu.dma_semaphore, #tpu.memory_space<semaphore_mem>>) src(%dma_wait3A_82 : memref<72x1024xf32, #tpu.memory_space<hbm>>) dst(%dma_wait3A_80 : memref<72x1024xf32, #tpu.memory_space<vmem>>)
    %dma_start3A_83 = arith.constant 0 : i32
    %dma_start3A_84 = arith.constant 1 : i32
    %dma_start3A_85 = arith.constant 0 : i32
    %dma_start3A_86 = arith.constant 0 : i32
    %dma_start3A_87 = tpu.memref_slice %arg9[%dma_start3A_83, %dma_start3A_85, %dma_start3A_86] : memref<1x72x1024xf32, #tpu.memory_space<vmem>> -> memref<1x72x1024xf32, #tpu.memory_space<vmem>>
    %dma_start3A_88 = tpu.memref_squeeze %dma_start3A_87 : memref<1x72x1024xf32, #tpu.memory_space<vmem>> -> memref<72x1024xf32, #tpu.memory_space<vmem>>
    %dma_start3A_89 = arith.constant 0 : i32
    %dma_start3A_90 = tpu.memref_slice %arg8[%dma_start3A_84, %dma_start3A_89] : memref<8x72xi32, #tpu.memory_space<vmem>> -> memref<1x72xi32, #tpu.memory_space<vmem>>
    %dma_start3A_91 = tpu.memref_squeeze %dma_start3A_90 : memref<1x72xi32, #tpu.memory_space<vmem>> -> memref<72xi32, #tpu.memory_space<vmem>>
    %dma_start3A_92 = arith.constant 0 : i32
    %dma_start3A_93 = arith.constant 0 : i32
    %dma_start3A_94 = tpu.memref_slice %arg7[%dma_start3A_92, %dma_start3A_93] : memref<16385x1024xf32, #tpu.memory_space<hbm>> -> memref<16385x1024xf32, #tpu.memory_space<hbm>>
    tpu.enqueue_indirect_dma source(%dma_start3A_88 : memref<72x1024xf32, #tpu.memory_space<vmem>>) target(%dma_start3A_94 : memref<16385x1024xf32, #tpu.memory_space<hbm>>) offsets(%dma_start3A_91 : memref<72xi32, #tpu.memory_space<vmem>>) semaphore(%arg11 : memref<!tpu.dma_semaphore, #tpu.memory_space<semaphore_mem>>)
    %dma_wait3A_95 = arith.constant 0 : i32
    %dma_wait3A_96 = arith.constant 1 : i32
    %dma_wait3A_97 = arith.constant 0 : i32
    %dma_wait3A_98 = arith.constant 0 : i32
    %dma_wait3A_99 = tpu.memref_slice %arg9[%dma_wait3A_95, %dma_wait3A_97, %dma_wait3A_98] : memref<1x72x1024xf32, #tpu.memory_space<vmem>> -> memref<1x72x1024xf32, #tpu.memory_space<vmem>>
    %dma_wait3A_100 = tpu.memref_squeeze %dma_wait3A_99 : memref<1x72x1024xf32, #tpu.memory_space<vmem>> -> memref<72x1024xf32, #tpu.memory_space<vmem>>
    %dma_wait3A_101 = arith.constant 0 : i32
    %dma_wait3A_102 = tpu.memref_slice %arg8[%dma_wait3A_96, %dma_wait3A_101] : memref<8x72xi32, #tpu.memory_space<vmem>> -> memref<1x72xi32, #tpu.memory_space<vmem>>
    %dma_wait3A_103 = tpu.memref_squeeze %dma_wait3A_102 : memref<1x72xi32, #tpu.memory_space<vmem>> -> memref<72xi32, #tpu.memory_space<vmem>>
    %dma_wait3A_104 = arith.constant 0 : i32
    %dma_wait3A_105 = arith.constant 0 : i32
    %dma_wait3A_106 = tpu.memref_slice %arg7[%dma_wait3A_104, %dma_wait3A_105] : memref<16385x1024xf32, #tpu.memory_space<hbm>> -> memref<16385x1024xf32, #tpu.memory_space<hbm>>
    tpu.wait_indirect_dma semaphore(%arg11 : memref<!tpu.dma_semaphore, #tpu.memory_space<semaphore_mem>>) src(%dma_wait3A_100 : memref<72x1024xf32, #tpu.memory_space<vmem>>) dst(%dma_wait3A_106 : memref<16385x1024xf32, #tpu.memory_space<hbm>>)
    %mul3A_107 = arith.constant 144 : i32
    %mul3A_108 = arith.muli %add3A, %mul3A_107 : i32
    %add3A_109 = arith.constant 0 : i32
    %add3A_110 = arith.addi %mul3A_108, %add3A_109 : i32
    %dma_start3A_111 = arith.constant 0 : i32
    %dma_start3A_112 = arith.constant 0 : i32
    %dma_start3A_113 = arith.constant 0 : i32
    %dma_start3A_114 = tpu.memref_slice %arg9[%dma_start3A_111, %dma_start3A_112, %dma_start3A_113] : memref<1x72x1024xf32, #tpu.memory_space<vmem>> -> memref<1x72x1024xf32, #tpu.memory_space<vmem>>
    %dma_start3A_115 = tpu.memref_squeeze %dma_start3A_114 : memref<1x72x1024xf32, #tpu.memory_space<vmem>> -> memref<72x1024xf32, #tpu.memory_space<vmem>>
    %dma_start3A_116 = arith.constant 0 : i32
    %dma_start3A_117 = tpu.memref_slice %arg3[%add3A_110, %dma_start3A_116] : memref<4608x1024xf32, #tpu.memory_space<hbm>> -> memref<72x1024xf32, #tpu.memory_space<hbm>>
    %dma_start3A_118 = arith.constant 0 : i32
    %dma_start3A_119 = arith.constant 0 : i32
    %dma_start3A_120 = tpu.memref_slice %arg9[%dma_start3A_111, %dma_start3A_118, %dma_start3A_119] : memref<1x72x1024xf32, #tpu.memory_space<vmem>> -> memref<1x72x1024xf32, #tpu.memory_space<vmem>>
    %dma_start3A_121 = tpu.memref_squeeze %dma_start3A_120 : memref<1x72x1024xf32, #tpu.memory_space<vmem>> -> memref<72x1024xf32, #tpu.memory_space<vmem>>
    %dma_start3A_122 = arith.constant 0 : i32
    %dma_start3A_123 = tpu.memref_slice %arg3[%add3A_110, %dma_start3A_122] : memref<4608x1024xf32, #tpu.memory_space<hbm>> -> memref<72x1024xf32, #tpu.memory_space<hbm>>
    tpu.enqueue_dma source(%dma_start3A_123 : memref<72x1024xf32, #tpu.memory_space<hbm>>) target(%dma_start3A_121 : memref<72x1024xf32, #tpu.memory_space<vmem>>) target_semaphore(%arg10 : memref<!tpu.dma_semaphore, #tpu.memory_space<semaphore_mem>>)
    %dma_wait3A_124 = arith.constant 0 : i32
    %dma_wait3A_125 = arith.constant 0 : i32
    %dma_wait3A_126 = arith.constant 0 : i32
    %dma_wait3A_127 = tpu.memref_slice %arg9[%dma_wait3A_124, %dma_wait3A_125, %dma_wait3A_126] : memref<1x72x1024xf32, #tpu.memory_space<vmem>> -> memref<1x72x1024xf32, #tpu.memory_space<vmem>>
    %dma_wait3A_128 = tpu.memref_squeeze %dma_wait3A_127 : memref<1x72x1024xf32, #tpu.memory_space<vmem>> -> memref<72x1024xf32, #tpu.memory_space<vmem>>
    %dma_wait3A_129 = arith.constant 0 : i32
    %dma_wait3A_130 = tpu.memref_slice %arg3[%add3A_110, %dma_wait3A_129] : memref<4608x1024xf32, #tpu.memory_space<hbm>> -> memref<72x1024xf32, #tpu.memory_space<hbm>>
    %dma_wait3A_131 = arith.constant 0 : i32
    %dma_wait3A_132 = arith.constant 0 : i32
    %dma_wait3A_133 = tpu.memref_slice %arg9[%dma_wait3A_124, %dma_wait3A_131, %dma_wait3A_132] : memref<1x72x1024xf32, #tpu.memory_space<vmem>> -> memref<1x72x1024xf32, #tpu.memory_space<vmem>>
    %dma_wait3A_134 = tpu.memref_squeeze %dma_wait3A_133 : memref<1x72x1024xf32, #tpu.memory_space<vmem>> -> memref<72x1024xf32, #tpu.memory_space<vmem>>
    %dma_wait3A_135 = arith.constant 0 : i32
    %dma_wait3A_136 = tpu.memref_slice %arg3[%add3A_110, %dma_wait3A_135] : memref<4608x1024xf32, #tpu.memory_space<hbm>> -> memref<72x1024xf32, #tpu.memory_space<hbm>>
    tpu.wait_dma2 semaphore(%arg10 : memref<!tpu.dma_semaphore, #tpu.memory_space<semaphore_mem>>) src(%dma_wait3A_136 : memref<72x1024xf32, #tpu.memory_space<hbm>>) dst(%dma_wait3A_134 : memref<72x1024xf32, #tpu.memory_space<vmem>>)
    %dma_start3A_137 = arith.constant 0 : i32
    %dma_start3A_138 = arith.constant 2 : i32
    %dma_start3A_139 = arith.constant 0 : i32
    %dma_start3A_140 = arith.constant 0 : i32
    %dma_start3A_141 = tpu.memref_slice %arg9[%dma_start3A_137, %dma_start3A_139, %dma_start3A_140] : memref<1x72x1024xf32, #tpu.memory_space<vmem>> -> memref<1x72x1024xf32, #tpu.memory_space<vmem>>
    %dma_start3A_142 = tpu.memref_squeeze %dma_start3A_141 : memref<1x72x1024xf32, #tpu.memory_space<vmem>> -> memref<72x1024xf32, #tpu.memory_space<vmem>>
    %dma_start3A_143 = arith.constant 0 : i32
    %dma_start3A_144 = tpu.memref_slice %arg8[%dma_start3A_138, %dma_start3A_143] : memref<8x72xi32, #tpu.memory_space<vmem>> -> memref<1x72xi32, #tpu.memory_space<vmem>>
    %dma_start3A_145 = tpu.memref_squeeze %dma_start3A_144 : memref<1x72xi32, #tpu.memory_space<vmem>> -> memref<72xi32, #tpu.memory_space<vmem>>
    %dma_start3A_146 = arith.constant 0 : i32
    %dma_start3A_147 = arith.constant 0 : i32
    %dma_start3A_148 = tpu.memref_slice %arg7[%dma_start3A_146, %dma_start3A_147] : memref<16385x1024xf32, #tpu.memory_space<hbm>> -> memref<16385x1024xf32, #tpu.memory_space<hbm>>
    tpu.enqueue_indirect_dma source(%dma_start3A_142 : memref<72x1024xf32, #tpu.memory_space<vmem>>) target(%dma_start3A_148 : memref<16385x1024xf32, #tpu.memory_space<hbm>>) offsets(%dma_start3A_145 : memref<72xi32, #tpu.memory_space<vmem>>) semaphore(%arg11 : memref<!tpu.dma_semaphore, #tpu.memory_space<semaphore_mem>>)
    %dma_wait3A_149 = arith.constant 0 : i32
    %dma_wait3A_150 = arith.constant 2 : i32
    %dma_wait3A_151 = arith.constant 0 : i32
    %dma_wait3A_152 = arith.constant 0 : i32
    %dma_wait3A_153 = tpu.memref_slice %arg9[%dma_wait3A_149, %dma_wait3A_151, %dma_wait3A_152] : memref<1x72x1024xf32, #tpu.memory_space<vmem>> -> memref<1x72x1024xf32, #tpu.memory_space<vmem>>
    %dma_wait3A_154 = tpu.memref_squeeze %dma_wait3A_153 : memref<1x72x1024xf32, #tpu.memory_space<vmem>> -> memref<72x1024xf32, #tpu.memory_space<vmem>>
    %dma_wait3A_155 = arith.constant 0 : i32
    %dma_wait3A_156 = tpu.memref_slice %arg8[%dma_wait3A_150, %dma_wait3A_155] : memref<8x72xi32, #tpu.memory_space<vmem>> -> memref<1x72xi32, #tpu.memory_space<vmem>>
    %dma_wait3A_157 = tpu.memref_squeeze %dma_wait3A_156 : memref<1x72xi32, #tpu.memory_space<vmem>> -> memref<72xi32, #tpu.memory_space<vmem>>
    %dma_wait3A_158 = arith.constant 0 : i32
    %dma_wait3A_159 = arith.constant 0 : i32
    %dma_wait3A_160 = tpu.memref_slice %arg7[%dma_wait3A_158, %dma_wait3A_159] : memref<16385x1024xf32, #tpu.memory_space<hbm>> -> memref<16385x1024xf32, #tpu.memory_space<hbm>>
    tpu.wait_indirect_dma semaphore(%arg11 : memref<!tpu.dma_semaphore, #tpu.memory_space<semaphore_mem>>) src(%dma_wait3A_154 : memref<72x1024xf32, #tpu.memory_space<vmem>>) dst(%dma_wait3A_160 : memref<16385x1024xf32, #tpu.memory_space<hbm>>)
    %mul3A_161 = arith.constant 144 : i32
    %mul3A_162 = arith.muli %add3A, %mul3A_161 : i32
    %add3A_163 = arith.constant 72 : i32
    %add3A_164 = arith.addi %mul3A_162, %add3A_163 : i32
    %dma_start3A_165 = arith.constant 0 : i32
    %dma_start3A_166 = arith.constant 0 : i32
    %dma_start3A_167 = arith.constant 0 : i32
    %dma_start3A_168 = tpu.memref_slice %arg9[%dma_start3A_165, %dma_start3A_166, %dma_start3A_167] : memref<1x72x1024xf32, #tpu.memory_space<vmem>> -> memref<1x72x1024xf32, #tpu.memory_space<vmem>>
    %dma_start3A_169 = tpu.memref_squeeze %dma_start3A_168 : memref<1x72x1024xf32, #tpu.memory_space<vmem>> -> memref<72x1024xf32, #tpu.memory_space<vmem>>
    %dma_start3A_170 = arith.constant 0 : i32
    %dma_start3A_171 = tpu.memref_slice %arg3[%add3A_164, %dma_start3A_170] : memref<4608x1024xf32, #tpu.memory_space<hbm>> -> memref<72x1024xf32, #tpu.memory_space<hbm>>
    %dma_start3A_172 = arith.constant 0 : i32
    %dma_start3A_173 = arith.constant 0 : i32
    %dma_start3A_174 = tpu.memref_slice %arg9[%dma_start3A_165, %dma_start3A_172, %dma_start3A_173] : memref<1x72x1024xf32, #tpu.memory_space<vmem>> -> memref<1x72x1024xf32, #tpu.memory_space<vmem>>
    %dma_start3A_175 = tpu.memref_squeeze %dma_start3A_174 : memref<1x72x1024xf32, #tpu.memory_space<vmem>> -> memref<72x1024xf32, #tpu.memory_space<vmem>>
    %dma_start3A_176 = arith.constant 0 : i32
    %dma_start3A_177 = tpu.memref_slice %arg3[%add3A_164, %dma_start3A_176] : memref<4608x1024xf32, #tpu.memory_space<hbm>> -> memref<72x1024xf32, #tpu.memory_space<hbm>>
    tpu.enqueue_dma source(%dma_start3A_177 : memref<72x1024xf32, #tpu.memory_space<hbm>>) target(%dma_start3A_175 : memref<72x1024xf32, #tpu.memory_space<vmem>>) target_semaphore(%arg10 : memref<!tpu.dma_semaphore, #tpu.memory_space<semaphore_mem>>)
    %dma_wait3A_178 = arith.constant 0 : i32
    %dma_wait3A_179 = arith.constant 0 : i32
    %dma_wait3A_180 = arith.constant 0 : i32
    %dma_wait3A_181 = tpu.memref_slice %arg9[%dma_wait3A_178, %dma_wait3A_179, %dma_wait3A_180] : memref<1x72x1024xf32, #tpu.memory_space<vmem>> -> memref<1x72x1024xf32, #tpu.memory_space<vmem>>
    %dma_wait3A_182 = tpu.memref_squeeze %dma_wait3A_181 : memref<1x72x1024xf32, #tpu.memory_space<vmem>> -> memref<72x1024xf32, #tpu.memory_space<vmem>>
    %dma_wait3A_183 = arith.constant 0 : i32
    %dma_wait3A_184 = tpu.memref_slice %arg3[%add3A_164, %dma_wait3A_183] : memref<4608x1024xf32, #tpu.memory_space<hbm>> -> memref<72x1024xf32, #tpu.memory_space<hbm>>
    %dma_wait3A_185 = arith.constant 0 : i32
    %dma_wait3A_186 = arith.constant 0 : i32
    %dma_wait3A_187 = tpu.memref_slice %arg9[%dma_wait3A_178, %dma_wait3A_185, %dma_wait3A_186] : memref<1x72x1024xf32, #tpu.memory_space<vmem>> -> memref<1x72x1024xf32, #tpu.memory_space<vmem>>
    %dma_wait3A_188 = tpu.memref_squeeze %dma_wait3A_187 : memref<1x72x1024xf32, #tpu.memory_space<vmem>> -> memref<72x1024xf32, #tpu.memory_space<vmem>>
    %dma_wait3A_189 = arith.constant 0 : i32
    %dma_wait3A_190 = tpu.memref_slice %arg3[%add3A_164, %dma_wait3A_189] : memref<4608x1024xf32, #tpu.memory_space<hbm>> -> memref<72x1024xf32, #tpu.memory_space<hbm>>
    tpu.wait_dma2 semaphore(%arg10 : memref<!tpu.dma_semaphore, #tpu.memory_space<semaphore_mem>>) src(%dma_wait3A_190 : memref<72x1024xf32, #tpu.memory_space<hbm>>) dst(%dma_wait3A_188 : memref<72x1024xf32, #tpu.memory_space<vmem>>)
    %dma_start3A_191 = arith.constant 0 : i32
    %dma_start3A_192 = arith.constant 3 : i32
    %dma_start3A_193 = arith.constant 0 : i32
    %dma_start3A_194 = arith.constant 0 : i32
    %dma_start3A_195 = tpu.memref_slice %arg9[%dma_start3A_191, %dma_start3A_193, %dma_start3A_194] : memref<1x72x1024xf32, #tpu.memory_space<vmem>> -> memref<1x72x1024xf32, #tpu.memory_space<vmem>>
    %dma_start3A_196 = tpu.memref_squeeze %dma_start3A_195 : memref<1x72x1024xf32, #tpu.memory_space<vmem>> -> memref<72x1024xf32, #tpu.memory_space<vmem>>
    %dma_start3A_197 = arith.constant 0 : i32
    %dma_start3A_198 = tpu.memref_slice %arg8[%dma_start3A_192, %dma_start3A_197] : memref<8x72xi32, #tpu.memory_space<vmem>> -> memref<1x72xi32, #tpu.memory_space<vmem>>
    %dma_start3A_199 = tpu.memref_squeeze %dma_start3A_198 : memref<1x72xi32, #tpu.memory_space<vmem>> -> memref<72xi32, #tpu.memory_space<vmem>>
    %dma_start3A_200 = arith.constant 0 : i32
    %dma_start3A_201 = arith.constant 0 : i32
    %dma_start3A_202 = tpu.memref_slice %arg7[%dma_start3A_200, %dma_start3A_201] : memref<16385x1024xf32, #tpu.memory_space<hbm>> -> memref<16385x1024xf32, #tpu.memory_space<hbm>>
    tpu.enqueue_indirect_dma source(%dma_start3A_196 : memref<72x1024xf32, #tpu.memory_space<vmem>>) target(%dma_start3A_202 : memref<16385x1024xf32, #tpu.memory_space<hbm>>) offsets(%dma_start3A_199 : memref<72xi32, #tpu.memory_space<vmem>>) semaphore(%arg11 : memref<!tpu.dma_semaphore, #tpu.memory_space<semaphore_mem>>)
    %dma_wait3A_203 = arith.constant 0 : i32
    %dma_wait3A_204 = arith.constant 3 : i32
    %dma_wait3A_205 = arith.constant 0 : i32
    %dma_wait3A_206 = arith.constant 0 : i32
    %dma_wait3A_207 = tpu.memref_slice %arg9[%dma_wait3A_203, %dma_wait3A_205, %dma_wait3A_206] : memref<1x72x1024xf32, #tpu.memory_space<vmem>> -> memref<1x72x1024xf32, #tpu.memory_space<vmem>>
    %dma_wait3A_208 = tpu.memref_squeeze %dma_wait3A_207 : memref<1x72x1024xf32, #tpu.memory_space<vmem>> -> memref<72x1024xf32, #tpu.memory_space<vmem>>
    %dma_wait3A_209 = arith.constant 0 : i32
    %dma_wait3A_210 = tpu.memref_slice %arg8[%dma_wait3A_204, %dma_wait3A_209] : memref<8x72xi32, #tpu.memory_space<vmem>> -> memref<1x72xi32, #tpu.memory_space<vmem>>
    %dma_wait3A_211 = tpu.memref_squeeze %dma_wait3A_210 : memref<1x72xi32, #tpu.memory_space<vmem>> -> memref<72xi32, #tpu.memory_space<vmem>>
    %dma_wait3A_212 = arith.constant 0 : i32
    %dma_wait3A_213 = arith.constant 0 : i32
    %dma_wait3A_214 = tpu.memref_slice %arg7[%dma_wait3A_212, %dma_wait3A_213] : memref<16385x1024xf32, #tpu.memory_space<hbm>> -> memref<16385x1024xf32, #tpu.memory_space<hbm>>
    tpu.wait_indirect_dma semaphore(%arg11 : memref<!tpu.dma_semaphore, #tpu.memory_space<semaphore_mem>>) src(%dma_wait3A_208 : memref<72x1024xf32, #tpu.memory_space<vmem>>) dst(%dma_wait3A_214 : memref<16385x1024xf32, #tpu.memory_space<hbm>>)
    %mul3A_215 = arith.constant 144 : i32
    %mul3A_216 = arith.muli %add3A, %mul3A_215 : i32
    %add3A_217 = arith.constant 0 : i32
    %add3A_218 = arith.addi %mul3A_216, %add3A_217 : i32
    %dma_start3A_219 = arith.constant 0 : i32
    %dma_start3A_220 = arith.constant 0 : i32
    %dma_start3A_221 = arith.constant 0 : i32
    %dma_start3A_222 = tpu.memref_slice %arg9[%dma_start3A_219, %dma_start3A_220, %dma_start3A_221] : memref<1x72x1024xf32, #tpu.memory_space<vmem>> -> memref<1x72x1024xf32, #tpu.memory_space<vmem>>
    %dma_start3A_223 = tpu.memref_squeeze %dma_start3A_222 : memref<1x72x1024xf32, #tpu.memory_space<vmem>> -> memref<72x1024xf32, #tpu.memory_space<vmem>>
    %dma_start3A_224 = arith.constant 0 : i32
    %dma_start3A_225 = tpu.memref_slice %arg4[%add3A_218, %dma_start3A_224] : memref<4608x1024xf32, #tpu.memory_space<hbm>> -> memref<72x1024xf32, #tpu.memory_space<hbm>>
    %dma_start3A_226 = arith.constant 0 : i32
    %dma_start3A_227 = arith.constant 0 : i32
    %dma_start3A_228 = tpu.memref_slice %arg9[%dma_start3A_219, %dma_start3A_226, %dma_start3A_227] : memref<1x72x1024xf32, #tpu.memory_space<vmem>> -> memref<1x72x1024xf32, #tpu.memory_space<vmem>>
    %dma_start3A_229 = tpu.memref_squeeze %dma_start3A_228 : memref<1x72x1024xf32, #tpu.memory_space<vmem>> -> memref<72x1024xf32, #tpu.memory_space<vmem>>
    %dma_start3A_230 = arith.constant 0 : i32
    %dma_start3A_231 = tpu.memref_slice %arg4[%add3A_218, %dma_start3A_230] : memref<4608x1024xf32, #tpu.memory_space<hbm>> -> memref<72x1024xf32, #tpu.memory_space<hbm>>
    tpu.enqueue_dma source(%dma_start3A_231 : memref<72x1024xf32, #tpu.memory_space<hbm>>) target(%dma_start3A_229 : memref<72x1024xf32, #tpu.memory_space<vmem>>) target_semaphore(%arg10 : memref<!tpu.dma_semaphore, #tpu.memory_space<semaphore_mem>>)
    %dma_wait3A_232 = arith.constant 0 : i32
    %dma_wait3A_233 = arith.constant 0 : i32
    %dma_wait3A_234 = arith.constant 0 : i32
    %dma_wait3A_235 = tpu.memref_slice %arg9[%dma_wait3A_232, %dma_wait3A_233, %dma_wait3A_234] : memref<1x72x1024xf32, #tpu.memory_space<vmem>> -> memref<1x72x1024xf32, #tpu.memory_space<vmem>>
    %dma_wait3A_236 = tpu.memref_squeeze %dma_wait3A_235 : memref<1x72x1024xf32, #tpu.memory_space<vmem>> -> memref<72x1024xf32, #tpu.memory_space<vmem>>
    %dma_wait3A_237 = arith.constant 0 : i32
    %dma_wait3A_238 = tpu.memref_slice %arg4[%add3A_218, %dma_wait3A_237] : memref<4608x1024xf32, #tpu.memory_space<hbm>> -> memref<72x1024xf32, #tpu.memory_space<hbm>>
    %dma_wait3A_239 = arith.constant 0 : i32
    %dma_wait3A_240 = arith.constant 0 : i32
    %dma_wait3A_241 = tpu.memref_slice %arg9[%dma_wait3A_232, %dma_wait3A_239, %dma_wait3A_240] : memref<1x72x1024xf32, #tpu.memory_space<vmem>> -> memref<1x72x1024xf32, #tpu.memory_space<vmem>>
    %dma_wait3A_242 = tpu.memref_squeeze %dma_wait3A_241 : memref<1x72x1024xf32, #tpu.memory_space<vmem>> -> memref<72x1024xf32, #tpu.memory_space<vmem>>
    %dma_wait3A_243 = arith.constant 0 : i32
    %dma_wait3A_244 = tpu.memref_slice %arg4[%add3A_218, %dma_wait3A_243] : memref<4608x1024xf32, #tpu.memory_space<hbm>> -> memref<72x1024xf32, #tpu.memory_space<hbm>>
    tpu.wait_dma2 semaphore(%arg10 : memref<!tpu.dma_semaphore, #tpu.memory_space<semaphore_mem>>) src(%dma_wait3A_244 : memref<72x1024xf32, #tpu.memory_space<hbm>>) dst(%dma_wait3A_242 : memref<72x1024xf32, #tpu.memory_space<vmem>>)
    %dma_start3A_245 = arith.constant 0 : i32
    %dma_start3A_246 = arith.constant 4 : i32
    %dma_start3A_247 = arith.constant 0 : i32
    %dma_start3A_248 = arith.constant 0 : i32
    %dma_start3A_249 = tpu.memref_slice %arg9[%dma_start3A_245, %dma_start3A_247, %dma_start3A_248] : memref<1x72x1024xf32, #tpu.memory_space<vmem>> -> memref<1x72x1024xf32, #tpu.memory_space<vmem>>
    %dma_start3A_250 = tpu.memref_squeeze %dma_start3A_249 : memref<1x72x1024xf32, #tpu.memory_space<vmem>> -> memref<72x1024xf32, #tpu.memory_space<vmem>>
    %dma_start3A_251 = arith.constant 0 : i32
    %dma_start3A_252 = tpu.memref_slice %arg8[%dma_start3A_246, %dma_start3A_251] : memref<8x72xi32, #tpu.memory_space<vmem>> -> memref<1x72xi32, #tpu.memory_space<vmem>>
    %dma_start3A_253 = tpu.memref_squeeze %dma_start3A_252 : memref<1x72xi32, #tpu.memory_space<vmem>> -> memref<72xi32, #tpu.memory_space<vmem>>
    %dma_start3A_254 = arith.constant 0 : i32
    %dma_start3A_255 = arith.constant 0 : i32
    %dma_start3A_256 = tpu.memref_slice %arg7[%dma_start3A_254, %dma_start3A_255] : memref<16385x1024xf32, #tpu.memory_space<hbm>> -> memref<16385x1024xf32, #tpu.memory_space<hbm>>
    tpu.enqueue_indirect_dma source(%dma_start3A_250 : memref<72x1024xf32, #tpu.memory_space<vmem>>) target(%dma_start3A_256 : memref<16385x1024xf32, #tpu.memory_space<hbm>>) offsets(%dma_start3A_253 : memref<72xi32, #tpu.memory_space<vmem>>) semaphore(%arg11 : memref<!tpu.dma_semaphore, #tpu.memory_space<semaphore_mem>>)
    %dma_wait3A_257 = arith.constant 0 : i32
    %dma_wait3A_258 = arith.constant 4 : i32
    %dma_wait3A_259 = arith.constant 0 : i32
    %dma_wait3A_260 = arith.constant 0 : i32
    %dma_wait3A_261 = tpu.memref_slice %arg9[%dma_wait3A_257, %dma_wait3A_259, %dma_wait3A_260] : memref<1x72x1024xf32, #tpu.memory_space<vmem>> -> memref<1x72x1024xf32, #tpu.memory_space<vmem>>
    %dma_wait3A_262 = tpu.memref_squeeze %dma_wait3A_261 : memref<1x72x1024xf32, #tpu.memory_space<vmem>> -> memref<72x1024xf32, #tpu.memory_space<vmem>>
    %dma_wait3A_263 = arith.constant 0 : i32
    %dma_wait3A_264 = tpu.memref_slice %arg8[%dma_wait3A_258, %dma_wait3A_263] : memref<8x72xi32, #tpu.memory_space<vmem>> -> memref<1x72xi32, #tpu.memory_space<vmem>>
    %dma_wait3A_265 = tpu.memref_squeeze %dma_wait3A_264 : memref<1x72xi32, #tpu.memory_space<vmem>> -> memref<72xi32, #tpu.memory_space<vmem>>
    %dma_wait3A_266 = arith.constant 0 : i32
    %dma_wait3A_267 = arith.constant 0 : i32
    %dma_wait3A_268 = tpu.memref_slice %arg7[%dma_wait3A_266, %dma_wait3A_267] : memref<16385x1024xf32, #tpu.memory_space<hbm>> -> memref<16385x1024xf32, #tpu.memory_space<hbm>>
    tpu.wait_indirect_dma semaphore(%arg11 : memref<!tpu.dma_semaphore, #tpu.memory_space<semaphore_mem>>) src(%dma_wait3A_262 : memref<72x1024xf32, #tpu.memory_space<vmem>>) dst(%dma_wait3A_268 : memref<16385x1024xf32, #tpu.memory_space<hbm>>)
    %mul3A_269 = arith.constant 144 : i32
    %mul3A_270 = arith.muli %add3A, %mul3A_269 : i32
    %add3A_271 = arith.constant 72 : i32
    %add3A_272 = arith.addi %mul3A_270, %add3A_271 : i32
    %dma_start3A_273 = arith.constant 0 : i32
    %dma_start3A_274 = arith.constant 0 : i32
    %dma_start3A_275 = arith.constant 0 : i32
    %dma_start3A_276 = tpu.memref_slice %arg9[%dma_start3A_273, %dma_start3A_274, %dma_start3A_275] : memref<1x72x1024xf32, #tpu.memory_space<vmem>> -> memref<1x72x1024xf32, #tpu.memory_space<vmem>>
    %dma_start3A_277 = tpu.memref_squeeze %dma_start3A_276 : memref<1x72x1024xf32, #tpu.memory_space<vmem>> -> memref<72x1024xf32, #tpu.memory_space<vmem>>
    %dma_start3A_278 = arith.constant 0 : i32
    %dma_start3A_279 = tpu.memref_slice %arg4[%add3A_272, %dma_start3A_278] : memref<4608x1024xf32, #tpu.memory_space<hbm>> -> memref<72x1024xf32, #tpu.memory_space<hbm>>
    %dma_start3A_280 = arith.constant 0 : i32
    %dma_start3A_281 = arith.constant 0 : i32
    %dma_start3A_282 = tpu.memref_slice %arg9[%dma_start3A_273, %dma_start3A_280, %dma_start3A_281] : memref<1x72x1024xf32, #tpu.memory_space<vmem>> -> memref<1x72x1024xf32, #tpu.memory_space<vmem>>
    %dma_start3A_283 = tpu.memref_squeeze %dma_start3A_282 : memref<1x72x1024xf32, #tpu.memory_space<vmem>> -> memref<72x1024xf32, #tpu.memory_space<vmem>>
    %dma_start3A_284 = arith.constant 0 : i32
    %dma_start3A_285 = tpu.memref_slice %arg4[%add3A_272, %dma_start3A_284] : memref<4608x1024xf32, #tpu.memory_space<hbm>> -> memref<72x1024xf32, #tpu.memory_space<hbm>>
    tpu.enqueue_dma source(%dma_start3A_285 : memref<72x1024xf32, #tpu.memory_space<hbm>>) target(%dma_start3A_283 : memref<72x1024xf32, #tpu.memory_space<vmem>>) target_semaphore(%arg10 : memref<!tpu.dma_semaphore, #tpu.memory_space<semaphore_mem>>)
    %dma_wait3A_286 = arith.constant 0 : i32
    %dma_wait3A_287 = arith.constant 0 : i32
    %dma_wait3A_288 = arith.constant 0 : i32
    %dma_wait3A_289 = tpu.memref_slice %arg9[%dma_wait3A_286, %dma_wait3A_287, %dma_wait3A_288] : memref<1x72x1024xf32, #tpu.memory_space<vmem>> -> memref<1x72x1024xf32, #tpu.memory_space<vmem>>
    %dma_wait3A_290 = tpu.memref_squeeze %dma_wait3A_289 : memref<1x72x1024xf32, #tpu.memory_space<vmem>> -> memref<72x1024xf32, #tpu.memory_space<vmem>>
    %dma_wait3A_291 = arith.constant 0 : i32
    %dma_wait3A_292 = tpu.memref_slice %arg4[%add3A_272, %dma_wait3A_291] : memref<4608x1024xf32, #tpu.memory_space<hbm>> -> memref<72x1024xf32, #tpu.memory_space<hbm>>
    %dma_wait3A_293 = arith.constant 0 : i32
    %dma_wait3A_294 = arith.constant 0 : i32
    %dma_wait3A_295 = tpu.memref_slice %arg9[%dma_wait3A_286, %dma_wait3A_293, %dma_wait3A_294] : memref<1x72x1024xf32, #tpu.memory_space<vmem>> -> memref<1x72x1024xf32, #tpu.memory_space<vmem>>
    %dma_wait3A_296 = tpu.memref_squeeze %dma_wait3A_295 : memref<1x72x1024xf32, #tpu.memory_space<vmem>> -> memref<72x1024xf32, #tpu.memory_space<vmem>>
    %dma_wait3A_297 = arith.constant 0 : i32
    %dma_wait3A_298 = tpu.memref_slice %arg4[%add3A_272, %dma_wait3A_297] : memref<4608x1024xf32, #tpu.memory_space<hbm>> -> memref<72x1024xf32, #tpu.memory_space<hbm>>
    tpu.wait_dma2 semaphore(%arg10 : memref<!tpu.dma_semaphore, #tpu.memory_space<semaphore_mem>>) src(%dma_wait3A_298 : memref<72x1024xf32, #tpu.memory_space<hbm>>) dst(%dma_wait3A_296 : memref<72x1024xf32, #tpu.memory_space<vmem>>)
    %dma_start3A_299 = arith.constant 0 : i32
    %dma_start3A_300 = arith.constant 5 : i32
    %dma_start3A_301 = arith.constant 0 : i32
    %dma_start3A_302 = arith.constant 0 : i32
    %dma_start3A_303 = tpu.memref_slice %arg9[%dma_start3A_299, %dma_start3A_301, %dma_start3A_302] : memref<1x72x1024xf32, #tpu.memory_space<vmem>> -> memref<1x72x1024xf32, #tpu.memory_space<vmem>>
    %dma_start3A_304 = tpu.memref_squeeze %dma_start3A_303 : memref<1x72x1024xf32, #tpu.memory_space<vmem>> -> memref<72x1024xf32, #tpu.memory_space<vmem>>
    %dma_start3A_305 = arith.constant 0 : i32
    %dma_start3A_306 = tpu.memref_slice %arg8[%dma_start3A_300, %dma_start3A_305] : memref<8x72xi32, #tpu.memory_space<vmem>> -> memref<1x72xi32, #tpu.memory_space<vmem>>
    %dma_start3A_307 = tpu.memref_squeeze %dma_start3A_306 : memref<1x72xi32, #tpu.memory_space<vmem>> -> memref<72xi32, #tpu.memory_space<vmem>>
    %dma_start3A_308 = arith.constant 0 : i32
    %dma_start3A_309 = arith.constant 0 : i32
    %dma_start3A_310 = tpu.memref_slice %arg7[%dma_start3A_308, %dma_start3A_309] : memref<16385x1024xf32, #tpu.memory_space<hbm>> -> memref<16385x1024xf32, #tpu.memory_space<hbm>>
    tpu.enqueue_indirect_dma source(%dma_start3A_304 : memref<72x1024xf32, #tpu.memory_space<vmem>>) target(%dma_start3A_310 : memref<16385x1024xf32, #tpu.memory_space<hbm>>) offsets(%dma_start3A_307 : memref<72xi32, #tpu.memory_space<vmem>>) semaphore(%arg11 : memref<!tpu.dma_semaphore, #tpu.memory_space<semaphore_mem>>)
    %dma_wait3A_311 = arith.constant 0 : i32
    %dma_wait3A_312 = arith.constant 5 : i32
    %dma_wait3A_313 = arith.constant 0 : i32
    %dma_wait3A_314 = arith.constant 0 : i32
    %dma_wait3A_315 = tpu.memref_slice %arg9[%dma_wait3A_311, %dma_wait3A_313, %dma_wait3A_314] : memref<1x72x1024xf32, #tpu.memory_space<vmem>> -> memref<1x72x1024xf32, #tpu.memory_space<vmem>>
    %dma_wait3A_316 = tpu.memref_squeeze %dma_wait3A_315 : memref<1x72x1024xf32, #tpu.memory_space<vmem>> -> memref<72x1024xf32, #tpu.memory_space<vmem>>
    %dma_wait3A_317 = arith.constant 0 : i32
    %dma_wait3A_318 = tpu.memref_slice %arg8[%dma_wait3A_312, %dma_wait3A_317] : memref<8x72xi32, #tpu.memory_space<vmem>> -> memref<1x72xi32, #tpu.memory_space<vmem>>
    %dma_wait3A_319 = tpu.memref_squeeze %dma_wait3A_318 : memref<1x72xi32, #tpu.memory_space<vmem>> -> memref<72xi32, #tpu.memory_space<vmem>>
    %dma_wait3A_320 = arith.constant 0 : i32
    %dma_wait3A_321 = arith.constant 0 : i32
    %dma_wait3A_322 = tpu.memref_slice %arg7[%dma_wait3A_320, %dma_wait3A_321] : memref<16385x1024xf32, #tpu.memory_space<hbm>> -> memref<16385x1024xf32, #tpu.memory_space<hbm>>
    tpu.wait_indirect_dma semaphore(%arg11 : memref<!tpu.dma_semaphore, #tpu.memory_space<semaphore_mem>>) src(%dma_wait3A_316 : memref<72x1024xf32, #tpu.memory_space<vmem>>) dst(%dma_wait3A_322 : memref<16385x1024xf32, #tpu.memory_space<hbm>>)
    %mul3A_323 = arith.constant 144 : i32
    %mul3A_324 = arith.muli %add3A, %mul3A_323 : i32
    %add3A_325 = arith.constant 0 : i32
    %add3A_326 = arith.addi %mul3A_324, %add3A_325 : i32
    %dma_start3A_327 = arith.constant 0 : i32
    %dma_start3A_328 = arith.constant 0 : i32
    %dma_start3A_329 = arith.constant 0 : i32
    %dma_start3A_330 = tpu.memref_slice %arg9[%dma_start3A_327, %dma_start3A_328, %dma_start3A_329] : memref<1x72x1024xf32, #tpu.memory_space<vmem>> -> memref<1x72x1024xf32, #tpu.memory_space<vmem>>
    %dma_start3A_331 = tpu.memref_squeeze %dma_start3A_330 : memref<1x72x1024xf32, #tpu.memory_space<vmem>> -> memref<72x1024xf32, #tpu.memory_space<vmem>>
    %dma_start3A_332 = arith.constant 0 : i32
    %dma_start3A_333 = tpu.memref_slice %arg5[%add3A_326, %dma_start3A_332] : memref<4608x1024xf32, #tpu.memory_space<hbm>> -> memref<72x1024xf32, #tpu.memory_space<hbm>>
    %dma_start3A_334 = arith.constant 0 : i32
    %dma_start3A_335 = arith.constant 0 : i32
    %dma_start3A_336 = tpu.memref_slice %arg9[%dma_start3A_327, %dma_start3A_334, %dma_start3A_335] : memref<1x72x1024xf32, #tpu.memory_space<vmem>> -> memref<1x72x1024xf32, #tpu.memory_space<vmem>>
    %dma_start3A_337 = tpu.memref_squeeze %dma_start3A_336 : memref<1x72x1024xf32, #tpu.memory_space<vmem>> -> memref<72x1024xf32, #tpu.memory_space<vmem>>
    %dma_start3A_338 = arith.constant 0 : i32
    %dma_start3A_339 = tpu.memref_slice %arg5[%add3A_326, %dma_start3A_338] : memref<4608x1024xf32, #tpu.memory_space<hbm>> -> memref<72x1024xf32, #tpu.memory_space<hbm>>
    tpu.enqueue_dma source(%dma_start3A_339 : memref<72x1024xf32, #tpu.memory_space<hbm>>) target(%dma_start3A_337 : memref<72x1024xf32, #tpu.memory_space<vmem>>) target_semaphore(%arg10 : memref<!tpu.dma_semaphore, #tpu.memory_space<semaphore_mem>>)
    %dma_wait3A_340 = arith.constant 0 : i32
    %dma_wait3A_341 = arith.constant 0 : i32
    %dma_wait3A_342 = arith.constant 0 : i32
    %dma_wait3A_343 = tpu.memref_slice %arg9[%dma_wait3A_340, %dma_wait3A_341, %dma_wait3A_342] : memref<1x72x1024xf32, #tpu.memory_space<vmem>> -> memref<1x72x1024xf32, #tpu.memory_space<vmem>>
    %dma_wait3A_344 = tpu.memref_squeeze %dma_wait3A_343 : memref<1x72x1024xf32, #tpu.memory_space<vmem>> -> memref<72x1024xf32, #tpu.memory_space<vmem>>
    %dma_wait3A_345 = arith.constant 0 : i32
    %dma_wait3A_346 = tpu.memref_slice %arg5[%add3A_326, %dma_wait3A_345] : memref<4608x1024xf32, #tpu.memory_space<hbm>> -> memref<72x1024xf32, #tpu.memory_space<hbm>>
    %dma_wait3A_347 = arith.constant 0 : i32
    %dma_wait3A_348 = arith.constant 0 : i32
    %dma_wait3A_349 = tpu.memref_slice %arg9[%dma_wait3A_340, %dma_wait3A_347, %dma_wait3A_348] : memref<1x72x1024xf32, #tpu.memory_space<vmem>> -> memref<1x72x1024xf32, #tpu.memory_space<vmem>>
    %dma_wait3A_350 = tpu.memref_squeeze %dma_wait3A_349 : memref<1x72x1024xf32, #tpu.memory_space<vmem>> -> memref<72x1024xf32, #tpu.memory_space<vmem>>
    %dma_wait3A_351 = arith.constant 0 : i32
    %dma_wait3A_352 = tpu.memref_slice %arg5[%add3A_326, %dma_wait3A_351] : memref<4608x1024xf32, #tpu.memory_space<hbm>> -> memref<72x1024xf32, #tpu.memory_space<hbm>>
    tpu.wait_dma2 semaphore(%arg10 : memref<!tpu.dma_semaphore, #tpu.memory_space<semaphore_mem>>) src(%dma_wait3A_352 : memref<72x1024xf32, #tpu.memory_space<hbm>>) dst(%dma_wait3A_350 : memref<72x1024xf32, #tpu.memory_space<vmem>>)
    %dma_start3A_353 = arith.constant 0 : i32
    %dma_start3A_354 = arith.constant 6 : i32
    %dma_start3A_355 = arith.constant 0 : i32
    %dma_start3A_356 = arith.constant 0 : i32
    %dma_start3A_357 = tpu.memref_slice %arg9[%dma_start3A_353, %dma_start3A_355, %dma_start3A_356] : memref<1x72x1024xf32, #tpu.memory_space<vmem>> -> memref<1x72x1024xf32, #tpu.memory_space<vmem>>
    %dma_start3A_358 = tpu.memref_squeeze %dma_start3A_357 : memref<1x72x1024xf32, #tpu.memory_space<vmem>> -> memref<72x1024xf32, #tpu.memory_space<vmem>>
    %dma_start3A_359 = arith.constant 0 : i32
    %dma_start3A_360 = tpu.memref_slice %arg8[%dma_start3A_354, %dma_start3A_359] : memref<8x72xi32, #tpu.memory_space<vmem>> -> memref<1x72xi32, #tpu.memory_space<vmem>>
    %dma_start3A_361 = tpu.memref_squeeze %dma_start3A_360 : memref<1x72xi32, #tpu.memory_space<vmem>> -> memref<72xi32, #tpu.memory_space<vmem>>
    %dma_start3A_362 = arith.constant 0 : i32
    %dma_start3A_363 = arith.constant 0 : i32
    %dma_start3A_364 = tpu.memref_slice %arg7[%dma_start3A_362, %dma_start3A_363] : memref<16385x1024xf32, #tpu.memory_space<hbm>> -> memref<16385x1024xf32, #tpu.memory_space<hbm>>
    tpu.enqueue_indirect_dma source(%dma_start3A_358 : memref<72x1024xf32, #tpu.memory_space<vmem>>) target(%dma_start3A_364 : memref<16385x1024xf32, #tpu.memory_space<hbm>>) offsets(%dma_start3A_361 : memref<72xi32, #tpu.memory_space<vmem>>) semaphore(%arg11 : memref<!tpu.dma_semaphore, #tpu.memory_space<semaphore_mem>>)
    %dma_wait3A_365 = arith.constant 0 : i32
    %dma_wait3A_366 = arith.constant 6 : i32
    %dma_wait3A_367 = arith.constant 0 : i32
    %dma_wait3A_368 = arith.constant 0 : i32
    %dma_wait3A_369 = tpu.memref_slice %arg9[%dma_wait3A_365, %dma_wait3A_367, %dma_wait3A_368] : memref<1x72x1024xf32, #tpu.memory_space<vmem>> -> memref<1x72x1024xf32, #tpu.memory_space<vmem>>
    %dma_wait3A_370 = tpu.memref_squeeze %dma_wait3A_369 : memref<1x72x1024xf32, #tpu.memory_space<vmem>> -> memref<72x1024xf32, #tpu.memory_space<vmem>>
    %dma_wait3A_371 = arith.constant 0 : i32
    %dma_wait3A_372 = tpu.memref_slice %arg8[%dma_wait3A_366, %dma_wait3A_371] : memref<8x72xi32, #tpu.memory_space<vmem>> -> memref<1x72xi32, #tpu.memory_space<vmem>>
    %dma_wait3A_373 = tpu.memref_squeeze %dma_wait3A_372 : memref<1x72xi32, #tpu.memory_space<vmem>> -> memref<72xi32, #tpu.memory_space<vmem>>
    %dma_wait3A_374 = arith.constant 0 : i32
    %dma_wait3A_375 = arith.constant 0 : i32
    %dma_wait3A_376 = tpu.memref_slice %arg7[%dma_wait3A_374, %dma_wait3A_375] : memref<16385x1024xf32, #tpu.memory_space<hbm>> -> memref<16385x1024xf32, #tpu.memory_space<hbm>>
    tpu.wait_indirect_dma semaphore(%arg11 : memref<!tpu.dma_semaphore, #tpu.memory_space<semaphore_mem>>) src(%dma_wait3A_370 : memref<72x1024xf32, #tpu.memory_space<vmem>>) dst(%dma_wait3A_376 : memref<16385x1024xf32, #tpu.memory_space<hbm>>)
    %mul3A_377 = arith.constant 144 : i32
    %mul3A_378 = arith.muli %add3A, %mul3A_377 : i32
    %add3A_379 = arith.constant 72 : i32
    %add3A_380 = arith.addi %mul3A_378, %add3A_379 : i32
    %dma_start3A_381 = arith.constant 0 : i32
    %dma_start3A_382 = arith.constant 0 : i32
    %dma_start3A_383 = arith.constant 0 : i32
    %dma_start3A_384 = tpu.memref_slice %arg9[%dma_start3A_381, %dma_start3A_382, %dma_start3A_383] : memref<1x72x1024xf32, #tpu.memory_space<vmem>> -> memref<1x72x1024xf32, #tpu.memory_space<vmem>>
    %dma_start3A_385 = tpu.memref_squeeze %dma_start3A_384 : memref<1x72x1024xf32, #tpu.memory_space<vmem>> -> memref<72x1024xf32, #tpu.memory_space<vmem>>
    %dma_start3A_386 = arith.constant 0 : i32
    %dma_start3A_387 = tpu.memref_slice %arg5[%add3A_380, %dma_start3A_386] : memref<4608x1024xf32, #tpu.memory_space<hbm>> -> memref<72x1024xf32, #tpu.memory_space<hbm>>
    %dma_start3A_388 = arith.constant 0 : i32
    %dma_start3A_389 = arith.constant 0 : i32
    %dma_start3A_390 = tpu.memref_slice %arg9[%dma_start3A_381, %dma_start3A_388, %dma_start3A_389] : memref<1x72x1024xf32, #tpu.memory_space<vmem>> -> memref<1x72x1024xf32, #tpu.memory_space<vmem>>
    %dma_start3A_391 = tpu.memref_squeeze %dma_start3A_390 : memref<1x72x1024xf32, #tpu.memory_space<vmem>> -> memref<72x1024xf32, #tpu.memory_space<vmem>>
    %dma_start3A_392 = arith.constant 0 : i32
    %dma_start3A_393 = tpu.memref_slice %arg5[%add3A_380, %dma_start3A_392] : memref<4608x1024xf32, #tpu.memory_space<hbm>> -> memref<72x1024xf32, #tpu.memory_space<hbm>>
    tpu.enqueue_dma source(%dma_start3A_393 : memref<72x1024xf32, #tpu.memory_space<hbm>>) target(%dma_start3A_391 : memref<72x1024xf32, #tpu.memory_space<vmem>>) target_semaphore(%arg10 : memref<!tpu.dma_semaphore, #tpu.memory_space<semaphore_mem>>)
    %dma_wait3A_394 = arith.constant 0 : i32
    %dma_wait3A_395 = arith.constant 0 : i32
    %dma_wait3A_396 = arith.constant 0 : i32
    %dma_wait3A_397 = tpu.memref_slice %arg9[%dma_wait3A_394, %dma_wait3A_395, %dma_wait3A_396] : memref<1x72x1024xf32, #tpu.memory_space<vmem>> -> memref<1x72x1024xf32, #tpu.memory_space<vmem>>
    %dma_wait3A_398 = tpu.memref_squeeze %dma_wait3A_397 : memref<1x72x1024xf32, #tpu.memory_space<vmem>> -> memref<72x1024xf32, #tpu.memory_space<vmem>>
    %dma_wait3A_399 = arith.constant 0 : i32
    %dma_wait3A_400 = tpu.memref_slice %arg5[%add3A_380, %dma_wait3A_399] : memref<4608x1024xf32, #tpu.memory_space<hbm>> -> memref<72x1024xf32, #tpu.memory_space<hbm>>
    %dma_wait3A_401 = arith.constant 0 : i32
    %dma_wait3A_402 = arith.constant 0 : i32
    %dma_wait3A_403 = tpu.memref_slice %arg9[%dma_wait3A_394, %dma_wait3A_401, %dma_wait3A_402] : memref<1x72x1024xf32, #tpu.memory_space<vmem>> -> memref<1x72x1024xf32, #tpu.memory_space<vmem>>
    %dma_wait3A_404 = tpu.memref_squeeze %dma_wait3A_403 : memref<1x72x1024xf32, #tpu.memory_space<vmem>> -> memref<72x1024xf32, #tpu.memory_space<vmem>>
    %dma_wait3A_405 = arith.constant 0 : i32
    %dma_wait3A_406 = tpu.memref_slice %arg5[%add3A_380, %dma_wait3A_405] : memref<4608x1024xf32, #tpu.memory_space<hbm>> -> memref<72x1024xf32, #tpu.memory_space<hbm>>
    tpu.wait_dma2 semaphore(%arg10 : memref<!tpu.dma_semaphore, #tpu.memory_space<semaphore_mem>>) src(%dma_wait3A_406 : memref<72x1024xf32, #tpu.memory_space<hbm>>) dst(%dma_wait3A_404 : memref<72x1024xf32, #tpu.memory_space<vmem>>)
    %dma_start3A_407 = arith.constant 0 : i32
    %dma_start3A_408 = arith.constant 7 : i32
    %dma_start3A_409 = arith.constant 0 : i32
    %dma_start3A_410 = arith.constant 0 : i32
    %dma_start3A_411 = tpu.memref_slice %arg9[%dma_start3A_407, %dma_start3A_409, %dma_start3A_410] : memref<1x72x1024xf32, #tpu.memory_space<vmem>> -> memref<1x72x1024xf32, #tpu.memory_space<vmem>>
    %dma_start3A_412 = tpu.memref_squeeze %dma_start3A_411 : memref<1x72x1024xf32, #tpu.memory_space<vmem>> -> memref<72x1024xf32, #tpu.memory_space<vmem>>
    %dma_start3A_413 = arith.constant 0 : i32
    %dma_start3A_414 = tpu.memref_slice %arg8[%dma_start3A_408, %dma_start3A_413] : memref<8x72xi32, #tpu.memory_space<vmem>> -> memref<1x72xi32, #tpu.memory_space<vmem>>
    %dma_start3A_415 = tpu.memref_squeeze %dma_start3A_414 : memref<1x72xi32, #tpu.memory_space<vmem>> -> memref<72xi32, #tpu.memory_space<vmem>>
    %dma_start3A_416 = arith.constant 0 : i32
    %dma_start3A_417 = arith.constant 0 : i32
    %dma_start3A_418 = tpu.memref_slice %arg7[%dma_start3A_416, %dma_start3A_417] : memref<16385x1024xf32, #tpu.memory_space<hbm>> -> memref<16385x1024xf32, #tpu.memory_space<hbm>>
    tpu.enqueue_indirect_dma source(%dma_start3A_412 : memref<72x1024xf32, #tpu.memory_space<vmem>>) target(%dma_start3A_418 : memref<16385x1024xf32, #tpu.memory_space<hbm>>) offsets(%dma_start3A_415 : memref<72xi32, #tpu.memory_space<vmem>>) semaphore(%arg11 : memref<!tpu.dma_semaphore, #tpu.memory_space<semaphore_mem>>)
    %dma_wait3A_419 = arith.constant 0 : i32
    %dma_wait3A_420 = arith.constant 7 : i32
    %dma_wait3A_421 = arith.constant 0 : i32
    %dma_wait3A_422 = arith.constant 0 : i32
    %dma_wait3A_423 = tpu.memref_slice %arg9[%dma_wait3A_419, %dma_wait3A_421, %dma_wait3A_422] : memref<1x72x1024xf32, #tpu.memory_space<vmem>> -> memref<1x72x1024xf32, #tpu.memory_space<vmem>>
    %dma_wait3A_424 = tpu.memref_squeeze %dma_wait3A_423 : memref<1x72x1024xf32, #tpu.memory_space<vmem>> -> memref<72x1024xf32, #tpu.memory_space<vmem>>
    %dma_wait3A_425 = arith.constant 0 : i32
    %dma_wait3A_426 = tpu.memref_slice %arg8[%dma_wait3A_420, %dma_wait3A_425] : memref<8x72xi32, #tpu.memory_space<vmem>> -> memref<1x72xi32, #tpu.memory_space<vmem>>
    %dma_wait3A_427 = tpu.memref_squeeze %dma_wait3A_426 : memref<1x72xi32, #tpu.memory_space<vmem>> -> memref<72xi32, #tpu.memory_space<vmem>>
    %dma_wait3A_428 = arith.constant 0 : i32
    %dma_wait3A_429 = arith.constant 0 : i32
    %dma_wait3A_430 = tpu.memref_slice %arg7[%dma_wait3A_428, %dma_wait3A_429] : memref<16385x1024xf32, #tpu.memory_space<hbm>> -> memref<16385x1024xf32, #tpu.memory_space<hbm>>
    tpu.wait_indirect_dma semaphore(%arg11 : memref<!tpu.dma_semaphore, #tpu.memory_space<semaphore_mem>>) src(%dma_wait3A_424 : memref<72x1024xf32, #tpu.memory_space<vmem>>) dst(%dma_wait3A_430 : memref<16385x1024xf32, #tpu.memory_space<hbm>>)
    return
  }
}

module attributes {stable_mosaic.version = 14 : i64} {
  func.func @_router_body(%arg0: i32, %arg1: memref<512x1024xf32, #tpu.memory_space<vmem>>, %arg2: memref<128x1024xf32, #tpu.memory_space<vmem>>, %arg3: memref<512x128xf32, #tpu.memory_space<vmem>>, %arg4: memref<512x128xf32, #tpu.memory_space<vmem>>) attributes {dimension_semantics = [#tpu.dimension_semantics<arbitrary>], iteration_bounds = array<i64: 16>, scalar_prefetch = 0 : i64, scratch_operands = 0 : i64, tpu.core_type = #tpu.core_type<tc>, window_params = [{transform_indices = @transform_0, window_bounds = array<i64: 512, 1024>}, {pipeline_mode = #tpu.pipeline_mode<synchronous>, transform_indices = @transform_1, window_bounds = array<i64: 128, 1024>}, {transform_indices = @transform_2, window_bounds = array<i64: 512, 128>}, {transform_indices = @transform_3, window_bounds = array<i64: 512, 128>}]} {
    %get3A = arith.constant 0 : index
    %get3A_0 = arith.constant 0 : index
    %get3A_1 = vector.load %arg1[%get3A, %get3A_0] : memref<512x1024xf32, #tpu.memory_space<vmem>>, vector<512x1024xf32>
    %get3A_2 = arith.constant 0 : index
    %get3A_3 = arith.constant 0 : index
    %get3A_4 = vector.load %arg2[%get3A_2, %get3A_3] : memref<128x1024xf32, #tpu.memory_space<vmem>>, vector<128x1024xf32>
    %dot_general3A = arith.constant dense<0.000000e+00> : vector<512x128xf32>
    %dot_general3A_5 = tpu.matmul %get3A_1, %get3A_4, %dot_general3A {dimension_numbers = #tpu.dot_dimension_numbers<[1], [1], [0], [0], [0, 0, 1, 0], [], []>, transpose_lhs_hint = false} : vector<512x1024xf32>, vector<128x1024xf32>, vector<512x128xf32> -> vector<512x128xf32>
    %swap3A = arith.constant 0 : index
    %swap3A_6 = arith.constant 0 : index
    %swap3A_7 = vector.load %arg3[%swap3A, %swap3A_6] : memref<512x128xf32, #tpu.memory_space<vmem>>, vector<512x128xf32>
    tpu.vector_store %arg3[%swap3A, %swap3A_6], %dot_general3A_5 {strides = array<i32>} : memref<512x128xf32, #tpu.memory_space<vmem>>, vector<512x128xf32>,
    %iota3A = tpu.iota {dimensions = array<i32: 1>} : vector<512x128xi32>
    %lt3A = arith.constant 8 : i32
    %lt3A_8 = vector.broadcast %lt3A : i32 to vector<512x128xi32>
    %lt3A_9 = arith.cmpi slt, %iota3A, %lt3A_8 : vector<512x128xi32>
    %jit3A = arith.constant -1.000000e+30 : f32
    %broadcast_in_dim3A = vector.broadcast %jit3A : f32 to vector<512x128xf32>
    %select_n3A = arith.select %lt3A_9, %dot_general3A_5, %broadcast_in_dim3A : vector<512x128xi1>, vector<512x128xf32>
    %reduce_max3A = arith.constant dense<0xFF800000> : vector<512xf32>
    %reduce_max3A_10 = vector.multi_reduction <maximumf>, %select_n3A, %reduce_max3A [1] : vector<512x128xf32> to vector<512xf32>
    %broadcast_in_dim3A_11 = vector.shape_cast %reduce_max3A_10 : vector<512xf32> to vector<512x1xf32>
    %eq3A = vector.broadcast %broadcast_in_dim3A_11 : vector<512x1xf32> to vector<512x128xf32>
    %eq3A_12 = arith.cmpf oeq, %select_n3A, %eq3A : vector<512x128xf32>
    %jit3A_13 = arith.constant 128 : i32
    %broadcast_in_dim3A_14 = vector.broadcast %jit3A_13 : i32 to vector<512x128xi32>
    %select_n3A_15 = arith.select %eq3A_12, %iota3A, %broadcast_in_dim3A_14 : vector<512x128xi1>, vector<512x128xi32>
    %reduce_min3A = arith.constant dense<2147483647> : vector<512xi32>
    %reduce_min3A_16 = vector.multi_reduction <minsi>, %select_n3A_15, %reduce_min3A [1] : vector<512x128xi32> to vector<512xi32>
    %broadcast_in_dim3A_17 = vector.shape_cast %reduce_min3A_16 : vector<512xi32> to vector<512x1xi32>
    %eq3A_18 = vector.broadcast %broadcast_in_dim3A_17 : vector<512x1xi32> to vector<512x128xi32>
    %eq3A_19 = arith.cmpi eq, %iota3A, %eq3A_18 : vector<512x128xi32>
    %jit3A_20 = arith.constant -1.000000e+30 : f32
    %broadcast_in_dim3A_21 = vector.broadcast %jit3A_20 : f32 to vector<512x128xf32>
    %select_n3A_22 = arith.select %eq3A_19, %broadcast_in_dim3A_21, %select_n3A : vector<512x128xi1>, vector<512x128xf32>
    %reduce_max3A_23 = arith.constant dense<0xFF800000> : vector<512xf32>
    %reduce_max3A_24 = vector.multi_reduction <maximumf>, %select_n3A_22, %reduce_max3A_23 [1] : vector<512x128xf32> to vector<512xf32>
    %broadcast_in_dim3A_25 = vector.shape_cast %reduce_max3A_24 : vector<512xf32> to vector<512x1xf32>
    %eq3A_26 = vector.broadcast %broadcast_in_dim3A_25 : vector<512x1xf32> to vector<512x128xf32>
    %eq3A_27 = arith.cmpf oeq, %select_n3A_22, %eq3A_26 : vector<512x128xf32>
    %jit3A_28 = arith.constant 128 : i32
    %broadcast_in_dim3A_29 = vector.broadcast %jit3A_28 : i32 to vector<512x128xi32>
    %select_n3A_30 = arith.select %eq3A_27, %iota3A, %broadcast_in_dim3A_29 : vector<512x128xi1>, vector<512x128xi32>
    %reduce_min3A_31 = arith.constant dense<2147483647> : vector<512xi32>
    %reduce_min3A_32 = vector.multi_reduction <minsi>, %select_n3A_30, %reduce_min3A_31 [1] : vector<512x128xi32> to vector<512xi32>
    %broadcast_in_dim3A_33 = vector.shape_cast %reduce_min3A_32 : vector<512xi32> to vector<512x1xi32>
    %sub3A = arith.subf %broadcast_in_dim3A_11, %broadcast_in_dim3A_25 : vector<512x1xf32>
    %logistic3A = arith.negf %sub3A : vector<512x1xf32>
    %logistic3A_34 = math.exp %logistic3A : vector<512x1xf32>
    %logistic3A_35 = arith.constant 1.000000e+00 : f32
    %logistic3A_36 = vector.broadcast %logistic3A_35 : f32 to vector<512x1xf32>
    %logistic3A_37 = arith.addf %logistic3A_36, %logistic3A_34 : vector<512x1xf32>
    %logistic3A_38 = arith.divf %logistic3A_36, %logistic3A_37 : vector<512x1xf32>
    %sub3A_39 = arith.constant 1.000000e+00 : f32
    %sub3A_40 = vector.broadcast %sub3A_39 : f32 to vector<512x1xf32>
    %sub3A_41 = arith.subf %sub3A_40, %logistic3A_38 : vector<512x1xf32>
    %eq3A_42 = arith.constant 0 : i32
    %eq3A_43 = vector.broadcast %eq3A_42 : i32 to vector<512x128xi32>
    %eq3A_44 = arith.cmpi eq, %iota3A, %eq3A_43 : vector<512x128xi32>
    %convert_element_type3A = arith.sitofp %broadcast_in_dim3A_17 : vector<512x1xi32> to vector<512x1xf32>
    %eq3A_45 = arith.constant 1 : i32
    %eq3A_46 = vector.broadcast %eq3A_45 : i32 to vector<512x128xi32>
    %eq3A_47 = arith.cmpi eq, %iota3A, %eq3A_46 : vector<512x128xi32>
    %convert_element_type3A_48 = arith.sitofp %broadcast_in_dim3A_33 : vector<512x1xi32> to vector<512x1xf32>
    %eq3A_49 = arith.constant 2 : i32
    %eq3A_50 = vector.broadcast %eq3A_49 : i32 to vector<512x128xi32>
    %eq3A_51 = arith.cmpi eq, %iota3A, %eq3A_50 : vector<512x128xi32>
    %eq3A_52 = arith.constant 3 : i32
    %eq3A_53 = vector.broadcast %eq3A_52 : i32 to vector<512x128xi32>
    %eq3A_54 = arith.cmpi eq, %iota3A, %eq3A_53 : vector<512x128xi32>
    %jit3A_55 = arith.constant 0.000000e+00 : f32
    %broadcast_in_dim3A_56 = vector.shape_cast %sub3A_41 : vector<512x1xf32> to vector<512x1xf32>
    %broadcast_in_dim3A_57 = vector.broadcast %broadcast_in_dim3A_56 : vector<512x1xf32> to vector<512x128xf32>
    %broadcast_in_dim3A_58 = vector.broadcast %jit3A_55 : f32 to vector<512x128xf32>
    %select_n3A_59 = arith.select %eq3A_54, %broadcast_in_dim3A_57, %broadcast_in_dim3A_58 : vector<512x128xi1>, vector<512x128xf32>
    %broadcast_in_dim3A_60 = vector.shape_cast %logistic3A_38 : vector<512x1xf32> to vector<512x1xf32>
    %broadcast_in_dim3A_61 = vector.broadcast %broadcast_in_dim3A_60 : vector<512x1xf32> to vector<512x128xf32>
    %select_n3A_62 = arith.select %eq3A_51, %broadcast_in_dim3A_61, %select_n3A_59 : vector<512x128xi1>, vector<512x128xf32>
    %broadcast_in_dim3A_63 = vector.shape_cast %convert_element_type3A_48 : vector<512x1xf32> to vector<512x1xf32>
    %broadcast_in_dim3A_64 = vector.broadcast %broadcast_in_dim3A_63 : vector<512x1xf32> to vector<512x128xf32>
    %select_n3A_65 = arith.select %eq3A_47, %broadcast_in_dim3A_64, %select_n3A_62 : vector<512x128xi1>, vector<512x128xf32>
    %broadcast_in_dim3A_66 = vector.shape_cast %convert_element_type3A : vector<512x1xf32> to vector<512x1xf32>
    %broadcast_in_dim3A_67 = vector.broadcast %broadcast_in_dim3A_66 : vector<512x1xf32> to vector<512x128xf32>
    %select_n3A_68 = arith.select %eq3A_44, %broadcast_in_dim3A_67, %select_n3A_65 : vector<512x128xi1>, vector<512x128xf32>
    %swap3A_69 = arith.constant 0 : index
    %swap3A_70 = arith.constant 0 : index
    %swap3A_71 = vector.load %arg4[%swap3A_69, %swap3A_70] : memref<512x128xf32, #tpu.memory_space<vmem>>, vector<512x128xf32>
    tpu.vector_store %arg4[%swap3A_69, %swap3A_70], %select_n3A_68 {strides = array<i32>} : memref<512x128xf32, #tpu.memory_space<vmem>>, vector<512x128xf32>,
    return
  }
  func.func @transform_0(%arg0: i32) -> (i32, i32) {
    %c0_i32 = arith.constant 0 : i32
    %c0_i32_0 = arith.constant 0 : i32
    return %arg0, %c0_i32 : i32, i32
  }
  func.func @transform_1(%arg0: i32) -> (i32, i32) {
    %c0_i32 = arith.constant 0 : i32
    %c0_i32_0 = arith.constant 0 : i32
    %c0_i32_1 = arith.constant 0 : i32
    return %c0_i32, %c0_i32_0 : i32, i32
  }
  func.func @transform_2(%arg0: i32) -> (i32, i32) {
    %c0_i32 = arith.constant 0 : i32
    %c0_i32_0 = arith.constant 0 : i32
    return %arg0, %c0_i32 : i32, i32
  }
  func.func @transform_3(%arg0: i32) -> (i32, i32) {
    %c0_i32 = arith.constant 0 : i32
    %c0_i32_0 = arith.constant 0 : i32
    return %arg0, %c0_i32 : i32, i32
  }
}

module attributes {stable_mosaic.version = 14 : i64} {
  func.func @_ffn_body(%arg0: i32, %arg1: memref<18xi32, #tpu.memory_space<smem>>, %arg2: memref<256x1024xf32, #tpu.memory_space<vmem>>, %arg3: memref<1x1x2048x1024xbf16, #tpu.memory_space<vmem>>, %arg4: memref<1x1x2048x1024xbf16, #tpu.memory_space<vmem>>, %arg5: memref<1x1x1024x2048xbf16, #tpu.memory_space<vmem>>, %arg6: memref<256x1024xf32, #tpu.memory_space<vmem>>) attributes {dimension_semantics = [#tpu.dimension_semantics<arbitrary>], iteration_bounds = array<i64: 18>, scalar_prefetch = 1 : i64, scratch_operands = 0 : i64, tpu.core_type = #tpu.core_type<tc>, window_params = [{transform_indices = @transform_0, window_bounds = array<i64: 256, 1024>}, {transform_indices = @transform_1, window_bounds = array<i64: 1, 1, 2048, 1024>}, {transform_indices = @transform_2, window_bounds = array<i64: 1, 1, 2048, 1024>}, {transform_indices = @transform_3, window_bounds = array<i64: 1, 1, 1024, 2048>}, {transform_indices = @transform_4, window_bounds = array<i64: 256, 1024>}]} {
    %get3A = arith.constant 0 : index
    %get3A_0 = arith.constant 0 : index
    %get3A_1 = vector.load %arg2[%get3A, %get3A_0] : memref<256x1024xf32, #tpu.memory_space<vmem>>, vector<256x1024xf32>
    %convert_element_type3A = arith.truncf %get3A_1 : vector<256x1024xf32> to vector<256x1024xbf16>
    %get3A_2 = arith.constant 0 : index
    %get3A_3 = arith.constant 0 : index
    %get3A_4 = arith.constant 0 : index
    %get3A_5 = arith.constant 0 : index
    %get3A_6 = vector.load %arg3[%get3A_2, %get3A_3, %get3A_4, %get3A_5] : memref<1x1x2048x1024xbf16, #tpu.memory_space<vmem>>, vector<1x1x2048x1024xbf16>
    %get3A_7 = vector.shape_cast %get3A_6 : vector<1x1x2048x1024xbf16> to vector<2048x1024xbf16>
    %dot_general3A = arith.constant dense<0.000000e+00> : vector<256x2048xf32>
    %dot_general3A_8 = tpu.matmul %convert_element_type3A, %get3A_7, %dot_general3A {dimension_numbers = #tpu.dot_dimension_numbers<[1], [1], [0], [0], [0, 0, 1, 0], [], []>, transpose_lhs_hint = false} : vector<256x1024xbf16>, vector<2048x1024xbf16>, vector<256x2048xf32> -> vector<256x2048xf32>
    %get3A_9 = arith.constant 0 : index
    %get3A_10 = arith.constant 0 : index
    %get3A_11 = arith.constant 0 : index
    %get3A_12 = arith.constant 0 : index
    %get3A_13 = vector.load %arg4[%get3A_9, %get3A_10, %get3A_11, %get3A_12] : memref<1x1x2048x1024xbf16, #tpu.memory_space<vmem>>, vector<1x1x2048x1024xbf16>
    %get3A_14 = vector.shape_cast %get3A_13 : vector<1x1x2048x1024xbf16> to vector<2048x1024xbf16>
    %dot_general3A_15 = arith.constant dense<0.000000e+00> : vector<256x2048xf32>
    %dot_general3A_16 = tpu.matmul %convert_element_type3A, %get3A_14, %dot_general3A_15 {dimension_numbers = #tpu.dot_dimension_numbers<[1], [1], [0], [0], [0, 0, 1, 0], [], []>, transpose_lhs_hint = false} : vector<256x1024xbf16>, vector<2048x1024xbf16>, vector<256x2048xf32> -> vector<256x2048xf32>
    %logistic3A = arith.negf %dot_general3A_8 : vector<256x2048xf32>
    %logistic3A_17 = math.exp %logistic3A : vector<256x2048xf32>
    %logistic3A_18 = arith.constant 1.000000e+00 : f32
    %logistic3A_19 = vector.broadcast %logistic3A_18 : f32 to vector<256x2048xf32>
    %logistic3A_20 = arith.addf %logistic3A_19, %logistic3A_17 : vector<256x2048xf32>
    %logistic3A_21 = arith.divf %logistic3A_19, %logistic3A_20 : vector<256x2048xf32>
    %mul3A = arith.mulf %dot_general3A_8, %logistic3A_21 : vector<256x2048xf32>
    %mul3A_22 = arith.mulf %mul3A, %dot_general3A_16 : vector<256x2048xf32>
    %convert_element_type3A_23 = arith.truncf %mul3A_22 : vector<256x2048xf32> to vector<256x2048xbf16>
    %get3A_24 = arith.constant 0 : index
    %get3A_25 = arith.constant 0 : index
    %get3A_26 = arith.constant 0 : index
    %get3A_27 = arith.constant 0 : index
    %get3A_28 = vector.load %arg5[%get3A_24, %get3A_25, %get3A_26, %get3A_27] : memref<1x1x1024x2048xbf16, #tpu.memory_space<vmem>>, vector<1x1x1024x2048xbf16>
    %get3A_29 = vector.shape_cast %get3A_28 : vector<1x1x1024x2048xbf16> to vector<1024x2048xbf16>
    %dot_general3A_30 = arith.constant dense<0.000000e+00> : vector<256x1024xf32>
    %dot_general3A_31 = tpu.matmul %convert_element_type3A_23, %get3A_29, %dot_general3A_30 {dimension_numbers = #tpu.dot_dimension_numbers<[1], [1], [0], [0], [0, 0, 1, 0], [], []>, transpose_lhs_hint = false} : vector<256x2048xbf16>, vector<1024x2048xbf16>, vector<256x1024xf32> -> vector<256x1024xf32>
    %swap3A = arith.constant 0 : index
    %swap3A_32 = arith.constant 0 : index
    %swap3A_33 = vector.load %arg6[%swap3A, %swap3A_32] : memref<256x1024xf32, #tpu.memory_space<vmem>>, vector<256x1024xf32>
    tpu.vector_store %arg6[%swap3A, %swap3A_32], %dot_general3A_31 {strides = array<i32>} : memref<256x1024xf32, #tpu.memory_space<vmem>>, vector<256x1024xf32>,
    return
  }
  func.func @transform_0(%arg0: i32, %arg1: memref<18xi32, #tpu.memory_space<smem>>) -> (i32, i32) {
    %c0_i32 = arith.constant 0 : i32
    %c0_i32_0 = arith.constant 0 : i32
    return %arg0, %c0_i32 : i32, i32
  }
  func.func @transform_1(%arg0: i32, %arg1: memref<18xi32, #tpu.memory_space<smem>>) -> (i32, i32, i32, i32) {
    %get3A = arith.index_cast %arg0 : i32 to index
    %get3A_0 = memref.load %arg1[%get3A] : memref<18xi32, #tpu.memory_space<smem>>
    %c0_i32 = arith.constant 0 : i32
    %c0_i32_1 = arith.constant 0 : i32
    %c0_i32_2 = arith.constant 0 : i32
    %c0_i32_3 = arith.constant 0 : i32
    return %get3A_0, %c0_i32, %c0_i32_1, %c0_i32_2 : i32, i32, i32, i32
  }
  func.func @transform_2(%arg0: i32, %arg1: memref<18xi32, #tpu.memory_space<smem>>) -> (i32, i32, i32, i32) {
    %get3A = arith.index_cast %arg0 : i32 to index
    %get3A_0 = memref.load %arg1[%get3A] : memref<18xi32, #tpu.memory_space<smem>>
    %c1_i32 = arith.constant 1 : i32
    %c0_i32 = arith.constant 0 : i32
    %c0_i32_1 = arith.constant 0 : i32
    %c0_i32_2 = arith.constant 0 : i32
    return %get3A_0, %c1_i32, %c0_i32, %c0_i32_1 : i32, i32, i32, i32
  }
  func.func @transform_3(%arg0: i32, %arg1: memref<18xi32, #tpu.memory_space<smem>>) -> (i32, i32, i32, i32) {
    %get3A = arith.index_cast %arg0 : i32 to index
    %get3A_0 = memref.load %arg1[%get3A] : memref<18xi32, #tpu.memory_space<smem>>
    %c0_i32 = arith.constant 0 : i32
    %c0_i32_1 = arith.constant 0 : i32
    %c0_i32_2 = arith.constant 0 : i32
    %c0_i32_3 = arith.constant 0 : i32
    return %get3A_0, %c0_i32, %c0_i32_1, %c0_i32_2 : i32, i32, i32, i32
  }
  func.func @transform_4(%arg0: i32, %arg1: memref<18xi32, #tpu.memory_space<smem>>) -> (i32, i32) {
    %c0_i32 = arith.constant 0 : i32
    %c0_i32_0 = arith.constant 0 : i32
    return %arg0, %c0_i32 : i32, i32
  }
}

module attributes {stable_mosaic.version = 14 : i64} {
  func.func @_combine_body(%arg0: i32, %arg1: memref<512x1024xf32, #tpu.memory_space<vmem>>, %arg2: memref<512x1024xf32, #tpu.memory_space<vmem>>, %arg3: memref<512x128xf32, #tpu.memory_space<vmem>>, %arg4: memref<512x1024xf32, #tpu.memory_space<vmem>>) attributes {dimension_semantics = [#tpu.dimension_semantics<arbitrary>], iteration_bounds = array<i64: 16>, scalar_prefetch = 0 : i64, scratch_operands = 0 : i64, tpu.core_type = #tpu.core_type<tc>, window_params = [{transform_indices = @transform_0, window_bounds = array<i64: 512, 1024>}, {transform_indices = @transform_1, window_bounds = array<i64: 512, 1024>}, {transform_indices = @transform_2, window_bounds = array<i64: 512, 128>}, {transform_indices = @transform_3, window_bounds = array<i64: 512, 1024>}]} {
    %get3A = arith.constant 0 : index
    %get3A_0 = arith.constant 0 : index
    %get3A_1 = vector.load %arg1[%get3A, %get3A_0] : memref<512x1024xf32, #tpu.memory_space<vmem>>, vector<512x1024xf32>
    %get3A_2 = arith.constant 0 : index
    %get3A_3 = arith.constant 0 : index
    %get3A_4 = vector.load %arg2[%get3A_2, %get3A_3] : memref<512x1024xf32, #tpu.memory_space<vmem>>, vector<512x1024xf32>
    %get3A_5 = arith.constant 0 : index
    %get3A_6 = arith.constant 0 : index
    %get3A_7 = vector.load %arg3[%get3A_5, %get3A_6] : memref<512x128xf32, #tpu.memory_space<vmem>>, vector<512x128xf32>
    %slice3A = vector.extract_strided_slice %get3A_7 {offsets = [0, 2], sizes = [512, 1], strides = [1, 1]} : vector<512x128xf32> to vector<512x1xf32>
    %mul3A = vector.broadcast %slice3A : vector<512x1xf32> to vector<512x1024xf32>
    %mul3A_8 = arith.mulf %get3A_1, %mul3A : vector<512x1024xf32>
    %slice3A_9 = vector.extract_strided_slice %get3A_7 {offsets = [0, 3], sizes = [512, 1], strides = [1, 1]} : vector<512x128xf32> to vector<512x1xf32>
    %mul3A_10 = vector.broadcast %slice3A_9 : vector<512x1xf32> to vector<512x1024xf32>
    %mul3A_11 = arith.mulf %get3A_4, %mul3A_10 : vector<512x1024xf32>
    %add3A = arith.addf %mul3A_8, %mul3A_11 : vector<512x1024xf32>
    %swap3A = arith.constant 0 : index
    %swap3A_12 = arith.constant 0 : index
    %swap3A_13 = vector.load %arg4[%swap3A, %swap3A_12] : memref<512x1024xf32, #tpu.memory_space<vmem>>, vector<512x1024xf32>
    tpu.vector_store %arg4[%swap3A, %swap3A_12], %add3A {strides = array<i32>} : memref<512x1024xf32, #tpu.memory_space<vmem>>, vector<512x1024xf32>,
    return
  }
  func.func @transform_0(%arg0: i32) -> (i32, i32) {
    %c0_i32 = arith.constant 0 : i32
    %c0_i32_0 = arith.constant 0 : i32
    return %arg0, %c0_i32 : i32, i32
  }
  func.func @transform_1(%arg0: i32) -> (i32, i32) {
    %add3A = arith.constant 16 : i32
    %add3A_0 = arith.addi %arg0, %add3A : i32
    %c0_i32 = arith.constant 0 : i32
    %c0_i32_1 = arith.constant 0 : i32
    return %add3A_0, %c0_i32 : i32, i32
  }
  func.func @transform_2(%arg0: i32) -> (i32, i32) {
    %c0_i32 = arith.constant 0 : i32
    %c0_i32_0 = arith.constant 0 : i32
    return %arg0, %c0_i32 : i32, i32
  }
  func.func @transform_3(%arg0: i32) -> (i32, i32) {
    %c0_i32 = arith.constant 0 : i32
    %c0_i32_0 = arith.constant 0 : i32
    return %arg0, %c0_i32 : i32, i32
  }
}

</mosaic_0001>

<sc_bundles>
// kernel: gather_offload_async_start
scs
__scs_entry_jumppad:
0x0: {  	(pc) =	sbr.rel $0x88, $3  }
0x1: {  	(tag) =	ssettag $0x0;
	lr =	simm.s32 $0x1  }
0x2: {  	[smem:$0x3F9D] =	sst lr;
	_ =	strace $0xD0000000  }
0x3: {  	_ = 	snop  }
0x4: {  	_ = 	snop  }
0x5: {  	_ = 	snop  }
0x6: {  	_ = 	snop  }
0x7: {  	_ = 	snop  }
__scs_overlays_trampoline_lowered:
0x8: {  	[smem:$0x3FAC] =	sst s0  }
0x9: {  	[smem:$0x3FAD] =	sst s1  }
0xa: {  	[smem:$0x3FAE] =	sst s2  }
0xb: {  	[smem:$0x3FAF] =	sst s3  }
0xc: {  	[smem:$0x3FB0] =	sst s4  }
0xd: {  	[smem:$0x3FB1] =	sst s5  }
0xe: {  	[smem:$0x3FB2] =	sst s6  }
0xf: {  	[smem:$0x3FB3] =	sst s7  }
0x10: {  	[smem:$0x3FB4] =	sst s8  }
0x11: {  	[smem:$0x3FB5] =	sst s9;
	s0 =	simm.s32 @!p0 $0x0  }
0x12: {  	s1 =	sld [smem:$0x3F9B];
	s0 =	simm.s32 @p0 $0x1  }
0x13: {  	[smem:$0x3FB6] =	sst s0;
	s0 =	simm.s32 @!p1 $0x0  }
0x14: {  	s2 =	sld [smem:$0x3F9A];
	s0 =	simm.s32 @p1 $0x1  }
0x15: {  	[smem:$0x3FB7] =	sst s0;
	s0 =	simm.s32 @!p2 $0x0  }
0x16: {  	s3 =	sld [smem:$0x3FDB];
	s0 =	simm.s32 @p2 $0x1  }
0x17: {  	s4 =	simm.s32 $0x1BF5;
	[smem:$0x3FB9] =	sst s0  }
0x18: {  	s0 =	sld [smem:$0x3F9C];
	_ =	swait.ge [sflag:s4], $0x0  }
0x19: {  	s7 =	sld [smem:$0x3F9D]  }
0x1a: {  	s8 =	sadd.s32 $0xFFFFE003, lr  }
0x1b: {  	s9 =	sadd.s32 $0xFFFFFEF7, lr;
	s5 =	simm.s32 $0xFFFFFFFF;
	p2 =	slt.u32 s8, $0xFFFFF086  }
0x1c: {  	p1 =	slt.u32 s9, $0xF7A;
	s5 =	simm.s32 @!p2 $0x0  }
0x1d: {  	s5 =	simm.s32 @p1 $0x1;
	p0 =	seq.s32 s7, s2  }
0x1e: {  	s7 =	smul.u32 @!p0 $0xF7A, s2;
	p2 =	seq.s32 @!p0 s5, $0x0  }
0x1f: {  	s9 =	smul.u32 $0xF7A, s1;
	s8 =	simm.s32 @!p0 $0x1BF5;
	p2 =	por !p2, p0  }
0x20: {  	[sflag:s8] =	ssyncset.s32 @!p0 $0xFFFFF086;
	s6 =	sadd.s32 @!p0 s3, s7;
	s7 =	simm.s32 @!p0 $0x108  }
0x21: {  	s3 =	sadd.s32 s3, s9;
	s6 =	sadd.s32 @!p0 $0x88, s6;
	s7 =	simm.s32 @p2 $0x1082  }
0x22: {  	[simem:s7], [sflag:s8] =	dma.local @!p0 [hbm:s6], $0xF7A  }
0x23: {  	s9 =	sor.u32 $0xD0000000, s2;
	s6 =	simm.s32 $0x108;
	_ =	swait.ge @!p0 [sflag:s8], $0x0  }
0x24: {  	s3 =	sadd.s32 $0x88, s3;
	s6 =	simm.s32 @!p1 $0x1082;
	[sflag:s4] =	ssyncset.s32 $0xFFFFF086  }
0x25: {  	[simem:s6], [sflag:s4] =	dma.local [hbm:s3], $0xF7A  }
0x26: {  	[smem:$0x3F9D] =	sst s1;
	(tag) =	ssettag s2;
	_ =	strace s9  }
0x27: {  	s1 =	sld [smem:$0x3FAD]  }
0x28: {  	s2 =	sld [smem:$0x3FAE]  }
0x29: {  	s4 =	sld [smem:$0x3FB0]  }
0x2a: {  	p0 =	seq.s32 s5, $0x0;
	s5 =	sld [smem:$0x3FB1]  }
0x2b: {  	s6 =	sld [smem:$0x3FB2]  }
0x2c: {  	s7 =	sld [smem:$0x3FB3]  }
0x2d: {  	s3 =	simm.s32 $0x108;
	s8 =	sld [smem:$0x3FB4]  }
0x2e: {  	s3 =	simm.s32 @!p0 $0x1082;
	s9 =	sld [smem:$0x3FB5]  }
0x2f: {  	lr =	sadd.s32 s0, s3;
	s0 =	sld [smem:$0x3FAC]  }
0x30: {  	s3 =	sld [smem:$0x3FAF]  }
0x31: {  	[smem:$0x3FB8] =	sst s10  }
0x32: {  	s10 =	sld [smem:$0x3FB6];
	_ =	sdelay $0x3  }
0x33: {  	p0 =	seq.s32 s10, $0x1;
	s10 =	sld [smem:$0x3FB8];
	_ =	sdelay $0x3  }
0x34: {  	[smem:$0x3FB8] =	sst s10  }
0x35: {  	s10 =	sld [smem:$0x3FB7];
	_ =	sdelay $0x3  }
0x36: {  	p1 =	seq.s32 s10, $0x1;
	s10 =	sld [smem:$0x3FB8];
	_ =	sdelay $0x3  }
0x37: {  	[smem:$0x3FB8] =	sst s10  }
0x38: {  	s10 =	sld [smem:$0x3FB9]  }
0x39: {  	_ = 	snop;
	(pc) =	sbr.ind lr, $3  }
0x3a: {  	_ = 	snop  }
0x3b: {  	_ = 	snop  }
0x3c: {  	p2 =	seq.s32 s10, $0x1;
	s10 =	sld [smem:$0x3FB8]  }
0x3d: {  	_ =	shalt  }
0x3e: {  	_ =	shalt  }
0x3f: {  	_ =	shalt  }
0x40: {  	_ =	shalt  }
0x41: {  	_ =	shalt  }
0x42: {  	_ =	shalt  }
0x43: {  	_ =	shalt  }
0x44: {  	_ =	shalt  }
0x45: {  	_ =	shalt  }
0x46: {  	_ =	shalt  }
0x47: {  	_ =	shalt  }
0x48: {  	_ =	shalt  }
0x49: {  	_ =	shalt  }
0x4a: {  	_ =	shalt  }
0x4b: {  	_ =	shalt  }
0x4c: {  	_ =	shalt  }
0x4d: {  	_ =	shalt  }
0x4e: {  	_ =	shalt  }
0x4f: {  	_ =	shalt  }
0x50: {  	_ =	shalt  }
0x51: {  	_ =	shalt  }
0x52: {  	_ =	shalt  }
0x53: {  	_ =	shalt  }
0x54: {  	_ =	shalt  }
0x55: {  	_ =	shalt  }
0x56: {  	_ =	shalt  }
0x57: {  	_ =	shalt  }
0x58: {  	_ =	shalt  }
0x59: {  	_ =	shalt  }
0x5a: {  	_ =	shalt  }
0x5b: {  	_ =	shalt  }
0x5c: {  	_ =	shalt  }
0x5d: {  	_ =	shalt  }
0x5e: {  	_ =	shalt  }
0x5f: {  	_ =	shalt  }
0x60: {  	_ =	shalt  }
0x61: {  	_ =	shalt  }
0x62: {  	_ =	shalt  }
0x63: {  	_ =	shalt  }
0x64: {  	_ =	shalt  }
0x65: {  	_ =	shalt  }
0x66: {  	_ =	shalt  }
0x67: {  	_ =	shalt  }
0x68: {  	_ =	shalt  }
0x69: {  	_ =	shalt  }
0x6a: {  	_ =	shalt  }
0x6b: {  	_ =	shalt  }
0x6c: {  	_ =	shalt  }
0x6d: {  	_ =	shalt  }
0x6e: {  	_ =	shalt  }
0x6f: {  	_ =	shalt  }
0x70: {  	_ =	shalt  }
0x71: {  	_ =	shalt  }
0x72: {  	_ =	shalt  }
0x73: {  	_ =	shalt  }
0x74: {  	_ =	shalt  }
0x75: {  	_ =	shalt  }
0x76: {  	_ =	shalt  }
0x77: {  	_ =	shalt  }
0x78: {  	_ =	shalt  }
0x79: {  	_ =	shalt  }
0x7a: {  	_ =	shalt  }
0x7b: {  	_ =	shalt  }
0x7c: {  	_ =	shalt  }
0x7d: {  	_ =	shalt  }
0x7e: {  	_ =	shalt  }
0x7f: {  	_ =	shalt  }
0x80: {  	_ =	shalt  }
0x81: {  	_ =	shalt  }
0x82: {  	_ =	shalt  }
0x83: {  	_ =	shalt  }
0x84: {  	_ =	shalt  }
0x85: {  	_ =	shalt  }
0x86: {  	_ =	shalt  }
0x87: {  	_ =	shalt  }
.Lfunc_end0:
.L_simem_size_0:
called_computation_lowered:
.L_overlay_start_0:
0x88: {  	s2 =	sld [smem:$0x3FD9]  }
0x89: {  	s3 =	sld [smem:$0x3FFE];
	_ =	sdelay $0x1  }
0x8a: {  	s1 =	srdreg.scid  }
0x8b: {  	s0 =	sand.u32 $0x1, s1  }
0x8c: {  	s14 =	sshll.u32 s0, $0xA;
	s2 =	sadd.s32 s3, s2  }
0x8d: {  	s2 =	sadd.s32 s2, s14  }
0x8e: {  	[smem:$0x3FC4] =	sst s2  }
0x8f: {  	_ = 	snop  }
0x90: {  	s2 =	sld [smem:$0x3FD0];
	_ =	sdelay $0x2  }
0x91: {  	s15 =	simm.s32 $0xD;
	s4 =	simm.s32 $0x10  }
0x92: {  	[smem:s4], [sflag:s15] =	dma.local [hbm:s2], $0x1  }
0x93: {  	_ =	swait.eq [sflag:s15], $0x1  }
0x94: {  	[sflag:s15] =	ssyncset.done $0x0  }
0x95: {  	s16 =	sld [smem:$0x10];
	[sflag:s15] =	ssyncadd.s32 $0xFFFFFFFF  }
0x96: {  	s17 =	sld [smem:$0x11];
	(tm) =	ssettm $0x1  }
0x97: {  	s18 =	sld [smem:$0x3FFB];
	_ =	sdelay $0x3  }
0x98: {  	_ =	strace s18  }
0x99: {  	s4 =	sld [smem:$0x3FFC];
	_ =	sdelay $0x3  }
0x9a: {  	_ =	strace s4  }
0x9b: {  	s4 =	sld [smem:$0x3FFD];
	_ =	sdelay $0x3  }
0x9c: {  	_ =	strace s4  }
0x9d: {  	_ =	strace $0x8FFFFFFF  }
0x9e: {  	s19 =	sld [smem:$0x3FDB];
	_ =	sdelay $0x1  }
0x9f: {  	s5 =	simm.s32 $_scs_section_size  }
0xa0: {  	s6 =	simm.s32 $_size__tile_overlayer_lowered;
	s7 =	simm.s32 $_tile_overlayer_lowered  }
0xa1: {  	s22 =	simm.s32 $0x1BFF;
	s21 =	sshll.u32 s7, $0x1;
	s4 =	sadd.s32 s5, s19  }
0xa2: {  	s8 =	simm.s32 $0x0;
	s20 =	sshll.u32 s6, $0x1;
	s6 =	sadd.s32 s21, s4  }
0xa3: {  	[timem:s8], [sflag:s22] =	dma.local [hbm:s6], s20  }
0xa4: {  	_ =	swait.ge [sflag:s22], s20  }
0xa5: {  	s5 =	ssub.s32 $0x0, s20;
	[sflag:s22] =	ssyncset.done $0x0  }
0xa6: {  	[sflag:s22] =	ssyncadd.s32 s5;
	_ =	sdelay $0x1  }
0xa7: {  	s23 =	simm.s32 $0x1B8B  }
0xa8: {  	_ =	swait.ge [sflag:s23], $0x1  }
0xa9: {  	[sflag:s23] =	ssyncset.done $0x0  }
0xaa: {  	s25 =	simm.s32 $0x1B8E;
	s24 =	sld [smem:$0x3FFE];
	[sflag:s23] =	ssyncadd.s32 $0xFFFFFFFF  }
0xab: {  	s26 =	simm.s32 $execute0_lowered;
	[smem:$0x3FD2] =	sst s25  }
0xac: {  	s6 =	sshll.u32 s26, $0x1;
	_ =	strace $0x80000046;
	[dreg:$0x1] =	wrdreg $0xFFFFFFFF  }
0xad: {  	s28 =	simm.s32 $_size_execute0_lowered;
	s4 =	sadd.s32 s4, s6;
	[dreg:$0x0] =	wrdreg $0x0  }
0xae: {  	s6 =	sshll.u32 s28, $0x1;
	[dreg:$0x2] =	wrdreg s4  }
0xaf: {  	[dreg:$0x3] =	wrdreg s6  }
0xb0: {  	[dreg:$0x4] =	wrdreg $0xC0  }
0xb1: {  	_ =	task [dreg:s8], $0x5FFFF  }
0xb2: {  	[dreg:$0x1] =	wrdreg $0xFFFFFFFF  }
0xb3: {  	[dreg:$0x0] =	wrdreg $0x60  }
0xb4: {  	[dreg:$0x2] =	wrdreg s16  }
0xb5: {  	[dreg:$0x3] =	wrdreg s17  }
0xb6: {  	[dreg:$0x4] =	wrdreg s24  }
0xb7: {  	[dreg:$0x5] =	wrdreg $0x9  }
0xb8: {  	_ =	task.clear_ibuf [dreg:s8], $0x6FFFF;
	_ =	strace $0x90000046  }
0xb9: {  	s29 =	simm.s32 $0x9;
	_ =	strace $0x80000048  }
0xba: {  	_ =	swait.ge [sflag:s29], $0x1  }
0xbb: {  	[sflag:s29] =	ssyncadd.s32 $0xFFFFFFFF  }
0xbc: {  	_ =	strace $0x90000048  }
0xbd: {  	_ =	sfence  }
0xbe: {  	s30 =	sld [smem:$0x0];
	_ =	sdelay $0x2  }
0xbf: {  	s31 =	sshll.u32 s1, $0xD;
	s1 =	sshrl.u32 s1, $0x2  }
0xc0: {  	s3 =	sand.u32 $0x4000, s31;
	s1 =	sadd.s32 s1, s30  }
0xc1: {  	s0 =	sor.u32 s3, s0;
	s1 =	sshll.u32 s1, $0x11  }
0xc2: {  	s0 =	sor.u32 s1, s0  }
0xc3: {  	s0 =	sadd.s32 $0x8F2B, s0  }
0xc4: {  	[sflag:s0] =	ssyncadd.remote.s32 $0x1  }
0xc5: {  	_ =	sfence.sel $0xFFFF  }
0xc6: {  	[dreg:$0x0] =	wrdreg $0xFFFFFFFF;
	(pc) =	sbr.abs _section_cstart, $3  }
0xc7: {  	[dreg:$0x1] =	wrdreg $0xFFFFFFFF  }
0xc8: {  	_ =	task.clear_ibuf [dreg:s8], $0x2FFFF;
	_ =	strace $0x9FFFFFFF  }
0xc9: {  	(tm) =	ssettm $0x7FFFFFFF  }
tec
execute0_lowered:
.L_overlay_start_1:
0x0: {  	(tag) =	ssettag $0x1  }
0x1: {  	s2 =	rddreg [dreg:$0x0]  }
0x2: {  	s1 =	srdreg.scid;
	s3 =	rddreg [dreg:$0x1]  }
0x3: {  	s0 =	stileid.u32;
	s5 =	rddreg [dreg:$0x2]  }
0x4: {  	s9 =	simm.s32 $0x1;
	s10 =	simm.s32 $0x3;
	s1 =	sshll.u32 s1, $0x8  }
0x5: {  	s13 =	simm.s32 $0x0;
	s4 =	sshll.u32 s0, $0x9;
	s6 =	sand.u32 $0x100, s1  }
0x6: {  	s12 =	simm.s32 $0x0;
	s5 =	sadd.s32 $0x41A00, s5;
	s4 =	sor.u32 s4, s6  }
0x7: {  	s1 =	rddreg [dreg:$0x3];
	_ =	strace $0x80000047;
	s8 =	ssub.s32 $0x4000, s4  }
.Ltmp0:
0x8: {  	s6 =	simm.s32 $0x1;
	s7 =	sand.u32 $0x1F00, s8;
	(pc) =	sbr.rel .LBB2_1-.Ltmp0, $4  }
0x9: {  	[sflag:s6] =	ssyncpa.u1 $0x0;
	s11 =	smov.u32 s4;
	p0 =	sne.s32 s7, $0x0  }
0xa: {  	s8 =	sshrl.u32 s8, $0xD;
	s7 =	simm.s32 $0x2;
	s9 =	simm.s32 @!p0 $0x0  }
0xb: {  	[sflag:s7] =	ssyncpa.u1 $0x0;
	p0 =	por $0x0, $0x0;
	s8 =	sadd.s32 s9, s8  }
0xc: {  	vm0 =	vmmov $0xffff;
	[sflag:s10] =	ssyncpa.u1 $0x0;
	s10 =	simm.s32 $0x0;
	s9 =	sadd.s32 $0x1, s8  }
.LBB2_4:
0xd: {  	v5 =	vshrl.u32 v1, $0xE;
	v6 =	vshll.u32 v1, $0x7  }
0xe: {  	vm1 =	veq.s32 v1, $0x80000000;
	v58 =	vand.u32 $0x7, v5;
	v59 =	vand.u32 $0x1FFF80, v6  }
0xf: {  	v1 =	vsel vm1, $0xFFFFFFFF, v58;
	v5 =	vsel vm1, $0xFFFFFF80, v59  }
0x10: {  	v3 =	vor.u32 v4, v3;
	v60 =	vand.u32 $0xFFFFFC00, v5;
	v61 =	vand.u32 $0xFFFFFC00, v1  }
0x11: {  	v2 =	vor.u32 v2, v3;
	v63 =	vand.u32 $0x380, v5;
	v62 =	vadd.s32 v61, v60  }
0x12: {  	v1 =	vand.u32 $0x7F, v1;
	v3 =	vor.u32 v63, v62  }
0x13: {  	v1 =	vor.u32 v1, v3  }
0x14: {  	[tilespmem:s15], [sflag:$0x1] =	stream.indirect_vreg.gather [hbm4b:s2+s10], $0x1, v0, vm0, $0x4038;
	[tilespmem:$0x400] =	vst v63  }
0x15: {  	(ifvalue) =	ssetifvalue $0x7FFFFFFF  }
0x16: {  	[tilespmem:s16], [sflag:$0x1] =	stream.indirect_vreg.gather [hbm4b:s2+s10], $0x1, v2, vm0, $0x4038;
	[tilespmem:$0x400] =	vst v63  }
0x17: {  	s29 =	sadd.s32 $0x10, s16;
	(ifvalue) =	ssetifvalue $0x7FFFFFFF  }
0x18: {  	[tilespmem:s29], [sflag:$0x1] =	stream.indirect_vreg.gather [hbm4b:s2+s10], $0x1, v1, vm0, $0x4038;
	[tilespmem:$0x400] =	vst v63  }
0x19: {  	_ =	swait.ge [sflag:s6], $0x100  }
0x1a: {  	s30 =	sshrl.u32 s13, $0x3;
	[sflag:s6] =	ssyncset.done $0x0  }
0x1b: {  	s31 =	sand.u32 $0x7, s13;
	s15 =	sadd.s32 s5, s30;
	[sflag:s6] =	ssyncadd.s32 $0xFFFFFF00  }
0x1c: {  	[hbm4b:s15+s31] =	stream.linear.scatter [tilespmem:s14], [sflag:$0x3], $0x100, $0x38;
	[tilespmem:$0x400] =	vst v63  }
.LBB2_5:
0x1d: {  	s15 =	sadd.s32 $0x2000, s11  }
0x1e: {  	p2 =	sgt.s32 s15, $0x3FFF  }
0x1f: {  	s15 =	smov.u32 @p2 s4;
	p2 =	sne.s32 s12, s9  }
.Ltmp1:
0x20: {  	p1 =	slt.u32 s12, $0x2;
	(pc) =	sbr.rel @!p2 .LBB2_6-.Ltmp1, $4  }
0x21: {  	s14 =	simm.s32 @!p1 $0x3  }
0x22: {  	s16 =	sadd.s32 $0x1, s12;
	_ =	swait.ge @!p1 [sflag:s14], $0x100  }
0x23: {  	s13 =	smov.u32 s11;
	p0 =	por !p0, !p0;
	[sflag:s14] =	ssyncset.done @!p1 $0x0  }
0x24: {  	s12 =	smov.u32 s16;
	s11 =	smov.u32 s15;
	[sflag:s14] =	ssyncadd.s32 @!p1 $0xFFFFFF00  }
.LBB2_1:
0x25: {  	p1 =	sge.u32 s12, s8  }
0x26: {  	s14 =	sxor.u32 @!p1 $0xFFFFFFFF, s12  }
0x27: {  	s31 =	sadd.s32 $0xFFFFFFFF, s12;
	s15 =	sshrl.u32 @!p1 s11, $0x3;
	s14 =	sshll.u32 @!p1 s14, $0x8  }
0x28: {  	s16 =	sand.u32 @!p1 $0x7, s11;
	s15 =	sadd.s32 @!p1 s3, s15;
	s14 =	sand.u32 @!p1 $0x100, s14  }
0x29: {  	[tilespmem:s14], [sflag:$0x2] =	stream.linear.gather @!p1 [hbm4b:s15+s16], $0x100, $0x38;
	[tilespmem:$0x400] =	vst v63  }
0x2a: {  	p1 =	sge.u32 s31, s8  }
.Ltmp2:
0x2b: {  	_ = 	snop;
	(pc) =	sbr.rel @p1 .LBB2_5-.Ltmp2, $1  }
0x2c: {  	_ =	sdelay $0x3  }
0x2d: {  	s14 =	simm.s32 $0x1  }
0x2e: {  	_ =	swait.ge [sflag:s7], $0x100;
	s14 =	simm.s32 @!p0 $0x0  }
0x2f: {  	[sflag:s7] =	ssyncset.done $0x0;
	s14 =	sshll.u32 s14, $0x8  }
0x30: {  	[sflag:s7] =	ssyncadd.s32 $0xFFFFFF00;
	(ifvalue) =	ssetifvalue $0x7FFFFFFF;
	v0 =	vld.msk [tilespmem:s14+$0x0 ss:$0x1], $0xffff;
	_ =	sdelay $0x4  }
0x31: {  	s15 =	sadd.s32 $0x10, s14;
	v2 =	vshrl.u32 v0, $0xE;
	v3 =	vshll.u32 v0, $0x7  }
0x32: {  	v1 =	vld.msk [tilespmem:s15+$0x0 ss:$0x1], $0xffff;
	vm1 =	veq.s32 v0, $0x80000000;
	v0 =	vand.u32 $0x7, v2;
	v2 =	vand.u32 $0x1FFF80, v3  }
0x33: {  	v0 =	vsel vm1, $0xFFFFFFFF, v0;
	v2 =	vsel vm1, $0xFFFFFF80, v2  }
0x34: {  	v3 =	vand.u32 $0xFFFFFC00, v2;
	v4 =	vand.u32 $0xFFFFFC00, v0  }
0x35: {  	v2 =	vand.u32 $0x380, v2;
	v3 =	vadd.s32 v4, v3  }
0x36: {  	v0 =	vand.u32 $0x7F, v0;
	v2 =	vor.u32 v2, v3  }
0x37: {  	v5 =	vshll.u32 v1, $0x7;
	v4 =	vshrl.u32 v1, $0xE;
	v0 =	vor.u32 v0, v2  }
0x38: {  	s16 =	sshll.u32 s12, $0x8;
	vm1 =	veq.s32 v1, $0x80000000;
	v1 =	vand.u32 $0x7, v4;
	v4 =	vand.u32 $0x1FFF80, v5  }
0x39: {  	s16 =	sand.u32 $0x100, s16;
	s18 =	sadd.s32 $0x10, s15;
	v3 =	vsel vm1, $0xFFFFFFFF, v1;
	v4 =	vsel vm1, $0xFFFFFF80, v4  }
0x3a: {  	s17 =	simm.s32 $0x20;
	s15 =	sor.u32 $0x200, s14;
	s14 =	sor.u32 $0x200, s16;
	v1 =	vld.msk [tilespmem:s18+$0x0 ss:$0x1], $0xffff;
	v5 =	vand.u32 $0xFFFFFC00, v4;
	v6 =	vand.u32 $0xFFFFFC00, v3  }
0x3b: {  	s16 =	sadd.s32 $0x10, s15;
	s18 =	sadd.s32 $0x10, s18;
	(ifvalue) =	ssetifvalue $0x7FFFFFFF;
	v2 =	vand.u32 $0x7F, v3;
	v4 =	vand.u32 $0x380, v4;
	v3 =	vadd.s32 v6, v5  }
.LBB2_3:
0x3c: {  	[tilespmem:s15], [sflag:$0x1] =	stream.indirect_vreg.gather [hbm4b:s2+s10], $0x1, v0, vm0, $0x4038;
	[tilespmem:$0x400] =	vst v63  }
0x3d: {  	s17 =	sadd.s32 $0x10, s17  }
0x3e: {  	v3 =	vor.u32 v4, v3;
	p1 =	slt.u32 s17, $0xF0  }
.Ltmp3:
0x3f: {  	v4 =	vshrl.u32 v1, $0xE;
	v5 =	vshll.u32 v1, $0x7;
	s15 =	smov.u32 s16;
	v0 =	vor.u32 v2, v3;
	v2 =	vmovc v1;
	v1 =	vld.msk [tilespmem:s18+$0x0 ss:$0x1], $0xffff;
	(pc) =	sbr.rel @p1 .LBB2_3-.Ltmp3, $4  }
0x40: {  	v3 =	vand.u32 $0x1FFF80, v5;
	vm1 =	veq.s32 v2, $0x80000000;
	v2 =	vand.u32 $0x7, v4  }
0x41: {  	v4 =	vsel vm1, $0xFFFFFFFF, v2;
	v5 =	vsel vm1, $0xFFFFFF80, v3  }
0x42: {  	v2 =	vand.u32 $0x7F, v4;
	v3 =	vand.u32 $0xFFFFFC00, v5;
	v4 =	vand.u32 $0xFFFFFC00, v4  }
0x43: {  	s16 =	sadd.s32 $0x10, s16;
	s18 =	sadd.s32 $0x10, s18;
	v3 =	vadd.s32 v4, v3;
	v4 =	vand.u32 $0x380, v5;
	(ifvalue) =	ssetifvalue $0x7FFFFFFF  }
.Ltmp4:
0x44: {  	_ = 	snop;
	(pc) =	sbr.rel .LBB2_4-.Ltmp4, $1  }
0x45: {  	_ =	sdelay $0x3  }
.LBB2_6:
0x46: {  	_ =	sfence.sel $0x180000  }
0x47: {  	s2 =	simm.s32 $0x2;
	[bflag:$0x0] =	sbarrier.arrive $0xFFFF  }
0x48: {  	s30 =	simm.s32 $0x3;
	[sflag:s2] =	ssyncpa.u1 $0x1  }
0x49: {  	s31 =	simm.s32 $0x1;
	[sflag:s30] =	ssyncpa.u1 $0x1  }
0x4a: {  	[sflag:s31] =	ssyncpa.u1 $0x1  }
0x4b: {  	p0 =	sne.s32 s0, $0x0;
	_ =	strace $0x90000047  }
0x4c: {  	s0 =	sadd.s32 @!p0 $0x100000, s1;
	[bflag:$0x2] =	sbarrier.arrive $0xFFFF  }
0x4d: {  	[sflag:s0] =	ssyncadd.tile.s32 @!p0 $0x1;
	_ =	shalt  }
.Lfunc_end2:
_tile_overlayer_lowered:
.L_overlay_start_2:
0x4e: {  	(tag) =	ssettag $0x2  }
0x4f: {  	s0 =	rddreg [dreg:$0x0];
	s2 =	stileid.u32  }
0x50: {  	s1 =	rddreg [dreg:$0x1];
	p0 =	sne.s32 s2, $0x0  }
0x51: {  	s3 =	rddreg [dreg:$0x2];
	[bflag:$0x3] =	sbarrier.arrive $0xFFFF;
	s2 =	simm.s32 @!p0 $0x1C01  }
0x52: {  	[timem:s3], [sflag:s2] =	dma.local @!p0 [hbm:s0], s1  }
0x53: {  	s0 =	simm.s32 @!p0 $0x1  }
0x54: {  	_ =	swait.ge @!p0 [sflag:s0], s1  }
0x55: {  	s1 =	ssub.s32 @!p0 $0x0, s1;
	[sflag:s0] =	ssyncset.done @!p0 $0x0  }
0x56: {  	[sflag:s0] =	ssyncadd.s32 @!p0 s1  }
0x57: {  	[bflag:$0x3] =	sbarrier.arrive $0xFFFF  }
0x58: {  	_ =	shalt  }

// kernel: kernel.13.cloned.1.call-start
scs
__scs_entry_jumppad:
0x0: {  	(pc) =	sbr.rel $0x88, $3  }
0x1: {  	(tag) =	ssettag $0x0;
	lr =	simm.s32 $0x1  }
0x2: {  	[smem:$0x3F9D] =	sst lr;
	_ =	strace $0xD0000000  }
0x3: {  	_ = 	snop  }
0x4: {  	_ = 	snop  }
0x5: {  	_ = 	snop  }
0x6: {  	_ = 	snop  }
0x7: {  	_ = 	snop  }
__scs_overlays_trampoline_lowered:
0x8: {  	[smem:$0x3FAC] =	sst s0  }
0x9: {  	[smem:$0x3FAD] =	sst s1  }
0xa: {  	[smem:$0x3FAE] =	sst s2  }
0xb: {  	[smem:$0x3FAF] =	sst s3  }
0xc: {  	[smem:$0x3FB0] =	sst s4  }
0xd: {  	[smem:$0x3FB1] =	sst s5  }
0xe: {  	[smem:$0x3FB2] =	sst s6  }
0xf: {  	[smem:$0x3FB3] =	sst s7  }
0x10: {  	[smem:$0x3FB4] =	sst s8  }
0x11: {  	[smem:$0x3FB5] =	sst s9;
	s0 =	simm.s32 @!p0 $0x0  }
0x12: {  	s1 =	sld [smem:$0x3F9B];
	s0 =	simm.s32 @p0 $0x1  }
0x13: {  	[smem:$0x3FB6] =	sst s0;
	s0 =	simm.s32 @!p1 $0x0  }
0x14: {  	s2 =	sld [smem:$0x3F9A];
	s0 =	simm.s32 @p1 $0x1  }
0x15: {  	[smem:$0x3FB7] =	sst s0;
	s0 =	simm.s32 @!p2 $0x0  }
0x16: {  	s3 =	sld [smem:$0x3FDB];
	s0 =	simm.s32 @p2 $0x1  }
0x17: {  	s4 =	simm.s32 $0x1BF5;
	[smem:$0x3FB9] =	sst s0  }
0x18: {  	s0 =	sld [smem:$0x3F9C];
	_ =	swait.ge [sflag:s4], $0x0  }
0x19: {  	s7 =	sld [smem:$0x3F9D]  }
0x1a: {  	s8 =	sadd.s32 $0xFFFFE003, lr  }
0x1b: {  	s9 =	sadd.s32 $0xFFFFFEF7, lr;
	s5 =	simm.s32 $0xFFFFFFFF;
	p2 =	slt.u32 s8, $0xFFFFF086  }
0x1c: {  	p1 =	slt.u32 s9, $0xF7A;
	s5 =	simm.s32 @!p2 $0x0  }
0x1d: {  	s5 =	simm.s32 @p1 $0x1;
	p0 =	seq.s32 s7, s2  }
0x1e: {  	s7 =	smul.u32 @!p0 $0xF7A, s2;
	p2 =	seq.s32 @!p0 s5, $0x0  }
0x1f: {  	s9 =	smul.u32 $0xF7A, s1;
	s8 =	simm.s32 @!p0 $0x1BF5;
	p2 =	por !p2, p0  }
0x20: {  	[sflag:s8] =	ssyncset.s32 @!p0 $0xFFFFF086;
	s6 =	sadd.s32 @!p0 s3, s7;
	s7 =	simm.s32 @!p0 $0x108  }
0x21: {  	s3 =	sadd.s32 s3, s9;
	s6 =	sadd.s32 @!p0 $0x88, s6;
	s7 =	simm.s32 @p2 $0x1082  }
0x22: {  	[simem:s7], [sflag:s8] =	dma.local @!p0 [hbm:s6], $0xF7A  }
0x23: {  	s9 =	sor.u32 $0xD0000000, s2;
	s6 =	simm.s32 $0x108;
	_ =	swait.ge @!p0 [sflag:s8], $0x0  }
0x24: {  	s3 =	sadd.s32 $0x88, s3;
	s6 =	simm.s32 @!p1 $0x1082;
	[sflag:s4] =	ssyncset.s32 $0xFFFFF086  }
0x25: {  	[simem:s6], [sflag:s4] =	dma.local [hbm:s3], $0xF7A  }
0x26: {  	[smem:$0x3F9D] =	sst s1;
	(tag) =	ssettag s2;
	_ =	strace s9  }
0x27: {  	s1 =	sld [smem:$0x3FAD]  }
0x28: {  	s2 =	sld [smem:$0x3FAE]  }
0x29: {  	s4 =	sld [smem:$0x3FB0]  }
0x2a: {  	p0 =	seq.s32 s5, $0x0;
	s5 =	sld [smem:$0x3FB1]  }
0x2b: {  	s6 =	sld [smem:$0x3FB2]  }
0x2c: {  	s7 =	sld [smem:$0x3FB3]  }
0x2d: {  	s3 =	simm.s32 $0x108;
	s8 =	sld [smem:$0x3FB4]  }
0x2e: {  	s3 =	simm.s32 @!p0 $0x1082;
	s9 =	sld [smem:$0x3FB5]  }
0x2f: {  	lr =	sadd.s32 s0, s3;
	s0 =	sld [smem:$0x3FAC]  }
0x30: {  	s3 =	sld [smem:$0x3FAF]  }
0x31: {  	[smem:$0x3FB8] =	sst s10  }
0x32: {  	s10 =	sld [smem:$0x3FB6];
	_ =	sdelay $0x3  }
0x33: {  	p0 =	seq.s32 s10, $0x1;
	s10 =	sld [smem:$0x3FB8];
	_ =	sdelay $0x3  }
0x34: {  	[smem:$0x3FB8] =	sst s10  }
0x35: {  	s10 =	sld [smem:$0x3FB7];
	_ =	sdelay $0x3  }
0x36: {  	p1 =	seq.s32 s10, $0x1;
	s10 =	sld [smem:$0x3FB8];
	_ =	sdelay $0x3  }
0x37: {  	[smem:$0x3FB8] =	sst s10  }
0x38: {  	s10 =	sld [smem:$0x3FB9]  }
0x39: {  	_ = 	snop;
	(pc) =	sbr.ind lr, $3  }
0x3a: {  	_ = 	snop  }
0x3b: {  	_ = 	snop  }
0x3c: {  	p2 =	seq.s32 s10, $0x1;
	s10 =	sld [smem:$0x3FB8]  }
0x3d: {  	_ =	shalt  }
0x3e: {  	_ =	shalt  }
0x3f: {  	_ =	shalt  }
0x40: {  	_ =	shalt  }
0x41: {  	_ =	shalt  }
0x42: {  	_ =	shalt  }
0x43: {  	_ =	shalt  }
0x44: {  	_ =	shalt  }
0x45: {  	_ =	shalt  }
0x46: {  	_ =	shalt  }
0x47: {  	_ =	shalt  }
0x48: {  	_ =	shalt  }
0x49: {  	_ =	shalt  }
0x4a: {  	_ =	shalt  }
0x4b: {  	_ =	shalt  }
0x4c: {  	_ =	shalt  }
0x4d: {  	_ =	shalt  }
0x4e: {  	_ =	shalt  }
0x4f: {  	_ =	shalt  }
0x50: {  	_ =	shalt  }
0x51: {  	_ =	shalt  }
0x52: {  	_ =	shalt  }
0x53: {  	_ =	shalt  }
0x54: {  	_ =	shalt  }
0x55: {  	_ =	shalt  }
0x56: {  	_ =	shalt  }
0x57: {  	_ =	shalt  }
0x58: {  	_ =	shalt  }
0x59: {  	_ =	shalt  }
0x5a: {  	_ =	shalt  }
0x5b: {  	_ =	shalt  }
0x5c: {  	_ =	shalt  }
0x5d: {  	_ =	shalt  }
0x5e: {  	_ =	shalt  }
0x5f: {  	_ =	shalt  }
0x60: {  	_ =	shalt  }
0x61: {  	_ =	shalt  }
0x62: {  	_ =	shalt  }
0x63: {  	_ =	shalt  }
0x64: {  	_ =	shalt  }
0x65: {  	_ =	shalt  }
0x66: {  	_ =	shalt  }
0x67: {  	_ =	shalt  }
0x68: {  	_ =	shalt  }
0x69: {  	_ =	shalt  }
0x6a: {  	_ =	shalt  }
0x6b: {  	_ =	shalt  }
0x6c: {  	_ =	shalt  }
0x6d: {  	_ =	shalt  }
0x6e: {  	_ =	shalt  }
0x6f: {  	_ =	shalt  }
0x70: {  	_ =	shalt  }
0x71: {  	_ =	shalt  }
0x72: {  	_ =	shalt  }
0x73: {  	_ =	shalt  }
0x74: {  	_ =	shalt  }
0x75: {  	_ =	shalt  }
0x76: {  	_ =	shalt  }
0x77: {  	_ =	shalt  }
0x78: {  	_ =	shalt  }
0x79: {  	_ =	shalt  }
0x7a: {  	_ =	shalt  }
0x7b: {  	_ =	shalt  }
0x7c: {  	_ =	shalt  }
0x7d: {  	_ =	shalt  }
0x7e: {  	_ =	shalt  }
0x7f: {  	_ =	shalt  }
0x80: {  	_ =	shalt  }
0x81: {  	_ =	shalt  }
0x82: {  	_ =	shalt  }
0x83: {  	_ =	shalt  }
0x84: {  	_ =	shalt  }
0x85: {  	_ =	shalt  }
0x86: {  	_ =	shalt  }
0x87: {  	_ =	shalt  }
.Lfunc_end0:
.L_simem_size_0:
called_computation.1_lowered:
.L_overlay_start_0:
0x88: {  	s2 =	sld [smem:$0x3FD9]  }
0x89: {  	s3 =	sld [smem:$0x3FFE];
	_ =	sdelay $0x1  }
0x8a: {  	s1 =	srdreg.scid  }
0x8b: {  	s0 =	sand.u32 $0x1, s1  }
0x8c: {  	s17 =	sshll.u32 s0, $0xA;
	s2 =	sadd.s32 s3, s2  }
0x8d: {  	s2 =	sadd.s32 s2, s17  }
0x8e: {  	[smem:$0x3FC4] =	sst s2  }
0x8f: {  	_ = 	snop  }
0x90: {  	s18 =	sld [smem:$0x3FC9];
	(tm) =	ssettm $0x1  }
0x91: {  	s19 =	sld [smem:$0x3FFB];
	_ =	sdelay $0x3  }
0x92: {  	_ =	strace s19  }
0x93: {  	s2 =	sld [smem:$0x3FFC];
	_ =	sdelay $0x3  }
0x94: {  	_ =	strace s2  }
0x95: {  	s2 =	sld [smem:$0x3FFD];
	_ =	sdelay $0x3  }
0x96: {  	_ =	strace s2  }
0x97: {  	_ =	strace $0x8FFFFFFF  }
0x98: {  	s20 =	sld [smem:$0x3FDB];
	_ =	sdelay $0x1  }
0x99: {  	s4 =	simm.s32 $_scs_section_size  }
0x9a: {  	s5 =	simm.s32 $_size__tile_overlayer_lowered;
	s6 =	simm.s32 $_tile_overlayer_lowered  }
0x9b: {  	s7 =	simm.s32 $0x1BFF;
	s21 =	sshll.u32 s6, $0x1;
	s4 =	sadd.s32 s4, s20  }
0x9c: {  	s22 =	simm.s32 $0x0;
	s5 =	sshll.u32 s5, $0x1;
	s6 =	sadd.s32 s21, s4  }
0x9d: {  	[timem:s22], [sflag:s7] =	dma.local [hbm:s6], s5  }
0x9e: {  	_ =	swait.ge [sflag:s7], s5  }
0x9f: {  	s5 =	ssub.s32 $0x0, s5;
	[sflag:s7] =	ssyncset.done $0x0  }
0xa0: {  	[sflag:s7] =	ssyncadd.s32 s5;
	_ =	sdelay $0x1  }
0xa1: {  	s23 =	simm.s32 $0x1B8B  }
0xa2: {  	_ =	swait.ge [sflag:s23], $0x1  }
0xa3: {  	[sflag:s23] =	ssyncset.done $0x0  }
0xa4: {  	[sflag:s23] =	ssyncadd.s32 $0xFFFFFFFF  }
0xa5: {  	s5 =	sld [smem:$0x0]  }
0xa6: {  	s6 =	sand.u32 $0xFFFFFFFE, s1  }
0xa7: {  	p0 =	sne.s32 s1, s6  }
0xa8: {  	s6 =	sshll.u32 @p0 s6, $0xE  }
0xa9: {  	s6 =	sadd.s32 @p0 $0x11B8D, s6;
	s7 =	sshll.u32 @p0 s5, $0x11  }
0xaa: {  	s6 =	sor.u32 @p0 s7, s6  }
0xab: {  	[sflag:s6] =	ssyncadd.remote.s32 @p0 $0x1;
	_ =	sdelay $0x1  }
0xac: {  	s6 =	simm.s32 @p0 $0x1B8D  }
0xad: {  	_ =	swait.eq @p0 [sflag:s6], $0x1  }
0xae: {  	[sflag:s6] =	ssyncadd.s32 @p0 $0xFFFFFFFF  }
0xaf: {  	s7 =	sshll.u32 @!p0 s1, $0xE  }
0xb0: {  	s7 =	sor.u32 @!p0 $0x4000, s7;
	s6 =	simm.s32 @!p0 $0x1B8D  }
0xb1: {  	s5 =	sshll.u32 @!p0 s5, $0x11;
	s7 =	sadd.s32 @!p0 $0x11B8D, s7;
	_ =	swait.eq @!p0 [sflag:s6], $0x1  }
0xb2: {  	s5 =	sor.u32 @!p0 s5, s7;
	[sflag:s6] =	ssyncadd.s32 @!p0 $0xFFFFFFFF  }
0xb3: {  	s25 =	simm.s32 $0x1B8E;
	s24 =	sld [smem:$0x3FFE];
	[sflag:s5] =	ssyncadd.remote.s32 @!p0 $0x1  }
0xb4: {  	s26 =	simm.s32 $execute0_lowered;
	[smem:$0x3FD2] =	sst s25  }
0xb5: {  	s6 =	sshll.u32 s26, $0x1;
	_ =	strace $0x80000052;
	[dreg:$0x1] =	wrdreg $0xFFFFFFFF  }
0xb6: {  	s28 =	simm.s32 $_size_execute0_lowered;
	s4 =	sadd.s32 s4, s6;
	[dreg:$0x0] =	wrdreg $0x0  }
0xb7: {  	s6 =	sshll.u32 s28, $0x1;
	[dreg:$0x2] =	wrdreg s4  }
0xb8: {  	[dreg:$0x3] =	wrdreg s6  }
0xb9: {  	[dreg:$0x4] =	wrdreg $0xC0  }
0xba: {  	_ =	task [dreg:s22], $0x5FFFF  }
0xbb: {  	[dreg:$0x1] =	wrdreg $0xFFFFFFFF  }
0xbc: {  	[dreg:$0x0] =	wrdreg $0x60  }
0xbd: {  	[dreg:$0x2] =	wrdreg s18  }
0xbe: {  	[dreg:$0x3] =	wrdreg s24  }
0xbf: {  	[dreg:$0x4] =	wrdreg $0x9  }
0xc0: {  	_ =	task.clear_ibuf [dreg:s22], $0x5FFFF;
	_ =	strace $0x90000052  }
0xc1: {  	s29 =	simm.s32 $0x9;
	_ =	strace $0x80000054  }
0xc2: {  	_ =	swait.ge [sflag:s29], $0x1  }
0xc3: {  	[sflag:s29] =	ssyncadd.s32 $0xFFFFFFFF  }
0xc4: {  	_ =	strace $0x90000054  }
0xc5: {  	_ =	sfence  }
0xc6: {  	s30 =	sld [smem:$0x0];
	_ =	sdelay $0x2  }
0xc7: {  	s31 =	sshll.u32 s1, $0xD;
	s1 =	sshrl.u32 s1, $0x2  }
0xc8: {  	s4 =	sand.u32 $0x4000, s31;
	s1 =	sadd.s32 s1, s30  }
0xc9: {  	s0 =	sor.u32 s4, s0;
	s1 =	sshll.u32 s1, $0x11  }
0xca: {  	s0 =	sor.u32 s1, s0  }
0xcb: {  	s0 =	sadd.s32 $0x8F2B, s0  }
0xcc: {  	[sflag:s0] =	ssyncadd.remote.s32 $0x1  }
0xcd: {  	_ =	sfence.sel $0xFFFF  }
0xce: {  	[dreg:$0x0] =	wrdreg $0xFFFFFFFF;
	(pc) =	sbr.abs _section_cstart, $3  }
0xcf: {  	[dreg:$0x1] =	wrdreg $0xFFFFFFFF  }
0xd0: {  	_ =	task.clear_ibuf [dreg:s22], $0x2FFFF;
	_ =	strace $0x9FFFFFFF  }
0xd1: {  	(tm) =	ssettm $0x7FFFFFFF  }
tec
execute0_lowered:
.L_overlay_start_1:
0x0: {  	(tag) =	ssettag $0x1  }
0x1: {  	s2 =	rddreg [dreg:$0x0];
	s0 =	srdreg.scid  }
0x2: {  	s3 =	stileid.u32;
	s1 =	rddreg [dreg:$0x1];
	s22 =	simm.s32 $0x1  }
0x3: {  	s23 =	simm.s32 $0x2;
	s28 =	simm.s32 $0x1900;
	s29 =	simm.s32 $0x2100  }
0x4: {  	s30 =	simm.s32 $0x2900;
	s31 =	simm.s32 $0x3100;
	s10 =	simm.s32 $0x4900  }
0x5: {  	s11 =	simm.s32 $0x5100;
	s12 =	simm.s32 $0x5900;
	s13 =	simm.s32 $0x6100  }
0x6: {  	s14 =	simm.s32 $0x6900;
	s15 =	simm.s32 $0x7100;
	s16 =	simm.s32 $0x7900  }
0x7: {  	s17 =	simm.s32 $0x8100;
	s18 =	simm.s32 $0x8900;
	s19 =	simm.s32 $0x9100  }
0x8: {  	s20 =	simm.s32 $0x9900;
	s21 =	simm.s32 $0xA100;
	s9 =	simm.s32 $0xB100  }
0x9: {  	s0 =	sand.u32 $0x1, s0;
	s4 =	sshll.u32 s3, $0x1;
	s3 =	simm.s32 $0x0  }
0xa: {  	s4 =	sor.u32 s0, s4;
	[smem:$0x7FF] =	sst s3;
	s0 =	ssub.s32 $0x2, s0  }
0xb: {  	s5 =	sshll.u32 s4, $0x5;
	_ =	strace $0x80000053;
	s6 =	smul.u32 $0x24000, s4  }
0xc: {  	s7 =	sshrl.u32 s0, $0x1;
	s8 =	smul.u32 $0x4800, s4;
	s4 =	sadd.s32 $0x100, s2  }
0xd: {  	s5 =	sadd.s32 s5, s1;
	s1 =	sadd.s32 $0x1F2A00, s1;
	s0 =	ssub.s32 s0, s7  }
0xe: {  	s5 =	sadd.s32 $0x1F2600, s5;
	s25 =	sshrl.u32 s6, $0x3;
	s26 =	sadd.s32 s1, s8  }
0xf: {  	s6 =	sadd.s32 $0x300, s2;
	s7 =	smax.u32 s0, $0x1;
	s8 =	simm.s32 $0xA900  }
0x10: {  	v2 =	vlaneseq.u32;
	[dreg:$0x3] =	wrdreg s5;
	s1 =	sadd.s32 s1, s25;
	s5 =	sadd.s32 $0x200, s2  }
0x11: {  	vm0 =	vmmov $0xffff;
	v1 =	vshrl.u32 v2, $0x3;
	[dreg:$0x4] =	wrdreg s26;
	s25 =	simm.s32 $0x900;
	s1 =	sadd.s32 $0x2400, s1  }
0x12: {  	v0 =	vand.u32 $0x7, v2;
	v2 =	vor.u32 $0x8, v2;
	v1 =	vmul.u32 $0x8, v1;
	s26 =	simm.s32 $0x1100;
	[dreg:$0x5] =	wrdreg s1;
	s1 =	simm.s32 $0x3900  }
.LBB2_1:
0x13: {  	s24 =	rddreg [dreg:$0x3];
	s0 =	simm.s32 $0x3  }
0x14: {  	[tilespmem:s3], [sflag:$0x3] =	stream.linear.gather [hbm4b:s24+s3], $0x100, $0x38;
	[tilespmem:$0x12100] =	vst v63  }
0x15: {  	_ =	swait.ge [sflag:s0], $0x100  }
0x16: {  	[sflag:s0] =	ssyncset.done $0x0  }
0x17: {  	[sflag:s0] =	ssyncadd.s32 $0xFFFFFF00  }
0x18: {  	v3 =	vld [tilespmem:$0x0];
	_ =	sdelay $0x4  }
0x19: {  	v4 =	vshll.u32 v3, $0x3  }
0x1a: {  	v3 =	vand.u32 $0x7, v3;
	v4 =	vand.u32 $0xFFFFFFC0, v4  }
0x1b: {  	v3 =	vor.u32 v3, v4  }
0x1c: {  	v4 =	vperm.xlane v3, v0;
	_ =	sdelay $0x1  }
0x1d: {  	v4 =	vadd.s32 v1, v4;
	_ =	sdelay $0x3  }
0x1e: {  	s24 =	simm.s32 $0x100  }
0x1f: {  	[tilespmem:s24], [sflag:$0x1] =	stream.indirect_vreg.gather [hbm4b:s2+s3], $0x80, v4, vm0, $0xb8;
	[tilespmem:$0x12100] =	vst v63  }
0x20: {  	v3 =	vperm.xlane v3, v2  }
0x21: {  	[tilespmem:s25], [sflag:$0x1] =	stream.indirect_vreg.gather [hbm4b:s4+s3], $0x80, v4, vm0, $0xb8;
	[tilespmem:$0x12100] =	vst v63  }
0x22: {  	v3 =	vadd.s32 v1, v3  }
0x23: {  	[tilespmem:s26], [sflag:$0x1] =	stream.indirect_vreg.gather [hbm4b:s5+s3], $0x80, v4, vm0, $0xb8;
	[tilespmem:$0x12100] =	vst v63  }
0x24: {  	_ = 	snop  }
0x25: {  	[tilespmem:s28], [sflag:$0x1] =	stream.indirect_vreg.gather [hbm4b:s6+s3], $0x80, v4, vm0, $0xb8;
	[tilespmem:$0x12100] =	vst v63  }
0x26: {  	_ = 	snop  }
0x27: {  	[tilespmem:s29], [sflag:$0x1] =	stream.indirect_vreg.gather [hbm4b:s2+s3], $0x80, v3, vm0, $0xb8;
	[tilespmem:$0x12100] =	vst v63  }
0x28: {  	_ = 	snop  }
0x29: {  	[tilespmem:s30], [sflag:$0x1] =	stream.indirect_vreg.gather [hbm4b:s4+s3], $0x80, v3, vm0, $0xb8;
	[tilespmem:$0x12100] =	vst v63  }
0x2a: {  	_ = 	snop  }
0x2b: {  	[tilespmem:s31], [sflag:$0x1] =	stream.indirect_vreg.gather [hbm4b:s5+s3], $0x80, v3, vm0, $0xb8;
	[tilespmem:$0x12100] =	vst v63  }
0x2c: {  	_ = 	snop  }
0x2d: {  	[tilespmem:s1], [sflag:$0x1] =	stream.indirect_vreg.gather [hbm4b:s6+s3], $0x80, v3, vm0, $0xb8;
	[tilespmem:$0x12100] =	vst v63  }
0x2e: {  	v3 =	vld [tilespmem:$0x10];
	_ =	sdelay $0x4  }
0x2f: {  	v55 =	vshll.u32 v3, $0x3  }
0x30: {  	v3 =	vand.u32 $0x7, v3;
	v4 =	vand.u32 $0xFFFFFFC0, v55  }
0x31: {  	v3 =	vor.u32 v3, v4  }
0x32: {  	v4 =	vperm.xlane v3, v0;
	_ =	sdelay $0x1  }
0x33: {  	v4 =	vadd.s32 v1, v4;
	_ =	sdelay $0x3  }
0x34: {  	s24 =	simm.s32 $0x4100  }
0x35: {  	[tilespmem:s24], [sflag:$0x1] =	stream.indirect_vreg.gather [hbm4b:s2+s3], $0x80, v4, vm0, $0xb8;
	[tilespmem:$0x12100] =	vst v63  }
0x36: {  	v3 =	vperm.xlane v3, v2  }
0x37: {  	[tilespmem:s10], [sflag:$0x1] =	stream.indirect_vreg.gather [hbm4b:s4+s3], $0x80, v4, vm0, $0xb8;
	[tilespmem:$0x12100] =	vst v63  }
0x38: {  	v3 =	vadd.s32 v1, v3  }
0x39: {  	[tilespmem:s11], [sflag:$0x1] =	stream.indirect_vreg.gather [hbm4b:s5+s3], $0x80, v4, vm0, $0xb8;
	[tilespmem:$0x12100] =	vst v63  }
0x3a: {  	_ = 	snop  }
0x3b: {  	[tilespmem:s12], [sflag:$0x1] =	stream.indirect_vreg.gather [hbm4b:s6+s3], $0x80, v4, vm0, $0xb8;
	[tilespmem:$0x12100] =	vst v63  }
0x3c: {  	_ = 	snop  }
0x3d: {  	[tilespmem:s13], [sflag:$0x1] =	stream.indirect_vreg.gather [hbm4b:s2+s3], $0x80, v3, vm0, $0xb8;
	[tilespmem:$0x12100] =	vst v63  }
0x3e: {  	_ = 	snop  }
0x3f: {  	[tilespmem:s14], [sflag:$0x1] =	stream.indirect_vreg.gather [hbm4b:s4+s3], $0x80, v3, vm0, $0xb8;
	[tilespmem:$0x12100] =	vst v63  }
0x40: {  	_ = 	snop  }
0x41: {  	[tilespmem:s15], [sflag:$0x1] =	stream.indirect_vreg.gather [hbm4b:s5+s3], $0x80, v3, vm0, $0xb8;
	[tilespmem:$0x12100] =	vst v63  }
0x42: {  	_ = 	snop  }
0x43: {  	[tilespmem:s16], [sflag:$0x1] =	stream.indirect_vreg.gather [hbm4b:s6+s3], $0x80, v3, vm0, $0xb8;
	[tilespmem:$0x12100] =	vst v63  }
0x44: {  	v3 =	vld [tilespmem:$0x20];
	_ =	sdelay $0x4  }
0x45: {  	v56 =	vshll.u32 v3, $0x3  }
0x46: {  	v3 =	vand.u32 $0x7, v3;
	v4 =	vand.u32 $0xFFFFFFC0, v56  }
0x47: {  	v3 =	vor.u32 v3, v4  }
0x48: {  	v4 =	vperm.xlane v3, v0;
	_ =	sdelay $0x1  }
0x49: {  	v4 =	vadd.s32 v1, v4;
	_ =	sdelay $0x4  }
0x4a: {  	[tilespmem:s17], [sflag:$0x1] =	stream.indirect_vreg.gather [hbm4b:s2+s3], $0x80, v4, vm0, $0xb8;
	[tilespmem:$0x12100] =	vst v63  }
0x4b: {  	v3 =	vperm.xlane v3, v2  }
0x4c: {  	[tilespmem:s18], [sflag:$0x1] =	stream.indirect_vreg.gather [hbm4b:s4+s3], $0x80, v4, vm0, $0xb8;
	[tilespmem:$0x12100] =	vst v63  }
0x4d: {  	v3 =	vadd.s32 v1, v3  }
0x4e: {  	[tilespmem:s19], [sflag:$0x1] =	stream.indirect_vreg.gather [hbm4b:s5+s3], $0x80, v4, vm0, $0xb8;
	[tilespmem:$0x12100] =	vst v63  }
0x4f: {  	_ = 	snop  }
0x50: {  	[tilespmem:s20], [sflag:$0x1] =	stream.indirect_vreg.gather [hbm4b:s6+s3], $0x80, v4, vm0, $0xb8;
	[tilespmem:$0x12100] =	vst v63  }
0x51: {  	_ = 	snop  }
0x52: {  	[tilespmem:s21], [sflag:$0x1] =	stream.indirect_vreg.gather [hbm4b:s2+s3], $0x80, v3, vm0, $0xb8;
	[tilespmem:$0x12100] =	vst v63  }
0x53: {  	_ = 	snop  }
0x54: {  	[tilespmem:s8], [sflag:$0x1] =	stream.indirect_vreg.gather [hbm4b:s4+s3], $0x80, v3, vm0, $0xb8;
	[tilespmem:$0x12100] =	vst v63  }
0x55: {  	_ = 	snop  }
0x56: {  	[tilespmem:s9], [sflag:$0x1] =	stream.indirect_vreg.gather [hbm4b:s5+s3], $0x80, v3, vm0, $0xb8;
	[tilespmem:$0x12100] =	vst v63  }
0x57: {  	s24 =	simm.s32 $0xB900  }
0x58: {  	[tilespmem:s24], [sflag:$0x1] =	stream.indirect_vreg.gather [hbm4b:s6+s3], $0x80, v3, vm0, $0xb8;
	[tilespmem:$0x12100] =	vst v63  }
0x59: {  	v3 =	vld [tilespmem:$0x30];
	_ =	sdelay $0x4  }
0x5a: {  	v57 =	vshll.u32 v3, $0x3  }
0x5b: {  	v3 =	vand.u32 $0x7, v3;
	v4 =	vand.u32 $0xFFFFFFC0, v57  }
0x5c: {  	v3 =	vor.u32 v3, v4  }
0x5d: {  	v4 =	vperm.xlane v3, v0;
	_ =	sdelay $0x1  }
0x5e: {  	v4 =	vadd.s32 v1, v4;
	_ =	sdelay $0x3  }
0x5f: {  	s24 =	simm.s32 $0xC100  }
0x60: {  	[tilespmem:s24], [sflag:$0x1] =	stream.indirect_vreg.gather [hbm4b:s2+s3], $0x80, v4, vm0, $0xb8;
	[tilespmem:$0x12100] =	vst v63  }
0x61: {  	v3 =	vperm.xlane v3, v2;
	s24 =	simm.s32 $0xC900  }
0x62: {  	[tilespmem:s24], [sflag:$0x1] =	stream.indirect_vreg.gather [hbm4b:s4+s3], $0x80, v4, vm0, $0xb8;
	[tilespmem:$0x12100] =	vst v63  }
0x63: {  	v3 =	vadd.s32 v1, v3;
	s24 =	simm.s32 $0xD100  }
0x64: {  	[tilespmem:s24], [sflag:$0x1] =	stream.indirect_vreg.gather [hbm4b:s5+s3], $0x80, v4, vm0, $0xb8;
	[tilespmem:$0x12100] =	vst v63  }
0x65: {  	s24 =	simm.s32 $0xD900  }
0x66: {  	[tilespmem:s24], [sflag:$0x1] =	stream.indirect_vreg.gather [hbm4b:s6+s3], $0x80, v4, vm0, $0xb8;
	[tilespmem:$0x12100] =	vst v63  }
0x67: {  	s24 =	simm.s32 $0xE100  }
0x68: {  	[tilespmem:s24], [sflag:$0x1] =	stream.indirect_vreg.gather [hbm4b:s2+s3], $0x80, v3, vm0, $0xb8;
	[tilespmem:$0x12100] =	vst v63  }
0x69: {  	s24 =	simm.s32 $0xE900  }
0x6a: {  	[tilespmem:s24], [sflag:$0x1] =	stream.indirect_vreg.gather [hbm4b:s4+s3], $0x80, v3, vm0, $0xb8;
	[tilespmem:$0x12100] =	vst v63  }
0x6b: {  	s24 =	simm.s32 $0xF100  }
0x6c: {  	[tilespmem:s24], [sflag:$0x1] =	stream.indirect_vreg.gather [hbm4b:s5+s3], $0x80, v3, vm0, $0xb8;
	[tilespmem:$0x12100] =	vst v63  }
0x6d: {  	s24 =	simm.s32 $0xF900  }
0x6e: {  	[tilespmem:s24], [sflag:$0x1] =	stream.indirect_vreg.gather [hbm4b:s6+s3], $0x80, v3, vm0, $0xb8;
	[tilespmem:$0x12100] =	vst v63  }
0x6f: {  	v3 =	vld.msk [tilespmem:$0x40], $0xff;
	_ =	sdelay $0x4  }
0x70: {  	v58 =	vshll.u32 v3, $0x3  }
0x71: {  	v3 =	vand.u32 $0x7, v3;
	v4 =	vand.u32 $0xFFFFFFC0, v58  }
0x72: {  	v3 =	vor.u32 v3, v4  }
0x73: {  	v3 =	vperm.xlane v3, v0;
	_ =	sdelay $0x1  }
0x74: {  	v3 =	vadd.s32 v1, v3;
	_ =	sdelay $0x3  }
0x75: {  	s24 =	simm.s32 $0x10100  }
0x76: {  	[tilespmem:s24], [sflag:$0x1] =	stream.indirect_vreg.gather [hbm4b:s2+s3], $0x80, v3, vm0, $0xb8;
	[tilespmem:$0x12100] =	vst v63  }
0x77: {  	s24 =	simm.s32 $0x10900  }
0x78: {  	[tilespmem:s24], [sflag:$0x1] =	stream.indirect_vreg.gather [hbm4b:s4+s3], $0x80, v3, vm0, $0xb8;
	[tilespmem:$0x12100] =	vst v63  }
0x79: {  	s24 =	simm.s32 $0x11100  }
0x7a: {  	[tilespmem:s24], [sflag:$0x1] =	stream.indirect_vreg.gather [hbm4b:s5+s3], $0x80, v3, vm0, $0xb8;
	[tilespmem:$0x12100] =	vst v63  }
0x7b: {  	s24 =	simm.s32 $0x11900  }
0x7c: {  	[tilespmem:s24], [sflag:$0x1] =	stream.indirect_vreg.gather [hbm4b:s6+s3], $0x80, v3, vm0, $0xb8;
	[tilespmem:$0x12100] =	vst v63  }
0x7d: {  	_ =	swait.ge [sflag:s22], $0x12000  }
0x7e: {  	[sflag:s22] =	ssyncset.done $0x0  }
0x7f: {  	s0 =	simm.s32 $0x100;
	s24 =	rddreg [dreg:$0x4];
	[sflag:s22] =	ssyncadd.s32 $0xFFFEE000  }
0x80: {  	[hbm4b:s24+s3] =	stream.linear.scatter [tilespmem:s0], [sflag:$0x2], $0x12000, $0x38;
	[tilespmem:$0x12100] =	vst v63  }
0x81: {  	_ =	swait.ge [sflag:s23], $0x12000  }
0x82: {  	[sflag:s23] =	ssyncset.done $0x0  }
0x83: {  	[sflag:s23] =	ssyncadd.s32 $0xFFFEE000  }
0x84: {  	v3 =	vld [tilespmem:$0x80];
	_ =	sdelay $0x4  }
0x85: {  	v59 =	vshll.u32 v3, $0x3  }
0x86: {  	v3 =	vand.u32 $0x7, v3;
	v4 =	vand.u32 $0xFFFFFFC0, v59  }
0x87: {  	v3 =	vor.u32 v3, v4  }
0x88: {  	v4 =	vperm.xlane v3, v0;
	_ =	sdelay $0x1  }
0x89: {  	v4 =	vadd.s32 v1, v4;
	_ =	sdelay $0x4  }
0x8a: {  	[tilespmem:s0], [sflag:$0x1] =	stream.indirect_vreg.gather [hbm4b:s2+s3], $0x80, v4, vm0, $0xb8;
	[tilespmem:$0x12100] =	vst v63  }
0x8b: {  	v3 =	vperm.xlane v3, v2  }
0x8c: {  	[tilespmem:s25], [sflag:$0x1] =	stream.indirect_vreg.gather [hbm4b:s4+s3], $0x80, v4, vm0, $0xb8;
	[tilespmem:$0x12100] =	vst v63  }
0x8d: {  	v3 =	vadd.s32 v1, v3  }
0x8e: {  	[tilespmem:s26], [sflag:$0x1] =	stream.indirect_vreg.gather [hbm4b:s5+s3], $0x80, v4, vm0, $0xb8;
	[tilespmem:$0x12100] =	vst v63  }
0x8f: {  	_ = 	snop  }
0x90: {  	[tilespmem:s28], [sflag:$0x1] =	stream.indirect_vreg.gather [hbm4b:s6+s3], $0x80, v4, vm0, $0xb8;
	[tilespmem:$0x12100] =	vst v63  }
0x91: {  	_ = 	snop  }
0x92: {  	[tilespmem:s29], [sflag:$0x1] =	stream.indirect_vreg.gather [hbm4b:s2+s3], $0x80, v3, vm0, $0xb8;
	[tilespmem:$0x12100] =	vst v63  }
0x93: {  	_ = 	snop  }
0x94: {  	[tilespmem:s30], [sflag:$0x1] =	stream.indirect_vreg.gather [hbm4b:s4+s3], $0x80, v3, vm0, $0xb8;
	[tilespmem:$0x12100] =	vst v63  }
0x95: {  	_ = 	snop  }
0x96: {  	[tilespmem:s31], [sflag:$0x1] =	stream.indirect_vreg.gather [hbm4b:s5+s3], $0x80, v3, vm0, $0xb8;
	[tilespmem:$0x12100] =	vst v63  }
0x97: {  	_ = 	snop  }
0x98: {  	[tilespmem:s1], [sflag:$0x1] =	stream.indirect_vreg.gather [hbm4b:s6+s3], $0x80, v3, vm0, $0xb8;
	[tilespmem:$0x12100] =	vst v63  }
0x99: {  	v3 =	vld [tilespmem:$0x90];
	_ =	sdelay $0x4  }
0x9a: {  	v60 =	vshll.u32 v3, $0x3  }
0x9b: {  	v3 =	vand.u32 $0x7, v3;
	v4 =	vand.u32 $0xFFFFFFC0, v60  }
0x9c: {  	v3 =	vor.u32 v3, v4  }
0x9d: {  	v4 =	vperm.xlane v3, v0;
	_ =	sdelay $0x1  }
0x9e: {  	v4 =	vadd.s32 v1, v4;
	_ =	sdelay $0x3  }
0x9f: {  	s24 =	simm.s32 $0x4100  }
0xa0: {  	[tilespmem:s24], [sflag:$0x1] =	stream.indirect_vreg.gather [hbm4b:s2+s3], $0x80, v4, vm0, $0xb8;
	[tilespmem:$0x12100] =	vst v63  }
0xa1: {  	v3 =	vperm.xlane v3, v2  }
0xa2: {  	[tilespmem:s10], [sflag:$0x1] =	stream.indirect_vreg.gather [hbm4b:s4+s3], $0x80, v4, vm0, $0xb8;
	[tilespmem:$0x12100] =	vst v63  }
0xa3: {  	v3 =	vadd.s32 v1, v3  }
0xa4: {  	[tilespmem:s11], [sflag:$0x1] =	stream.indirect_vreg.gather [hbm4b:s5+s3], $0x80, v4, vm0, $0xb8;
	[tilespmem:$0x12100] =	vst v63  }
0xa5: {  	_ = 	snop  }
0xa6: {  	[tilespmem:s12], [sflag:$0x1] =	stream.indirect_vreg.gather [hbm4b:s6+s3], $0x80, v4, vm0, $0xb8;
	[tilespmem:$0x12100] =	vst v63  }
0xa7: {  	_ = 	snop  }
0xa8: {  	[tilespmem:s13], [sflag:$0x1] =	stream.indirect_vreg.gather [hbm4b:s2+s3], $0x80, v3, vm0, $0xb8;
	[tilespmem:$0x12100] =	vst v63  }
0xa9: {  	_ = 	snop  }
0xaa: {  	[tilespmem:s14], [sflag:$0x1] =	stream.indirect_vreg.gather [hbm4b:s4+s3], $0x80, v3, vm0, $0xb8;
	[tilespmem:$0x12100] =	vst v63  }
0xab: {  	_ = 	snop  }
0xac: {  	[tilespmem:s15], [sflag:$0x1] =	stream.indirect_vreg.gather [hbm4b:s5+s3], $0x80, v3, vm0, $0xb8;
	[tilespmem:$0x12100] =	vst v63  }
0xad: {  	_ = 	snop  }
0xae: {  	[tilespmem:s16], [sflag:$0x1] =	stream.indirect_vreg.gather [hbm4b:s6+s3], $0x80, v3, vm0, $0xb8;
	[tilespmem:$0x12100] =	vst v63  }
0xaf: {  	v3 =	vld [tilespmem:$0xA0];
	_ =	sdelay $0x4  }
0xb0: {  	v61 =	vshll.u32 v3, $0x3  }
0xb1: {  	v3 =	vand.u32 $0x7, v3;
	v4 =	vand.u32 $0xFFFFFFC0, v61  }
0xb2: {  	v3 =	vor.u32 v3, v4  }
0xb3: {  	v4 =	vperm.xlane v3, v0;
	_ =	sdelay $0x1  }
0xb4: {  	v4 =	vadd.s32 v1, v4;
	_ =	sdelay $0x4  }
0xb5: {  	[tilespmem:s17], [sflag:$0x1] =	stream.indirect_vreg.gather [hbm4b:s2+s3], $0x80, v4, vm0, $0xb8;
	[tilespmem:$0x12100] =	vst v63  }
0xb6: {  	v3 =	vperm.xlane v3, v2  }
0xb7: {  	[tilespmem:s18], [sflag:$0x1] =	stream.indirect_vreg.gather [hbm4b:s4+s3], $0x80, v4, vm0, $0xb8;
	[tilespmem:$0x12100] =	vst v63  }
0xb8: {  	v3 =	vadd.s32 v1, v3  }
0xb9: {  	[tilespmem:s19], [sflag:$0x1] =	stream.indirect_vreg.gather [hbm4b:s5+s3], $0x80, v4, vm0, $0xb8;
	[tilespmem:$0x12100] =	vst v63  }
0xba: {  	_ = 	snop  }
0xbb: {  	[tilespmem:s20], [sflag:$0x1] =	stream.indirect_vreg.gather [hbm4b:s6+s3], $0x80, v4, vm0, $0xb8;
	[tilespmem:$0x12100] =	vst v63  }
0xbc: {  	_ = 	snop  }
0xbd: {  	[tilespmem:s21], [sflag:$0x1] =	stream.indirect_vreg.gather [hbm4b:s2+s3], $0x80, v3, vm0, $0xb8;
	[tilespmem:$0x12100] =	vst v63  }
0xbe: {  	_ = 	snop  }
0xbf: {  	[tilespmem:s8], [sflag:$0x1] =	stream.indirect_vreg.gather [hbm4b:s4+s3], $0x80, v3, vm0, $0xb8;
	[tilespmem:$0x12100] =	vst v63  }
0xc0: {  	_ = 	snop  }
0xc1: {  	[tilespmem:s9], [sflag:$0x1] =	stream.indirect_vreg.gather [hbm4b:s5+s3], $0x80, v3, vm0, $0xb8;
	[tilespmem:$0x12100] =	vst v63  }
0xc2: {  	s24 =	simm.s32 $0xB900  }
0xc3: {  	[tilespmem:s24], [sflag:$0x1] =	stream.indirect_vreg.gather [hbm4b:s6+s3], $0x80, v3, vm0, $0xb8;
	[tilespmem:$0x12100] =	vst v63  }
0xc4: {  	v3 =	vld [tilespmem:$0xB0];
	_ =	sdelay $0x4  }
0xc5: {  	v62 =	vshll.u32 v3, $0x3  }
0xc6: {  	v3 =	vand.u32 $0x7, v3;
	v4 =	vand.u32 $0xFFFFFFC0, v62  }
0xc7: {  	v3 =	vor.u32 v3, v4  }
0xc8: {  	v4 =	vperm.xlane v3, v0;
	_ =	sdelay $0x1  }
0xc9: {  	v4 =	vadd.s32 v1, v4;
	_ =	sdelay $0x3  }
0xca: {  	s24 =	simm.s32 $0xC100  }
0xcb: {  	[tilespmem:s24], [sflag:$0x1] =	stream.indirect_vreg.gather [hbm4b:s2+s3], $0x80, v4, vm0, $0xb8;
	[tilespmem:$0x12100] =	vst v63  }
0xcc: {  	v3 =	vperm.xlane v3, v2;
	s24 =	simm.s32 $0xC900  }
0xcd: {  	[tilespmem:s24], [sflag:$0x1] =	stream.indirect_vreg.gather [hbm4b:s4+s3], $0x80, v4, vm0, $0xb8;
	[tilespmem:$0x12100] =	vst v63  }
0xce: {  	v3 =	vadd.s32 v1, v3;
	s24 =	simm.s32 $0xD100  }
0xcf: {  	[tilespmem:s24], [sflag:$0x1] =	stream.indirect_vreg.gather [hbm4b:s5+s3], $0x80, v4, vm0, $0xb8;
	[tilespmem:$0x12100] =	vst v63  }
0xd0: {  	s24 =	simm.s32 $0xD900  }
0xd1: {  	[tilespmem:s24], [sflag:$0x1] =	stream.indirect_vreg.gather [hbm4b:s6+s3], $0x80, v4, vm0, $0xb8;
	[tilespmem:$0x12100] =	vst v63  }
0xd2: {  	s24 =	simm.s32 $0xE100  }
0xd3: {  	[tilespmem:s24], [sflag:$0x1] =	stream.indirect_vreg.gather [hbm4b:s2+s3], $0x80, v3, vm0, $0xb8;
	[tilespmem:$0x12100] =	vst v63  }
0xd4: {  	s24 =	simm.s32 $0xE900  }
0xd5: {  	[tilespmem:s24], [sflag:$0x1] =	stream.indirect_vreg.gather [hbm4b:s4+s3], $0x80, v3, vm0, $0xb8;
	[tilespmem:$0x12100] =	vst v63  }
0xd6: {  	s24 =	simm.s32 $0xF100  }
0xd7: {  	[tilespmem:s24], [sflag:$0x1] =	stream.indirect_vreg.gather [hbm4b:s5+s3], $0x80, v3, vm0, $0xb8;
	[tilespmem:$0x12100] =	vst v63  }
0xd8: {  	s24 =	simm.s32 $0xF900  }
0xd9: {  	[tilespmem:s24], [sflag:$0x1] =	stream.indirect_vreg.gather [hbm4b:s6+s3], $0x80, v3, vm0, $0xb8;
	[tilespmem:$0x12100] =	vst v63  }
0xda: {  	v3 =	vld.msk [tilespmem:$0xC0], $0xff;
	_ =	sdelay $0x4  }
0xdb: {  	v63 =	vshll.u32 v3, $0x3  }
0xdc: {  	v3 =	vand.u32 $0x7, v3;
	v4 =	vand.u32 $0xFFFFFFC0, v63  }
0xdd: {  	v3 =	vor.u32 v3, v4  }
0xde: {  	v3 =	vperm.xlane v3, v0;
	_ =	sdelay $0x1  }
0xdf: {  	v3 =	vadd.s32 v1, v3;
	_ =	sdelay $0x3  }
0xe0: {  	s24 =	simm.s32 $0x10100  }
0xe1: {  	[tilespmem:s24], [sflag:$0x1] =	stream.indirect_vreg.gather [hbm4b:s2+s3], $0x80, v3, vm0, $0xb8;
	[tilespmem:$0x12100] =	vst v63  }
0xe2: {  	s24 =	simm.s32 $0x10900  }
0xe3: {  	[tilespmem:s24], [sflag:$0x1] =	stream.indirect_vreg.gather [hbm4b:s4+s3], $0x80, v3, vm0, $0xb8;
	[tilespmem:$0x12100] =	vst v63  }
0xe4: {  	s24 =	simm.s32 $0x11100  }
0xe5: {  	[tilespmem:s24], [sflag:$0x1] =	stream.indirect_vreg.gather [hbm4b:s5+s3], $0x80, v3, vm0, $0xb8;
	[tilespmem:$0x12100] =	vst v63  }
0xe6: {  	s24 =	simm.s32 $0x11900  }
0xe7: {  	[tilespmem:s24], [sflag:$0x1] =	stream.indirect_vreg.gather [hbm4b:s6+s3], $0x80, v3, vm0, $0xb8;
	[tilespmem:$0x12100] =	vst v63  }
0xe8: {  	_ =	swait.ge [sflag:s22], $0x12000  }
0xe9: {  	p0 =	sne.s32 s7, $0x1;
	s0 =	simm.s32 $0x100;
	[sflag:s22] =	ssyncset.done $0x0  }
.Ltmp0:
0xea: {  	s24 =	rddreg [dreg:$0x5];
	[sflag:s22] =	ssyncadd.s32 $0xFFFEE000;
	(pc) =	sbr.rel @p0 .LBB2_1-.Ltmp0, $4  }
0xeb: {  	[hbm4b:s24+s3] =	stream.linear.scatter [tilespmem:s0], [sflag:$0x2], $0x12000, $0x38;
	[tilespmem:$0x12100] =	vst v63  }
0xec: {  	_ =	swait.ge [sflag:s23], $0x12000  }
0xed: {  	[sflag:s23] =	ssyncset.done $0x0  }
0xee: {  	s7 =	sadd.s32 $0xFFFFFFFF, s7;
	[sflag:s23] =	ssyncadd.s32 $0xFFFEE000  }
0xef: {  	_ =	sfence.sel $0x180000  }
0xf0: {  	[bflag:$0x0] =	sbarrier.arrive $0xFFFF  }
0xf1: {  	_ =	strace $0x90000053  }
0xf2: {  	s0 =	stileid.u32;
	[bflag:$0x2] =	sbarrier.arrive $0xFFFF  }
0xf3: {  	p0 =	sne.s32 s0, $0x0;
	s0 =	rddreg [dreg:$0x2]  }
0xf4: {  	s0 =	sadd.s32 @!p0 $0x100000, s0  }
0xf5: {  	[sflag:s0] =	ssyncadd.tile.s32 @!p0 $0x1;
	_ =	shalt  }
.Lfunc_end2:
_tile_overlayer_lowered:
.L_overlay_start_2:
0xf6: {  	(tag) =	ssettag $0x2  }
0xf7: {  	s0 =	rddreg [dreg:$0x0];
	s2 =	stileid.u32  }
0xf8: {  	s1 =	rddreg [dreg:$0x1];
	p0 =	sne.s32 s2, $0x0  }
0xf9: {  	s3 =	rddreg [dreg:$0x2];
	[bflag:$0x3] =	sbarrier.arrive $0xFFFF;
	s2 =	simm.s32 @!p0 $0x1C03  }
0xfa: {  	[timem:s3], [sflag:s2] =	dma.local @!p0 [hbm:s0], s1  }
0xfb: {  	s0 =	simm.s32 @!p0 $0x3  }
0xfc: {  	_ =	swait.ge @!p0 [sflag:s0], s1  }
0xfd: {  	s1 =	ssub.s32 @!p0 $0x0, s1;
	[sflag:s0] =	ssyncset.done @!p0 $0x0  }
0xfe: {  	[sflag:s0] =	ssyncadd.s32 @!p0 s1  }
0xff: {  	[bflag:$0x3] =	sbarrier.arrive $0xFFFF  }
0x100: {  	_ =	shalt  }

// kernel: kernel.16.cloned.1.call-start
scs
__scs_entry_jumppad:
0x0: {  	(pc) =	sbr.rel $0x88, $3  }
0x1: {  	(tag) =	ssettag $0x0;
	lr =	simm.s32 $0x1  }
0x2: {  	[smem:$0x3F9D] =	sst lr;
	_ =	strace $0xD0000000  }
0x3: {  	_ = 	snop  }
0x4: {  	_ = 	snop  }
0x5: {  	_ = 	snop  }
0x6: {  	_ = 	snop  }
0x7: {  	_ = 	snop  }
__scs_overlays_trampoline_lowered:
0x8: {  	[smem:$0x3FAC] =	sst s0  }
0x9: {  	[smem:$0x3FAD] =	sst s1  }
0xa: {  	[smem:$0x3FAE] =	sst s2  }
0xb: {  	[smem:$0x3FAF] =	sst s3  }
0xc: {  	[smem:$0x3FB0] =	sst s4  }
0xd: {  	[smem:$0x3FB1] =	sst s5  }
0xe: {  	[smem:$0x3FB2] =	sst s6  }
0xf: {  	[smem:$0x3FB3] =	sst s7  }
0x10: {  	[smem:$0x3FB4] =	sst s8  }
0x11: {  	[smem:$0x3FB5] =	sst s9;
	s0 =	simm.s32 @!p0 $0x0  }
0x12: {  	s1 =	sld [smem:$0x3F9B];
	s0 =	simm.s32 @p0 $0x1  }
0x13: {  	[smem:$0x3FB6] =	sst s0;
	s0 =	simm.s32 @!p1 $0x0  }
0x14: {  	s2 =	sld [smem:$0x3F9A];
	s0 =	simm.s32 @p1 $0x1  }
0x15: {  	[smem:$0x3FB7] =	sst s0;
	s0 =	simm.s32 @!p2 $0x0  }
0x16: {  	s3 =	sld [smem:$0x3FDB];
	s0 =	simm.s32 @p2 $0x1  }
0x17: {  	s4 =	simm.s32 $0x1BF5;
	[smem:$0x3FB9] =	sst s0  }
0x18: {  	s0 =	sld [smem:$0x3F9C];
	_ =	swait.ge [sflag:s4], $0x0  }
0x19: {  	s7 =	sld [smem:$0x3F9D]  }
0x1a: {  	s8 =	sadd.s32 $0xFFFFE003, lr  }
0x1b: {  	s9 =	sadd.s32 $0xFFFFFEF7, lr;
	s5 =	simm.s32 $0xFFFFFFFF;
	p2 =	slt.u32 s8, $0xFFFFF086  }
0x1c: {  	p1 =	slt.u32 s9, $0xF7A;
	s5 =	simm.s32 @!p2 $0x0  }
0x1d: {  	s5 =	simm.s32 @p1 $0x1;
	p0 =	seq.s32 s7, s2  }
0x1e: {  	s7 =	smul.u32 @!p0 $0xF7A, s2;
	p2 =	seq.s32 @!p0 s5, $0x0  }
0x1f: {  	s9 =	smul.u32 $0xF7A, s1;
	s8 =	simm.s32 @!p0 $0x1BF5;
	p2 =	por !p2, p0  }
0x20: {  	[sflag:s8] =	ssyncset.s32 @!p0 $0xFFFFF086;
	s6 =	sadd.s32 @!p0 s3, s7;
	s7 =	simm.s32 @!p0 $0x108  }
0x21: {  	s3 =	sadd.s32 s3, s9;
	s6 =	sadd.s32 @!p0 $0x88, s6;
	s7 =	simm.s32 @p2 $0x1082  }
0x22: {  	[simem:s7], [sflag:s8] =	dma.local @!p0 [hbm:s6], $0xF7A  }
0x23: {  	s9 =	sor.u32 $0xD0000000, s2;
	s6 =	simm.s32 $0x108;
	_ =	swait.ge @!p0 [sflag:s8], $0x0  }
0x24: {  	s3 =	sadd.s32 $0x88, s3;
	s6 =	simm.s32 @!p1 $0x1082;
	[sflag:s4] =	ssyncset.s32 $0xFFFFF086  }
0x25: {  	[simem:s6], [sflag:s4] =	dma.local [hbm:s3], $0xF7A  }
0x26: {  	[smem:$0x3F9D] =	sst s1;
	(tag) =	ssettag s2;
	_ =	strace s9  }
0x27: {  	s1 =	sld [smem:$0x3FAD]  }
0x28: {  	s2 =	sld [smem:$0x3FAE]  }
0x29: {  	s4 =	sld [smem:$0x3FB0]  }
0x2a: {  	p0 =	seq.s32 s5, $0x0;
	s5 =	sld [smem:$0x3FB1]  }
0x2b: {  	s6 =	sld [smem:$0x3FB2]  }
0x2c: {  	s7 =	sld [smem:$0x3FB3]  }
0x2d: {  	s3 =	simm.s32 $0x108;
	s8 =	sld [smem:$0x3FB4]  }
0x2e: {  	s3 =	simm.s32 @!p0 $0x1082;
	s9 =	sld [smem:$0x3FB5]  }
0x2f: {  	lr =	sadd.s32 s0, s3;
	s0 =	sld [smem:$0x3FAC]  }
0x30: {  	s3 =	sld [smem:$0x3FAF]  }
0x31: {  	[smem:$0x3FB8] =	sst s10  }
0x32: {  	s10 =	sld [smem:$0x3FB6];
	_ =	sdelay $0x3  }
0x33: {  	p0 =	seq.s32 s10, $0x1;
	s10 =	sld [smem:$0x3FB8];
	_ =	sdelay $0x3  }
0x34: {  	[smem:$0x3FB8] =	sst s10  }
0x35: {  	s10 =	sld [smem:$0x3FB7];
	_ =	sdelay $0x3  }
0x36: {  	p1 =	seq.s32 s10, $0x1;
	s10 =	sld [smem:$0x3FB8];
	_ =	sdelay $0x3  }
0x37: {  	[smem:$0x3FB8] =	sst s10  }
0x38: {  	s10 =	sld [smem:$0x3FB9]  }
0x39: {  	_ = 	snop;
	(pc) =	sbr.ind lr, $3  }
0x3a: {  	_ = 	snop  }
0x3b: {  	_ = 	snop  }
0x3c: {  	p2 =	seq.s32 s10, $0x1;
	s10 =	sld [smem:$0x3FB8]  }
0x3d: {  	_ =	shalt  }
0x3e: {  	_ =	shalt  }
0x3f: {  	_ =	shalt  }
0x40: {  	_ =	shalt  }
0x41: {  	_ =	shalt  }
0x42: {  	_ =	shalt  }
0x43: {  	_ =	shalt  }
0x44: {  	_ =	shalt  }
0x45: {  	_ =	shalt  }
0x46: {  	_ =	shalt  }
0x47: {  	_ =	shalt  }
0x48: {  	_ =	shalt  }
0x49: {  	_ =	shalt  }
0x4a: {  	_ =	shalt  }
0x4b: {  	_ =	shalt  }
0x4c: {  	_ =	shalt  }
0x4d: {  	_ =	shalt  }
0x4e: {  	_ =	shalt  }
0x4f: {  	_ =	shalt  }
0x50: {  	_ =	shalt  }
0x51: {  	_ =	shalt  }
0x52: {  	_ =	shalt  }
0x53: {  	_ =	shalt  }
0x54: {  	_ =	shalt  }
0x55: {  	_ =	shalt  }
0x56: {  	_ =	shalt  }
0x57: {  	_ =	shalt  }
0x58: {  	_ =	shalt  }
0x59: {  	_ =	shalt  }
0x5a: {  	_ =	shalt  }
0x5b: {  	_ =	shalt  }
0x5c: {  	_ =	shalt  }
0x5d: {  	_ =	shalt  }
0x5e: {  	_ =	shalt  }
0x5f: {  	_ =	shalt  }
0x60: {  	_ =	shalt  }
0x61: {  	_ =	shalt  }
0x62: {  	_ =	shalt  }
0x63: {  	_ =	shalt  }
0x64: {  	_ =	shalt  }
0x65: {  	_ =	shalt  }
0x66: {  	_ =	shalt  }
0x67: {  	_ =	shalt  }
0x68: {  	_ =	shalt  }
0x69: {  	_ =	shalt  }
0x6a: {  	_ =	shalt  }
0x6b: {  	_ =	shalt  }
0x6c: {  	_ =	shalt  }
0x6d: {  	_ =	shalt  }
0x6e: {  	_ =	shalt  }
0x6f: {  	_ =	shalt  }
0x70: {  	_ =	shalt  }
0x71: {  	_ =	shalt  }
0x72: {  	_ =	shalt  }
0x73: {  	_ =	shalt  }
0x74: {  	_ =	shalt  }
0x75: {  	_ =	shalt  }
0x76: {  	_ =	shalt  }
0x77: {  	_ =	shalt  }
0x78: {  	_ =	shalt  }
0x79: {  	_ =	shalt  }
0x7a: {  	_ =	shalt  }
0x7b: {  	_ =	shalt  }
0x7c: {  	_ =	shalt  }
0x7d: {  	_ =	shalt  }
0x7e: {  	_ =	shalt  }
0x7f: {  	_ =	shalt  }
0x80: {  	_ =	shalt  }
0x81: {  	_ =	shalt  }
0x82: {  	_ =	shalt  }
0x83: {  	_ =	shalt  }
0x84: {  	_ =	shalt  }
0x85: {  	_ =	shalt  }
0x86: {  	_ =	shalt  }
0x87: {  	_ =	shalt  }
.Lfunc_end0:
.L_simem_size_0:
called_computation.2_lowered:
.L_overlay_start_0:
0x88: {  	s2 =	sld [smem:$0x3FD9]  }
0x89: {  	s3 =	sld [smem:$0x3FFE];
	_ =	sdelay $0x1  }
0x8a: {  	s1 =	srdreg.scid  }
0x8b: {  	s0 =	sand.u32 $0x1, s1  }
0x8c: {  	s17 =	sshll.u32 s0, $0xA;
	s2 =	sadd.s32 s3, s2  }
0x8d: {  	s2 =	sadd.s32 s2, s17  }
0x8e: {  	[smem:$0x3FC4] =	sst s2  }
0x8f: {  	_ = 	snop  }
0x90: {  	s18 =	sld [smem:$0x3FC9];
	(tm) =	ssettm $0x1  }
0x91: {  	s19 =	sld [smem:$0x3FFB];
	_ =	sdelay $0x3  }
0x92: {  	_ =	strace s19  }
0x93: {  	s2 =	sld [smem:$0x3FFC];
	_ =	sdelay $0x3  }
0x94: {  	_ =	strace s2  }
0x95: {  	s2 =	sld [smem:$0x3FFD];
	_ =	sdelay $0x3  }
0x96: {  	_ =	strace s2  }
0x97: {  	_ =	strace $0x8FFFFFFF  }
0x98: {  	s20 =	sld [smem:$0x3FDB];
	_ =	sdelay $0x1  }
0x99: {  	s4 =	simm.s32 $_scs_section_size  }
0x9a: {  	s5 =	simm.s32 $_size__tile_overlayer_lowered;
	s6 =	simm.s32 $_tile_overlayer_lowered  }
0x9b: {  	s7 =	simm.s32 $0x1BFF;
	s21 =	sshll.u32 s6, $0x1;
	s4 =	sadd.s32 s4, s20  }
0x9c: {  	s22 =	simm.s32 $0x0;
	s5 =	sshll.u32 s5, $0x1;
	s6 =	sadd.s32 s21, s4  }
0x9d: {  	[timem:s22], [sflag:s7] =	dma.local [hbm:s6], s5  }
0x9e: {  	_ =	swait.ge [sflag:s7], s5  }
0x9f: {  	s5 =	ssub.s32 $0x0, s5;
	[sflag:s7] =	ssyncset.done $0x0  }
0xa0: {  	[sflag:s7] =	ssyncadd.s32 s5;
	_ =	sdelay $0x1  }
0xa1: {  	s23 =	simm.s32 $0x1B8B  }
0xa2: {  	_ =	swait.ge [sflag:s23], $0x1  }
0xa3: {  	[sflag:s23] =	ssyncset.done $0x0  }
0xa4: {  	[sflag:s23] =	ssyncadd.s32 $0xFFFFFFFF  }
0xa5: {  	s5 =	sld [smem:$0x0]  }
0xa6: {  	s6 =	sand.u32 $0xFFFFFFFE, s1  }
0xa7: {  	p0 =	sne.s32 s1, s6  }
0xa8: {  	s6 =	sshll.u32 @p0 s6, $0xE  }
0xa9: {  	s6 =	sadd.s32 @p0 $0x11B8D, s6;
	s7 =	sshll.u32 @p0 s5, $0x11  }
0xaa: {  	s6 =	sor.u32 @p0 s7, s6  }
0xab: {  	[sflag:s6] =	ssyncadd.remote.s32 @p0 $0x1;
	_ =	sdelay $0x1  }
0xac: {  	s6 =	simm.s32 @p0 $0x1B8D  }
0xad: {  	_ =	swait.eq @p0 [sflag:s6], $0x1  }
0xae: {  	[sflag:s6] =	ssyncadd.s32 @p0 $0xFFFFFFFF  }
0xaf: {  	s7 =	sshll.u32 @!p0 s1, $0xE  }
0xb0: {  	s7 =	sor.u32 @!p0 $0x4000, s7;
	s6 =	simm.s32 @!p0 $0x1B8D  }
0xb1: {  	s5 =	sshll.u32 @!p0 s5, $0x11;
	s7 =	sadd.s32 @!p0 $0x11B8D, s7;
	_ =	swait.eq @!p0 [sflag:s6], $0x1  }
0xb2: {  	s5 =	sor.u32 @!p0 s5, s7;
	[sflag:s6] =	ssyncadd.s32 @!p0 $0xFFFFFFFF  }
0xb3: {  	s25 =	simm.s32 $0x1B8E;
	s24 =	sld [smem:$0x3FFE];
	[sflag:s5] =	ssyncadd.remote.s32 @!p0 $0x1  }
0xb4: {  	s26 =	simm.s32 $execute0_lowered;
	[smem:$0x3FD2] =	sst s25  }
0xb5: {  	s6 =	sshll.u32 s26, $0x1;
	_ =	strace $0x8000004F;
	[dreg:$0x1] =	wrdreg $0xFFFFFFFF  }
0xb6: {  	s28 =	simm.s32 $_size_execute0_lowered;
	s4 =	sadd.s32 s4, s6;
	[dreg:$0x0] =	wrdreg $0x0  }
0xb7: {  	s6 =	sshll.u32 s28, $0x1;
	[dreg:$0x2] =	wrdreg s4  }
0xb8: {  	[dreg:$0x3] =	wrdreg s6  }
0xb9: {  	[dreg:$0x4] =	wrdreg $0xC0  }
0xba: {  	_ =	task [dreg:s22], $0x5FFFF  }
0xbb: {  	[dreg:$0x1] =	wrdreg $0xFFFFFFFF  }
0xbc: {  	[dreg:$0x0] =	wrdreg $0x60  }
0xbd: {  	[dreg:$0x2] =	wrdreg s18  }
0xbe: {  	[dreg:$0x3] =	wrdreg s24  }
0xbf: {  	[dreg:$0x4] =	wrdreg $0xA  }
0xc0: {  	_ =	task.clear_ibuf [dreg:s22], $0x5FFFF;
	_ =	strace $0x9000004F  }
0xc1: {  	s29 =	simm.s32 $0xA;
	_ =	strace $0x80000051  }
0xc2: {  	_ =	swait.ge [sflag:s29], $0x1  }
0xc3: {  	[sflag:s29] =	ssyncadd.s32 $0xFFFFFFFF  }
0xc4: {  	_ =	strace $0x90000051  }
0xc5: {  	_ =	sfence  }
0xc6: {  	s30 =	sld [smem:$0x0];
	_ =	sdelay $0x2  }
0xc7: {  	s31 =	sshll.u32 s1, $0xD;
	s1 =	sshrl.u32 s1, $0x2  }
0xc8: {  	s4 =	sand.u32 $0x4000, s31;
	s1 =	sadd.s32 s1, s30  }
0xc9: {  	s0 =	sor.u32 s4, s0;
	s1 =	sshll.u32 s1, $0x11  }
0xca: {  	s0 =	sor.u32 s1, s0  }
0xcb: {  	s0 =	sadd.s32 $0x8F2B, s0  }
0xcc: {  	[sflag:s0] =	ssyncadd.remote.s32 $0x1  }
0xcd: {  	_ =	sfence.sel $0xFFFF  }
0xce: {  	[dreg:$0x0] =	wrdreg $0xFFFFFFFF;
	(pc) =	sbr.abs _section_cstart, $3  }
0xcf: {  	[dreg:$0x1] =	wrdreg $0xFFFFFFFF  }
0xd0: {  	_ =	task.clear_ibuf [dreg:s22], $0x2FFFF;
	_ =	strace $0x9FFFFFFF  }
0xd1: {  	(tm) =	ssettm $0x7FFFFFFF  }
tec
execute0_lowered:
.L_overlay_start_1:
0x0: {  	(tag) =	ssettag $0x1  }
0x1: {  	s2 =	rddreg [dreg:$0x0];
	s0 =	srdreg.scid  }
0x2: {  	s3 =	stileid.u32;
	s1 =	rddreg [dreg:$0x1];
	s22 =	simm.s32 $0x1  }
0x3: {  	s23 =	simm.s32 $0x2;
	s28 =	simm.s32 $0x1900;
	s29 =	simm.s32 $0x2100  }
0x4: {  	s30 =	simm.s32 $0x2900;
	s31 =	simm.s32 $0x3100;
	s10 =	simm.s32 $0x4900  }
0x5: {  	s11 =	simm.s32 $0x5100;
	s12 =	simm.s32 $0x5900;
	s13 =	simm.s32 $0x6100  }
0x6: {  	s14 =	simm.s32 $0x6900;
	s15 =	simm.s32 $0x7100;
	s16 =	simm.s32 $0x7900  }
0x7: {  	s17 =	simm.s32 $0x8100;
	s18 =	simm.s32 $0x8900;
	s19 =	simm.s32 $0x9100  }
0x8: {  	s20 =	simm.s32 $0x9900;
	s21 =	simm.s32 $0xA100;
	s9 =	simm.s32 $0xB100  }
0x9: {  	s0 =	sand.u32 $0x1, s0;
	s4 =	sshll.u32 s3, $0x1;
	s3 =	simm.s32 $0x0  }
0xa: {  	s4 =	sor.u32 s0, s4;
	[smem:$0x7FF] =	sst s3;
	s0 =	ssub.s32 $0x2, s0  }
0xb: {  	s5 =	sshll.u32 s4, $0x5;
	_ =	strace $0x80000050;
	s6 =	smul.u32 $0x24000, s4  }
0xc: {  	s7 =	sshrl.u32 s0, $0x1;
	s8 =	smul.u32 $0x4800, s4;
	s4 =	sadd.s32 $0x100, s2  }
0xd: {  	s5 =	sadd.s32 s5, s1;
	s1 =	sadd.s32 $0x162600, s1;
	s0 =	ssub.s32 s0, s7  }
0xe: {  	s5 =	sadd.s32 $0x42200, s5;
	s25 =	sshrl.u32 s6, $0x3;
	s26 =	sadd.s32 s1, s8  }
0xf: {  	s6 =	sadd.s32 $0x300, s2;
	s7 =	smax.u32 s0, $0x1;
	s8 =	simm.s32 $0xA900  }
0x10: {  	v2 =	vlaneseq.u32;
	[dreg:$0x3] =	wrdreg s5;
	s1 =	sadd.s32 s1, s25;
	s5 =	sadd.s32 $0x200, s2  }
0x11: {  	vm0 =	vmmov $0xffff;
	v1 =	vshrl.u32 v2, $0x3;
	[dreg:$0x4] =	wrdreg s26;
	s25 =	simm.s32 $0x900;
	s1 =	sadd.s32 $0x2400, s1  }
0x12: {  	v0 =	vand.u32 $0x7, v2;
	v2 =	vor.u32 $0x8, v2;
	v1 =	vmul.u32 $0x8, v1;
	s26 =	simm.s32 $0x1100;
	[dreg:$0x5] =	wrdreg s1;
	s1 =	simm.s32 $0x3900  }
.LBB2_1:
0x13: {  	s24 =	rddreg [dreg:$0x3];
	s0 =	simm.s32 $0x3  }
0x14: {  	[tilespmem:s3], [sflag:$0x3] =	stream.linear.gather [hbm4b:s24+s3], $0x100, $0x38;
	[tilespmem:$0x12100] =	vst v63  }
0x15: {  	_ =	swait.ge [sflag:s0], $0x100  }
0x16: {  	[sflag:s0] =	ssyncset.done $0x0  }
0x17: {  	[sflag:s0] =	ssyncadd.s32 $0xFFFFFF00  }
0x18: {  	v3 =	vld [tilespmem:$0x0];
	_ =	sdelay $0x4  }
0x19: {  	v4 =	vshll.u32 v3, $0x3  }
0x1a: {  	v3 =	vand.u32 $0x7, v3;
	v4 =	vand.u32 $0xFFFFFFC0, v4  }
0x1b: {  	v3 =	vor.u32 v3, v4  }
0x1c: {  	v4 =	vperm.xlane v3, v0;
	_ =	sdelay $0x1  }
0x1d: {  	v4 =	vadd.s32 v1, v4;
	_ =	sdelay $0x3  }
0x1e: {  	s24 =	simm.s32 $0x100  }
0x1f: {  	[tilespmem:s24], [sflag:$0x1] =	stream.indirect_vreg.gather [hbm4b:s2+s3], $0x80, v4, vm0, $0xb8;
	[tilespmem:$0x12100] =	vst v63  }
0x20: {  	v3 =	vperm.xlane v3, v2  }
0x21: {  	[tilespmem:s25], [sflag:$0x1] =	stream.indirect_vreg.gather [hbm4b:s4+s3], $0x80, v4, vm0, $0xb8;
	[tilespmem:$0x12100] =	vst v63  }
0x22: {  	v3 =	vadd.s32 v1, v3  }
0x23: {  	[tilespmem:s26], [sflag:$0x1] =	stream.indirect_vreg.gather [hbm4b:s5+s3], $0x80, v4, vm0, $0xb8;
	[tilespmem:$0x12100] =	vst v63  }
0x24: {  	_ = 	snop  }
0x25: {  	[tilespmem:s28], [sflag:$0x1] =	stream.indirect_vreg.gather [hbm4b:s6+s3], $0x80, v4, vm0, $0xb8;
	[tilespmem:$0x12100] =	vst v63  }
0x26: {  	_ = 	snop  }
0x27: {  	[tilespmem:s29], [sflag:$0x1] =	stream.indirect_vreg.gather [hbm4b:s2+s3], $0x80, v3, vm0, $0xb8;
	[tilespmem:$0x12100] =	vst v63  }
0x28: {  	_ = 	snop  }
0x29: {  	[tilespmem:s30], [sflag:$0x1] =	stream.indirect_vreg.gather [hbm4b:s4+s3], $0x80, v3, vm0, $0xb8;
	[tilespmem:$0x12100] =	vst v63  }
0x2a: {  	_ = 	snop  }
0x2b: {  	[tilespmem:s31], [sflag:$0x1] =	stream.indirect_vreg.gather [hbm4b:s5+s3], $0x80, v3, vm0, $0xb8;
	[tilespmem:$0x12100] =	vst v63  }
0x2c: {  	_ = 	snop  }
0x2d: {  	[tilespmem:s1], [sflag:$0x1] =	stream.indirect_vreg.gather [hbm4b:s6+s3], $0x80, v3, vm0, $0xb8;
	[tilespmem:$0x12100] =	vst v63  }
0x2e: {  	v3 =	vld [tilespmem:$0x10];
	_ =	sdelay $0x4  }
0x2f: {  	v55 =	vshll.u32 v3, $0x3  }
0x30: {  	v3 =	vand.u32 $0x7, v3;
	v4 =	vand.u32 $0xFFFFFFC0, v55  }
0x31: {  	v3 =	vor.u32 v3, v4  }
0x32: {  	v4 =	vperm.xlane v3, v0;
	_ =	sdelay $0x1  }
0x33: {  	v4 =	vadd.s32 v1, v4;
	_ =	sdelay $0x3  }
0x34: {  	s24 =	simm.s32 $0x4100  }
0x35: {  	[tilespmem:s24], [sflag:$0x1] =	stream.indirect_vreg.gather [hbm4b:s2+s3], $0x80, v4, vm0, $0xb8;
	[tilespmem:$0x12100] =	vst v63  }
0x36: {  	v3 =	vperm.xlane v3, v2  }
0x37: {  	[tilespmem:s10], [sflag:$0x1] =	stream.indirect_vreg.gather [hbm4b:s4+s3], $0x80, v4, vm0, $0xb8;
	[tilespmem:$0x12100] =	vst v63  }
0x38: {  	v3 =	vadd.s32 v1, v3  }
0x39: {  	[tilespmem:s11], [sflag:$0x1] =	stream.indirect_vreg.gather [hbm4b:s5+s3], $0x80, v4, vm0, $0xb8;
	[tilespmem:$0x12100] =	vst v63  }
0x3a: {  	_ = 	snop  }
0x3b: {  	[tilespmem:s12], [sflag:$0x1] =	stream.indirect_vreg.gather [hbm4b:s6+s3], $0x80, v4, vm0, $0xb8;
	[tilespmem:$0x12100] =	vst v63  }
0x3c: {  	_ = 	snop  }
0x3d: {  	[tilespmem:s13], [sflag:$0x1] =	stream.indirect_vreg.gather [hbm4b:s2+s3], $0x80, v3, vm0, $0xb8;
	[tilespmem:$0x12100] =	vst v63  }
0x3e: {  	_ = 	snop  }
0x3f: {  	[tilespmem:s14], [sflag:$0x1] =	stream.indirect_vreg.gather [hbm4b:s4+s3], $0x80, v3, vm0, $0xb8;
	[tilespmem:$0x12100] =	vst v63  }
0x40: {  	_ = 	snop  }
0x41: {  	[tilespmem:s15], [sflag:$0x1] =	stream.indirect_vreg.gather [hbm4b:s5+s3], $0x80, v3, vm0, $0xb8;
	[tilespmem:$0x12100] =	vst v63  }
0x42: {  	_ = 	snop  }
0x43: {  	[tilespmem:s16], [sflag:$0x1] =	stream.indirect_vreg.gather [hbm4b:s6+s3], $0x80, v3, vm0, $0xb8;
	[tilespmem:$0x12100] =	vst v63  }
0x44: {  	v3 =	vld [tilespmem:$0x20];
	_ =	sdelay $0x4  }
0x45: {  	v56 =	vshll.u32 v3, $0x3  }
0x46: {  	v3 =	vand.u32 $0x7, v3;
	v4 =	vand.u32 $0xFFFFFFC0, v56  }
0x47: {  	v3 =	vor.u32 v3, v4  }
0x48: {  	v4 =	vperm.xlane v3, v0;
	_ =	sdelay $0x1  }
0x49: {  	v4 =	vadd.s32 v1, v4;
	_ =	sdelay $0x4  }
0x4a: {  	[tilespmem:s17], [sflag:$0x1] =	stream.indirect_vreg.gather [hbm4b:s2+s3], $0x80, v4, vm0, $0xb8;
	[tilespmem:$0x12100] =	vst v63  }
0x4b: {  	v3 =	vperm.xlane v3, v2  }
0x4c: {  	[tilespmem:s18], [sflag:$0x1] =	stream.indirect_vreg.gather [hbm4b:s4+s3], $0x80, v4, vm0, $0xb8;
	[tilespmem:$0x12100] =	vst v63  }
0x4d: {  	v3 =	vadd.s32 v1, v3  }
0x4e: {  	[tilespmem:s19], [sflag:$0x1] =	stream.indirect_vreg.gather [hbm4b:s5+s3], $0x80, v4, vm0, $0xb8;
	[tilespmem:$0x12100] =	vst v63  }
0x4f: {  	_ = 	snop  }
0x50: {  	[tilespmem:s20], [sflag:$0x1] =	stream.indirect_vreg.gather [hbm4b:s6+s3], $0x80, v4, vm0, $0xb8;
	[tilespmem:$0x12100] =	vst v63  }
0x51: {  	_ = 	snop  }
0x52: {  	[tilespmem:s21], [sflag:$0x1] =	stream.indirect_vreg.gather [hbm4b:s2+s3], $0x80, v3, vm0, $0xb8;
	[tilespmem:$0x12100] =	vst v63  }
0x53: {  	_ = 	snop  }
0x54: {  	[tilespmem:s8], [sflag:$0x1] =	stream.indirect_vreg.gather [hbm4b:s4+s3], $0x80, v3, vm0, $0xb8;
	[tilespmem:$0x12100] =	vst v63  }
0x55: {  	_ = 	snop  }
0x56: {  	[tilespmem:s9], [sflag:$0x1] =	stream.indirect_vreg.gather [hbm4b:s5+s3], $0x80, v3, vm0, $0xb8;
	[tilespmem:$0x12100] =	vst v63  }
0x57: {  	s24 =	simm.s32 $0xB900  }
0x58: {  	[tilespmem:s24], [sflag:$0x1] =	stream.indirect_vreg.gather [hbm4b:s6+s3], $0x80, v3, vm0, $0xb8;
	[tilespmem:$0x12100] =	vst v63  }
0x59: {  	v3 =	vld [tilespmem:$0x30];
	_ =	sdelay $0x4  }
0x5a: {  	v57 =	vshll.u32 v3, $0x3  }
0x5b: {  	v3 =	vand.u32 $0x7, v3;
	v4 =	vand.u32 $0xFFFFFFC0, v57  }
0x5c: {  	v3 =	vor.u32 v3, v4  }
0x5d: {  	v4 =	vperm.xlane v3, v0;
	_ =	sdelay $0x1  }
0x5e: {  	v4 =	vadd.s32 v1, v4;
	_ =	sdelay $0x3  }
0x5f: {  	s24 =	simm.s32 $0xC100  }
0x60: {  	[tilespmem:s24], [sflag:$0x1] =	stream.indirect_vreg.gather [hbm4b:s2+s3], $0x80, v4, vm0, $0xb8;
	[tilespmem:$0x12100] =	vst v63  }
0x61: {  	v3 =	vperm.xlane v3, v2;
	s24 =	simm.s32 $0xC900  }
0x62: {  	[tilespmem:s24], [sflag:$0x1] =	stream.indirect_vreg.gather [hbm4b:s4+s3], $0x80, v4, vm0, $0xb8;
	[tilespmem:$0x12100] =	vst v63  }
0x63: {  	v3 =	vadd.s32 v1, v3;
	s24 =	simm.s32 $0xD100  }
0x64: {  	[tilespmem:s24], [sflag:$0x1] =	stream.indirect_vreg.gather [hbm4b:s5+s3], $0x80, v4, vm0, $0xb8;
	[tilespmem:$0x12100] =	vst v63  }
0x65: {  	s24 =	simm.s32 $0xD900  }
0x66: {  	[tilespmem:s24], [sflag:$0x1] =	stream.indirect_vreg.gather [hbm4b:s6+s3], $0x80, v4, vm0, $0xb8;
	[tilespmem:$0x12100] =	vst v63  }
0x67: {  	s24 =	simm.s32 $0xE100  }
0x68: {  	[tilespmem:s24], [sflag:$0x1] =	stream.indirect_vreg.gather [hbm4b:s2+s3], $0x80, v3, vm0, $0xb8;
	[tilespmem:$0x12100] =	vst v63  }
0x69: {  	s24 =	simm.s32 $0xE900  }
0x6a: {  	[tilespmem:s24], [sflag:$0x1] =	stream.indirect_vreg.gather [hbm4b:s4+s3], $0x80, v3, vm0, $0xb8;
	[tilespmem:$0x12100] =	vst v63  }
0x6b: {  	s24 =	simm.s32 $0xF100  }
0x6c: {  	[tilespmem:s24], [sflag:$0x1] =	stream.indirect_vreg.gather [hbm4b:s5+s3], $0x80, v3, vm0, $0xb8;
	[tilespmem:$0x12100] =	vst v63  }
0x6d: {  	s24 =	simm.s32 $0xF900  }
0x6e: {  	[tilespmem:s24], [sflag:$0x1] =	stream.indirect_vreg.gather [hbm4b:s6+s3], $0x80, v3, vm0, $0xb8;
	[tilespmem:$0x12100] =	vst v63  }
0x6f: {  	v3 =	vld.msk [tilespmem:$0x40], $0xff;
	_ =	sdelay $0x4  }
0x70: {  	v58 =	vshll.u32 v3, $0x3  }
0x71: {  	v3 =	vand.u32 $0x7, v3;
	v4 =	vand.u32 $0xFFFFFFC0, v58  }
0x72: {  	v3 =	vor.u32 v3, v4  }
0x73: {  	v3 =	vperm.xlane v3, v0;
	_ =	sdelay $0x1  }
0x74: {  	v3 =	vadd.s32 v1, v3;
	_ =	sdelay $0x3  }
0x75: {  	s24 =	simm.s32 $0x10100  }
0x76: {  	[tilespmem:s24], [sflag:$0x1] =	stream.indirect_vreg.gather [hbm4b:s2+s3], $0x80, v3, vm0, $0xb8;
	[tilespmem:$0x12100] =	vst v63  }
0x77: {  	s24 =	simm.s32 $0x10900  }
0x78: {  	[tilespmem:s24], [sflag:$0x1] =	stream.indirect_vreg.gather [hbm4b:s4+s3], $0x80, v3, vm0, $0xb8;
	[tilespmem:$0x12100] =	vst v63  }
0x79: {  	s24 =	simm.s32 $0x11100  }
0x7a: {  	[tilespmem:s24], [sflag:$0x1] =	stream.indirect_vreg.gather [hbm4b:s5+s3], $0x80, v3, vm0, $0xb8;
	[tilespmem:$0x12100] =	vst v63  }
0x7b: {  	s24 =	simm.s32 $0x11900  }
0x7c: {  	[tilespmem:s24], [sflag:$0x1] =	stream.indirect_vreg.gather [hbm4b:s6+s3], $0x80, v3, vm0, $0xb8;
	[tilespmem:$0x12100] =	vst v63  }
0x7d: {  	_ =	swait.ge [sflag:s22], $0x12000  }
0x7e: {  	[sflag:s22] =	ssyncset.done $0x0  }
0x7f: {  	s0 =	simm.s32 $0x100;
	s24 =	rddreg [dreg:$0x4];
	[sflag:s22] =	ssyncadd.s32 $0xFFFEE000  }
0x80: {  	[hbm4b:s24+s3] =	stream.linear.scatter [tilespmem:s0], [sflag:$0x2], $0x12000, $0x38;
	[tilespmem:$0x12100] =	vst v63  }
0x81: {  	_ =	swait.ge [sflag:s23], $0x12000  }
0x82: {  	[sflag:s23] =	ssyncset.done $0x0  }
0x83: {  	[sflag:s23] =	ssyncadd.s32 $0xFFFEE000  }
0x84: {  	v3 =	vld [tilespmem:$0x80];
	_ =	sdelay $0x4  }
0x85: {  	v59 =	vshll.u32 v3, $0x3  }
0x86: {  	v3 =	vand.u32 $0x7, v3;
	v4 =	vand.u32 $0xFFFFFFC0, v59  }
0x87: {  	v3 =	vor.u32 v3, v4  }
0x88: {  	v4 =	vperm.xlane v3, v0;
	_ =	sdelay $0x1  }
0x89: {  	v4 =	vadd.s32 v1, v4;
	_ =	sdelay $0x4  }
0x8a: {  	[tilespmem:s0], [sflag:$0x1] =	stream.indirect_vreg.gather [hbm4b:s2+s3], $0x80, v4, vm0, $0xb8;
	[tilespmem:$0x12100] =	vst v63  }
0x8b: {  	v3 =	vperm.xlane v3, v2  }
0x8c: {  	[tilespmem:s25], [sflag:$0x1] =	stream.indirect_vreg.gather [hbm4b:s4+s3], $0x80, v4, vm0, $0xb8;
	[tilespmem:$0x12100] =	vst v63  }
0x8d: {  	v3 =	vadd.s32 v1, v3  }
0x8e: {  	[tilespmem:s26], [sflag:$0x1] =	stream.indirect_vreg.gather [hbm4b:s5+s3], $0x80, v4, vm0, $0xb8;
	[tilespmem:$0x12100] =	vst v63  }
0x8f: {  	_ = 	snop  }
0x90: {  	[tilespmem:s28], [sflag:$0x1] =	stream.indirect_vreg.gather [hbm4b:s6+s3], $0x80, v4, vm0, $0xb8;
	[tilespmem:$0x12100] =	vst v63  }
0x91: {  	_ = 	snop  }
0x92: {  	[tilespmem:s29], [sflag:$0x1] =	stream.indirect_vreg.gather [hbm4b:s2+s3], $0x80, v3, vm0, $0xb8;
	[tilespmem:$0x12100] =	vst v63  }
0x93: {  	_ = 	snop  }
0x94: {  	[tilespmem:s30], [sflag:$0x1] =	stream.indirect_vreg.gather [hbm4b:s4+s3], $0x80, v3, vm0, $0xb8;
	[tilespmem:$0x12100] =	vst v63  }
0x95: {  	_ = 	snop  }
0x96: {  	[tilespmem:s31], [sflag:$0x1] =	stream.indirect_vreg.gather [hbm4b:s5+s3], $0x80, v3, vm0, $0xb8;
	[tilespmem:$0x12100] =	vst v63  }
0x97: {  	_ = 	snop  }
0x98: {  	[tilespmem:s1], [sflag:$0x1] =	stream.indirect_vreg.gather [hbm4b:s6+s3], $0x80, v3, vm0, $0xb8;
	[tilespmem:$0x12100] =	vst v63  }
0x99: {  	v3 =	vld [tilespmem:$0x90];
	_ =	sdelay $0x4  }
0x9a: {  	v60 =	vshll.u32 v3, $0x3  }
0x9b: {  	v3 =	vand.u32 $0x7, v3;
	v4 =	vand.u32 $0xFFFFFFC0, v60  }
0x9c: {  	v3 =	vor.u32 v3, v4  }
0x9d: {  	v4 =	vperm.xlane v3, v0;
	_ =	sdelay $0x1  }
0x9e: {  	v4 =	vadd.s32 v1, v4;
	_ =	sdelay $0x3  }
0x9f: {  	s24 =	simm.s32 $0x4100  }
0xa0: {  	[tilespmem:s24], [sflag:$0x1] =	stream.indirect_vreg.gather [hbm4b:s2+s3], $0x80, v4, vm0, $0xb8;
	[tilespmem:$0x12100] =	vst v63  }
0xa1: {  	v3 =	vperm.xlane v3, v2  }
0xa2: {  	[tilespmem:s10], [sflag:$0x1] =	stream.indirect_vreg.gather [hbm4b:s4+s3], $0x80, v4, vm0, $0xb8;
	[tilespmem:$0x12100] =	vst v63  }
0xa3: {  	v3 =	vadd.s32 v1, v3  }
0xa4: {  	[tilespmem:s11], [sflag:$0x1] =	stream.indirect_vreg.gather [hbm4b:s5+s3], $0x80, v4, vm0, $0xb8;
	[tilespmem:$0x12100] =	vst v63  }
0xa5: {  	_ = 	snop  }
0xa6: {  	[tilespmem:s12], [sflag:$0x1] =	stream.indirect_vreg.gather [hbm4b:s6+s3], $0x80, v4, vm0, $0xb8;
	[tilespmem:$0x12100] =	vst v63  }
0xa7: {  	_ = 	snop  }
0xa8: {  	[tilespmem:s13], [sflag:$0x1] =	stream.indirect_vreg.gather [hbm4b:s2+s3], $0x80, v3, vm0, $0xb8;
	[tilespmem:$0x12100] =	vst v63  }
0xa9: {  	_ = 	snop  }
0xaa: {  	[tilespmem:s14], [sflag:$0x1] =	stream.indirect_vreg.gather [hbm4b:s4+s3], $0x80, v3, vm0, $0xb8;
	[tilespmem:$0x12100] =	vst v63  }
0xab: {  	_ = 	snop  }
0xac: {  	[tilespmem:s15], [sflag:$0x1] =	stream.indirect_vreg.gather [hbm4b:s5+s3], $0x80, v3, vm0, $0xb8;
	[tilespmem:$0x12100] =	vst v63  }
0xad: {  	_ = 	snop  }
0xae: {  	[tilespmem:s16], [sflag:$0x1] =	stream.indirect_vreg.gather [hbm4b:s6+s3], $0x80, v3, vm0, $0xb8;
	[tilespmem:$0x12100] =	vst v63  }
0xaf: {  	v3 =	vld [tilespmem:$0xA0];
	_ =	sdelay $0x4  }
0xb0: {  	v61 =	vshll.u32 v3, $0x3  }
0xb1: {  	v3 =	vand.u32 $0x7, v3;
	v4 =	vand.u32 $0xFFFFFFC0, v61  }
0xb2: {  	v3 =	vor.u32 v3, v4  }
0xb3: {  	v4 =	vperm.xlane v3, v0;
	_ =	sdelay $0x1  }
0xb4: {  	v4 =	vadd.s32 v1, v4;
	_ =	sdelay $0x4  }
0xb5: {  	[tilespmem:s17], [sflag:$0x1] =	stream.indirect_vreg.gather [hbm4b:s2+s3], $0x80, v4, vm0, $0xb8;
	[tilespmem:$0x12100] =	vst v63  }
0xb6: {  	v3 =	vperm.xlane v3, v2  }
0xb7: {  	[tilespmem:s18], [sflag:$0x1] =	stream.indirect_vreg.gather [hbm4b:s4+s3], $0x80, v4, vm0, $0xb8;
	[tilespmem:$0x12100] =	vst v63  }
0xb8: {  	v3 =	vadd.s32 v1, v3  }
0xb9: {  	[tilespmem:s19], [sflag:$0x1] =	stream.indirect_vreg.gather [hbm4b:s5+s3], $0x80, v4, vm0, $0xb8;
	[tilespmem:$0x12100] =	vst v63  }
0xba: {  	_ = 	snop  }
0xbb: {  	[tilespmem:s20], [sflag:$0x1] =	stream.indirect_vreg.gather [hbm4b:s6+s3], $0x80, v4, vm0, $0xb8;
	[tilespmem:$0x12100] =	vst v63  }
0xbc: {  	_ = 	snop  }
0xbd: {  	[tilespmem:s21], [sflag:$0x1] =	stream.indirect_vreg.gather [hbm4b:s2+s3], $0x80, v3, vm0, $0xb8;
	[tilespmem:$0x12100] =	vst v63  }
0xbe: {  	_ = 	snop  }
0xbf: {  	[tilespmem:s8], [sflag:$0x1] =	stream.indirect_vreg.gather [hbm4b:s4+s3], $0x80, v3, vm0, $0xb8;
	[tilespmem:$0x12100] =	vst v63  }
0xc0: {  	_ = 	snop  }
0xc1: {  	[tilespmem:s9], [sflag:$0x1] =	stream.indirect_vreg.gather [hbm4b:s5+s3], $0x80, v3, vm0, $0xb8;
	[tilespmem:$0x12100] =	vst v63  }
0xc2: {  	s24 =	simm.s32 $0xB900  }
0xc3: {  	[tilespmem:s24], [sflag:$0x1] =	stream.indirect_vreg.gather [hbm4b:s6+s3], $0x80, v3, vm0, $0xb8;
	[tilespmem:$0x12100] =	vst v63  }
0xc4: {  	v3 =	vld [tilespmem:$0xB0];
	_ =	sdelay $0x4  }
0xc5: {  	v62 =	vshll.u32 v3, $0x3  }
0xc6: {  	v3 =	vand.u32 $0x7, v3;
	v4 =	vand.u32 $0xFFFFFFC0, v62  }
0xc7: {  	v3 =	vor.u32 v3, v4  }
0xc8: {  	v4 =	vperm.xlane v3, v0;
	_ =	sdelay $0x1  }
0xc9: {  	v4 =	vadd.s32 v1, v4;
	_ =	sdelay $0x3  }
0xca: {  	s24 =	simm.s32 $0xC100  }
0xcb: {  	[tilespmem:s24], [sflag:$0x1] =	stream.indirect_vreg.gather [hbm4b:s2+s3], $0x80, v4, vm0, $0xb8;
	[tilespmem:$0x12100] =	vst v63  }
0xcc: {  	v3 =	vperm.xlane v3, v2;
	s24 =	simm.s32 $0xC900  }
0xcd: {  	[tilespmem:s24], [sflag:$0x1] =	stream.indirect_vreg.gather [hbm4b:s4+s3], $0x80, v4, vm0, $0xb8;
	[tilespmem:$0x12100] =	vst v63  }
0xce: {  	v3 =	vadd.s32 v1, v3;
	s24 =	simm.s32 $0xD100  }
0xcf: {  	[tilespmem:s24], [sflag:$0x1] =	stream.indirect_vreg.gather [hbm4b:s5+s3], $0x80, v4, vm0, $0xb8;
	[tilespmem:$0x12100] =	vst v63  }
0xd0: {  	s24 =	simm.s32 $0xD900  }
0xd1: {  	[tilespmem:s24], [sflag:$0x1] =	stream.indirect_vreg.gather [hbm4b:s6+s3], $0x80, v4, vm0, $0xb8;
	[tilespmem:$0x12100] =	vst v63  }
0xd2: {  	s24 =	simm.s32 $0xE100  }
0xd3: {  	[tilespmem:s24], [sflag:$0x1] =	stream.indirect_vreg.gather [hbm4b:s2+s3], $0x80, v3, vm0, $0xb8;
	[tilespmem:$0x12100] =	vst v63  }
0xd4: {  	s24 =	simm.s32 $0xE900  }
0xd5: {  	[tilespmem:s24], [sflag:$0x1] =	stream.indirect_vreg.gather [hbm4b:s4+s3], $0x80, v3, vm0, $0xb8;
	[tilespmem:$0x12100] =	vst v63  }
0xd6: {  	s24 =	simm.s32 $0xF100  }
0xd7: {  	[tilespmem:s24], [sflag:$0x1] =	stream.indirect_vreg.gather [hbm4b:s5+s3], $0x80, v3, vm0, $0xb8;
	[tilespmem:$0x12100] =	vst v63  }
0xd8: {  	s24 =	simm.s32 $0xF900  }
0xd9: {  	[tilespmem:s24], [sflag:$0x1] =	stream.indirect_vreg.gather [hbm4b:s6+s3], $0x80, v3, vm0, $0xb8;
	[tilespmem:$0x12100] =	vst v63  }
0xda: {  	v3 =	vld.msk [tilespmem:$0xC0], $0xff;
	_ =	sdelay $0x4  }
0xdb: {  	v63 =	vshll.u32 v3, $0x3  }
0xdc: {  	v3 =	vand.u32 $0x7, v3;
	v4 =	vand.u32 $0xFFFFFFC0, v63  }
0xdd: {  	v3 =	vor.u32 v3, v4  }
0xde: {  	v3 =	vperm.xlane v3, v0;
	_ =	sdelay $0x1  }
0xdf: {  	v3 =	vadd.s32 v1, v3;
	_ =	sdelay $0x3  }
0xe0: {  	s24 =	simm.s32 $0x10100  }
0xe1: {  	[tilespmem:s24], [sflag:$0x1] =	stream.indirect_vreg.gather [hbm4b:s2+s3], $0x80, v3, vm0, $0xb8;
	[tilespmem:$0x12100] =	vst v63  }
0xe2: {  	s24 =	simm.s32 $0x10900  }
0xe3: {  	[tilespmem:s24], [sflag:$0x1] =	stream.indirect_vreg.gather [hbm4b:s4+s3], $0x80, v3, vm0, $0xb8;
	[tilespmem:$0x12100] =	vst v63  }
0xe4: {  	s24 =	simm.s32 $0x11100  }
0xe5: {  	[tilespmem:s24], [sflag:$0x1] =	stream.indirect_vreg.gather [hbm4b:s5+s3], $0x80, v3, vm0, $0xb8;
	[tilespmem:$0x12100] =	vst v63  }
0xe6: {  	s24 =	simm.s32 $0x11900  }
0xe7: {  	[tilespmem:s24], [sflag:$0x1] =	stream.indirect_vreg.gather [hbm4b:s6+s3], $0x80, v3, vm0, $0xb8;
	[tilespmem:$0x12100] =	vst v63  }
0xe8: {  	_ =	swait.ge [sflag:s22], $0x12000  }
0xe9: {  	p0 =	sne.s32 s7, $0x1;
	s0 =	simm.s32 $0x100;
	[sflag:s22] =	ssyncset.done $0x0  }
.Ltmp0:
0xea: {  	s24 =	rddreg [dreg:$0x5];
	[sflag:s22] =	ssyncadd.s32 $0xFFFEE000;
	(pc) =	sbr.rel @p0 .LBB2_1-.Ltmp0, $4  }
0xeb: {  	[hbm4b:s24+s3] =	stream.linear.scatter [tilespmem:s0], [sflag:$0x2], $0x12000, $0x38;
	[tilespmem:$0x12100] =	vst v63  }
0xec: {  	_ =	swait.ge [sflag:s23], $0x12000  }
0xed: {  	[sflag:s23] =	ssyncset.done $0x0  }
0xee: {  	s7 =	sadd.s32 $0xFFFFFFFF, s7;
	[sflag:s23] =	ssyncadd.s32 $0xFFFEE000  }
0xef: {  	_ =	sfence.sel $0x180000  }
0xf0: {  	[bflag:$0x0] =	sbarrier.arrive $0xFFFF  }
0xf1: {  	_ =	strace $0x90000050  }
0xf2: {  	s0 =	stileid.u32;
	[bflag:$0x2] =	sbarrier.arrive $0xFFFF  }
0xf3: {  	p0 =	sne.s32 s0, $0x0;
	s0 =	rddreg [dreg:$0x2]  }
0xf4: {  	s0 =	sadd.s32 @!p0 $0x100000, s0  }
0xf5: {  	[sflag:s0] =	ssyncadd.tile.s32 @!p0 $0x1;
	_ =	shalt  }
.Lfunc_end2:
_tile_overlayer_lowered:
.L_overlay_start_2:
0xf6: {  	(tag) =	ssettag $0x2  }
0xf7: {  	s0 =	rddreg [dreg:$0x0];
	s2 =	stileid.u32  }
0xf8: {  	s1 =	rddreg [dreg:$0x1];
	p0 =	sne.s32 s2, $0x0  }
0xf9: {  	s3 =	rddreg [dreg:$0x2];
	[bflag:$0x3] =	sbarrier.arrive $0xFFFF;
	s2 =	simm.s32 @!p0 $0x1C03  }
0xfa: {  	[timem:s3], [sflag:s2] =	dma.local @!p0 [hbm:s0], s1  }
0xfb: {  	s0 =	simm.s32 @!p0 $0x3  }
0xfc: {  	_ =	swait.ge @!p0 [sflag:s0], s1  }
0xfd: {  	s1 =	ssub.s32 @!p0 $0x0, s1;
	[sflag:s0] =	ssyncset.done @!p0 $0x0  }
0xfe: {  	[sflag:s0] =	ssyncadd.s32 @!p0 s1  }
0xff: {  	[bflag:$0x3] =	sbarrier.arrive $0xFFFF  }
0x100: {  	_ =	shalt  }

// kernel: kernel.19.cloned.1.call-start
scs
__scs_entry_jumppad:
0x0: {  	(pc) =	sbr.rel $0x88, $3  }
0x1: {  	(tag) =	ssettag $0x0;
	lr =	simm.s32 $0x1  }
0x2: {  	[smem:$0x3F9D] =	sst lr;
	_ =	strace $0xD0000000  }
0x3: {  	_ = 	snop  }
0x4: {  	_ = 	snop  }
0x5: {  	_ = 	snop  }
0x6: {  	_ = 	snop  }
0x7: {  	_ = 	snop  }
__scs_overlays_trampoline_lowered:
0x8: {  	[smem:$0x3FAC] =	sst s0  }
0x9: {  	[smem:$0x3FAD] =	sst s1  }
0xa: {  	[smem:$0x3FAE] =	sst s2  }
0xb: {  	[smem:$0x3FAF] =	sst s3  }
0xc: {  	[smem:$0x3FB0] =	sst s4  }
0xd: {  	[smem:$0x3FB1] =	sst s5  }
0xe: {  	[smem:$0x3FB2] =	sst s6  }
0xf: {  	[smem:$0x3FB3] =	sst s7  }
0x10: {  	[smem:$0x3FB4] =	sst s8  }
0x11: {  	[smem:$0x3FB5] =	sst s9;
	s0 =	simm.s32 @!p0 $0x0  }
0x12: {  	s1 =	sld [smem:$0x3F9B];
	s0 =	simm.s32 @p0 $0x1  }
0x13: {  	[smem:$0x3FB6] =	sst s0;
	s0 =	simm.s32 @!p1 $0x0  }
0x14: {  	s2 =	sld [smem:$0x3F9A];
	s0 =	simm.s32 @p1 $0x1  }
0x15: {  	[smem:$0x3FB7] =	sst s0;
	s0 =	simm.s32 @!p2 $0x0  }
0x16: {  	s3 =	sld [smem:$0x3FDB];
	s0 =	simm.s32 @p2 $0x1  }
0x17: {  	s4 =	simm.s32 $0x1BF5;
	[smem:$0x3FB9] =	sst s0  }
0x18: {  	s0 =	sld [smem:$0x3F9C];
	_ =	swait.ge [sflag:s4], $0x0  }
0x19: {  	s7 =	sld [smem:$0x3F9D]  }
0x1a: {  	s8 =	sadd.s32 $0xFFFFE003, lr  }
0x1b: {  	s9 =	sadd.s32 $0xFFFFFEF7, lr;
	s5 =	simm.s32 $0xFFFFFFFF;
	p2 =	slt.u32 s8, $0xFFFFF086  }
0x1c: {  	p1 =	slt.u32 s9, $0xF7A;
	s5 =	simm.s32 @!p2 $0x0  }
0x1d: {  	s5 =	simm.s32 @p1 $0x1;
	p0 =	seq.s32 s7, s2  }
0x1e: {  	s7 =	smul.u32 @!p0 $0xF7A, s2;
	p2 =	seq.s32 @!p0 s5, $0x0  }
0x1f: {  	s9 =	smul.u32 $0xF7A, s1;
	s8 =	simm.s32 @!p0 $0x1BF5;
	p2 =	por !p2, p0  }
0x20: {  	[sflag:s8] =	ssyncset.s32 @!p0 $0xFFFFF086;
	s6 =	sadd.s32 @!p0 s3, s7;
	s7 =	simm.s32 @!p0 $0x108  }
0x21: {  	s3 =	sadd.s32 s3, s9;
	s6 =	sadd.s32 @!p0 $0x88, s6;
	s7 =	simm.s32 @p2 $0x1082  }
0x22: {  	[simem:s7], [sflag:s8] =	dma.local @!p0 [hbm:s6], $0xF7A  }
0x23: {  	s9 =	sor.u32 $0xD0000000, s2;
	s6 =	simm.s32 $0x108;
	_ =	swait.ge @!p0 [sflag:s8], $0x0  }
0x24: {  	s3 =	sadd.s32 $0x88, s3;
	s6 =	simm.s32 @!p1 $0x1082;
	[sflag:s4] =	ssyncset.s32 $0xFFFFF086  }
0x25: {  	[simem:s6], [sflag:s4] =	dma.local [hbm:s3], $0xF7A  }
0x26: {  	[smem:$0x3F9D] =	sst s1;
	(tag) =	ssettag s2;
	_ =	strace s9  }
0x27: {  	s1 =	sld [smem:$0x3FAD]  }
0x28: {  	s2 =	sld [smem:$0x3FAE]  }
0x29: {  	s4 =	sld [smem:$0x3FB0]  }
0x2a: {  	p0 =	seq.s32 s5, $0x0;
	s5 =	sld [smem:$0x3FB1]  }
0x2b: {  	s6 =	sld [smem:$0x3FB2]  }
0x2c: {  	s7 =	sld [smem:$0x3FB3]  }
0x2d: {  	s3 =	simm.s32 $0x108;
	s8 =	sld [smem:$0x3FB4]  }
0x2e: {  	s3 =	simm.s32 @!p0 $0x1082;
	s9 =	sld [smem:$0x3FB5]  }
0x2f: {  	lr =	sadd.s32 s0, s3;
	s0 =	sld [smem:$0x3FAC]  }
0x30: {  	s3 =	sld [smem:$0x3FAF]  }
0x31: {  	[smem:$0x3FB8] =	sst s10  }
0x32: {  	s10 =	sld [smem:$0x3FB6];
	_ =	sdelay $0x3  }
0x33: {  	p0 =	seq.s32 s10, $0x1;
	s10 =	sld [smem:$0x3FB8];
	_ =	sdelay $0x3  }
0x34: {  	[smem:$0x3FB8] =	sst s10  }
0x35: {  	s10 =	sld [smem:$0x3FB7];
	_ =	sdelay $0x3  }
0x36: {  	p1 =	seq.s32 s10, $0x1;
	s10 =	sld [smem:$0x3FB8];
	_ =	sdelay $0x3  }
0x37: {  	[smem:$0x3FB8] =	sst s10  }
0x38: {  	s10 =	sld [smem:$0x3FB9]  }
0x39: {  	_ = 	snop;
	(pc) =	sbr.ind lr, $3  }
0x3a: {  	_ = 	snop  }
0x3b: {  	_ = 	snop  }
0x3c: {  	p2 =	seq.s32 s10, $0x1;
	s10 =	sld [smem:$0x3FB8]  }
0x3d: {  	_ =	shalt  }
0x3e: {  	_ =	shalt  }
0x3f: {  	_ =	shalt  }
0x40: {  	_ =	shalt  }
0x41: {  	_ =	shalt  }
0x42: {  	_ =	shalt  }
0x43: {  	_ =	shalt  }
0x44: {  	_ =	shalt  }
0x45: {  	_ =	shalt  }
0x46: {  	_ =	shalt  }
0x47: {  	_ =	shalt  }
0x48: {  	_ =	shalt  }
0x49: {  	_ =	shalt  }
0x4a: {  	_ =	shalt  }
0x4b: {  	_ =	shalt  }
0x4c: {  	_ =	shalt  }
0x4d: {  	_ =	shalt  }
0x4e: {  	_ =	shalt  }
0x4f: {  	_ =	shalt  }
0x50: {  	_ =	shalt  }
0x51: {  	_ =	shalt  }
0x52: {  	_ =	shalt  }
0x53: {  	_ =	shalt  }
0x54: {  	_ =	shalt  }
0x55: {  	_ =	shalt  }
0x56: {  	_ =	shalt  }
0x57: {  	_ =	shalt  }
0x58: {  	_ =	shalt  }
0x59: {  	_ =	shalt  }
0x5a: {  	_ =	shalt  }
0x5b: {  	_ =	shalt  }
0x5c: {  	_ =	shalt  }
0x5d: {  	_ =	shalt  }
0x5e: {  	_ =	shalt  }
0x5f: {  	_ =	shalt  }
0x60: {  	_ =	shalt  }
0x61: {  	_ =	shalt  }
0x62: {  	_ =	shalt  }
0x63: {  	_ =	shalt  }
0x64: {  	_ =	shalt  }
0x65: {  	_ =	shalt  }
0x66: {  	_ =	shalt  }
0x67: {  	_ =	shalt  }
0x68: {  	_ =	shalt  }
0x69: {  	_ =	shalt  }
0x6a: {  	_ =	shalt  }
0x6b: {  	_ =	shalt  }
0x6c: {  	_ =	shalt  }
0x6d: {  	_ =	shalt  }
0x6e: {  	_ =	shalt  }
0x6f: {  	_ =	shalt  }
0x70: {  	_ =	shalt  }
0x71: {  	_ =	shalt  }
0x72: {  	_ =	shalt  }
0x73: {  	_ =	shalt  }
0x74: {  	_ =	shalt  }
0x75: {  	_ =	shalt  }
0x76: {  	_ =	shalt  }
0x77: {  	_ =	shalt  }
0x78: {  	_ =	shalt  }
0x79: {  	_ =	shalt  }
0x7a: {  	_ =	shalt  }
0x7b: {  	_ =	shalt  }
0x7c: {  	_ =	shalt  }
0x7d: {  	_ =	shalt  }
0x7e: {  	_ =	shalt  }
0x7f: {  	_ =	shalt  }
0x80: {  	_ =	shalt  }
0x81: {  	_ =	shalt  }
0x82: {  	_ =	shalt  }
0x83: {  	_ =	shalt  }
0x84: {  	_ =	shalt  }
0x85: {  	_ =	shalt  }
0x86: {  	_ =	shalt  }
0x87: {  	_ =	shalt  }
.Lfunc_end0:
.L_simem_size_0:
called_computation.3_lowered:
.L_overlay_start_0:
0x88: {  	s2 =	sld [smem:$0x3FD9]  }
0x89: {  	s3 =	sld [smem:$0x3FFE];
	_ =	sdelay $0x1  }
0x8a: {  	s1 =	srdreg.scid  }
0x8b: {  	s0 =	sand.u32 $0x1, s1  }
0x8c: {  	s17 =	sshll.u32 s0, $0xA;
	s2 =	sadd.s32 s3, s2  }
0x8d: {  	s2 =	sadd.s32 s2, s17  }
0x8e: {  	[smem:$0x3FC4] =	sst s2  }
0x8f: {  	_ = 	snop  }
0x90: {  	s18 =	sld [smem:$0x3FC9];
	(tm) =	ssettm $0x1  }
0x91: {  	s19 =	sld [smem:$0x3FFB];
	_ =	sdelay $0x3  }
0x92: {  	_ =	strace s19  }
0x93: {  	s2 =	sld [smem:$0x3FFC];
	_ =	sdelay $0x3  }
0x94: {  	_ =	strace s2  }
0x95: {  	s2 =	sld [smem:$0x3FFD];
	_ =	sdelay $0x3  }
0x96: {  	_ =	strace s2  }
0x97: {  	_ =	strace $0x8FFFFFFF  }
0x98: {  	s20 =	sld [smem:$0x3FDB];
	_ =	sdelay $0x1  }
0x99: {  	s4 =	simm.s32 $_scs_section_size  }
0x9a: {  	s5 =	simm.s32 $_size__tile_overlayer_lowered;
	s6 =	simm.s32 $_tile_overlayer_lowered  }
0x9b: {  	s7 =	simm.s32 $0x1BFF;
	s21 =	sshll.u32 s6, $0x1;
	s4 =	sadd.s32 s4, s20  }
0x9c: {  	s22 =	simm.s32 $0x0;
	s5 =	sshll.u32 s5, $0x1;
	s6 =	sadd.s32 s21, s4  }
0x9d: {  	[timem:s22], [sflag:s7] =	dma.local [hbm:s6], s5  }
0x9e: {  	_ =	swait.ge [sflag:s7], s5  }
0x9f: {  	s5 =	ssub.s32 $0x0, s5;
	[sflag:s7] =	ssyncset.done $0x0  }
0xa0: {  	[sflag:s7] =	ssyncadd.s32 s5;
	_ =	sdelay $0x1  }
0xa1: {  	s23 =	simm.s32 $0x1B8B  }
0xa2: {  	_ =	swait.ge [sflag:s23], $0x1  }
0xa3: {  	[sflag:s23] =	ssyncset.done $0x0  }
0xa4: {  	[sflag:s23] =	ssyncadd.s32 $0xFFFFFFFF  }
0xa5: {  	s5 =	sld [smem:$0x0]  }
0xa6: {  	s6 =	sand.u32 $0xFFFFFFFE, s1  }
0xa7: {  	p0 =	sne.s32 s1, s6  }
0xa8: {  	s6 =	sshll.u32 @p0 s6, $0xE  }
0xa9: {  	s6 =	sadd.s32 @p0 $0x11B8D, s6;
	s7 =	sshll.u32 @p0 s5, $0x11  }
0xaa: {  	s6 =	sor.u32 @p0 s7, s6  }
0xab: {  	[sflag:s6] =	ssyncadd.remote.s32 @p0 $0x1;
	_ =	sdelay $0x1  }
0xac: {  	s6 =	simm.s32 @p0 $0x1B8D  }
0xad: {  	_ =	swait.eq @p0 [sflag:s6], $0x1  }
0xae: {  	[sflag:s6] =	ssyncadd.s32 @p0 $0xFFFFFFFF  }
0xaf: {  	s7 =	sshll.u32 @!p0 s1, $0xE  }
0xb0: {  	s7 =	sor.u32 @!p0 $0x4000, s7;
	s6 =	simm.s32 @!p0 $0x1B8D  }
0xb1: {  	s5 =	sshll.u32 @!p0 s5, $0x11;
	s7 =	sadd.s32 @!p0 $0x11B8D, s7;
	_ =	swait.eq @!p0 [sflag:s6], $0x1  }
0xb2: {  	s5 =	sor.u32 @!p0 s5, s7;
	[sflag:s6] =	ssyncadd.s32 @!p0 $0xFFFFFFFF  }
0xb3: {  	s25 =	simm.s32 $0x1B8E;
	s24 =	sld [smem:$0x3FFE];
	[sflag:s5] =	ssyncadd.remote.s32 @!p0 $0x1  }
0xb4: {  	s26 =	simm.s32 $execute0_lowered;
	[smem:$0x3FD2] =	sst s25  }
0xb5: {  	s6 =	sshll.u32 s26, $0x1;
	_ =	strace $0x8000004C;
	[dreg:$0x1] =	wrdreg $0xFFFFFFFF  }
0xb6: {  	s28 =	simm.s32 $_size_execute0_lowered;
	s4 =	sadd.s32 s4, s6;
	[dreg:$0x0] =	wrdreg $0x0  }
0xb7: {  	s6 =	sshll.u32 s28, $0x1;
	[dreg:$0x2] =	wrdreg s4  }
0xb8: {  	[dreg:$0x3] =	wrdreg s6  }
0xb9: {  	[dreg:$0x4] =	wrdreg $0xC0  }
0xba: {  	_ =	task [dreg:s22], $0x5FFFF  }
0xbb: {  	[dreg:$0x1] =	wrdreg $0xFFFFFFFF  }
0xbc: {  	[dreg:$0x0] =	wrdreg $0x60  }
0xbd: {  	[dreg:$0x2] =	wrdreg s18  }
0xbe: {  	[dreg:$0x3] =	wrdreg s24  }
0xbf: {  	[dreg:$0x4] =	wrdreg $0xB  }
0xc0: {  	_ =	task.clear_ibuf [dreg:s22], $0x5FFFF;
	_ =	strace $0x9000004C  }
0xc1: {  	s29 =	simm.s32 $0xB;
	_ =	strace $0x8000004E  }
0xc2: {  	_ =	swait.ge [sflag:s29], $0x1  }
0xc3: {  	[sflag:s29] =	ssyncadd.s32 $0xFFFFFFFF  }
0xc4: {  	_ =	strace $0x9000004E  }
0xc5: {  	_ =	sfence  }
0xc6: {  	s30 =	sld [smem:$0x0];
	_ =	sdelay $0x2  }
0xc7: {  	s31 =	sshll.u32 s1, $0xD;
	s1 =	sshrl.u32 s1, $0x2  }
0xc8: {  	s4 =	sand.u32 $0x4000, s31;
	s1 =	sadd.s32 s1, s30  }
0xc9: {  	s0 =	sor.u32 s4, s0;
	s1 =	sshll.u32 s1, $0x11  }
0xca: {  	s0 =	sor.u32 s1, s0  }
0xcb: {  	s0 =	sadd.s32 $0x8F2B, s0  }
0xcc: {  	[sflag:s0] =	ssyncadd.remote.s32 $0x1  }
0xcd: {  	_ =	sfence.sel $0xFFFF  }
0xce: {  	[dreg:$0x0] =	wrdreg $0xFFFFFFFF;
	(pc) =	sbr.abs _section_cstart, $3  }
0xcf: {  	[dreg:$0x1] =	wrdreg $0xFFFFFFFF  }
0xd0: {  	_ =	task.clear_ibuf [dreg:s22], $0x2FFFF;
	_ =	strace $0x9FFFFFFF  }
0xd1: {  	(tm) =	ssettm $0x7FFFFFFF  }
tec
execute0_lowered:
.L_overlay_start_1:
0x0: {  	(tag) =	ssettag $0x1  }
0x1: {  	s2 =	rddreg [dreg:$0x0];
	s0 =	srdreg.scid  }
0x2: {  	s3 =	stileid.u32;
	s1 =	rddreg [dreg:$0x1];
	s22 =	simm.s32 $0x1  }
0x3: {  	s23 =	simm.s32 $0x2;
	s28 =	simm.s32 $0x1900;
	s29 =	simm.s32 $0x2100  }
0x4: {  	s30 =	simm.s32 $0x2900;
	s31 =	simm.s32 $0x3100;
	s10 =	simm.s32 $0x4900  }
0x5: {  	s11 =	simm.s32 $0x5100;
	s12 =	simm.s32 $0x5900;
	s13 =	simm.s32 $0x6100  }
0x6: {  	s14 =	simm.s32 $0x6900;
	s15 =	simm.s32 $0x7100;
	s16 =	simm.s32 $0x7900  }
0x7: {  	s17 =	simm.s32 $0x8100;
	s18 =	simm.s32 $0x8900;
	s19 =	simm.s32 $0x9100  }
0x8: {  	s20 =	simm.s32 $0x9900;
	s21 =	simm.s32 $0xA100;
	s9 =	simm.s32 $0xB100  }
0x9: {  	s0 =	sand.u32 $0x1, s0;
	s4 =	sshll.u32 s3, $0x1;
	s3 =	simm.s32 $0x0  }
0xa: {  	s4 =	sor.u32 s0, s4;
	[smem:$0x7FF] =	sst s3;
	s0 =	ssub.s32 $0x2, s0  }
0xb: {  	s5 =	sshll.u32 s4, $0x5;
	_ =	strace $0x8000004D;
	s6 =	smul.u32 $0x24000, s4  }
0xc: {  	s7 =	sshrl.u32 s0, $0x1;
	s8 =	smul.u32 $0x4800, s4;
	s4 =	sadd.s32 $0x100, s2  }
0xd: {  	s5 =	sadd.s32 s5, s1;
	s1 =	sadd.s32 $0xD2600, s1;
	s0 =	ssub.s32 s0, s7  }
0xe: {  	s5 =	sadd.s32 $0x41E00, s5;
	s25 =	sshrl.u32 s6, $0x3;
	s26 =	sadd.s32 s1, s8  }
0xf: {  	s6 =	sadd.s32 $0x300, s2;
	s7 =	smax.u32 s0, $0x1;
	s8 =	simm.s32 $0xA900  }
0x10: {  	v2 =	vlaneseq.u32;
	[dreg:$0x3] =	wrdreg s5;
	s1 =	sadd.s32 s1, s25;
	s5 =	sadd.s32 $0x200, s2  }
0x11: {  	vm0 =	vmmov $0xffff;
	v1 =	vshrl.u32 v2, $0x3;
	[dreg:$0x4] =	wrdreg s26;
	s25 =	simm.s32 $0x900;
	s1 =	sadd.s32 $0x2400, s1  }
0x12: {  	v0 =	vand.u32 $0x7, v2;
	v2 =	vor.u32 $0x8, v2;
	v1 =	vmul.u32 $0x8, v1;
	s26 =	simm.s32 $0x1100;
	[dreg:$0x5] =	wrdreg s1;
	s1 =	simm.s32 $0x3900  }
.LBB2_1:
0x13: {  	s24 =	rddreg [dreg:$0x3];
	s0 =	simm.s32 $0x3  }
0x14: {  	[tilespmem:s3], [sflag:$0x3] =	stream.linear.gather [hbm4b:s24+s3], $0x100, $0x38;
	[tilespmem:$0x12100] =	vst v63  }
0x15: {  	_ =	swait.ge [sflag:s0], $0x100  }
0x16: {  	[sflag:s0] =	ssyncset.done $0x0  }
0x17: {  	[sflag:s0] =	ssyncadd.s32 $0xFFFFFF00  }
0x18: {  	v3 =	vld [tilespmem:$0x0];
	_ =	sdelay $0x4  }
0x19: {  	v4 =	vshll.u32 v3, $0x3  }
0x1a: {  	v3 =	vand.u32 $0x7, v3;
	v4 =	vand.u32 $0xFFFFFFC0, v4  }
0x1b: {  	v3 =	vor.u32 v3, v4  }
0x1c: {  	v4 =	vperm.xlane v3, v0;
	_ =	sdelay $0x1  }
0x1d: {  	v4 =	vadd.s32 v1, v4;
	_ =	sdelay $0x3  }
0x1e: {  	s24 =	simm.s32 $0x100  }
0x1f: {  	[tilespmem:s24], [sflag:$0x1] =	stream.indirect_vreg.gather [hbm4b:s2+s3], $0x80, v4, vm0, $0xb8;
	[tilespmem:$0x12100] =	vst v63  }
0x20: {  	v3 =	vperm.xlane v3, v2  }
0x21: {  	[tilespmem:s25], [sflag:$0x1] =	stream.indirect_vreg.gather [hbm4b:s4+s3], $0x80, v4, vm0, $0xb8;
	[tilespmem:$0x12100] =	vst v63  }
0x22: {  	v3 =	vadd.s32 v1, v3  }
0x23: {  	[tilespmem:s26], [sflag:$0x1] =	stream.indirect_vreg.gather [hbm4b:s5+s3], $0x80, v4, vm0, $0xb8;
	[tilespmem:$0x12100] =	vst v63  }
0x24: {  	_ = 	snop  }
0x25: {  	[tilespmem:s28], [sflag:$0x1] =	stream.indirect_vreg.gather [hbm4b:s6+s3], $0x80, v4, vm0, $0xb8;
	[tilespmem:$0x12100] =	vst v63  }
0x26: {  	_ = 	snop  }
0x27: {  	[tilespmem:s29], [sflag:$0x1] =	stream.indirect_vreg.gather [hbm4b:s2+s3], $0x80, v3, vm0, $0xb8;
	[tilespmem:$0x12100] =	vst v63  }
0x28: {  	_ = 	snop  }
0x29: {  	[tilespmem:s30], [sflag:$0x1] =	stream.indirect_vreg.gather [hbm4b:s4+s3], $0x80, v3, vm0, $0xb8;
	[tilespmem:$0x12100] =	vst v63  }
0x2a: {  	_ = 	snop  }
0x2b: {  	[tilespmem:s31], [sflag:$0x1] =	stream.indirect_vreg.gather [hbm4b:s5+s3], $0x80, v3, vm0, $0xb8;
	[tilespmem:$0x12100] =	vst v63  }
0x2c: {  	_ = 	snop  }
0x2d: {  	[tilespmem:s1], [sflag:$0x1] =	stream.indirect_vreg.gather [hbm4b:s6+s3], $0x80, v3, vm0, $0xb8;
	[tilespmem:$0x12100] =	vst v63  }
0x2e: {  	v3 =	vld [tilespmem:$0x10];
	_ =	sdelay $0x4  }
0x2f: {  	v55 =	vshll.u32 v3, $0x3  }
0x30: {  	v3 =	vand.u32 $0x7, v3;
	v4 =	vand.u32 $0xFFFFFFC0, v55  }
0x31: {  	v3 =	vor.u32 v3, v4  }
0x32: {  	v4 =	vperm.xlane v3, v0;
	_ =	sdelay $0x1  }
0x33: {  	v4 =	vadd.s32 v1, v4;
	_ =	sdelay $0x3  }
0x34: {  	s24 =	simm.s32 $0x4100  }
0x35: {  	[tilespmem:s24], [sflag:$0x1] =	stream.indirect_vreg.gather [hbm4b:s2+s3], $0x80, v4, vm0, $0xb8;
	[tilespmem:$0x12100] =	vst v63  }
0x36: {  	v3 =	vperm.xlane v3, v2  }
0x37: {  	[tilespmem:s10], [sflag:$0x1] =	stream.indirect_vreg.gather [hbm4b:s4+s3], $0x80, v4, vm0, $0xb8;
	[tilespmem:$0x12100] =	vst v63  }
0x38: {  	v3 =	vadd.s32 v1, v3  }
0x39: {  	[tilespmem:s11], [sflag:$0x1] =	stream.indirect_vreg.gather [hbm4b:s5+s3], $0x80, v4, vm0, $0xb8;
	[tilespmem:$0x12100] =	vst v63  }
0x3a: {  	_ = 	snop  }
0x3b: {  	[tilespmem:s12], [sflag:$0x1] =	stream.indirect_vreg.gather [hbm4b:s6+s3], $0x80, v4, vm0, $0xb8;
	[tilespmem:$0x12100] =	vst v63  }
0x3c: {  	_ = 	snop  }
0x3d: {  	[tilespmem:s13], [sflag:$0x1] =	stream.indirect_vreg.gather [hbm4b:s2+s3], $0x80, v3, vm0, $0xb8;
	[tilespmem:$0x12100] =	vst v63  }
0x3e: {  	_ = 	snop  }
0x3f: {  	[tilespmem:s14], [sflag:$0x1] =	stream.indirect_vreg.gather [hbm4b:s4+s3], $0x80, v3, vm0, $0xb8;
	[tilespmem:$0x12100] =	vst v63  }
0x40: {  	_ = 	snop  }
0x41: {  	[tilespmem:s15], [sflag:$0x1] =	stream.indirect_vreg.gather [hbm4b:s5+s3], $0x80, v3, vm0, $0xb8;
	[tilespmem:$0x12100] =	vst v63  }
0x42: {  	_ = 	snop  }
0x43: {  	[tilespmem:s16], [sflag:$0x1] =	stream.indirect_vreg.gather [hbm4b:s6+s3], $0x80, v3, vm0, $0xb8;
	[tilespmem:$0x12100] =	vst v63  }
0x44: {  	v3 =	vld [tilespmem:$0x20];
	_ =	sdelay $0x4  }
0x45: {  	v56 =	vshll.u32 v3, $0x3  }
0x46: {  	v3 =	vand.u32 $0x7, v3;
	v4 =	vand.u32 $0xFFFFFFC0, v56  }
0x47: {  	v3 =	vor.u32 v3, v4  }
0x48: {  	v4 =	vperm.xlane v3, v0;
	_ =	sdelay $0x1  }
0x49: {  	v4 =	vadd.s32 v1, v4;
	_ =	sdelay $0x4  }
0x4a: {  	[tilespmem:s17], [sflag:$0x1] =	stream.indirect_vreg.gather [hbm4b:s2+s3], $0x80, v4, vm0, $0xb8;
	[tilespmem:$0x12100] =	vst v63  }
0x4b: {  	v3 =	vperm.xlane v3, v2  }
0x4c: {  	[tilespmem:s18], [sflag:$0x1] =	stream.indirect_vreg.gather [hbm4b:s4+s3], $0x80, v4, vm0, $0xb8;
	[tilespmem:$0x12100] =	vst v63  }
0x4d: {  	v3 =	vadd.s32 v1, v3  }
0x4e: {  	[tilespmem:s19], [sflag:$0x1] =	stream.indirect_vreg.gather [hbm4b:s5+s3], $0x80, v4, vm0, $0xb8;
	[tilespmem:$0x12100] =	vst v63  }
0x4f: {  	_ = 	snop  }
0x50: {  	[tilespmem:s20], [sflag:$0x1] =	stream.indirect_vreg.gather [hbm4b:s6+s3], $0x80, v4, vm0, $0xb8;
	[tilespmem:$0x12100] =	vst v63  }
0x51: {  	_ = 	snop  }
0x52: {  	[tilespmem:s21], [sflag:$0x1] =	stream.indirect_vreg.gather [hbm4b:s2+s3], $0x80, v3, vm0, $0xb8;
	[tilespmem:$0x12100] =	vst v63  }
0x53: {  	_ = 	snop  }
0x54: {  	[tilespmem:s8], [sflag:$0x1] =	stream.indirect_vreg.gather [hbm4b:s4+s3], $0x80, v3, vm0, $0xb8;
	[tilespmem:$0x12100] =	vst v63  }
0x55: {  	_ = 	snop  }
0x56: {  	[tilespmem:s9], [sflag:$0x1] =	stream.indirect_vreg.gather [hbm4b:s5+s3], $0x80, v3, vm0, $0xb8;
	[tilespmem:$0x12100] =	vst v63  }
0x57: {  	s24 =	simm.s32 $0xB900  }
0x58: {  	[tilespmem:s24], [sflag:$0x1] =	stream.indirect_vreg.gather [hbm4b:s6+s3], $0x80, v3, vm0, $0xb8;
	[tilespmem:$0x12100] =	vst v63  }
0x59: {  	v3 =	vld [tilespmem:$0x30];
	_ =	sdelay $0x4  }
0x5a: {  	v57 =	vshll.u32 v3, $0x3  }
0x5b: {  	v3 =	vand.u32 $0x7, v3;
	v4 =	vand.u32 $0xFFFFFFC0, v57  }
0x5c: {  	v3 =	vor.u32 v3, v4  }
0x5d: {  	v4 =	vperm.xlane v3, v0;
	_ =	sdelay $0x1  }
0x5e: {  	v4 =	vadd.s32 v1, v4;
	_ =	sdelay $0x3  }
0x5f: {  	s24 =	simm.s32 $0xC100  }
0x60: {  	[tilespmem:s24], [sflag:$0x1] =	stream.indirect_vreg.gather [hbm4b:s2+s3], $0x80, v4, vm0, $0xb8;
	[tilespmem:$0x12100] =	vst v63  }
0x61: {  	v3 =	vperm.xlane v3, v2;
	s24 =	simm.s32 $0xC900  }
0x62: {  	[tilespmem:s24], [sflag:$0x1] =	stream.indirect_vreg.gather [hbm4b:s4+s3], $0x80, v4, vm0, $0xb8;
	[tilespmem:$0x12100] =	vst v63  }
0x63: {  	v3 =	vadd.s32 v1, v3;
	s24 =	simm.s32 $0xD100  }
0x64: {  	[tilespmem:s24], [sflag:$0x1] =	stream.indirect_vreg.gather [hbm4b:s5+s3], $0x80, v4, vm0, $0xb8;
	[tilespmem:$0x12100] =	vst v63  }
0x65: {  	s24 =	simm.s32 $0xD900  }
0x66: {  	[tilespmem:s24], [sflag:$0x1] =	stream.indirect_vreg.gather [hbm4b:s6+s3], $0x80, v4, vm0, $0xb8;
	[tilespmem:$0x12100] =	vst v63  }
0x67: {  	s24 =	simm.s32 $0xE100  }
0x68: {  	[tilespmem:s24], [sflag:$0x1] =	stream.indirect_vreg.gather [hbm4b:s2+s3], $0x80, v3, vm0, $0xb8;
	[tilespmem:$0x12100] =	vst v63  }
0x69: {  	s24 =	simm.s32 $0xE900  }
0x6a: {  	[tilespmem:s24], [sflag:$0x1] =	stream.indirect_vreg.gather [hbm4b:s4+s3], $0x80, v3, vm0, $0xb8;
	[tilespmem:$0x12100] =	vst v63  }
0x6b: {  	s24 =	simm.s32 $0xF100  }
0x6c: {  	[tilespmem:s24], [sflag:$0x1] =	stream.indirect_vreg.gather [hbm4b:s5+s3], $0x80, v3, vm0, $0xb8;
	[tilespmem:$0x12100] =	vst v63  }
0x6d: {  	s24 =	simm.s32 $0xF900  }
0x6e: {  	[tilespmem:s24], [sflag:$0x1] =	stream.indirect_vreg.gather [hbm4b:s6+s3], $0x80, v3, vm0, $0xb8;
	[tilespmem:$0x12100] =	vst v63  }
0x6f: {  	v3 =	vld.msk [tilespmem:$0x40], $0xff;
	_ =	sdelay $0x4  }
0x70: {  	v58 =	vshll.u32 v3, $0x3  }
0x71: {  	v3 =	vand.u32 $0x7, v3;
	v4 =	vand.u32 $0xFFFFFFC0, v58  }
0x72: {  	v3 =	vor.u32 v3, v4  }
0x73: {  	v3 =	vperm.xlane v3, v0;
	_ =	sdelay $0x1  }
0x74: {  	v3 =	vadd.s32 v1, v3;
	_ =	sdelay $0x3  }
0x75: {  	s24 =	simm.s32 $0x10100  }
0x76: {  	[tilespmem:s24], [sflag:$0x1] =	stream.indirect_vreg.gather [hbm4b:s2+s3], $0x80, v3, vm0, $0xb8;
	[tilespmem:$0x12100] =	vst v63  }
0x77: {  	s24 =	simm.s32 $0x10900  }
0x78: {  	[tilespmem:s24], [sflag:$0x1] =	stream.indirect_vreg.gather [hbm4b:s4+s3], $0x80, v3, vm0, $0xb8;
	[tilespmem:$0x12100] =	vst v63  }
0x79: {  	s24 =	simm.s32 $0x11100  }
0x7a: {  	[tilespmem:s24], [sflag:$0x1] =	stream.indirect_vreg.gather [hbm4b:s5+s3], $0x80, v3, vm0, $0xb8;
	[tilespmem:$0x12100] =	vst v63  }
0x7b: {  	s24 =	simm.s32 $0x11900  }
0x7c: {  	[tilespmem:s24], [sflag:$0x1] =	stream.indirect_vreg.gather [hbm4b:s6+s3], $0x80, v3, vm0, $0xb8;
	[tilespmem:$0x12100] =	vst v63  }
0x7d: {  	_ =	swait.ge [sflag:s22], $0x12000  }
0x7e: {  	[sflag:s22] =	ssyncset.done $0x0  }
0x7f: {  	s0 =	simm.s32 $0x100;
	s24 =	rddreg [dreg:$0x4];
	[sflag:s22] =	ssyncadd.s32 $0xFFFEE000  }
0x80: {  	[hbm4b:s24+s3] =	stream.linear.scatter [tilespmem:s0], [sflag:$0x2], $0x12000, $0x38;
	[tilespmem:$0x12100] =	vst v63  }
0x81: {  	_ =	swait.ge [sflag:s23], $0x12000  }
0x82: {  	[sflag:s23] =	ssyncset.done $0x0  }
0x83: {  	[sflag:s23] =	ssyncadd.s32 $0xFFFEE000  }
0x84: {  	v3 =	vld [tilespmem:$0x80];
	_ =	sdelay $0x4  }
0x85: {  	v59 =	vshll.u32 v3, $0x3  }
0x86: {  	v3 =	vand.u32 $0x7, v3;
	v4 =	vand.u32 $0xFFFFFFC0, v59  }
0x87: {  	v3 =	vor.u32 v3, v4  }
0x88: {  	v4 =	vperm.xlane v3, v0;
	_ =	sdelay $0x1  }
0x89: {  	v4 =	vadd.s32 v1, v4;
	_ =	sdelay $0x4  }
0x8a: {  	[tilespmem:s0], [sflag:$0x1] =	stream.indirect_vreg.gather [hbm4b:s2+s3], $0x80, v4, vm0, $0xb8;
	[tilespmem:$0x12100] =	vst v63  }
0x8b: {  	v3 =	vperm.xlane v3, v2  }
0x8c: {  	[tilespmem:s25], [sflag:$0x1] =	stream.indirect_vreg.gather [hbm4b:s4+s3], $0x80, v4, vm0, $0xb8;
	[tilespmem:$0x12100] =	vst v63  }
0x8d: {  	v3 =	vadd.s32 v1, v3  }
0x8e: {  	[tilespmem:s26], [sflag:$0x1] =	stream.indirect_vreg.gather [hbm4b:s5+s3], $0x80, v4, vm0, $0xb8;
	[tilespmem:$0x12100] =	vst v63  }
0x8f: {  	_ = 	snop  }
0x90: {  	[tilespmem:s28], [sflag:$0x1] =	stream.indirect_vreg.gather [hbm4b:s6+s3], $0x80, v4, vm0, $0xb8;
	[tilespmem:$0x12100] =	vst v63  }
0x91: {  	_ = 	snop  }
0x92: {  	[tilespmem:s29], [sflag:$0x1] =	stream.indirect_vreg.gather [hbm4b:s2+s3], $0x80, v3, vm0, $0xb8;
	[tilespmem:$0x12100] =	vst v63  }
0x93: {  	_ = 	snop  }
0x94: {  	[tilespmem:s30], [sflag:$0x1] =	stream.indirect_vreg.gather [hbm4b:s4+s3], $0x80, v3, vm0, $0xb8;
	[tilespmem:$0x12100] =	vst v63  }
0x95: {  	_ = 	snop  }
0x96: {  	[tilespmem:s31], [sflag:$0x1] =	stream.indirect_vreg.gather [hbm4b:s5+s3], $0x80, v3, vm0, $0xb8;
	[tilespmem:$0x12100] =	vst v63  }
0x97: {  	_ = 	snop  }
0x98: {  	[tilespmem:s1], [sflag:$0x1] =	stream.indirect_vreg.gather [hbm4b:s6+s3], $0x80, v3, vm0, $0xb8;
	[tilespmem:$0x12100] =	vst v63  }
0x99: {  	v3 =	vld [tilespmem:$0x90];
	_ =	sdelay $0x4  }
0x9a: {  	v60 =	vshll.u32 v3, $0x3  }
0x9b: {  	v3 =	vand.u32 $0x7, v3;
	v4 =	vand.u32 $0xFFFFFFC0, v60  }
0x9c: {  	v3 =	vor.u32 v3, v4  }
0x9d: {  	v4 =	vperm.xlane v3, v0;
	_ =	sdelay $0x1  }
0x9e: {  	v4 =	vadd.s32 v1, v4;
	_ =	sdelay $0x3  }
0x9f: {  	s24 =	simm.s32 $0x4100  }
0xa0: {  	[tilespmem:s24], [sflag:$0x1] =	stream.indirect_vreg.gather [hbm4b:s2+s3], $0x80, v4, vm0, $0xb8;
	[tilespmem:$0x12100] =	vst v63  }
0xa1: {  	v3 =	vperm.xlane v3, v2  }
0xa2: {  	[tilespmem:s10], [sflag:$0x1] =	stream.indirect_vreg.gather [hbm4b:s4+s3], $0x80, v4, vm0, $0xb8;
	[tilespmem:$0x12100] =	vst v63  }
0xa3: {  	v3 =	vadd.s32 v1, v3  }
0xa4: {  	[tilespmem:s11], [sflag:$0x1] =	stream.indirect_vreg.gather [hbm4b:s5+s3], $0x80, v4, vm0, $0xb8;
	[tilespmem:$0x12100] =	vst v63  }
0xa5: {  	_ = 	snop  }
0xa6: {  	[tilespmem:s12], [sflag:$0x1] =	stream.indirect_vreg.gather [hbm4b:s6+s3], $0x80, v4, vm0, $0xb8;
	[tilespmem:$0x12100] =	vst v63  }
0xa7: {  	_ = 	snop  }
0xa8: {  	[tilespmem:s13], [sflag:$0x1] =	stream.indirect_vreg.gather [hbm4b:s2+s3], $0x80, v3, vm0, $0xb8;
	[tilespmem:$0x12100] =	vst v63  }
0xa9: {  	_ = 	snop  }
0xaa: {  	[tilespmem:s14], [sflag:$0x1] =	stream.indirect_vreg.gather [hbm4b:s4+s3], $0x80, v3, vm0, $0xb8;
	[tilespmem:$0x12100] =	vst v63  }
0xab: {  	_ = 	snop  }
0xac: {  	[tilespmem:s15], [sflag:$0x1] =	stream.indirect_vreg.gather [hbm4b:s5+s3], $0x80, v3, vm0, $0xb8;
	[tilespmem:$0x12100] =	vst v63  }
0xad: {  	_ = 	snop  }
0xae: {  	[tilespmem:s16], [sflag:$0x1] =	stream.indirect_vreg.gather [hbm4b:s6+s3], $0x80, v3, vm0, $0xb8;
	[tilespmem:$0x12100] =	vst v63  }
0xaf: {  	v3 =	vld [tilespmem:$0xA0];
	_ =	sdelay $0x4  }
0xb0: {  	v61 =	vshll.u32 v3, $0x3  }
0xb1: {  	v3 =	vand.u32 $0x7, v3;
	v4 =	vand.u32 $0xFFFFFFC0, v61  }
0xb2: {  	v3 =	vor.u32 v3, v4  }
0xb3: {  	v4 =	vperm.xlane v3, v0;
	_ =	sdelay $0x1  }
0xb4: {  	v4 =	vadd.s32 v1, v4;
	_ =	sdelay $0x4  }
0xb5: {  	[tilespmem:s17], [sflag:$0x1] =	stream.indirect_vreg.gather [hbm4b:s2+s3], $0x80, v4, vm0, $0xb8;
	[tilespmem:$0x12100] =	vst v63  }
0xb6: {  	v3 =	vperm.xlane v3, v2  }
0xb7: {  	[tilespmem:s18], [sflag:$0x1] =	stream.indirect_vreg.gather [hbm4b:s4+s3], $0x80, v4, vm0, $0xb8;
	[tilespmem:$0x12100] =	vst v63  }
0xb8: {  	v3 =	vadd.s32 v1, v3  }
0xb9: {  	[tilespmem:s19], [sflag:$0x1] =	stream.indirect_vreg.gather [hbm4b:s5+s3], $0x80, v4, vm0, $0xb8;
	[tilespmem:$0x12100] =	vst v63  }
0xba: {  	_ = 	snop  }
0xbb: {  	[tilespmem:s20], [sflag:$0x1] =	stream.indirect_vreg.gather [hbm4b:s6+s3], $0x80, v4, vm0, $0xb8;
	[tilespmem:$0x12100] =	vst v63  }
0xbc: {  	_ = 	snop  }
0xbd: {  	[tilespmem:s21], [sflag:$0x1] =	stream.indirect_vreg.gather [hbm4b:s2+s3], $0x80, v3, vm0, $0xb8;
	[tilespmem:$0x12100] =	vst v63  }
0xbe: {  	_ = 	snop  }
0xbf: {  	[tilespmem:s8], [sflag:$0x1] =	stream.indirect_vreg.gather [hbm4b:s4+s3], $0x80, v3, vm0, $0xb8;
	[tilespmem:$0x12100] =	vst v63  }
0xc0: {  	_ = 	snop  }
0xc1: {  	[tilespmem:s9], [sflag:$0x1] =	stream.indirect_vreg.gather [hbm4b:s5+s3], $0x80, v3, vm0, $0xb8;
	[tilespmem:$0x12100] =	vst v63  }
0xc2: {  	s24 =	simm.s32 $0xB900  }
0xc3: {  	[tilespmem:s24], [sflag:$0x1] =	stream.indirect_vreg.gather [hbm4b:s6+s3], $0x80, v3, vm0, $0xb8;
	[tilespmem:$0x12100] =	vst v63  }
0xc4: {  	v3 =	vld [tilespmem:$0xB0];
	_ =	sdelay $0x4  }
0xc5: {  	v62 =	vshll.u32 v3, $0x3  }
0xc6: {  	v3 =	vand.u32 $0x7, v3;
	v4 =	vand.u32 $0xFFFFFFC0, v62  }
0xc7: {  	v3 =	vor.u32 v3, v4  }
0xc8: {  	v4 =	vperm.xlane v3, v0;
	_ =	sdelay $0x1  }
0xc9: {  	v4 =	vadd.s32 v1, v4;
	_ =	sdelay $0x3  }
0xca: {  	s24 =	simm.s32 $0xC100  }
0xcb: {  	[tilespmem:s24], [sflag:$0x1] =	stream.indirect_vreg.gather [hbm4b:s2+s3], $0x80, v4, vm0, $0xb8;
	[tilespmem:$0x12100] =	vst v63  }
0xcc: {  	v3 =	vperm.xlane v3, v2;
	s24 =	simm.s32 $0xC900  }
0xcd: {  	[tilespmem:s24], [sflag:$0x1] =	stream.indirect_vreg.gather [hbm4b:s4+s3], $0x80, v4, vm0, $0xb8;
	[tilespmem:$0x12100] =	vst v63  }
0xce: {  	v3 =	vadd.s32 v1, v3;
	s24 =	simm.s32 $0xD100  }
0xcf: {  	[tilespmem:s24], [sflag:$0x1] =	stream.indirect_vreg.gather [hbm4b:s5+s3], $0x80, v4, vm0, $0xb8;
	[tilespmem:$0x12100] =	vst v63  }
0xd0: {  	s24 =	simm.s32 $0xD900  }
0xd1: {  	[tilespmem:s24], [sflag:$0x1] =	stream.indirect_vreg.gather [hbm4b:s6+s3], $0x80, v4, vm0, $0xb8;
	[tilespmem:$0x12100] =	vst v63  }
0xd2: {  	s24 =	simm.s32 $0xE100  }
0xd3: {  	[tilespmem:s24], [sflag:$0x1] =	stream.indirect_vreg.gather [hbm4b:s2+s3], $0x80, v3, vm0, $0xb8;
	[tilespmem:$0x12100] =	vst v63  }
0xd4: {  	s24 =	simm.s32 $0xE900  }
0xd5: {  	[tilespmem:s24], [sflag:$0x1] =	stream.indirect_vreg.gather [hbm4b:s4+s3], $0x80, v3, vm0, $0xb8;
	[tilespmem:$0x12100] =	vst v63  }
0xd6: {  	s24 =	simm.s32 $0xF100  }
0xd7: {  	[tilespmem:s24], [sflag:$0x1] =	stream.indirect_vreg.gather [hbm4b:s5+s3], $0x80, v3, vm0, $0xb8;
	[tilespmem:$0x12100] =	vst v63  }
0xd8: {  	s24 =	simm.s32 $0xF900  }
0xd9: {  	[tilespmem:s24], [sflag:$0x1] =	stream.indirect_vreg.gather [hbm4b:s6+s3], $0x80, v3, vm0, $0xb8;
	[tilespmem:$0x12100] =	vst v63  }
0xda: {  	v3 =	vld.msk [tilespmem:$0xC0], $0xff;
	_ =	sdelay $0x4  }
0xdb: {  	v63 =	vshll.u32 v3, $0x3  }
0xdc: {  	v3 =	vand.u32 $0x7, v3;
	v4 =	vand.u32 $0xFFFFFFC0, v63  }
0xdd: {  	v3 =	vor.u32 v3, v4  }
0xde: {  	v3 =	vperm.xlane v3, v0;
	_ =	sdelay $0x1  }
0xdf: {  	v3 =	vadd.s32 v1, v3;
	_ =	sdelay $0x3  }
0xe0: {  	s24 =	simm.s32 $0x10100  }
0xe1: {  	[tilespmem:s24], [sflag:$0x1] =	stream.indirect_vreg.gather [hbm4b:s2+s3], $0x80, v3, vm0, $0xb8;
	[tilespmem:$0x12100] =	vst v63  }
0xe2: {  	s24 =	simm.s32 $0x10900  }
0xe3: {  	[tilespmem:s24], [sflag:$0x1] =	stream.indirect_vreg.gather [hbm4b:s4+s3], $0x80, v3, vm0, $0xb8;
	[tilespmem:$0x12100] =	vst v63  }
0xe4: {  	s24 =	simm.s32 $0x11100  }
0xe5: {  	[tilespmem:s24], [sflag:$0x1] =	stream.indirect_vreg.gather [hbm4b:s5+s3], $0x80, v3, vm0, $0xb8;
	[tilespmem:$0x12100] =	vst v63  }
0xe6: {  	s24 =	simm.s32 $0x11900  }
0xe7: {  	[tilespmem:s24], [sflag:$0x1] =	stream.indirect_vreg.gather [hbm4b:s6+s3], $0x80, v3, vm0, $0xb8;
	[tilespmem:$0x12100] =	vst v63  }
0xe8: {  	_ =	swait.ge [sflag:s22], $0x12000  }
0xe9: {  	p0 =	sne.s32 s7, $0x1;
	s0 =	simm.s32 $0x100;
	[sflag:s22] =	ssyncset.done $0x0  }
.Ltmp0:
0xea: {  	s24 =	rddreg [dreg:$0x5];
	[sflag:s22] =	ssyncadd.s32 $0xFFFEE000;
	(pc) =	sbr.rel @p0 .LBB2_1-.Ltmp0, $4  }
0xeb: {  	[hbm4b:s24+s3] =	stream.linear.scatter [tilespmem:s0], [sflag:$0x2], $0x12000, $0x38;
	[tilespmem:$0x12100] =	vst v63  }
0xec: {  	_ =	swait.ge [sflag:s23], $0x12000  }
0xed: {  	[sflag:s23] =	ssyncset.done $0x0  }
0xee: {  	s7 =	sadd.s32 $0xFFFFFFFF, s7;
	[sflag:s23] =	ssyncadd.s32 $0xFFFEE000  }
0xef: {  	_ =	sfence.sel $0x180000  }
0xf0: {  	[bflag:$0x0] =	sbarrier.arrive $0xFFFF  }
0xf1: {  	_ =	strace $0x9000004D  }
0xf2: {  	s0 =	stileid.u32;
	[bflag:$0x2] =	sbarrier.arrive $0xFFFF  }
0xf3: {  	p0 =	sne.s32 s0, $0x0;
	s0 =	rddreg [dreg:$0x2]  }
0xf4: {  	s0 =	sadd.s32 @!p0 $0x100000, s0  }
0xf5: {  	[sflag:s0] =	ssyncadd.tile.s32 @!p0 $0x1;
	_ =	shalt  }
.Lfunc_end2:
_tile_overlayer_lowered:
.L_overlay_start_2:
0xf6: {  	(tag) =	ssettag $0x2  }
0xf7: {  	s0 =	rddreg [dreg:$0x0];
	s2 =	stileid.u32  }
0xf8: {  	s1 =	rddreg [dreg:$0x1];
	p0 =	sne.s32 s2, $0x0  }
0xf9: {  	s3 =	rddreg [dreg:$0x2];
	[bflag:$0x3] =	sbarrier.arrive $0xFFFF;
	s2 =	simm.s32 @!p0 $0x1C03  }
0xfa: {  	[timem:s3], [sflag:s2] =	dma.local @!p0 [hbm:s0], s1  }
0xfb: {  	s0 =	simm.s32 @!p0 $0x3  }
0xfc: {  	_ =	swait.ge @!p0 [sflag:s0], s1  }
0xfd: {  	s1 =	ssub.s32 @!p0 $0x0, s1;
	[sflag:s0] =	ssyncset.done @!p0 $0x0  }
0xfe: {  	[sflag:s0] =	ssyncadd.s32 @!p0 s1  }
0xff: {  	[bflag:$0x3] =	sbarrier.arrive $0xFFFF  }
0x100: {  	_ =	shalt  }

// kernel: kernel.22.cloned.1.call-start
scs
__scs_entry_jumppad:
0x0: {  	(pc) =	sbr.rel $0x88, $3  }
0x1: {  	(tag) =	ssettag $0x0;
	lr =	simm.s32 $0x1  }
0x2: {  	[smem:$0x3F9D] =	sst lr;
	_ =	strace $0xD0000000  }
0x3: {  	_ = 	snop  }
0x4: {  	_ = 	snop  }
0x5: {  	_ = 	snop  }
0x6: {  	_ = 	snop  }
0x7: {  	_ = 	snop  }
__scs_overlays_trampoline_lowered:
0x8: {  	[smem:$0x3FAC] =	sst s0  }
0x9: {  	[smem:$0x3FAD] =	sst s1  }
0xa: {  	[smem:$0x3FAE] =	sst s2  }
0xb: {  	[smem:$0x3FAF] =	sst s3  }
0xc: {  	[smem:$0x3FB0] =	sst s4  }
0xd: {  	[smem:$0x3FB1] =	sst s5  }
0xe: {  	[smem:$0x3FB2] =	sst s6  }
0xf: {  	[smem:$0x3FB3] =	sst s7  }
0x10: {  	[smem:$0x3FB4] =	sst s8  }
0x11: {  	[smem:$0x3FB5] =	sst s9;
	s0 =	simm.s32 @!p0 $0x0  }
0x12: {  	s1 =	sld [smem:$0x3F9B];
	s0 =	simm.s32 @p0 $0x1  }
0x13: {  	[smem:$0x3FB6] =	sst s0;
	s0 =	simm.s32 @!p1 $0x0  }
0x14: {  	s2 =	sld [smem:$0x3F9A];
	s0 =	simm.s32 @p1 $0x1  }
0x15: {  	[smem:$0x3FB7] =	sst s0;
	s0 =	simm.s32 @!p2 $0x0  }
0x16: {  	s3 =	sld [smem:$0x3FDB];
	s0 =	simm.s32 @p2 $0x1  }
0x17: {  	s4 =	simm.s32 $0x1BF5;
	[smem:$0x3FB9] =	sst s0  }
0x18: {  	s0 =	sld [smem:$0x3F9C];
	_ =	swait.ge [sflag:s4], $0x0  }
0x19: {  	s7 =	sld [smem:$0x3F9D]  }
0x1a: {  	s8 =	sadd.s32 $0xFFFFE003, lr  }
0x1b: {  	s9 =	sadd.s32 $0xFFFFFEF7, lr;
	s5 =	simm.s32 $0xFFFFFFFF;
	p2 =	slt.u32 s8, $0xFFFFF086  }
0x1c: {  	p1 =	slt.u32 s9, $0xF7A;
	s5 =	simm.s32 @!p2 $0x0  }
0x1d: {  	s5 =	simm.s32 @p1 $0x1;
	p0 =	seq.s32 s7, s2  }
0x1e: {  	s7 =	smul.u32 @!p0 $0xF7A, s2;
	p2 =	seq.s32 @!p0 s5, $0x0  }
0x1f: {  	s9 =	smul.u32 $0xF7A, s1;
	s8 =	simm.s32 @!p0 $0x1BF5;
	p2 =	por !p2, p0  }
0x20: {  	[sflag:s8] =	ssyncset.s32 @!p0 $0xFFFFF086;
	s6 =	sadd.s32 @!p0 s3, s7;
	s7 =	simm.s32 @!p0 $0x108  }
0x21: {  	s3 =	sadd.s32 s3, s9;
	s6 =	sadd.s32 @!p0 $0x88, s6;
	s7 =	simm.s32 @p2 $0x1082  }
0x22: {  	[simem:s7], [sflag:s8] =	dma.local @!p0 [hbm:s6], $0xF7A  }
0x23: {  	s9 =	sor.u32 $0xD0000000, s2;
	s6 =	simm.s32 $0x108;
	_ =	swait.ge @!p0 [sflag:s8], $0x0  }
0x24: {  	s3 =	sadd.s32 $0x88, s3;
	s6 =	simm.s32 @!p1 $0x1082;
	[sflag:s4] =	ssyncset.s32 $0xFFFFF086  }
0x25: {  	[simem:s6], [sflag:s4] =	dma.local [hbm:s3], $0xF7A  }
0x26: {  	[smem:$0x3F9D] =	sst s1;
	(tag) =	ssettag s2;
	_ =	strace s9  }
0x27: {  	s1 =	sld [smem:$0x3FAD]  }
0x28: {  	s2 =	sld [smem:$0x3FAE]  }
0x29: {  	s4 =	sld [smem:$0x3FB0]  }
0x2a: {  	p0 =	seq.s32 s5, $0x0;
	s5 =	sld [smem:$0x3FB1]  }
0x2b: {  	s6 =	sld [smem:$0x3FB2]  }
0x2c: {  	s7 =	sld [smem:$0x3FB3]  }
0x2d: {  	s3 =	simm.s32 $0x108;
	s8 =	sld [smem:$0x3FB4]  }
0x2e: {  	s3 =	simm.s32 @!p0 $0x1082;
	s9 =	sld [smem:$0x3FB5]  }
0x2f: {  	lr =	sadd.s32 s0, s3;
	s0 =	sld [smem:$0x3FAC]  }
0x30: {  	s3 =	sld [smem:$0x3FAF]  }
0x31: {  	[smem:$0x3FB8] =	sst s10  }
0x32: {  	s10 =	sld [smem:$0x3FB6];
	_ =	sdelay $0x3  }
0x33: {  	p0 =	seq.s32 s10, $0x1;
	s10 =	sld [smem:$0x3FB8];
	_ =	sdelay $0x3  }
0x34: {  	[smem:$0x3FB8] =	sst s10  }
0x35: {  	s10 =	sld [smem:$0x3FB7];
	_ =	sdelay $0x3  }
0x36: {  	p1 =	seq.s32 s10, $0x1;
	s10 =	sld [smem:$0x3FB8];
	_ =	sdelay $0x3  }
0x37: {  	[smem:$0x3FB8] =	sst s10  }
0x38: {  	s10 =	sld [smem:$0x3FB9]  }
0x39: {  	_ = 	snop;
	(pc) =	sbr.ind lr, $3  }
0x3a: {  	_ = 	snop  }
0x3b: {  	_ = 	snop  }
0x3c: {  	p2 =	seq.s32 s10, $0x1;
	s10 =	sld [smem:$0x3FB8]  }
0x3d: {  	_ =	shalt  }
0x3e: {  	_ =	shalt  }
0x3f: {  	_ =	shalt  }
0x40: {  	_ =	shalt  }
0x41: {  	_ =	shalt  }
0x42: {  	_ =	shalt  }
0x43: {  	_ =	shalt  }
0x44: {  	_ =	shalt  }
0x45: {  	_ =	shalt  }
0x46: {  	_ =	shalt  }
0x47: {  	_ =	shalt  }
0x48: {  	_ =	shalt  }
0x49: {  	_ =	shalt  }
0x4a: {  	_ =	shalt  }
0x4b: {  	_ =	shalt  }
0x4c: {  	_ =	shalt  }
0x4d: {  	_ =	shalt  }
0x4e: {  	_ =	shalt  }
0x4f: {  	_ =	shalt  }
0x50: {  	_ =	shalt  }
0x51: {  	_ =	shalt  }
0x52: {  	_ =	shalt  }
0x53: {  	_ =	shalt  }
0x54: {  	_ =	shalt  }
0x55: {  	_ =	shalt  }
0x56: {  	_ =	shalt  }
0x57: {  	_ =	shalt  }
0x58: {  	_ =	shalt  }
0x59: {  	_ =	shalt  }
0x5a: {  	_ =	shalt  }
0x5b: {  	_ =	shalt  }
0x5c: {  	_ =	shalt  }
0x5d: {  	_ =	shalt  }
0x5e: {  	_ =	shalt  }
0x5f: {  	_ =	shalt  }
0x60: {  	_ =	shalt  }
0x61: {  	_ =	shalt  }
0x62: {  	_ =	shalt  }
0x63: {  	_ =	shalt  }
0x64: {  	_ =	shalt  }
0x65: {  	_ =	shalt  }
0x66: {  	_ =	shalt  }
0x67: {  	_ =	shalt  }
0x68: {  	_ =	shalt  }
0x69: {  	_ =	shalt  }
0x6a: {  	_ =	shalt  }
0x6b: {  	_ =	shalt  }
0x6c: {  	_ =	shalt  }
0x6d: {  	_ =	shalt  }
0x6e: {  	_ =	shalt  }
0x6f: {  	_ =	shalt  }
0x70: {  	_ =	shalt  }
0x71: {  	_ =	shalt  }
0x72: {  	_ =	shalt  }
0x73: {  	_ =	shalt  }
0x74: {  	_ =	shalt  }
0x75: {  	_ =	shalt  }
0x76: {  	_ =	shalt  }
0x77: {  	_ =	shalt  }
0x78: {  	_ =	shalt  }
0x79: {  	_ =	shalt  }
0x7a: {  	_ =	shalt  }
0x7b: {  	_ =	shalt  }
0x7c: {  	_ =	shalt  }
0x7d: {  	_ =	shalt  }
0x7e: {  	_ =	shalt  }
0x7f: {  	_ =	shalt  }
0x80: {  	_ =	shalt  }
0x81: {  	_ =	shalt  }
0x82: {  	_ =	shalt  }
0x83: {  	_ =	shalt  }
0x84: {  	_ =	shalt  }
0x85: {  	_ =	shalt  }
0x86: {  	_ =	shalt  }
0x87: {  	_ =	shalt  }
.Lfunc_end0:
.L_simem_size_0:
called_computation.4_lowered:
.L_overlay_start_0:
0x88: {  	s2 =	sld [smem:$0x3FD9]  }
0x89: {  	s3 =	sld [smem:$0x3FFE];
	_ =	sdelay $0x1  }
0x8a: {  	s1 =	srdreg.scid  }
0x8b: {  	s0 =	sand.u32 $0x1, s1  }
0x8c: {  	s17 =	sshll.u32 s0, $0xA;
	s2 =	sadd.s32 s3, s2  }
0x8d: {  	s2 =	sadd.s32 s2, s17  }
0x8e: {  	[smem:$0x3FC4] =	sst s2  }
0x8f: {  	_ = 	snop  }
0x90: {  	s2 =	sld [smem:$0x3FC9];
	(tm) =	ssettm $0x1  }
0x91: {  	s18 =	sld [smem:$0x3FFB];
	_ =	sdelay $0x3  }
0x92: {  	_ =	strace s18  }
0x93: {  	s3 =	sld [smem:$0x3FFC];
	_ =	sdelay $0x3  }
0x94: {  	_ =	strace s3  }
0x95: {  	s3 =	sld [smem:$0x3FFD];
	_ =	sdelay $0x3  }
0x96: {  	_ =	strace s3  }
0x97: {  	_ =	strace $0x8FFFFFFF  }
0x98: {  	s19 =	sld [smem:$0x3FDB];
	_ =	sdelay $0x1  }
0x99: {  	s4 =	simm.s32 $_scs_section_size  }
0x9a: {  	s5 =	simm.s32 $_size__tile_overlayer_lowered;
	s6 =	simm.s32 $_tile_overlayer_lowered  }
0x9b: {  	s22 =	simm.s32 $0x1BFF;
	s21 =	sshll.u32 s6, $0x1;
	s3 =	sadd.s32 s4, s19  }
0x9c: {  	s7 =	simm.s32 $0x0;
	s20 =	sshll.u32 s5, $0x1;
	s5 =	sadd.s32 s21, s3  }
0x9d: {  	[timem:s7], [sflag:s22] =	dma.local [hbm:s5], s20  }
0x9e: {  	_ =	swait.ge [sflag:s22], s20  }
0x9f: {  	s4 =	ssub.s32 $0x0, s20;
	[sflag:s22] =	ssyncset.done $0x0  }
0xa0: {  	[sflag:s22] =	ssyncadd.s32 s4;
	_ =	sdelay $0x1  }
0xa1: {  	s23 =	simm.s32 $0x1B8B  }
0xa2: {  	_ =	swait.ge [sflag:s23], $0x1  }
0xa3: {  	[sflag:s23] =	ssyncset.done $0x0  }
0xa4: {  	s25 =	simm.s32 $0x1B8E;
	s24 =	sld [smem:$0x3FFE];
	[sflag:s23] =	ssyncadd.s32 $0xFFFFFFFF  }
0xa5: {  	s26 =	simm.s32 $execute0_lowered;
	[smem:$0x3FD2] =	sst s25  }
0xa6: {  	s5 =	sshll.u32 s26, $0x1;
	_ =	strace $0x80000049;
	[dreg:$0x1] =	wrdreg $0xFFFFFFFF  }
0xa7: {  	s28 =	simm.s32 $_size_execute0_lowered;
	s3 =	sadd.s32 s3, s5;
	[dreg:$0x0] =	wrdreg $0x0  }
0xa8: {  	s5 =	sshll.u32 s28, $0x1;
	[dreg:$0x2] =	wrdreg s3  }
0xa9: {  	[dreg:$0x3] =	wrdreg s5  }
0xaa: {  	[dreg:$0x4] =	wrdreg $0xC0  }
0xab: {  	_ =	task [dreg:s7], $0x5FFFF  }
0xac: {  	[dreg:$0x1] =	wrdreg $0xFFFFFFFF  }
0xad: {  	[dreg:$0x0] =	wrdreg $0x60  }
0xae: {  	[dreg:$0x2] =	wrdreg s2  }
0xaf: {  	[dreg:$0x3] =	wrdreg s24  }
0xb0: {  	[dreg:$0x4] =	wrdreg $0xC  }
0xb1: {  	_ =	task.clear_ibuf [dreg:s7], $0x5FFFF;
	_ =	strace $0x90000049  }
0xb2: {  	s29 =	simm.s32 $0xC;
	_ =	strace $0x8000004B  }
0xb3: {  	_ =	swait.ge [sflag:s29], $0x1  }
0xb4: {  	[sflag:s29] =	ssyncadd.s32 $0xFFFFFFFF  }
0xb5: {  	_ =	strace $0x9000004B  }
0xb6: {  	_ =	sfence  }
0xb7: {  	s30 =	sld [smem:$0x0];
	_ =	sdelay $0x2  }
0xb8: {  	s31 =	sshll.u32 s1, $0xD;
	s1 =	sshrl.u32 s1, $0x2  }
0xb9: {  	s3 =	sand.u32 $0x4000, s31;
	s1 =	sadd.s32 s1, s30  }
0xba: {  	s0 =	sor.u32 s3, s0;
	s1 =	sshll.u32 s1, $0x11  }
0xbb: {  	s0 =	sor.u32 s1, s0  }
0xbc: {  	s0 =	sadd.s32 $0x8F2B, s0  }
0xbd: {  	[sflag:s0] =	ssyncadd.remote.s32 $0x1  }
0xbe: {  	_ =	sfence.sel $0xFFFF  }
0xbf: {  	[dreg:$0x0] =	wrdreg $0xFFFFFFFF;
	(pc) =	sbr.abs _section_cstart, $3  }
0xc0: {  	[dreg:$0x1] =	wrdreg $0xFFFFFFFF  }
0xc1: {  	_ =	task.clear_ibuf [dreg:s7], $0x2FFFF;
	_ =	strace $0x9FFFFFFF  }
0xc2: {  	(tm) =	ssettm $0x7FFFFFFF  }
0xc3: {  	_ =	shalt  }
tec
execute0_lowered:
.L_overlay_start_1:
0x0: {  	(tag) =	ssettag $0x1  }
0x1: {  	s2 =	rddreg [dreg:$0x0];
	s0 =	srdreg.scid  }
0x2: {  	s3 =	stileid.u32;
	s1 =	rddreg [dreg:$0x1];
	s22 =	simm.s32 $0x1  }
0x3: {  	s23 =	simm.s32 $0x2;
	s28 =	simm.s32 $0x1900;
	s29 =	simm.s32 $0x2100  }
0x4: {  	s30 =	simm.s32 $0x2900;
	s31 =	simm.s32 $0x3100;
	s10 =	simm.s32 $0x4900  }
0x5: {  	s11 =	simm.s32 $0x5100;
	s12 =	simm.s32 $0x5900;
	s13 =	simm.s32 $0x6100  }
0x6: {  	s14 =	simm.s32 $0x6900;
	s15 =	simm.s32 $0x7100;
	s16 =	simm.s32 $0x7900  }
0x7: {  	s17 =	simm.s32 $0x8100;
	s18 =	simm.s32 $0x8900;
	s19 =	simm.s32 $0x9100  }
0x8: {  	s20 =	simm.s32 $0x9900;
	s21 =	simm.s32 $0xA100;
	s9 =	simm.s32 $0xB100  }
0x9: {  	s0 =	sand.u32 $0x1, s0;
	s4 =	sshll.u32 s3, $0x1;
	s3 =	simm.s32 $0x0  }
0xa: {  	s4 =	sor.u32 s0, s4;
	[smem:$0x7FF] =	sst s3;
	s0 =	ssub.s32 $0x2, s0  }
0xb: {  	s5 =	sshll.u32 s4, $0x5;
	_ =	strace $0x8000004A;
	s6 =	smul.u32 $0x24000, s4  }
0xc: {  	s7 =	sshrl.u32 s0, $0x1;
	s8 =	smul.u32 $0x4800, s4;
	s4 =	sadd.s32 $0x100, s2  }
0xd: {  	s5 =	sadd.s32 s5, s1;
	s1 =	sadd.s32 $0x42600, s1;
	s0 =	ssub.s32 s0, s7  }
0xe: {  	s5 =	sadd.s32 $0x41A00, s5;
	s25 =	sshrl.u32 s6, $0x3;
	s26 =	sadd.s32 s1, s8  }
0xf: {  	s6 =	sadd.s32 $0x300, s2;
	s7 =	smax.u32 s0, $0x1;
	s8 =	simm.s32 $0xA900  }
0x10: {  	v2 =	vlaneseq.u32;
	[dreg:$0x3] =	wrdreg s5;
	s1 =	sadd.s32 s1, s25;
	s5 =	sadd.s32 $0x200, s2  }
0x11: {  	vm0 =	vmmov $0xffff;
	v1 =	vshrl.u32 v2, $0x3;
	[dreg:$0x4] =	wrdreg s26;
	s25 =	simm.s32 $0x900;
	s1 =	sadd.s32 $0x2400, s1  }
0x12: {  	v0 =	vand.u32 $0x7, v2;
	v2 =	vor.u32 $0x8, v2;
	v1 =	vmul.u32 $0x8, v1;
	s26 =	simm.s32 $0x1100;
	[dreg:$0x5] =	wrdreg s1;
	s1 =	simm.s32 $0x3900  }
.LBB2_1:
0x13: {  	s24 =	rddreg [dreg:$0x3];
	s0 =	simm.s32 $0x3  }
0x14: {  	[tilespmem:s3], [sflag:$0x3] =	stream.linear.gather [hbm4b:s24+s3], $0x100, $0x38;
	[tilespmem:$0x12100] =	vst v63  }
0x15: {  	_ =	swait.ge [sflag:s0], $0x100  }
0x16: {  	[sflag:s0] =	ssyncset.done $0x0  }
0x17: {  	[sflag:s0] =	ssyncadd.s32 $0xFFFFFF00  }
0x18: {  	v3 =	vld [tilespmem:$0x0];
	_ =	sdelay $0x4  }
0x19: {  	v4 =	vshll.u32 v3, $0x3  }
0x1a: {  	v3 =	vand.u32 $0x7, v3;
	v4 =	vand.u32 $0xFFFFFFC0, v4  }
0x1b: {  	v3 =	vor.u32 v3, v4  }
0x1c: {  	v4 =	vperm.xlane v3, v0;
	_ =	sdelay $0x1  }
0x1d: {  	v4 =	vadd.s32 v1, v4;
	_ =	sdelay $0x3  }
0x1e: {  	s24 =	simm.s32 $0x100  }
0x1f: {  	[tilespmem:s24], [sflag:$0x1] =	stream.indirect_vreg.gather [hbm4b:s2+s3], $0x80, v4, vm0, $0xb8;
	[tilespmem:$0x12100] =	vst v63  }
0x20: {  	v3 =	vperm.xlane v3, v2  }
0x21: {  	[tilespmem:s25], [sflag:$0x1] =	stream.indirect_vreg.gather [hbm4b:s4+s3], $0x80, v4, vm0, $0xb8;
	[tilespmem:$0x12100] =	vst v63  }
0x22: {  	v3 =	vadd.s32 v1, v3  }
0x23: {  	[tilespmem:s26], [sflag:$0x1] =	stream.indirect_vreg.gather [hbm4b:s5+s3], $0x80, v4, vm0, $0xb8;
	[tilespmem:$0x12100] =	vst v63  }
0x24: {  	_ = 	snop  }
0x25: {  	[tilespmem:s28], [sflag:$0x1] =	stream.indirect_vreg.gather [hbm4b:s6+s3], $0x80, v4, vm0, $0xb8;
	[tilespmem:$0x12100] =	vst v63  }
0x26: {  	_ = 	snop  }
0x27: {  	[tilespmem:s29], [sflag:$0x1] =	stream.indirect_vreg.gather [hbm4b:s2+s3], $0x80, v3, vm0, $0xb8;
	[tilespmem:$0x12100] =	vst v63  }
0x28: {  	_ = 	snop  }
0x29: {  	[tilespmem:s30], [sflag:$0x1] =	stream.indirect_vreg.gather [hbm4b:s4+s3], $0x80, v3, vm0, $0xb8;
	[tilespmem:$0x12100] =	vst v63  }
0x2a: {  	_ = 	snop  }
0x2b: {  	[tilespmem:s31], [sflag:$0x1] =	stream.indirect_vreg.gather [hbm4b:s5+s3], $0x80, v3, vm0, $0xb8;
	[tilespmem:$0x12100] =	vst v63  }
0x2c: {  	_ = 	snop  }
0x2d: {  	[tilespmem:s1], [sflag:$0x1] =	stream.indirect_vreg.gather [hbm4b:s6+s3], $0x80, v3, vm0, $0xb8;
	[tilespmem:$0x12100] =	vst v63  }
0x2e: {  	v3 =	vld [tilespmem:$0x10];
	_ =	sdelay $0x4  }
0x2f: {  	v55 =	vshll.u32 v3, $0x3  }
0x30: {  	v3 =	vand.u32 $0x7, v3;
	v4 =	vand.u32 $0xFFFFFFC0, v55  }
0x31: {  	v3 =	vor.u32 v3, v4  }
0x32: {  	v4 =	vperm.xlane v3, v0;
	_ =	sdelay $0x1  }
0x33: {  	v4 =	vadd.s32 v1, v4;
	_ =	sdelay $0x3  }
0x34: {  	s24 =	simm.s32 $0x4100  }
0x35: {  	[tilespmem:s24], [sflag:$0x1] =	stream.indirect_vreg.gather [hbm4b:s2+s3], $0x80, v4, vm0, $0xb8;
	[tilespmem:$0x12100] =	vst v63  }
0x36: {  	v3 =	vperm.xlane v3, v2  }
0x37: {  	[tilespmem:s10], [sflag:$0x1] =	stream.indirect_vreg.gather [hbm4b:s4+s3], $0x80, v4, vm0, $0xb8;
	[tilespmem:$0x12100] =	vst v63  }
0x38: {  	v3 =	vadd.s32 v1, v3  }
0x39: {  	[tilespmem:s11], [sflag:$0x1] =	stream.indirect_vreg.gather [hbm4b:s5+s3], $0x80, v4, vm0, $0xb8;
	[tilespmem:$0x12100] =	vst v63  }
0x3a: {  	_ = 	snop  }
0x3b: {  	[tilespmem:s12], [sflag:$0x1] =	stream.indirect_vreg.gather [hbm4b:s6+s3], $0x80, v4, vm0, $0xb8;
	[tilespmem:$0x12100] =	vst v63  }
0x3c: {  	_ = 	snop  }
0x3d: {  	[tilespmem:s13], [sflag:$0x1] =	stream.indirect_vreg.gather [hbm4b:s2+s3], $0x80, v3, vm0, $0xb8;
	[tilespmem:$0x12100] =	vst v63  }
0x3e: {  	_ = 	snop  }
0x3f: {  	[tilespmem:s14], [sflag:$0x1] =	stream.indirect_vreg.gather [hbm4b:s4+s3], $0x80, v3, vm0, $0xb8;
	[tilespmem:$0x12100] =	vst v63  }
0x40: {  	_ = 	snop  }
0x41: {  	[tilespmem:s15], [sflag:$0x1] =	stream.indirect_vreg.gather [hbm4b:s5+s3], $0x80, v3, vm0, $0xb8;
	[tilespmem:$0x12100] =	vst v63  }
0x42: {  	_ = 	snop  }
0x43: {  	[tilespmem:s16], [sflag:$0x1] =	stream.indirect_vreg.gather [hbm4b:s6+s3], $0x80, v3, vm0, $0xb8;
	[tilespmem:$0x12100] =	vst v63  }
0x44: {  	v3 =	vld [tilespmem:$0x20];
	_ =	sdelay $0x4  }
0x45: {  	v56 =	vshll.u32 v3, $0x3  }
0x46: {  	v3 =	vand.u32 $0x7, v3;
	v4 =	vand.u32 $0xFFFFFFC0, v56  }
0x47: {  	v3 =	vor.u32 v3, v4  }
0x48: {  	v4 =	vperm.xlane v3, v0;
	_ =	sdelay $0x1  }
0x49: {  	v4 =	vadd.s32 v1, v4;
	_ =	sdelay $0x4  }
0x4a: {  	[tilespmem:s17], [sflag:$0x1] =	stream.indirect_vreg.gather [hbm4b:s2+s3], $0x80, v4, vm0, $0xb8;
	[tilespmem:$0x12100] =	vst v63  }
0x4b: {  	v3 =	vperm.xlane v3, v2  }
0x4c: {  	[tilespmem:s18], [sflag:$0x1] =	stream.indirect_vreg.gather [hbm4b:s4+s3], $0x80, v4, vm0, $0xb8;
	[tilespmem:$0x12100] =	vst v63  }
0x4d: {  	v3 =	vadd.s32 v1, v3  }
0x4e: {  	[tilespmem:s19], [sflag:$0x1] =	stream.indirect_vreg.gather [hbm4b:s5+s3], $0x80, v4, vm0, $0xb8;
	[tilespmem:$0x12100] =	vst v63  }
0x4f: {  	_ = 	snop  }
0x50: {  	[tilespmem:s20], [sflag:$0x1] =	stream.indirect_vreg.gather [hbm4b:s6+s3], $0x80, v4, vm0, $0xb8;
	[tilespmem:$0x12100] =	vst v63  }
0x51: {  	_ = 	snop  }
0x52: {  	[tilespmem:s21], [sflag:$0x1] =	stream.indirect_vreg.gather [hbm4b:s2+s3], $0x80, v3, vm0, $0xb8;
	[tilespmem:$0x12100] =	vst v63  }
0x53: {  	_ = 	snop  }
0x54: {  	[tilespmem:s8], [sflag:$0x1] =	stream.indirect_vreg.gather [hbm4b:s4+s3], $0x80, v3, vm0, $0xb8;
	[tilespmem:$0x12100] =	vst v63  }
0x55: {  	_ = 	snop  }
0x56: {  	[tilespmem:s9], [sflag:$0x1] =	stream.indirect_vreg.gather [hbm4b:s5+s3], $0x80, v3, vm0, $0xb8;
	[tilespmem:$0x12100] =	vst v63  }
0x57: {  	s24 =	simm.s32 $0xB900  }
0x58: {  	[tilespmem:s24], [sflag:$0x1] =	stream.indirect_vreg.gather [hbm4b:s6+s3], $0x80, v3, vm0, $0xb8;
	[tilespmem:$0x12100] =	vst v63  }
0x59: {  	v3 =	vld [tilespmem:$0x30];
	_ =	sdelay $0x4  }
0x5a: {  	v57 =	vshll.u32 v3, $0x3  }
0x5b: {  	v3 =	vand.u32 $0x7, v3;
	v4 =	vand.u32 $0xFFFFFFC0, v57  }
0x5c: {  	v3 =	vor.u32 v3, v4  }
0x5d: {  	v4 =	vperm.xlane v3, v0;
	_ =	sdelay $0x1  }
0x5e: {  	v4 =	vadd.s32 v1, v4;
	_ =	sdelay $0x3  }
0x5f: {  	s24 =	simm.s32 $0xC100  }
0x60: {  	[tilespmem:s24], [sflag:$0x1] =	stream.indirect_vreg.gather [hbm4b:s2+s3], $0x80, v4, vm0, $0xb8;
	[tilespmem:$0x12100] =	vst v63  }
0x61: {  	v3 =	vperm.xlane v3, v2;
	s24 =	simm.s32 $0xC900  }
0x62: {  	[tilespmem:s24], [sflag:$0x1] =	stream.indirect_vreg.gather [hbm4b:s4+s3], $0x80, v4, vm0, $0xb8;
	[tilespmem:$0x12100] =	vst v63  }
0x63: {  	v3 =	vadd.s32 v1, v3;
	s24 =	simm.s32 $0xD100  }
0x64: {  	[tilespmem:s24], [sflag:$0x1] =	stream.indirect_vreg.gather [hbm4b:s5+s3], $0x80, v4, vm0, $0xb8;
	[tilespmem:$0x12100] =	vst v63  }
0x65: {  	s24 =	simm.s32 $0xD900  }
0x66: {  	[tilespmem:s24], [sflag:$0x1] =	stream.indirect_vreg.gather [hbm4b:s6+s3], $0x80, v4, vm0, $0xb8;
	[tilespmem:$0x12100] =	vst v63  }
0x67: {  	s24 =	simm.s32 $0xE100  }
0x68: {  	[tilespmem:s24], [sflag:$0x1] =	stream.indirect_vreg.gather [hbm4b:s2+s3], $0x80, v3, vm0, $0xb8;
	[tilespmem:$0x12100] =	vst v63  }
0x69: {  	s24 =	simm.s32 $0xE900  }
0x6a: {  	[tilespmem:s24], [sflag:$0x1] =	stream.indirect_vreg.gather [hbm4b:s4+s3], $0x80, v3, vm0, $0xb8;
	[tilespmem:$0x12100] =	vst v63  }
0x6b: {  	s24 =	simm.s32 $0xF100  }
0x6c: {  	[tilespmem:s24], [sflag:$0x1] =	stream.indirect_vreg.gather [hbm4b:s5+s3], $0x80, v3, vm0, $0xb8;
	[tilespmem:$0x12100] =	vst v63  }
0x6d: {  	s24 =	simm.s32 $0xF900  }
0x6e: {  	[tilespmem:s24], [sflag:$0x1] =	stream.indirect_vreg.gather [hbm4b:s6+s3], $0x80, v3, vm0, $0xb8;
	[tilespmem:$0x12100] =	vst v63  }
0x6f: {  	v3 =	vld.msk [tilespmem:$0x40], $0xff;
	_ =	sdelay $0x4  }
0x70: {  	v58 =	vshll.u32 v3, $0x3  }
0x71: {  	v3 =	vand.u32 $0x7, v3;
	v4 =	vand.u32 $0xFFFFFFC0, v58  }
0x72: {  	v3 =	vor.u32 v3, v4  }
0x73: {  	v3 =	vperm.xlane v3, v0;
	_ =	sdelay $0x1  }
0x74: {  	v3 =	vadd.s32 v1, v3;
	_ =	sdelay $0x3  }
0x75: {  	s24 =	simm.s32 $0x10100  }
0x76: {  	[tilespmem:s24], [sflag:$0x1] =	stream.indirect_vreg.gather [hbm4b:s2+s3], $0x80, v3, vm0, $0xb8;
	[tilespmem:$0x12100] =	vst v63  }
0x77: {  	s24 =	simm.s32 $0x10900  }
0x78: {  	[tilespmem:s24], [sflag:$0x1] =	stream.indirect_vreg.gather [hbm4b:s4+s3], $0x80, v3, vm0, $0xb8;
	[tilespmem:$0x12100] =	vst v63  }
0x79: {  	s24 =	simm.s32 $0x11100  }
0x7a: {  	[tilespmem:s24], [sflag:$0x1] =	stream.indirect_vreg.gather [hbm4b:s5+s3], $0x80, v3, vm0, $0xb8;
	[tilespmem:$0x12100] =	vst v63  }
0x7b: {  	s24 =	simm.s32 $0x11900  }
0x7c: {  	[tilespmem:s24], [sflag:$0x1] =	stream.indirect_vreg.gather [hbm4b:s6+s3], $0x80, v3, vm0, $0xb8;
	[tilespmem:$0x12100] =	vst v63  }
0x7d: {  	_ =	swait.ge [sflag:s22], $0x12000  }
0x7e: {  	[sflag:s22] =	ssyncset.done $0x0  }
0x7f: {  	s0 =	simm.s32 $0x100;
	s24 =	rddreg [dreg:$0x4];
	[sflag:s22] =	ssyncadd.s32 $0xFFFEE000  }
0x80: {  	[hbm4b:s24+s3] =	stream.linear.scatter [tilespmem:s0], [sflag:$0x2], $0x12000, $0x38;
	[tilespmem:$0x12100] =	vst v63  }
0x81: {  	_ =	swait.ge [sflag:s23], $0x12000  }
0x82: {  	[sflag:s23] =	ssyncset.done $0x0  }
0x83: {  	[sflag:s23] =	ssyncadd.s32 $0xFFFEE000  }
0x84: {  	v3 =	vld [tilespmem:$0x80];
	_ =	sdelay $0x4  }
0x85: {  	v59 =	vshll.u32 v3, $0x3  }
0x86: {  	v3 =	vand.u32 $0x7, v3;
	v4 =	vand.u32 $0xFFFFFFC0, v59  }
0x87: {  	v3 =	vor.u32 v3, v4  }
0x88: {  	v4 =	vperm.xlane v3, v0;
	_ =	sdelay $0x1  }
0x89: {  	v4 =	vadd.s32 v1, v4;
	_ =	sdelay $0x4  }
0x8a: {  	[tilespmem:s0], [sflag:$0x1] =	stream.indirect_vreg.gather [hbm4b:s2+s3], $0x80, v4, vm0, $0xb8;
	[tilespmem:$0x12100] =	vst v63  }
0x8b: {  	v3 =	vperm.xlane v3, v2  }
0x8c: {  	[tilespmem:s25], [sflag:$0x1] =	stream.indirect_vreg.gather [hbm4b:s4+s3], $0x80, v4, vm0, $0xb8;
	[tilespmem:$0x12100] =	vst v63  }
0x8d: {  	v3 =	vadd.s32 v1, v3  }
0x8e: {  	[tilespmem:s26], [sflag:$0x1] =	stream.indirect_vreg.gather [hbm4b:s5+s3], $0x80, v4, vm0, $0xb8;
	[tilespmem:$0x12100] =	vst v63  }
0x8f: {  	_ = 	snop  }
0x90: {  	[tilespmem:s28], [sflag:$0x1] =	stream.indirect_vreg.gather [hbm4b:s6+s3], $0x80, v4, vm0, $0xb8;
	[tilespmem:$0x12100] =	vst v63  }
0x91: {  	_ = 	snop  }
0x92: {  	[tilespmem:s29], [sflag:$0x1] =	stream.indirect_vreg.gather [hbm4b:s2+s3], $0x80, v3, vm0, $0xb8;
	[tilespmem:$0x12100] =	vst v63  }
0x93: {  	_ = 	snop  }
0x94: {  	[tilespmem:s30], [sflag:$0x1] =	stream.indirect_vreg.gather [hbm4b:s4+s3], $0x80, v3, vm0, $0xb8;
	[tilespmem:$0x12100] =	vst v63  }
0x95: {  	_ = 	snop  }
0x96: {  	[tilespmem:s31], [sflag:$0x1] =	stream.indirect_vreg.gather [hbm4b:s5+s3], $0x80, v3, vm0, $0xb8;
	[tilespmem:$0x12100] =	vst v63  }
0x97: {  	_ = 	snop  }
0x98: {  	[tilespmem:s1], [sflag:$0x1] =	stream.indirect_vreg.gather [hbm4b:s6+s3], $0x80, v3, vm0, $0xb8;
	[tilespmem:$0x12100] =	vst v63  }
0x99: {  	v3 =	vld [tilespmem:$0x90];
	_ =	sdelay $0x4  }
0x9a: {  	v60 =	vshll.u32 v3, $0x3  }
0x9b: {  	v3 =	vand.u32 $0x7, v3;
	v4 =	vand.u32 $0xFFFFFFC0, v60  }
0x9c: {  	v3 =	vor.u32 v3, v4  }
0x9d: {  	v4 =	vperm.xlane v3, v0;
	_ =	sdelay $0x1  }
0x9e: {  	v4 =	vadd.s32 v1, v4;
	_ =	sdelay $0x3  }
0x9f: {  	s24 =	simm.s32 $0x4100  }
0xa0: {  	[tilespmem:s24], [sflag:$0x1] =	stream.indirect_vreg.gather [hbm4b:s2+s3], $0x80, v4, vm0, $0xb8;
	[tilespmem:$0x12100] =	vst v63  }
0xa1: {  	v3 =	vperm.xlane v3, v2  }
0xa2: {  	[tilespmem:s10], [sflag:$0x1] =	stream.indirect_vreg.gather [hbm4b:s4+s3], $0x80, v4, vm0, $0xb8;
	[tilespmem:$0x12100] =	vst v63  }
0xa3: {  	v3 =	vadd.s32 v1, v3  }
0xa4: {  	[tilespmem:s11], [sflag:$0x1] =	stream.indirect_vreg.gather [hbm4b:s5+s3], $0x80, v4, vm0, $0xb8;
	[tilespmem:$0x12100] =	vst v63  }
0xa5: {  	_ = 	snop  }
0xa6: {  	[tilespmem:s12], [sflag:$0x1] =	stream.indirect_vreg.gather [hbm4b:s6+s3], $0x80, v4, vm0, $0xb8;
	[tilespmem:$0x12100] =	vst v63  }
0xa7: {  	_ = 	snop  }
0xa8: {  	[tilespmem:s13], [sflag:$0x1] =	stream.indirect_vreg.gather [hbm4b:s2+s3], $0x80, v3, vm0, $0xb8;
	[tilespmem:$0x12100] =	vst v63  }
0xa9: {  	_ = 	snop  }
0xaa: {  	[tilespmem:s14], [sflag:$0x1] =	stream.indirect_vreg.gather [hbm4b:s4+s3], $0x80, v3, vm0, $0xb8;
	[tilespmem:$0x12100] =	vst v63  }
0xab: {  	_ = 	snop  }
0xac: {  	[tilespmem:s15], [sflag:$0x1] =	stream.indirect_vreg.gather [hbm4b:s5+s3], $0x80, v3, vm0, $0xb8;
	[tilespmem:$0x12100] =	vst v63  }
0xad: {  	_ = 	snop  }
0xae: {  	[tilespmem:s16], [sflag:$0x1] =	stream.indirect_vreg.gather [hbm4b:s6+s3], $0x80, v3, vm0, $0xb8;
	[tilespmem:$0x12100] =	vst v63  }
0xaf: {  	v3 =	vld [tilespmem:$0xA0];
	_ =	sdelay $0x4  }
0xb0: {  	v61 =	vshll.u32 v3, $0x3  }
0xb1: {  	v3 =	vand.u32 $0x7, v3;
	v4 =	vand.u32 $0xFFFFFFC0, v61  }
0xb2: {  	v3 =	vor.u32 v3, v4  }
0xb3: {  	v4 =	vperm.xlane v3, v0;
	_ =	sdelay $0x1  }
0xb4: {  	v4 =	vadd.s32 v1, v4;
	_ =	sdelay $0x4  }
0xb5: {  	[tilespmem:s17], [sflag:$0x1] =	stream.indirect_vreg.gather [hbm4b:s2+s3], $0x80, v4, vm0, $0xb8;
	[tilespmem:$0x12100] =	vst v63  }
0xb6: {  	v3 =	vperm.xlane v3, v2  }
0xb7: {  	[tilespmem:s18], [sflag:$0x1] =	stream.indirect_vreg.gather [hbm4b:s4+s3], $0x80, v4, vm0, $0xb8;
	[tilespmem:$0x12100] =	vst v63  }
0xb8: {  	v3 =	vadd.s32 v1, v3  }
0xb9: {  	[tilespmem:s19], [sflag:$0x1] =	stream.indirect_vreg.gather [hbm4b:s5+s3], $0x80, v4, vm0, $0xb8;
	[tilespmem:$0x12100] =	vst v63  }
0xba: {  	_ = 	snop  }
0xbb: {  	[tilespmem:s20], [sflag:$0x1] =	stream.indirect_vreg.gather [hbm4b:s6+s3], $0x80, v4, vm0, $0xb8;
	[tilespmem:$0x12100] =	vst v63  }
0xbc: {  	_ = 	snop  }
0xbd: {  	[tilespmem:s21], [sflag:$0x1] =	stream.indirect_vreg.gather [hbm4b:s2+s3], $0x80, v3, vm0, $0xb8;
	[tilespmem:$0x12100] =	vst v63  }
0xbe: {  	_ = 	snop  }
0xbf: {  	[tilespmem:s8], [sflag:$0x1] =	stream.indirect_vreg.gather [hbm4b:s4+s3], $0x80, v3, vm0, $0xb8;
	[tilespmem:$0x12100] =	vst v63  }
0xc0: {  	_ = 	snop  }
0xc1: {  	[tilespmem:s9], [sflag:$0x1] =	stream.indirect_vreg.gather [hbm4b:s5+s3], $0x80, v3, vm0, $0xb8;
	[tilespmem:$0x12100] =	vst v63  }
0xc2: {  	s24 =	simm.s32 $0xB900  }
0xc3: {  	[tilespmem:s24], [sflag:$0x1] =	stream.indirect_vreg.gather [hbm4b:s6+s3], $0x80, v3, vm0, $0xb8;
	[tilespmem:$0x12100] =	vst v63  }
0xc4: {  	v3 =	vld [tilespmem:$0xB0];
	_ =	sdelay $0x4  }
0xc5: {  	v62 =	vshll.u32 v3, $0x3  }
0xc6: {  	v3 =	vand.u32 $0x7, v3;
	v4 =	vand.u32 $0xFFFFFFC0, v62  }
0xc7: {  	v3 =	vor.u32 v3, v4  }
0xc8: {  	v4 =	vperm.xlane v3, v0;
	_ =	sdelay $0x1  }
0xc9: {  	v4 =	vadd.s32 v1, v4;
	_ =	sdelay $0x3  }
0xca: {  	s24 =	simm.s32 $0xC100  }
0xcb: {  	[tilespmem:s24], [sflag:$0x1] =	stream.indirect_vreg.gather [hbm4b:s2+s3], $0x80, v4, vm0, $0xb8;
	[tilespmem:$0x12100] =	vst v63  }
0xcc: {  	v3 =	vperm.xlane v3, v2;
	s24 =	simm.s32 $0xC900  }
0xcd: {  	[tilespmem:s24], [sflag:$0x1] =	stream.indirect_vreg.gather [hbm4b:s4+s3], $0x80, v4, vm0, $0xb8;
	[tilespmem:$0x12100] =	vst v63  }
0xce: {  	v3 =	vadd.s32 v1, v3;
	s24 =	simm.s32 $0xD100  }
0xcf: {  	[tilespmem:s24], [sflag:$0x1] =	stream.indirect_vreg.gather [hbm4b:s5+s3], $0x80, v4, vm0, $0xb8;
	[tilespmem:$0x12100] =	vst v63  }
0xd0: {  	s24 =	simm.s32 $0xD900  }
0xd1: {  	[tilespmem:s24], [sflag:$0x1] =	stream.indirect_vreg.gather [hbm4b:s6+s3], $0x80, v4, vm0, $0xb8;
	[tilespmem:$0x12100] =	vst v63  }
0xd2: {  	s24 =	simm.s32 $0xE100  }
0xd3: {  	[tilespmem:s24], [sflag:$0x1] =	stream.indirect_vreg.gather [hbm4b:s2+s3], $0x80, v3, vm0, $0xb8;
	[tilespmem:$0x12100] =	vst v63  }
0xd4: {  	s24 =	simm.s32 $0xE900  }
0xd5: {  	[tilespmem:s24], [sflag:$0x1] =	stream.indirect_vreg.gather [hbm4b:s4+s3], $0x80, v3, vm0, $0xb8;
	[tilespmem:$0x12100] =	vst v63  }
0xd6: {  	s24 =	simm.s32 $0xF100  }
0xd7: {  	[tilespmem:s24], [sflag:$0x1] =	stream.indirect_vreg.gather [hbm4b:s5+s3], $0x80, v3, vm0, $0xb8;
	[tilespmem:$0x12100] =	vst v63  }
0xd8: {  	s24 =	simm.s32 $0xF900  }
0xd9: {  	[tilespmem:s24], [sflag:$0x1] =	stream.indirect_vreg.gather [hbm4b:s6+s3], $0x80, v3, vm0, $0xb8;
	[tilespmem:$0x12100] =	vst v63  }
0xda: {  	v3 =	vld.msk [tilespmem:$0xC0], $0xff;
	_ =	sdelay $0x4  }
0xdb: {  	v63 =	vshll.u32 v3, $0x3  }
0xdc: {  	v3 =	vand.u32 $0x7, v3;
	v4 =	vand.u32 $0xFFFFFFC0, v63  }
0xdd: {  	v3 =	vor.u32 v3, v4  }
0xde: {  	v3 =	vperm.xlane v3, v0;
	_ =	sdelay $0x1  }
0xdf: {  	v3 =	vadd.s32 v1, v3;
	_ =	sdelay $0x3  }
0xe0: {  	s24 =	simm.s32 $0x10100  }
0xe1: {  	[tilespmem:s24], [sflag:$0x1] =	stream.indirect_vreg.gather [hbm4b:s2+s3], $0x80, v3, vm0, $0xb8;
	[tilespmem:$0x12100] =	vst v63  }
0xe2: {  	s24 =	simm.s32 $0x10900  }
0xe3: {  	[tilespmem:s24], [sflag:$0x1] =	stream.indirect_vreg.gather [hbm4b:s4+s3], $0x80, v3, vm0, $0xb8;
	[tilespmem:$0x12100] =	vst v63  }
0xe4: {  	s24 =	simm.s32 $0x11100  }
0xe5: {  	[tilespmem:s24], [sflag:$0x1] =	stream.indirect_vreg.gather [hbm4b:s5+s3], $0x80, v3, vm0, $0xb8;
	[tilespmem:$0x12100] =	vst v63  }
0xe6: {  	s24 =	simm.s32 $0x11900  }
0xe7: {  	[tilespmem:s24], [sflag:$0x1] =	stream.indirect_vreg.gather [hbm4b:s6+s3], $0x80, v3, vm0, $0xb8;
	[tilespmem:$0x12100] =	vst v63  }
0xe8: {  	_ =	swait.ge [sflag:s22], $0x12000  }
0xe9: {  	p0 =	sne.s32 s7, $0x1;
	s0 =	simm.s32 $0x100;
	[sflag:s22] =	ssyncset.done $0x0  }
.Ltmp0:
0xea: {  	s24 =	rddreg [dreg:$0x5];
	[sflag:s22] =	ssyncadd.s32 $0xFFFEE000;
	(pc) =	sbr.rel @p0 .LBB2_1-.Ltmp0, $4  }
0xeb: {  	[hbm4b:s24+s3] =	stream.linear.scatter [tilespmem:s0], [sflag:$0x2], $0x12000, $0x38;
	[tilespmem:$0x12100] =	vst v63  }
0xec: {  	_ =	swait.ge [sflag:s23], $0x12000  }
0xed: {  	[sflag:s23] =	ssyncset.done $0x0  }
0xee: {  	s7 =	sadd.s32 $0xFFFFFFFF, s7;
	[sflag:s23] =	ssyncadd.s32 $0xFFFEE000  }
0xef: {  	_ =	sfence.sel $0x180000  }
0xf0: {  	[bflag:$0x0] =	sbarrier.arrive $0xFFFF  }
0xf1: {  	_ =	strace $0x9000004A  }
0xf2: {  	s0 =	stileid.u32;
	[bflag:$0x2] =	sbarrier.arrive $0xFFFF  }
0xf3: {  	p0 =	sne.s32 s0, $0x0;
	s0 =	rddreg [dreg:$0x2]  }
0xf4: {  	s0 =	sadd.s32 @!p0 $0x100000, s0  }
0xf5: {  	[sflag:s0] =	ssyncadd.tile.s32 @!p0 $0x1;
	_ =	shalt  }
.Lfunc_end2:
_tile_overlayer_lowered:
.L_overlay_start_2:
0xf6: {  	(tag) =	ssettag $0x2  }
0xf7: {  	s0 =	rddreg [dreg:$0x0];
	s2 =	stileid.u32  }
0xf8: {  	s1 =	rddreg [dreg:$0x1];
	p0 =	sne.s32 s2, $0x0  }
0xf9: {  	s3 =	rddreg [dreg:$0x2];
	[bflag:$0x3] =	sbarrier.arrive $0xFFFF;
	s2 =	simm.s32 @!p0 $0x1C03  }
0xfa: {  	[timem:s3], [sflag:s2] =	dma.local @!p0 [hbm:s0], s1  }
0xfb: {  	s0 =	simm.s32 @!p0 $0x3  }
0xfc: {  	_ =	swait.ge @!p0 [sflag:s0], s1  }
0xfd: {  	s1 =	ssub.s32 @!p0 $0x0, s1;
	[sflag:s0] =	ssyncset.done @!p0 $0x0  }
0xfe: {  	[sflag:s0] =	ssyncadd.s32 @!p0 s1  }
0xff: {  	[bflag:$0x3] =	sbarrier.arrive $0xFFFF  }
0x100: {  	_ =	shalt  }

// kernel: kernel.25.cloned.1.call-start
scs
__scs_entry_jumppad:
0x0: {  	(pc) =	sbr.rel $0x88, $3  }
0x1: {  	(tag) =	ssettag $0x0;
	lr =	simm.s32 $0x1  }
0x2: {  	[smem:$0x3F9D] =	sst lr;
	_ =	strace $0xD0000000  }
0x3: {  	_ = 	snop  }
0x4: {  	_ = 	snop  }
0x5: {  	_ = 	snop  }
0x6: {  	_ = 	snop  }
0x7: {  	_ = 	snop  }
__scs_overlays_trampoline_lowered:
0x8: {  	[smem:$0x3FAC] =	sst s0  }
0x9: {  	[smem:$0x3FAD] =	sst s1  }
0xa: {  	[smem:$0x3FAE] =	sst s2  }
0xb: {  	[smem:$0x3FAF] =	sst s3  }
0xc: {  	[smem:$0x3FB0] =	sst s4  }
0xd: {  	[smem:$0x3FB1] =	sst s5  }
0xe: {  	[smem:$0x3FB2] =	sst s6  }
0xf: {  	[smem:$0x3FB3] =	sst s7  }
0x10: {  	[smem:$0x3FB4] =	sst s8  }
0x11: {  	[smem:$0x3FB5] =	sst s9;
	s0 =	simm.s32 @!p0 $0x0  }
0x12: {  	s1 =	sld [smem:$0x3F9B];
	s0 =	simm.s32 @p0 $0x1  }
0x13: {  	[smem:$0x3FB6] =	sst s0;
	s0 =	simm.s32 @!p1 $0x0  }
0x14: {  	s2 =	sld [smem:$0x3F9A];
	s0 =	simm.s32 @p1 $0x1  }
0x15: {  	[smem:$0x3FB7] =	sst s0;
	s0 =	simm.s32 @!p2 $0x0  }
0x16: {  	s3 =	sld [smem:$0x3FDB];
	s0 =	simm.s32 @p2 $0x1  }
0x17: {  	s4 =	simm.s32 $0x1BF5;
	[smem:$0x3FB9] =	sst s0  }
0x18: {  	s0 =	sld [smem:$0x3F9C];
	_ =	swait.ge [sflag:s4], $0x0  }
0x19: {  	s7 =	sld [smem:$0x3F9D]  }
0x1a: {  	s8 =	sadd.s32 $0xFFFFE003, lr  }
0x1b: {  	s9 =	sadd.s32 $0xFFFFFEF7, lr;
	s5 =	simm.s32 $0xFFFFFFFF;
	p2 =	slt.u32 s8, $0xFFFFF086  }
0x1c: {  	p1 =	slt.u32 s9, $0xF7A;
	s5 =	simm.s32 @!p2 $0x0  }
0x1d: {  	s5 =	simm.s32 @p1 $0x1;
	p0 =	seq.s32 s7, s2  }
0x1e: {  	s7 =	smul.u32 @!p0 $0xF7A, s2;
	p2 =	seq.s32 @!p0 s5, $0x0  }
0x1f: {  	s9 =	smul.u32 $0xF7A, s1;
	s8 =	simm.s32 @!p0 $0x1BF5;
	p2 =	por !p2, p0  }
0x20: {  	[sflag:s8] =	ssyncset.s32 @!p0 $0xFFFFF086;
	s6 =	sadd.s32 @!p0 s3, s7;
	s7 =	simm.s32 @!p0 $0x108  }
0x21: {  	s3 =	sadd.s32 s3, s9;
	s6 =	sadd.s32 @!p0 $0x88, s6;
	s7 =	simm.s32 @p2 $0x1082  }
0x22: {  	[simem:s7], [sflag:s8] =	dma.local @!p0 [hbm:s6], $0xF7A  }
0x23: {  	s9 =	sor.u32 $0xD0000000, s2;
	s6 =	simm.s32 $0x108;
	_ =	swait.ge @!p0 [sflag:s8], $0x0  }
0x24: {  	s3 =	sadd.s32 $0x88, s3;
	s6 =	simm.s32 @!p1 $0x1082;
	[sflag:s4] =	ssyncset.s32 $0xFFFFF086  }
0x25: {  	[simem:s6], [sflag:s4] =	dma.local [hbm:s3], $0xF7A  }
0x26: {  	[smem:$0x3F9D] =	sst s1;
	(tag) =	ssettag s2;
	_ =	strace s9  }
0x27: {  	s1 =	sld [smem:$0x3FAD]  }
0x28: {  	s2 =	sld [smem:$0x3FAE]  }
0x29: {  	s4 =	sld [smem:$0x3FB0]  }
0x2a: {  	p0 =	seq.s32 s5, $0x0;
	s5 =	sld [smem:$0x3FB1]  }
0x2b: {  	s6 =	sld [smem:$0x3FB2]  }
0x2c: {  	s7 =	sld [smem:$0x3FB3]  }
0x2d: {  	s3 =	simm.s32 $0x108;
	s8 =	sld [smem:$0x3FB4]  }
0x2e: {  	s3 =	simm.s32 @!p0 $0x1082;
	s9 =	sld [smem:$0x3FB5]  }
0x2f: {  	lr =	sadd.s32 s0, s3;
	s0 =	sld [smem:$0x3FAC]  }
0x30: {  	s3 =	sld [smem:$0x3FAF]  }
0x31: {  	[smem:$0x3FB8] =	sst s10  }
0x32: {  	s10 =	sld [smem:$0x3FB6];
	_ =	sdelay $0x3  }
0x33: {  	p0 =	seq.s32 s10, $0x1;
	s10 =	sld [smem:$0x3FB8];
	_ =	sdelay $0x3  }
0x34: {  	[smem:$0x3FB8] =	sst s10  }
0x35: {  	s10 =	sld [smem:$0x3FB7];
	_ =	sdelay $0x3  }
0x36: {  	p1 =	seq.s32 s10, $0x1;
	s10 =	sld [smem:$0x3FB8];
	_ =	sdelay $0x3  }
0x37: {  	[smem:$0x3FB8] =	sst s10  }
0x38: {  	s10 =	sld [smem:$0x3FB9]  }
0x39: {  	_ = 	snop;
	(pc) =	sbr.ind lr, $3  }
0x3a: {  	_ = 	snop  }
0x3b: {  	_ = 	snop  }
0x3c: {  	p2 =	seq.s32 s10, $0x1;
	s10 =	sld [smem:$0x3FB8]  }
0x3d: {  	_ =	shalt  }
0x3e: {  	_ =	shalt  }
0x3f: {  	_ =	shalt  }
0x40: {  	_ =	shalt  }
0x41: {  	_ =	shalt  }
0x42: {  	_ =	shalt  }
0x43: {  	_ =	shalt  }
0x44: {  	_ =	shalt  }
0x45: {  	_ =	shalt  }
0x46: {  	_ =	shalt  }
0x47: {  	_ =	shalt  }
0x48: {  	_ =	shalt  }
0x49: {  	_ =	shalt  }
0x4a: {  	_ =	shalt  }
0x4b: {  	_ =	shalt  }
0x4c: {  	_ =	shalt  }
0x4d: {  	_ =	shalt  }
0x4e: {  	_ =	shalt  }
0x4f: {  	_ =	shalt  }
0x50: {  	_ =	shalt  }
0x51: {  	_ =	shalt  }
0x52: {  	_ =	shalt  }
0x53: {  	_ =	shalt  }
0x54: {  	_ =	shalt  }
0x55: {  	_ =	shalt  }
0x56: {  	_ =	shalt  }
0x57: {  	_ =	shalt  }
0x58: {  	_ =	shalt  }
0x59: {  	_ =	shalt  }
0x5a: {  	_ =	shalt  }
0x5b: {  	_ =	shalt  }
0x5c: {  	_ =	shalt  }
0x5d: {  	_ =	shalt  }
0x5e: {  	_ =	shalt  }
0x5f: {  	_ =	shalt  }
0x60: {  	_ =	shalt  }
0x61: {  	_ =	shalt  }
0x62: {  	_ =	shalt  }
0x63: {  	_ =	shalt  }
0x64: {  	_ =	shalt  }
0x65: {  	_ =	shalt  }
0x66: {  	_ =	shalt  }
0x67: {  	_ =	shalt  }
0x68: {  	_ =	shalt  }
0x69: {  	_ =	shalt  }
0x6a: {  	_ =	shalt  }
0x6b: {  	_ =	shalt  }
0x6c: {  	_ =	shalt  }
0x6d: {  	_ =	shalt  }
0x6e: {  	_ =	shalt  }
0x6f: {  	_ =	shalt  }
0x70: {  	_ =	shalt  }
0x71: {  	_ =	shalt  }
0x72: {  	_ =	shalt  }
0x73: {  	_ =	shalt  }
0x74: {  	_ =	shalt  }
0x75: {  	_ =	shalt  }
0x76: {  	_ =	shalt  }
0x77: {  	_ =	shalt  }
0x78: {  	_ =	shalt  }
0x79: {  	_ =	shalt  }
0x7a: {  	_ =	shalt  }
0x7b: {  	_ =	shalt  }
0x7c: {  	_ =	shalt  }
0x7d: {  	_ =	shalt  }
0x7e: {  	_ =	shalt  }
0x7f: {  	_ =	shalt  }
0x80: {  	_ =	shalt  }
0x81: {  	_ =	shalt  }
0x82: {  	_ =	shalt  }
0x83: {  	_ =	shalt  }
0x84: {  	_ =	shalt  }
0x85: {  	_ =	shalt  }
0x86: {  	_ =	shalt  }
0x87: {  	_ =	shalt  }
.Lfunc_end0:
.L_simem_size_0:
called_computation.5_lowered:
.L_overlay_start_0:
0x88: {  	s2 =	sld [smem:$0x3FD9]  }
0x89: {  	s3 =	sld [smem:$0x3FFE];
	_ =	sdelay $0x1  }
0x8a: {  	s1 =	srdreg.scid  }
0x8b: {  	s0 =	sand.u32 $0x1, s1  }
0x8c: {  	s14 =	sshll.u32 s0, $0xA;
	s2 =	sadd.s32 s3, s2  }
0x8d: {  	s2 =	sadd.s32 s2, s14  }
0x8e: {  	[smem:$0x3FC4] =	sst s2  }
0x8f: {  	_ = 	snop  }
0x90: {  	s2 =	sld [smem:$0x3FD0];
	_ =	sdelay $0x2  }
0x91: {  	s15 =	simm.s32 $0xD;
	s4 =	simm.s32 $0x10  }
0x92: {  	[smem:s4], [sflag:s15] =	dma.local [hbm:s2], $0x1  }
0x93: {  	_ =	swait.eq [sflag:s15], $0x1  }
0x94: {  	[sflag:s15] =	ssyncset.done $0x0  }
0x95: {  	[sflag:s15] =	ssyncadd.s32 $0xFFFFFFFF  }
0x96: {  	s16 =	sld [smem:$0x10];
	(tm) =	ssettm $0x1  }
0x97: {  	s17 =	sld [smem:$0x3FFB];
	_ =	sdelay $0x3  }
0x98: {  	_ =	strace s17  }
0x99: {  	s3 =	sld [smem:$0x3FFC];
	_ =	sdelay $0x3  }
0x9a: {  	_ =	strace s3  }
0x9b: {  	s3 =	sld [smem:$0x3FFD];
	_ =	sdelay $0x3  }
0x9c: {  	_ =	strace s3  }
0x9d: {  	_ =	strace $0x8FFFFFFF  }
0x9e: {  	s18 =	sld [smem:$0x3FDB];
	_ =	sdelay $0x1  }
0x9f: {  	s19 =	simm.s32 $_scs_section_size  }
0xa0: {  	s5 =	simm.s32 $_size__tile_overlayer_lowered;
	s6 =	simm.s32 $_tile_overlayer_lowered  }
0xa1: {  	s22 =	simm.s32 $0x1BFF;
	s21 =	sshll.u32 s6, $0x1;
	s3 =	sadd.s32 s19, s18  }
0xa2: {  	s7 =	simm.s32 $0x0;
	s20 =	sshll.u32 s5, $0x1;
	s5 =	sadd.s32 s21, s3  }
0xa3: {  	[timem:s7], [sflag:s22] =	dma.local [hbm:s5], s20  }
0xa4: {  	_ =	swait.ge [sflag:s22], s20  }
0xa5: {  	s4 =	ssub.s32 $0x0, s20;
	[sflag:s22] =	ssyncset.done $0x0  }
0xa6: {  	[sflag:s22] =	ssyncadd.s32 s4;
	_ =	sdelay $0x1  }
0xa7: {  	s23 =	simm.s32 $0x1B8B  }
0xa8: {  	_ =	swait.ge [sflag:s23], $0x1  }
0xa9: {  	[sflag:s23] =	ssyncset.done $0x0  }
0xaa: {  	s25 =	simm.s32 $0x1B8E;
	s24 =	sld [smem:$0x3FFE];
	[sflag:s23] =	ssyncadd.s32 $0xFFFFFFFF  }
0xab: {  	s26 =	simm.s32 $execute0_lowered;
	[smem:$0x3FD2] =	sst s25  }
0xac: {  	s5 =	sshll.u32 s26, $0x1;
	_ =	strace $0x80000055;
	[dreg:$0x1] =	wrdreg $0xFFFFFFFF  }
0xad: {  	s28 =	simm.s32 $_size_execute0_lowered;
	s3 =	sadd.s32 s3, s5;
	[dreg:$0x0] =	wrdreg $0x0  }
0xae: {  	s5 =	sshll.u32 s28, $0x1;
	[dreg:$0x2] =	wrdreg s3  }
0xaf: {  	[dreg:$0x3] =	wrdreg s5  }
0xb0: {  	[dreg:$0x4] =	wrdreg $0xC0  }
0xb1: {  	_ =	task [dreg:s7], $0x5FFFF  }
0xb2: {  	[dreg:$0x1] =	wrdreg $0xFFFFFFFF  }
0xb3: {  	[dreg:$0x0] =	wrdreg $0x60  }
0xb4: {  	[dreg:$0x2] =	wrdreg s16  }
0xb5: {  	[dreg:$0x3] =	wrdreg s24  }
0xb6: {  	[dreg:$0x4] =	wrdreg $0x9  }
0xb7: {  	_ =	task.clear_ibuf [dreg:s7], $0x5FFFF;
	_ =	strace $0x90000055  }
0xb8: {  	s29 =	simm.s32 $0x9;
	_ =	strace $0x80000057  }
0xb9: {  	_ =	swait.ge [sflag:s29], $0x1  }
0xba: {  	[sflag:s29] =	ssyncadd.s32 $0xFFFFFFFF  }
0xbb: {  	_ =	strace $0x90000057  }
0xbc: {  	_ =	sfence  }
0xbd: {  	s30 =	sld [smem:$0x0];
	_ =	sdelay $0x2  }
0xbe: {  	s31 =	sshll.u32 s1, $0xD;
	s1 =	sshrl.u32 s1, $0x2  }
0xbf: {  	s3 =	sand.u32 $0x4000, s31;
	s1 =	sadd.s32 s1, s30  }
0xc0: {  	s0 =	sor.u32 s3, s0;
	s1 =	sshll.u32 s1, $0x11  }
0xc1: {  	s0 =	sor.u32 s1, s0  }
0xc2: {  	s0 =	sadd.s32 $0x8F2B, s0  }
0xc3: {  	[sflag:s0] =	ssyncadd.remote.s32 $0x1  }
0xc4: {  	_ =	sfence.sel $0xFFFF  }
0xc5: {  	[dreg:$0x0] =	wrdreg $0xFFFFFFFF;
	(pc) =	sbr.abs _section_cstart, $3  }
0xc6: {  	[dreg:$0x1] =	wrdreg $0xFFFFFFFF  }
0xc7: {  	_ =	task.clear_ibuf [dreg:s7], $0x2FFFF;
	_ =	strace $0x9FFFFFFF  }
0xc8: {  	(tm) =	ssettm $0x7FFFFFFF  }
0xc9: {  	_ =	shalt  }
tec
execute0_lowered:
.L_overlay_start_1:
0x0: {  	(tag) =	ssettag $0x1  }
0x1: {  	s0 =	rddreg [dreg:$0x0]  }
0x2: {  	s1 =	rddreg [dreg:$0x1];
	s3 =	srdreg.scid  }
0x3: {  	s5 =	stileid.u32;
	s2 =	simm.s32 $0x0;
	s4 =	sand.u32 $0x1, s3  }
0x4: {  	s18 =	sshll.u32 s5, $0x1;
	[smem:$0x7FF] =	sst s2;
	s7 =	sadd.s32 $0x162600, s1  }
0x5: {  	s9 =	sadd.s32 $0xD2600, s1;
	s10 =	sadd.s32 $0x42600, s1;
	s3 =	sor.u32 s4, s18  }
0x6: {  	_ =	strace $0x80000056;
	s19 =	sshll.u32 s3, $0x7;
	s6 =	smul.u32 $0x24000, s3  }
0x7: {  	s4 =	ssub.s32 $0x2, s4;
	s8 =	smul.u32 $0x4800, s3;
	s5 =	sadd.s32 s19, s1  }
0x8: {  	s3 =	sadd.s32 $0x1F2600, s1;
	s25 =	sshrl.u32 s4, $0x1;
	s20 =	sadd.s32 $0x482A00, s5  }
0x9: {  	s28 =	ssub.s32 s4, s25;
	s22 =	sadd.s32 s0, s8;
	[dreg:$0x3] =	wrdreg s20  }
0xa: {  	s4 =	sadd.s32 $0x1F2700, s1;
	s23 =	sadd.s32 s7, s8;
	[dreg:$0x4] =	wrdreg s22  }
0xb: {  	s21 =	sshrl.u32 s6, $0x3;
	s26 =	sadd.s32 s9, s8;
	[dreg:$0x6] =	wrdreg s23  }
0xc: {  	s30 =	sadd.s32 s10, s8;
	s6 =	sadd.s32 $0x2400, s21;
	[dreg:$0x8] =	wrdreg s26  }
0xd: {  	s5 =	sadd.s32 $0x1F2800, s1;
	[dreg:$0xa] =	wrdreg s30;
	s0 =	sadd.s32 s0, s6  }
0xe: {  	s20 =	smax.u32 s28, $0x1;
	s24 =	sadd.s32 s7, s6;
	[dreg:$0x5] =	wrdreg s0  }
0xf: {  	v2 =	vlaneseq.u32;
	s23 =	simm.s32 $0x2;
	s29 =	sadd.s32 s9, s6;
	[dreg:$0x7] =	wrdreg s24  }
0x10: {  	vm0 =	vmmov $0xffff;
	v1 =	vshrl.u32 v2, $0x3;
	s31 =	sadd.s32 s10, s6;
	s6 =	sadd.s32 $0x1F2900, s1;
	[dreg:$0x9] =	wrdreg s29  }
0x11: {  	v0 =	vand.u32 $0x7, v2;
	v2 =	vor.u32 $0x8, v2;
	v1 =	vmul.u32 $0x8, v1;
	s9 =	simm.s32 $0x400;
	s10 =	simm.s32 $0x1;
	[dreg:$0xb] =	wrdreg s31  }
.LBB2_1:
0x12: {  	s24 =	rddreg [dreg:$0x3];
	s25 =	simm.s32 $0x3  }
0x13: {  	[tilespmem:s2], [sflag:$0x3] =	stream.linear.gather [hbm4b:s24+s2], $0x400, $0x38;
	[tilespmem:$0x12400] =	vst v63  }
0x14: {  	_ =	swait.ge [sflag:s25], $0x400  }
0x15: {  	[sflag:s25] =	ssyncset.done $0x0  }
0x16: {  	s7 =	rddreg [dreg:$0x4];
	[sflag:s25] =	ssyncadd.s32 $0xFFFFFC00  }
0x17: {  	[tilespmem:s9], [sflag:$0x1] =	stream.linear.gather [hbm4b:s7+s2], $0x12000, $0x38;
	[tilespmem:$0x12400] =	vst v63  }
0x18: {  	_ =	swait.ge [sflag:s10], $0x12000  }
0x19: {  	[sflag:s10] =	ssyncset.done $0x0  }
0x1a: {  	[sflag:s10] =	ssyncadd.s32 $0xFFFEE000  }
0x1b: {  	v3 =	vld [tilespmem:$0x0];
	_ =	sdelay $0x4  }
0x1c: {  	v4 =	vshll.u32 v3, $0x3  }
0x1d: {  	v3 =	vand.u32 $0x7, v3;
	v4 =	vand.u32 $0xFFFFFFC0, v4  }
0x1e: {  	v3 =	vor.u32 v3, v4  }
0x1f: {  	v4 =	vperm.xlane v3, v0;
	_ =	sdelay $0x1  }
0x20: {  	v4 =	vadd.s32 v1, v4;
	_ =	sdelay $0x4  }
0x21: {  	[hbm4b:s3+s2] =	stream.indirect_vreg.scatter [tilespmem:s9], [sflag:$0x2], $0x80, v4, vm0, $0xb8;
	[tilespmem:$0x12400] =	vst v63  }
0x22: {  	s0 =	simm.s32 $0xC00;
	v3 =	vperm.xlane v3, v2  }
0x23: {  	[hbm4b:s4+s2] =	stream.indirect_vreg.scatter [tilespmem:s0], [sflag:$0x2], $0x80, v4, vm0, $0xb8;
	[tilespmem:$0x12400] =	vst v63  }
0x24: {  	s8 =	simm.s32 $0x1400;
	v3 =	vadd.s32 v1, v3  }
0x25: {  	[hbm4b:s5+s2] =	stream.indirect_vreg.scatter [tilespmem:s8], [sflag:$0x2], $0x80, v4, vm0, $0xb8;
	[tilespmem:$0x12400] =	vst v63  }
0x26: {  	s11 =	simm.s32 $0x1C00  }
0x27: {  	[hbm4b:s6+s2] =	stream.indirect_vreg.scatter [tilespmem:s11], [sflag:$0x2], $0x80, v4, vm0, $0xb8;
	[tilespmem:$0x12400] =	vst v63  }
0x28: {  	s12 =	simm.s32 $0x2400  }
0x29: {  	[hbm4b:s3+s2] =	stream.indirect_vreg.scatter [tilespmem:s12], [sflag:$0x2], $0x80, v3, vm0, $0xb8;
	[tilespmem:$0x12400] =	vst v63  }
0x2a: {  	s13 =	simm.s32 $0x2C00  }
0x2b: {  	[hbm4b:s4+s2] =	stream.indirect_vreg.scatter [tilespmem:s13], [sflag:$0x2], $0x80, v3, vm0, $0xb8;
	[tilespmem:$0x12400] =	vst v63  }
0x2c: {  	s14 =	simm.s32 $0x3400  }
0x2d: {  	[hbm4b:s5+s2] =	stream.indirect_vreg.scatter [tilespmem:s14], [sflag:$0x2], $0x80, v3, vm0, $0xb8;
	[tilespmem:$0x12400] =	vst v63  }
0x2e: {  	s15 =	simm.s32 $0x3C00  }
0x2f: {  	[hbm4b:s6+s2] =	stream.indirect_vreg.scatter [tilespmem:s15], [sflag:$0x2], $0x80, v3, vm0, $0xb8;
	[tilespmem:$0x12400] =	vst v63  }
0x30: {  	v3 =	vld [tilespmem:$0x10];
	_ =	sdelay $0x4  }
0x31: {  	v25 =	vshll.u32 v3, $0x3  }
0x32: {  	v3 =	vand.u32 $0x7, v3;
	v4 =	vand.u32 $0xFFFFFFC0, v25  }
0x33: {  	v3 =	vor.u32 v3, v4  }
0x34: {  	v4 =	vperm.xlane v3, v0;
	_ =	sdelay $0x1  }
0x35: {  	v4 =	vadd.s32 v1, v4;
	_ =	sdelay $0x3  }
0x36: {  	s17 =	simm.s32 $0x4400  }
0x37: {  	[hbm4b:s3+s2] =	stream.indirect_vreg.scatter [tilespmem:s17], [sflag:$0x2], $0x80, v4, vm0, $0xb8;
	[tilespmem:$0x12400] =	vst v63  }
0x38: {  	s18 =	simm.s32 $0x4C00;
	v3 =	vperm.xlane v3, v2  }
0x39: {  	[hbm4b:s4+s2] =	stream.indirect_vreg.scatter [tilespmem:s18], [sflag:$0x2], $0x80, v4, vm0, $0xb8;
	[tilespmem:$0x12400] =	vst v63  }
0x3a: {  	s24 =	simm.s32 $0x5400;
	v3 =	vadd.s32 v1, v3  }
0x3b: {  	[hbm4b:s5+s2] =	stream.indirect_vreg.scatter [tilespmem:s24], [sflag:$0x2], $0x80, v4, vm0, $0xb8;
	[tilespmem:$0x12400] =	vst v63  }
0x3c: {  	s25 =	simm.s32 $0x5C00  }
0x3d: {  	[hbm4b:s6+s2] =	stream.indirect_vreg.scatter [tilespmem:s25], [sflag:$0x2], $0x80, v4, vm0, $0xb8;
	[tilespmem:$0x12400] =	vst v63  }
0x3e: {  	s28 =	simm.s32 $0x6400  }
0x3f: {  	[hbm4b:s3+s2] =	stream.indirect_vreg.scatter [tilespmem:s28], [sflag:$0x2], $0x80, v3, vm0, $0xb8;
	[tilespmem:$0x12400] =	vst v63  }
0x40: {  	s29 =	simm.s32 $0x6C00  }
0x41: {  	[hbm4b:s4+s2] =	stream.indirect_vreg.scatter [tilespmem:s29], [sflag:$0x2], $0x80, v3, vm0, $0xb8;
	[tilespmem:$0x12400] =	vst v63  }
0x42: {  	s30 =	simm.s32 $0x7400  }
0x43: {  	[hbm4b:s5+s2] =	stream.indirect_vreg.scatter [tilespmem:s30], [sflag:$0x2], $0x80, v3, vm0, $0xb8;
	[tilespmem:$0x12400] =	vst v63  }
0x44: {  	s31 =	simm.s32 $0x7C00  }
0x45: {  	[hbm4b:s6+s2] =	stream.indirect_vreg.scatter [tilespmem:s31], [sflag:$0x2], $0x80, v3, vm0, $0xb8;
	[tilespmem:$0x12400] =	vst v63  }
0x46: {  	v3 =	vld [tilespmem:$0x20];
	_ =	sdelay $0x4  }
0x47: {  	v26 =	vshll.u32 v3, $0x3  }
0x48: {  	v3 =	vand.u32 $0x7, v3;
	v4 =	vand.u32 $0xFFFFFFC0, v26  }
0x49: {  	v3 =	vor.u32 v3, v4  }
0x4a: {  	v4 =	vperm.xlane v3, v0;
	_ =	sdelay $0x1  }
0x4b: {  	v4 =	vadd.s32 v1, v4;
	_ =	sdelay $0x3  }
0x4c: {  	s11 =	simm.s32 $0x8400  }
0x4d: {  	[hbm4b:s3+s2] =	stream.indirect_vreg.scatter [tilespmem:s11], [sflag:$0x2], $0x80, v4, vm0, $0xb8;
	[tilespmem:$0x12400] =	vst v63  }
0x4e: {  	s12 =	simm.s32 $0x8C00;
	v3 =	vperm.xlane v3, v2  }
0x4f: {  	[hbm4b:s4+s2] =	stream.indirect_vreg.scatter [tilespmem:s12], [sflag:$0x2], $0x80, v4, vm0, $0xb8;
	[tilespmem:$0x12400] =	vst v63  }
0x50: {  	s13 =	simm.s32 $0x9400;
	v3 =	vadd.s32 v1, v3  }
0x51: {  	[hbm4b:s5+s2] =	stream.indirect_vreg.scatter [tilespmem:s13], [sflag:$0x2], $0x80, v4, vm0, $0xb8;
	[tilespmem:$0x12400] =	vst v63  }
0x52: {  	s14 =	simm.s32 $0x9C00  }
0x53: {  	[hbm4b:s6+s2] =	stream.indirect_vreg.scatter [tilespmem:s14], [sflag:$0x2], $0x80, v4, vm0, $0xb8;
	[tilespmem:$0x12400] =	vst v63  }
0x54: {  	s15 =	simm.s32 $0xA400  }
0x55: {  	[hbm4b:s3+s2] =	stream.indirect_vreg.scatter [tilespmem:s15], [sflag:$0x2], $0x80, v3, vm0, $0xb8;
	[tilespmem:$0x12400] =	vst v63  }
0x56: {  	s17 =	simm.s32 $0xAC00  }
0x57: {  	[hbm4b:s4+s2] =	stream.indirect_vreg.scatter [tilespmem:s17], [sflag:$0x2], $0x80, v3, vm0, $0xb8;
	[tilespmem:$0x12400] =	vst v63  }
0x58: {  	s18 =	simm.s32 $0xB400  }
0x59: {  	[hbm4b:s5+s2] =	stream.indirect_vreg.scatter [tilespmem:s18], [sflag:$0x2], $0x80, v3, vm0, $0xb8;
	[tilespmem:$0x12400] =	vst v63  }
0x5a: {  	s28 =	simm.s32 $0xBC00  }
0x5b: {  	[hbm4b:s6+s2] =	stream.indirect_vreg.scatter [tilespmem:s28], [sflag:$0x2], $0x80, v3, vm0, $0xb8;
	[tilespmem:$0x12400] =	vst v63  }
0x5c: {  	v3 =	vld [tilespmem:$0x30];
	_ =	sdelay $0x4  }
0x5d: {  	v27 =	vshll.u32 v3, $0x3  }
0x5e: {  	v3 =	vand.u32 $0x7, v3;
	v4 =	vand.u32 $0xFFFFFFC0, v27  }
0x5f: {  	v3 =	vor.u32 v3, v4  }
0x60: {  	v4 =	vperm.xlane v3, v0;
	_ =	sdelay $0x1  }
0x61: {  	v4 =	vadd.s32 v1, v4;
	_ =	sdelay $0x3  }
0x62: {  	s29 =	simm.s32 $0xC400  }
0x63: {  	[hbm4b:s3+s2] =	stream.indirect_vreg.scatter [tilespmem:s29], [sflag:$0x2], $0x80, v4, vm0, $0xb8;
	[tilespmem:$0x12400] =	vst v63  }
0x64: {  	s30 =	simm.s32 $0xCC00;
	v3 =	vperm.xlane v3, v2  }
0x65: {  	[hbm4b:s4+s2] =	stream.indirect_vreg.scatter [tilespmem:s30], [sflag:$0x2], $0x80, v4, vm0, $0xb8;
	[tilespmem:$0x12400] =	vst v63  }
0x66: {  	s31 =	simm.s32 $0xD400;
	v3 =	vadd.s32 v1, v3  }
0x67: {  	[hbm4b:s5+s2] =	stream.indirect_vreg.scatter [tilespmem:s31], [sflag:$0x2], $0x80, v4, vm0, $0xb8;
	[tilespmem:$0x12400] =	vst v63  }
0x68: {  	s0 =	simm.s32 $0xDC00  }
0x69: {  	[hbm4b:s6+s2] =	stream.indirect_vreg.scatter [tilespmem:s0], [sflag:$0x2], $0x80, v4, vm0, $0xb8;
	[tilespmem:$0x12400] =	vst v63  }
0x6a: {  	s14 =	simm.s32 $0xE400  }
0x6b: {  	[hbm4b:s3+s2] =	stream.indirect_vreg.scatter [tilespmem:s14], [sflag:$0x2], $0x80, v3, vm0, $0xb8;
	[tilespmem:$0x12400] =	vst v63  }
0x6c: {  	s15 =	simm.s32 $0xEC00  }
0x6d: {  	[hbm4b:s4+s2] =	stream.indirect_vreg.scatter [tilespmem:s15], [sflag:$0x2], $0x80, v3, vm0, $0xb8;
	[tilespmem:$0x12400] =	vst v63  }
0x6e: {  	s17 =	simm.s32 $0xF400  }
0x6f: {  	[hbm4b:s5+s2] =	stream.indirect_vreg.scatter [tilespmem:s17], [sflag:$0x2], $0x80, v3, vm0, $0xb8;
	[tilespmem:$0x12400] =	vst v63  }
0x70: {  	s18 =	simm.s32 $0xFC00  }
0x71: {  	[hbm4b:s6+s2] =	stream.indirect_vreg.scatter [tilespmem:s18], [sflag:$0x2], $0x80, v3, vm0, $0xb8;
	[tilespmem:$0x12400] =	vst v63  }
0x72: {  	v3 =	vld.msk [tilespmem:$0x40], $0xff;
	_ =	sdelay $0x4  }
0x73: {  	v28 =	vshll.u32 v3, $0x3  }
0x74: {  	v3 =	vand.u32 $0x7, v3;
	v4 =	vand.u32 $0xFFFFFFC0, v28  }
0x75: {  	v3 =	vor.u32 v3, v4  }
0x76: {  	v3 =	vperm.xlane v3, v0;
	_ =	sdelay $0x1  }
0x77: {  	v3 =	vadd.s32 v1, v3;
	_ =	sdelay $0x3  }
0x78: {  	s28 =	simm.s32 $0x10400  }
0x79: {  	[hbm4b:s3+s2] =	stream.indirect_vreg.scatter [tilespmem:s28], [sflag:$0x2], $0x80, v3, vm0, $0xb8;
	[tilespmem:$0x12400] =	vst v63  }
0x7a: {  	s0 =	simm.s32 $0x10C00  }
0x7b: {  	[hbm4b:s4+s2] =	stream.indirect_vreg.scatter [tilespmem:s0], [sflag:$0x2], $0x80, v3, vm0, $0xb8;
	[tilespmem:$0x12400] =	vst v63  }
0x7c: {  	s15 =	simm.s32 $0x11400  }
0x7d: {  	[hbm4b:s5+s2] =	stream.indirect_vreg.scatter [tilespmem:s15], [sflag:$0x2], $0x80, v3, vm0, $0xb8;
	[tilespmem:$0x12400] =	vst v63  }
0x7e: {  	s17 =	simm.s32 $0x11C00  }
0x7f: {  	[hbm4b:s6+s2] =	stream.indirect_vreg.scatter [tilespmem:s17], [sflag:$0x2], $0x80, v3, vm0, $0xb8;
	[tilespmem:$0x12400] =	vst v63  }
0x80: {  	_ =	swait.ge [sflag:s23], $0x12000  }
0x81: {  	[sflag:s23] =	ssyncset.done $0x0  }
0x82: {  	s18 =	rddreg [dreg:$0x5];
	[sflag:s23] =	ssyncadd.s32 $0xFFFEE000  }
0x83: {  	[tilespmem:s9], [sflag:$0x1] =	stream.linear.gather [hbm4b:s18+s2], $0x12000, $0x38;
	[tilespmem:$0x12400] =	vst v63  }
0x84: {  	_ =	swait.ge [sflag:s10], $0x12000  }
0x85: {  	[sflag:s10] =	ssyncset.done $0x0  }
0x86: {  	[sflag:s10] =	ssyncadd.s32 $0xFFFEE000  }
0x87: {  	v3 =	vld [tilespmem:$0x80];
	_ =	sdelay $0x4  }
0x88: {  	v29 =	vshll.u32 v3, $0x3  }
0x89: {  	v3 =	vand.u32 $0x7, v3;
	v4 =	vand.u32 $0xFFFFFFC0, v29  }
0x8a: {  	v3 =	vor.u32 v3, v4  }
0x8b: {  	v4 =	vperm.xlane v3, v0;
	_ =	sdelay $0x1  }
0x8c: {  	v4 =	vadd.s32 v1, v4;
	_ =	sdelay $0x4  }
0x8d: {  	[hbm4b:s3+s2] =	stream.indirect_vreg.scatter [tilespmem:s9], [sflag:$0x2], $0x80, v4, vm0, $0xb8;
	[tilespmem:$0x12400] =	vst v63  }
0x8e: {  	s16 =	simm.s32 $0xC00;
	v3 =	vperm.xlane v3, v2  }
0x8f: {  	[hbm4b:s4+s2] =	stream.indirect_vreg.scatter [tilespmem:s16], [sflag:$0x2], $0x80, v4, vm0, $0xb8;
	[tilespmem:$0x12400] =	vst v63  }
0x90: {  	s1 =	simm.s32 $0x1400;
	v3 =	vadd.s32 v1, v3  }
0x91: {  	[hbm4b:s5+s2] =	stream.indirect_vreg.scatter [tilespmem:s1], [sflag:$0x2], $0x80, v4, vm0, $0xb8;
	[tilespmem:$0x12400] =	vst v63  }
0x92: {  	s7 =	simm.s32 $0x1C00  }
0x93: {  	[hbm4b:s6+s2] =	stream.indirect_vreg.scatter [tilespmem:s7], [sflag:$0x2], $0x80, v4, vm0, $0xb8;
	[tilespmem:$0x12400] =	vst v63  }
0x94: {  	s8 =	simm.s32 $0x2400  }
0x95: {  	[hbm4b:s3+s2] =	stream.indirect_vreg.scatter [tilespmem:s8], [sflag:$0x2], $0x80, v3, vm0, $0xb8;
	[tilespmem:$0x12400] =	vst v63  }
0x96: {  	s19 =	simm.s32 $0x2C00  }
0x97: {  	[hbm4b:s4+s2] =	stream.indirect_vreg.scatter [tilespmem:s19], [sflag:$0x2], $0x80, v3, vm0, $0xb8;
	[tilespmem:$0x12400] =	vst v63  }
0x98: {  	s21 =	simm.s32 $0x3400  }
0x99: {  	[hbm4b:s5+s2] =	stream.indirect_vreg.scatter [tilespmem:s21], [sflag:$0x2], $0x80, v3, vm0, $0xb8;
	[tilespmem:$0x12400] =	vst v63  }
0x9a: {  	s22 =	simm.s32 $0x3C00  }
0x9b: {  	[hbm4b:s6+s2] =	stream.indirect_vreg.scatter [tilespmem:s22], [sflag:$0x2], $0x80, v3, vm0, $0xb8;
	[tilespmem:$0x12400] =	vst v63  }
0x9c: {  	v3 =	vld [tilespmem:$0x90];
	_ =	sdelay $0x4  }
0x9d: {  	v30 =	vshll.u32 v3, $0x3  }
0x9e: {  	v3 =	vand.u32 $0x7, v3;
	v4 =	vand.u32 $0xFFFFFFC0, v30  }
0x9f: {  	v3 =	vor.u32 v3, v4  }
0xa0: {  	v4 =	vperm.xlane v3, v0;
	_ =	sdelay $0x1  }
0xa1: {  	v4 =	vadd.s32 v1, v4;
	_ =	sdelay $0x3  }
0xa2: {  	s26 =	simm.s32 $0x4400  }
0xa3: {  	[hbm4b:s3+s2] =	stream.indirect_vreg.scatter [tilespmem:s26], [sflag:$0x2], $0x80, v4, vm0, $0xb8;
	[tilespmem:$0x12400] =	vst v63  }
0xa4: {  	s28 =	simm.s32 $0x4C00;
	v3 =	vperm.xlane v3, v2  }
0xa5: {  	[hbm4b:s4+s2] =	stream.indirect_vreg.scatter [tilespmem:s28], [sflag:$0x2], $0x80, v4, vm0, $0xb8;
	[tilespmem:$0x12400] =	vst v63  }
0xa6: {  	s0 =	simm.s32 $0x5400;
	v3 =	vadd.s32 v1, v3  }
0xa7: {  	[hbm4b:s5+s2] =	stream.indirect_vreg.scatter [tilespmem:s0], [sflag:$0x2], $0x80, v4, vm0, $0xb8;
	[tilespmem:$0x12400] =	vst v63  }
0xa8: {  	s1 =	simm.s32 $0x5C00  }
0xa9: {  	[hbm4b:s6+s2] =	stream.indirect_vreg.scatter [tilespmem:s1], [sflag:$0x2], $0x80, v4, vm0, $0xb8;
	[tilespmem:$0x12400] =	vst v63  }
0xaa: {  	s7 =	simm.s32 $0x6400  }
0xab: {  	[hbm4b:s3+s2] =	stream.indirect_vreg.scatter [tilespmem:s7], [sflag:$0x2], $0x80, v3, vm0, $0xb8;
	[tilespmem:$0x12400] =	vst v63  }
0xac: {  	s8 =	simm.s32 $0x6C00  }
0xad: {  	[hbm4b:s4+s2] =	stream.indirect_vreg.scatter [tilespmem:s8], [sflag:$0x2], $0x80, v3, vm0, $0xb8;
	[tilespmem:$0x12400] =	vst v63  }
0xae: {  	s19 =	simm.s32 $0x7400  }
0xaf: {  	[hbm4b:s5+s2] =	stream.indirect_vreg.scatter [tilespmem:s19], [sflag:$0x2], $0x80, v3, vm0, $0xb8;
	[tilespmem:$0x12400] =	vst v63  }
0xb0: {  	s16 =	simm.s32 $0x7C00  }
0xb1: {  	[hbm4b:s6+s2] =	stream.indirect_vreg.scatter [tilespmem:s16], [sflag:$0x2], $0x80, v3, vm0, $0xb8;
	[tilespmem:$0x12400] =	vst v63  }
0xb2: {  	v3 =	vld [tilespmem:$0xA0];
	_ =	sdelay $0x4  }
0xb3: {  	v31 =	vshll.u32 v3, $0x3  }
0xb4: {  	v3 =	vand.u32 $0x7, v3;
	v4 =	vand.u32 $0xFFFFFFC0, v31  }
0xb5: {  	v3 =	vor.u32 v3, v4  }
0xb6: {  	v4 =	vperm.xlane v3, v0;
	_ =	sdelay $0x1  }
0xb7: {  	v4 =	vadd.s32 v1, v4;
	_ =	sdelay $0x3  }
0xb8: {  	s17 =	simm.s32 $0x8400  }
0xb9: {  	[hbm4b:s3+s2] =	stream.indirect_vreg.scatter [tilespmem:s17], [sflag:$0x2], $0x80, v4, vm0, $0xb8;
	[tilespmem:$0x12400] =	vst v63  }
0xba: {  	s18 =	simm.s32 $0x8C00;
	v3 =	vperm.xlane v3, v2  }
0xbb: {  	[hbm4b:s4+s2] =	stream.indirect_vreg.scatter [tilespmem:s18], [sflag:$0x2], $0x80, v4, vm0, $0xb8;
	[tilespmem:$0x12400] =	vst v63  }
0xbc: {  	s21 =	simm.s32 $0x9400;
	v3 =	vadd.s32 v1, v3  }
0xbd: {  	[hbm4b:s5+s2] =	stream.indirect_vreg.scatter [tilespmem:s21], [sflag:$0x2], $0x80, v4, vm0, $0xb8;
	[tilespmem:$0x12400] =	vst v63  }
0xbe: {  	s22 =	simm.s32 $0x9C00  }
0xbf: {  	[hbm4b:s6+s2] =	stream.indirect_vreg.scatter [tilespmem:s22], [sflag:$0x2], $0x80, v4, vm0, $0xb8;
	[tilespmem:$0x12400] =	vst v63  }
0xc0: {  	s26 =	simm.s32 $0xA400  }
0xc1: {  	[hbm4b:s3+s2] =	stream.indirect_vreg.scatter [tilespmem:s26], [sflag:$0x2], $0x80, v3, vm0, $0xb8;
	[tilespmem:$0x12400] =	vst v63  }
0xc2: {  	s25 =	simm.s32 $0xAC00  }
0xc3: {  	[hbm4b:s4+s2] =	stream.indirect_vreg.scatter [tilespmem:s25], [sflag:$0x2], $0x80, v3, vm0, $0xb8;
	[tilespmem:$0x12400] =	vst v63  }
0xc4: {  	s25 =	simm.s32 $0xB400  }
0xc5: {  	[hbm4b:s5+s2] =	stream.indirect_vreg.scatter [tilespmem:s25], [sflag:$0x2], $0x80, v3, vm0, $0xb8;
	[tilespmem:$0x12400] =	vst v63  }
0xc6: {  	s11 =	simm.s32 $0xBC00  }
0xc7: {  	[hbm4b:s6+s2] =	stream.indirect_vreg.scatter [tilespmem:s11], [sflag:$0x2], $0x80, v3, vm0, $0xb8;
	[tilespmem:$0x12400] =	vst v63  }
0xc8: {  	v3 =	vld [tilespmem:$0xB0];
	_ =	sdelay $0x4  }
0xc9: {  	v32 =	vshll.u32 v3, $0x3  }
0xca: {  	v3 =	vand.u32 $0x7, v3;
	v4 =	vand.u32 $0xFFFFFFC0, v32  }
0xcb: {  	v3 =	vor.u32 v3, v4  }
0xcc: {  	v4 =	vperm.xlane v3, v0;
	_ =	sdelay $0x1  }
0xcd: {  	v4 =	vadd.s32 v1, v4;
	_ =	sdelay $0x3  }
0xce: {  	s12 =	simm.s32 $0xC400  }
0xcf: {  	[hbm4b:s3+s2] =	stream.indirect_vreg.scatter [tilespmem:s12], [sflag:$0x2], $0x80, v4, vm0, $0xb8;
	[tilespmem:$0x12400] =	vst v63  }
0xd0: {  	s13 =	simm.s32 $0xCC00;
	v3 =	vperm.xlane v3, v2  }
0xd1: {  	[hbm4b:s4+s2] =	stream.indirect_vreg.scatter [tilespmem:s13], [sflag:$0x2], $0x80, v4, vm0, $0xb8;
	[tilespmem:$0x12400] =	vst v63  }
0xd2: {  	v3 =	vadd.s32 v1, v3;
	s12 =	simm.s32 $0xD400  }
0xd3: {  	[hbm4b:s5+s2] =	stream.indirect_vreg.scatter [tilespmem:s12], [sflag:$0x2], $0x80, v4, vm0, $0xb8;
	[tilespmem:$0x12400] =	vst v63  }
0xd4: {  	s13 =	simm.s32 $0xDC00  }
0xd5: {  	[hbm4b:s6+s2] =	stream.indirect_vreg.scatter [tilespmem:s13], [sflag:$0x2], $0x80, v4, vm0, $0xb8;
	[tilespmem:$0x12400] =	vst v63  }
0xd6: {  	s29 =	simm.s32 $0xE400  }
0xd7: {  	[hbm4b:s3+s2] =	stream.indirect_vreg.scatter [tilespmem:s29], [sflag:$0x2], $0x80, v3, vm0, $0xb8;
	[tilespmem:$0x12400] =	vst v63  }
0xd8: {  	s30 =	simm.s32 $0xEC00  }
0xd9: {  	[hbm4b:s4+s2] =	stream.indirect_vreg.scatter [tilespmem:s30], [sflag:$0x2], $0x80, v3, vm0, $0xb8;
	[tilespmem:$0x12400] =	vst v63  }
0xda: {  	s31 =	simm.s32 $0xF400  }
0xdb: {  	[hbm4b:s5+s2] =	stream.indirect_vreg.scatter [tilespmem:s31], [sflag:$0x2], $0x80, v3, vm0, $0xb8;
	[tilespmem:$0x12400] =	vst v63  }
0xdc: {  	s14 =	simm.s32 $0xFC00  }
0xdd: {  	[hbm4b:s6+s2] =	stream.indirect_vreg.scatter [tilespmem:s14], [sflag:$0x2], $0x80, v3, vm0, $0xb8;
	[tilespmem:$0x12400] =	vst v63  }
0xde: {  	v3 =	vld.msk [tilespmem:$0xC0], $0xff;
	_ =	sdelay $0x4  }
0xdf: {  	v33 =	vshll.u32 v3, $0x3  }
0xe0: {  	v3 =	vand.u32 $0x7, v3;
	v4 =	vand.u32 $0xFFFFFFC0, v33  }
0xe1: {  	v3 =	vor.u32 v3, v4  }
0xe2: {  	v3 =	vperm.xlane v3, v0;
	_ =	sdelay $0x1  }
0xe3: {  	v3 =	vadd.s32 v1, v3;
	_ =	sdelay $0x3  }
0xe4: {  	s24 =	simm.s32 $0x10400  }
0xe5: {  	[hbm4b:s3+s2] =	stream.indirect_vreg.scatter [tilespmem:s24], [sflag:$0x2], $0x80, v3, vm0, $0xb8;
	[tilespmem:$0x12400] =	vst v63  }
0xe6: {  	s31 =	simm.s32 $0x10C00  }
0xe7: {  	[hbm4b:s4+s2] =	stream.indirect_vreg.scatter [tilespmem:s31], [sflag:$0x2], $0x80, v3, vm0, $0xb8;
	[tilespmem:$0x12400] =	vst v63  }
0xe8: {  	s24 =	simm.s32 $0x11400  }
0xe9: {  	[hbm4b:s5+s2] =	stream.indirect_vreg.scatter [tilespmem:s24], [sflag:$0x2], $0x80, v3, vm0, $0xb8;
	[tilespmem:$0x12400] =	vst v63  }
0xea: {  	s15 =	simm.s32 $0x11C00  }
0xeb: {  	[hbm4b:s6+s2] =	stream.indirect_vreg.scatter [tilespmem:s15], [sflag:$0x2], $0x80, v3, vm0, $0xb8;
	[tilespmem:$0x12400] =	vst v63  }
0xec: {  	_ =	swait.ge [sflag:s23], $0x12000  }
0xed: {  	[sflag:s23] =	ssyncset.done $0x0  }
0xee: {  	s24 =	rddreg [dreg:$0x6];
	[sflag:s23] =	ssyncadd.s32 $0xFFFEE000  }
0xef: {  	[tilespmem:s9], [sflag:$0x1] =	stream.linear.gather [hbm4b:s24+s2], $0x12000, $0x38;
	[tilespmem:$0x12400] =	vst v63  }
0xf0: {  	_ =	swait.ge [sflag:s10], $0x12000  }
0xf1: {  	[sflag:s10] =	ssyncset.done $0x0  }
0xf2: {  	[sflag:s10] =	ssyncadd.s32 $0xFFFEE000  }
0xf3: {  	v3 =	vld [tilespmem:$0x100];
	_ =	sdelay $0x4  }
0xf4: {  	v34 =	vshll.u32 v3, $0x3  }
0xf5: {  	v3 =	vand.u32 $0x7, v3;
	v4 =	vand.u32 $0xFFFFFFC0, v34  }
0xf6: {  	v3 =	vor.u32 v3, v4  }
0xf7: {  	v4 =	vperm.xlane v3, v0;
	_ =	sdelay $0x1  }
0xf8: {  	v4 =	vadd.s32 v1, v4;
	_ =	sdelay $0x4  }
0xf9: {  	[hbm4b:s3+s2] =	stream.indirect_vreg.scatter [tilespmem:s9], [sflag:$0x2], $0x80, v4, vm0, $0xb8;
	[tilespmem:$0x12400] =	vst v63  }
0xfa: {  	s24 =	simm.s32 $0xC00;
	v3 =	vperm.xlane v3, v2  }
0xfb: {  	[hbm4b:s4+s2] =	stream.indirect_vreg.scatter [tilespmem:s24], [sflag:$0x2], $0x80, v4, vm0, $0xb8;
	[tilespmem:$0x12400] =	vst v63  }
0xfc: {  	v3 =	vadd.s32 v1, v3;
	s24 =	simm.s32 $0x1400  }
0xfd: {  	[hbm4b:s5+s2] =	stream.indirect_vreg.scatter [tilespmem:s24], [sflag:$0x2], $0x80, v4, vm0, $0xb8;
	[tilespmem:$0x12400] =	vst v63  }
0xfe: {  	s24 =	simm.s32 $0x1C00  }
0xff: {  	[hbm4b:s6+s2] =	stream.indirect_vreg.scatter [tilespmem:s24], [sflag:$0x2], $0x80, v4, vm0, $0xb8;
	[tilespmem:$0x12400] =	vst v63  }
0x100: {  	s24 =	simm.s32 $0x2400  }
0x101: {  	[hbm4b:s3+s2] =	stream.indirect_vreg.scatter [tilespmem:s24], [sflag:$0x2], $0x80, v3, vm0, $0xb8;
	[tilespmem:$0x12400] =	vst v63  }
0x102: {  	s24 =	simm.s32 $0x2C00  }
0x103: {  	[hbm4b:s4+s2] =	stream.indirect_vreg.scatter [tilespmem:s24], [sflag:$0x2], $0x80, v3, vm0, $0xb8;
	[tilespmem:$0x12400] =	vst v63  }
0x104: {  	s24 =	simm.s32 $0x3400  }
0x105: {  	[hbm4b:s5+s2] =	stream.indirect_vreg.scatter [tilespmem:s24], [sflag:$0x2], $0x80, v3, vm0, $0xb8;
	[tilespmem:$0x12400] =	vst v63  }
0x106: {  	s24 =	simm.s32 $0x3C00  }
0x107: {  	[hbm4b:s6+s2] =	stream.indirect_vreg.scatter [tilespmem:s24], [sflag:$0x2], $0x80, v3, vm0, $0xb8;
	[tilespmem:$0x12400] =	vst v63  }
0x108: {  	v3 =	vld [tilespmem:$0x110];
	_ =	sdelay $0x4  }
0x109: {  	v35 =	vshll.u32 v3, $0x3  }
0x10a: {  	v3 =	vand.u32 $0x7, v3;
	v4 =	vand.u32 $0xFFFFFFC0, v35  }
0x10b: {  	v3 =	vor.u32 v3, v4  }
0x10c: {  	v4 =	vperm.xlane v3, v0;
	_ =	sdelay $0x1  }
0x10d: {  	v4 =	vadd.s32 v1, v4;
	_ =	sdelay $0x3  }
0x10e: {  	s24 =	simm.s32 $0x4400  }
0x10f: {  	[hbm4b:s3+s2] =	stream.indirect_vreg.scatter [tilespmem:s24], [sflag:$0x2], $0x80, v4, vm0, $0xb8;
	[tilespmem:$0x12400] =	vst v63  }
0x110: {  	v3 =	vperm.xlane v3, v2  }
0x111: {  	[hbm4b:s4+s2] =	stream.indirect_vreg.scatter [tilespmem:s28], [sflag:$0x2], $0x80, v4, vm0, $0xb8;
	[tilespmem:$0x12400] =	vst v63  }
0x112: {  	v3 =	vadd.s32 v1, v3  }
0x113: {  	[hbm4b:s5+s2] =	stream.indirect_vreg.scatter [tilespmem:s0], [sflag:$0x2], $0x80, v4, vm0, $0xb8;
	[tilespmem:$0x12400] =	vst v63  }
0x114: {  	_ = 	snop  }
0x115: {  	[hbm4b:s6+s2] =	stream.indirect_vreg.scatter [tilespmem:s1], [sflag:$0x2], $0x80, v4, vm0, $0xb8;
	[tilespmem:$0x12400] =	vst v63  }
0x116: {  	_ = 	snop  }
0x117: {  	[hbm4b:s3+s2] =	stream.indirect_vreg.scatter [tilespmem:s7], [sflag:$0x2], $0x80, v3, vm0, $0xb8;
	[tilespmem:$0x12400] =	vst v63  }
0x118: {  	_ = 	snop  }
0x119: {  	[hbm4b:s4+s2] =	stream.indirect_vreg.scatter [tilespmem:s8], [sflag:$0x2], $0x80, v3, vm0, $0xb8;
	[tilespmem:$0x12400] =	vst v63  }
0x11a: {  	_ = 	snop  }
0x11b: {  	[hbm4b:s5+s2] =	stream.indirect_vreg.scatter [tilespmem:s19], [sflag:$0x2], $0x80, v3, vm0, $0xb8;
	[tilespmem:$0x12400] =	vst v63  }
0x11c: {  	_ = 	snop  }
0x11d: {  	[hbm4b:s6+s2] =	stream.indirect_vreg.scatter [tilespmem:s16], [sflag:$0x2], $0x80, v3, vm0, $0xb8;
	[tilespmem:$0x12400] =	vst v63  }
0x11e: {  	v3 =	vld [tilespmem:$0x120];
	_ =	sdelay $0x4  }
0x11f: {  	v36 =	vshll.u32 v3, $0x3  }
0x120: {  	v3 =	vand.u32 $0x7, v3;
	v4 =	vand.u32 $0xFFFFFFC0, v36  }
0x121: {  	v3 =	vor.u32 v3, v4  }
0x122: {  	v4 =	vperm.xlane v3, v0;
	_ =	sdelay $0x1  }
0x123: {  	v4 =	vadd.s32 v1, v4;
	_ =	sdelay $0x4  }
0x124: {  	[hbm4b:s3+s2] =	stream.indirect_vreg.scatter [tilespmem:s17], [sflag:$0x2], $0x80, v4, vm0, $0xb8;
	[tilespmem:$0x12400] =	vst v63  }
0x125: {  	v3 =	vperm.xlane v3, v2  }
0x126: {  	[hbm4b:s4+s2] =	stream.indirect_vreg.scatter [tilespmem:s18], [sflag:$0x2], $0x80, v4, vm0, $0xb8;
	[tilespmem:$0x12400] =	vst v63  }
0x127: {  	v3 =	vadd.s32 v1, v3  }
0x128: {  	[hbm4b:s5+s2] =	stream.indirect_vreg.scatter [tilespmem:s21], [sflag:$0x2], $0x80, v4, vm0, $0xb8;
	[tilespmem:$0x12400] =	vst v63  }
0x129: {  	_ = 	snop  }
0x12a: {  	[hbm4b:s6+s2] =	stream.indirect_vreg.scatter [tilespmem:s22], [sflag:$0x2], $0x80, v4, vm0, $0xb8;
	[tilespmem:$0x12400] =	vst v63  }
0x12b: {  	_ = 	snop  }
0x12c: {  	[hbm4b:s3+s2] =	stream.indirect_vreg.scatter [tilespmem:s26], [sflag:$0x2], $0x80, v3, vm0, $0xb8;
	[tilespmem:$0x12400] =	vst v63  }
0x12d: {  	s26 =	simm.s32 $0xAC00  }
0x12e: {  	[hbm4b:s4+s2] =	stream.indirect_vreg.scatter [tilespmem:s26], [sflag:$0x2], $0x80, v3, vm0, $0xb8;
	[tilespmem:$0x12400] =	vst v63  }
0x12f: {  	s25 =	simm.s32 $0xB400  }
0x130: {  	[hbm4b:s5+s2] =	stream.indirect_vreg.scatter [tilespmem:s25], [sflag:$0x2], $0x80, v3, vm0, $0xb8;
	[tilespmem:$0x12400] =	vst v63  }
0x131: {  	s26 =	simm.s32 $0xBC00  }
0x132: {  	[hbm4b:s6+s2] =	stream.indirect_vreg.scatter [tilespmem:s26], [sflag:$0x2], $0x80, v3, vm0, $0xb8;
	[tilespmem:$0x12400] =	vst v63  }
0x133: {  	v3 =	vld [tilespmem:$0x130];
	_ =	sdelay $0x4  }
0x134: {  	v37 =	vshll.u32 v3, $0x3  }
0x135: {  	v3 =	vand.u32 $0x7, v3;
	v4 =	vand.u32 $0xFFFFFFC0, v37  }
0x136: {  	v3 =	vor.u32 v3, v4  }
0x137: {  	v4 =	vperm.xlane v3, v0;
	_ =	sdelay $0x1  }
0x138: {  	v4 =	vadd.s32 v1, v4;
	_ =	sdelay $0x3  }
0x139: {  	s26 =	simm.s32 $0xC400  }
0x13a: {  	[hbm4b:s3+s2] =	stream.indirect_vreg.scatter [tilespmem:s26], [sflag:$0x2], $0x80, v4, vm0, $0xb8;
	[tilespmem:$0x12400] =	vst v63  }
0x13b: {  	v3 =	vperm.xlane v3, v2;
	s26 =	simm.s32 $0xCC00  }
0x13c: {  	[hbm4b:s4+s2] =	stream.indirect_vreg.scatter [tilespmem:s26], [sflag:$0x2], $0x80, v4, vm0, $0xb8;
	[tilespmem:$0x12400] =	vst v63  }
0x13d: {  	s11 =	simm.s32 $0xD400;
	v3 =	vadd.s32 v1, v3  }
0x13e: {  	[hbm4b:s5+s2] =	stream.indirect_vreg.scatter [tilespmem:s11], [sflag:$0x2], $0x80, v4, vm0, $0xb8;
	[tilespmem:$0x12400] =	vst v63  }
0x13f: {  	s12 =	simm.s32 $0xDC00  }
0x140: {  	[hbm4b:s6+s2] =	stream.indirect_vreg.scatter [tilespmem:s12], [sflag:$0x2], $0x80, v4, vm0, $0xb8;
	[tilespmem:$0x12400] =	vst v63  }
0x141: {  	s13 =	simm.s32 $0xE400  }
0x142: {  	[hbm4b:s3+s2] =	stream.indirect_vreg.scatter [tilespmem:s13], [sflag:$0x2], $0x80, v3, vm0, $0xb8;
	[tilespmem:$0x12400] =	vst v63  }
0x143: {  	s29 =	simm.s32 $0xEC00  }
0x144: {  	[hbm4b:s4+s2] =	stream.indirect_vreg.scatter [tilespmem:s29], [sflag:$0x2], $0x80, v3, vm0, $0xb8;
	[tilespmem:$0x12400] =	vst v63  }
0x145: {  	s30 =	simm.s32 $0xF400  }
0x146: {  	[hbm4b:s5+s2] =	stream.indirect_vreg.scatter [tilespmem:s30], [sflag:$0x2], $0x80, v3, vm0, $0xb8;
	[tilespmem:$0x12400] =	vst v63  }
0x147: {  	s30 =	simm.s32 $0xFC00  }
0x148: {  	[hbm4b:s6+s2] =	stream.indirect_vreg.scatter [tilespmem:s30], [sflag:$0x2], $0x80, v3, vm0, $0xb8;
	[tilespmem:$0x12400] =	vst v63  }
0x149: {  	v3 =	vld.msk [tilespmem:$0x140], $0xff;
	_ =	sdelay $0x4  }
0x14a: {  	v38 =	vshll.u32 v3, $0x3  }
0x14b: {  	v3 =	vand.u32 $0x7, v3;
	v4 =	vand.u32 $0xFFFFFFC0, v38  }
0x14c: {  	v3 =	vor.u32 v3, v4  }
0x14d: {  	v3 =	vperm.xlane v3, v0;
	_ =	sdelay $0x1  }
0x14e: {  	v3 =	vadd.s32 v1, v3;
	_ =	sdelay $0x3  }
0x14f: {  	s14 =	simm.s32 $0x10400  }
0x150: {  	[hbm4b:s3+s2] =	stream.indirect_vreg.scatter [tilespmem:s14], [sflag:$0x2], $0x80, v3, vm0, $0xb8;
	[tilespmem:$0x12400] =	vst v63  }
0x151: {  	s31 =	simm.s32 $0x10C00  }
0x152: {  	[hbm4b:s4+s2] =	stream.indirect_vreg.scatter [tilespmem:s31], [sflag:$0x2], $0x80, v3, vm0, $0xb8;
	[tilespmem:$0x12400] =	vst v63  }
0x153: {  	s31 =	simm.s32 $0x11400  }
0x154: {  	[hbm4b:s5+s2] =	stream.indirect_vreg.scatter [tilespmem:s31], [sflag:$0x2], $0x80, v3, vm0, $0xb8;
	[tilespmem:$0x12400] =	vst v63  }
0x155: {  	s15 =	simm.s32 $0x11C00  }
0x156: {  	[hbm4b:s6+s2] =	stream.indirect_vreg.scatter [tilespmem:s15], [sflag:$0x2], $0x80, v3, vm0, $0xb8;
	[tilespmem:$0x12400] =	vst v63  }
0x157: {  	_ =	swait.ge [sflag:s23], $0x12000  }
0x158: {  	[sflag:s23] =	ssyncset.done $0x0  }
0x159: {  	s24 =	rddreg [dreg:$0x7];
	[sflag:s23] =	ssyncadd.s32 $0xFFFEE000  }
0x15a: {  	[tilespmem:s9], [sflag:$0x1] =	stream.linear.gather [hbm4b:s24+s2], $0x12000, $0x38;
	[tilespmem:$0x12400] =	vst v63  }
0x15b: {  	_ =	swait.ge [sflag:s10], $0x12000  }
0x15c: {  	[sflag:s10] =	ssyncset.done $0x0  }
0x15d: {  	[sflag:s10] =	ssyncadd.s32 $0xFFFEE000  }
0x15e: {  	v3 =	vld [tilespmem:$0x180];
	_ =	sdelay $0x4  }
0x15f: {  	v39 =	vshll.u32 v3, $0x3  }
0x160: {  	v3 =	vand.u32 $0x7, v3;
	v4 =	vand.u32 $0xFFFFFFC0, v39  }
0x161: {  	v3 =	vor.u32 v3, v4  }
0x162: {  	v4 =	vperm.xlane v3, v0;
	_ =	sdelay $0x1  }
0x163: {  	v4 =	vadd.s32 v1, v4;
	_ =	sdelay $0x4  }
0x164: {  	[hbm4b:s3+s2] =	stream.indirect_vreg.scatter [tilespmem:s9], [sflag:$0x2], $0x80, v4, vm0, $0xb8;
	[tilespmem:$0x12400] =	vst v63  }
0x165: {  	s24 =	simm.s32 $0xC00;
	v3 =	vperm.xlane v3, v2  }
0x166: {  	[hbm4b:s4+s2] =	stream.indirect_vreg.scatter [tilespmem:s24], [sflag:$0x2], $0x80, v4, vm0, $0xb8;
	[tilespmem:$0x12400] =	vst v63  }
0x167: {  	v3 =	vadd.s32 v1, v3;
	s24 =	simm.s32 $0x1400  }
0x168: {  	[hbm4b:s5+s2] =	stream.indirect_vreg.scatter [tilespmem:s24], [sflag:$0x2], $0x80, v4, vm0, $0xb8;
	[tilespmem:$0x12400] =	vst v63  }
0x169: {  	s24 =	simm.s32 $0x1C00  }
0x16a: {  	[hbm4b:s6+s2] =	stream.indirect_vreg.scatter [tilespmem:s24], [sflag:$0x2], $0x80, v4, vm0, $0xb8;
	[tilespmem:$0x12400] =	vst v63  }
0x16b: {  	s24 =	simm.s32 $0x2400  }
0x16c: {  	[hbm4b:s3+s2] =	stream.indirect_vreg.scatter [tilespmem:s24], [sflag:$0x2], $0x80, v3, vm0, $0xb8;
	[tilespmem:$0x12400] =	vst v63  }
0x16d: {  	s24 =	simm.s32 $0x2C00  }
0x16e: {  	[hbm4b:s4+s2] =	stream.indirect_vreg.scatter [tilespmem:s24], [sflag:$0x2], $0x80, v3, vm0, $0xb8;
	[tilespmem:$0x12400] =	vst v63  }
0x16f: {  	s24 =	simm.s32 $0x3400  }
0x170: {  	[hbm4b:s5+s2] =	stream.indirect_vreg.scatter [tilespmem:s24], [sflag:$0x2], $0x80, v3, vm0, $0xb8;
	[tilespmem:$0x12400] =	vst v63  }
0x171: {  	s24 =	simm.s32 $0x3C00  }
0x172: {  	[hbm4b:s6+s2] =	stream.indirect_vreg.scatter [tilespmem:s24], [sflag:$0x2], $0x80, v3, vm0, $0xb8;
	[tilespmem:$0x12400] =	vst v63  }
0x173: {  	v3 =	vld [tilespmem:$0x190];
	_ =	sdelay $0x4  }
0x174: {  	v40 =	vshll.u32 v3, $0x3  }
0x175: {  	v3 =	vand.u32 $0x7, v3;
	v4 =	vand.u32 $0xFFFFFFC0, v40  }
0x176: {  	v3 =	vor.u32 v3, v4  }
0x177: {  	v4 =	vperm.xlane v3, v0;
	_ =	sdelay $0x1  }
0x178: {  	v4 =	vadd.s32 v1, v4;
	_ =	sdelay $0x3  }
0x179: {  	s24 =	simm.s32 $0x4400  }
0x17a: {  	[hbm4b:s3+s2] =	stream.indirect_vreg.scatter [tilespmem:s24], [sflag:$0x2], $0x80, v4, vm0, $0xb8;
	[tilespmem:$0x12400] =	vst v63  }
0x17b: {  	s28 =	simm.s32 $0x4C00;
	v3 =	vperm.xlane v3, v2  }
0x17c: {  	[hbm4b:s4+s2] =	stream.indirect_vreg.scatter [tilespmem:s28], [sflag:$0x2], $0x80, v4, vm0, $0xb8;
	[tilespmem:$0x12400] =	vst v63  }
0x17d: {  	s0 =	simm.s32 $0x5400;
	v3 =	vadd.s32 v1, v3  }
0x17e: {  	[hbm4b:s5+s2] =	stream.indirect_vreg.scatter [tilespmem:s0], [sflag:$0x2], $0x80, v4, vm0, $0xb8;
	[tilespmem:$0x12400] =	vst v63  }
0x17f: {  	s1 =	simm.s32 $0x5C00  }
0x180: {  	[hbm4b:s6+s2] =	stream.indirect_vreg.scatter [tilespmem:s1], [sflag:$0x2], $0x80, v4, vm0, $0xb8;
	[tilespmem:$0x12400] =	vst v63  }
0x181: {  	s7 =	simm.s32 $0x6400  }
0x182: {  	[hbm4b:s3+s2] =	stream.indirect_vreg.scatter [tilespmem:s7], [sflag:$0x2], $0x80, v3, vm0, $0xb8;
	[tilespmem:$0x12400] =	vst v63  }
0x183: {  	s8 =	simm.s32 $0x6C00  }
0x184: {  	[hbm4b:s4+s2] =	stream.indirect_vreg.scatter [tilespmem:s8], [sflag:$0x2], $0x80, v3, vm0, $0xb8;
	[tilespmem:$0x12400] =	vst v63  }
0x185: {  	s19 =	simm.s32 $0x7400  }
0x186: {  	[hbm4b:s5+s2] =	stream.indirect_vreg.scatter [tilespmem:s19], [sflag:$0x2], $0x80, v3, vm0, $0xb8;
	[tilespmem:$0x12400] =	vst v63  }
0x187: {  	s24 =	simm.s32 $0x7C00  }
0x188: {  	[hbm4b:s6+s2] =	stream.indirect_vreg.scatter [tilespmem:s24], [sflag:$0x2], $0x80, v3, vm0, $0xb8;
	[tilespmem:$0x12400] =	vst v63  }
0x189: {  	v3 =	vld [tilespmem:$0x1A0];
	_ =	sdelay $0x4  }
0x18a: {  	v41 =	vshll.u32 v3, $0x3  }
0x18b: {  	v3 =	vand.u32 $0x7, v3;
	v4 =	vand.u32 $0xFFFFFFC0, v41  }
0x18c: {  	v3 =	vor.u32 v3, v4  }
0x18d: {  	v4 =	vperm.xlane v3, v0;
	_ =	sdelay $0x1  }
0x18e: {  	v4 =	vadd.s32 v1, v4;
	_ =	sdelay $0x3  }
0x18f: {  	s17 =	simm.s32 $0x8400  }
0x190: {  	[hbm4b:s3+s2] =	stream.indirect_vreg.scatter [tilespmem:s17], [sflag:$0x2], $0x80, v4, vm0, $0xb8;
	[tilespmem:$0x12400] =	vst v63  }
0x191: {  	s18 =	simm.s32 $0x8C00;
	v3 =	vperm.xlane v3, v2  }
0x192: {  	[hbm4b:s4+s2] =	stream.indirect_vreg.scatter [tilespmem:s18], [sflag:$0x2], $0x80, v4, vm0, $0xb8;
	[tilespmem:$0x12400] =	vst v63  }
0x193: {  	s16 =	simm.s32 $0x9400;
	v3 =	vadd.s32 v1, v3  }
0x194: {  	[hbm4b:s5+s2] =	stream.indirect_vreg.scatter [tilespmem:s16], [sflag:$0x2], $0x80, v4, vm0, $0xb8;
	[tilespmem:$0x12400] =	vst v63  }
0x195: {  	s21 =	simm.s32 $0x9C00  }
0x196: {  	[hbm4b:s6+s2] =	stream.indirect_vreg.scatter [tilespmem:s21], [sflag:$0x2], $0x80, v4, vm0, $0xb8;
	[tilespmem:$0x12400] =	vst v63  }
0x197: {  	s22 =	simm.s32 $0xA400  }
0x198: {  	[hbm4b:s3+s2] =	stream.indirect_vreg.scatter [tilespmem:s22], [sflag:$0x2], $0x80, v3, vm0, $0xb8;
	[tilespmem:$0x12400] =	vst v63  }
0x199: {  	s24 =	simm.s32 $0xAC00  }
0x19a: {  	[hbm4b:s4+s2] =	stream.indirect_vreg.scatter [tilespmem:s24], [sflag:$0x2], $0x80, v3, vm0, $0xb8;
	[tilespmem:$0x12400] =	vst v63  }
0x19b: {  	s25 =	simm.s32 $0xB400  }
0x19c: {  	[hbm4b:s5+s2] =	stream.indirect_vreg.scatter [tilespmem:s25], [sflag:$0x2], $0x80, v3, vm0, $0xb8;
	[tilespmem:$0x12400] =	vst v63  }
0x19d: {  	s24 =	simm.s32 $0xBC00  }
0x19e: {  	[hbm4b:s6+s2] =	stream.indirect_vreg.scatter [tilespmem:s24], [sflag:$0x2], $0x80, v3, vm0, $0xb8;
	[tilespmem:$0x12400] =	vst v63  }
0x19f: {  	v3 =	vld [tilespmem:$0x1B0];
	_ =	sdelay $0x4  }
0x1a0: {  	v42 =	vshll.u32 v3, $0x3  }
0x1a1: {  	v3 =	vand.u32 $0x7, v3;
	v4 =	vand.u32 $0xFFFFFFC0, v42  }
0x1a2: {  	v3 =	vor.u32 v3, v4  }
0x1a3: {  	v4 =	vperm.xlane v3, v0;
	_ =	sdelay $0x1  }
0x1a4: {  	v4 =	vadd.s32 v1, v4;
	_ =	sdelay $0x3  }
0x1a5: {  	s24 =	simm.s32 $0xC400  }
0x1a6: {  	[hbm4b:s3+s2] =	stream.indirect_vreg.scatter [tilespmem:s24], [sflag:$0x2], $0x80, v4, vm0, $0xb8;
	[tilespmem:$0x12400] =	vst v63  }
0x1a7: {  	v3 =	vperm.xlane v3, v2;
	s24 =	simm.s32 $0xCC00  }
0x1a8: {  	[hbm4b:s4+s2] =	stream.indirect_vreg.scatter [tilespmem:s24], [sflag:$0x2], $0x80, v4, vm0, $0xb8;
	[tilespmem:$0x12400] =	vst v63  }
0x1a9: {  	s11 =	simm.s32 $0xD400;
	v3 =	vadd.s32 v1, v3  }
0x1aa: {  	[hbm4b:s5+s2] =	stream.indirect_vreg.scatter [tilespmem:s11], [sflag:$0x2], $0x80, v4, vm0, $0xb8;
	[tilespmem:$0x12400] =	vst v63  }
0x1ab: {  	s12 =	simm.s32 $0xDC00  }
0x1ac: {  	[hbm4b:s6+s2] =	stream.indirect_vreg.scatter [tilespmem:s12], [sflag:$0x2], $0x80, v4, vm0, $0xb8;
	[tilespmem:$0x12400] =	vst v63  }
0x1ad: {  	s13 =	simm.s32 $0xE400  }
0x1ae: {  	[hbm4b:s3+s2] =	stream.indirect_vreg.scatter [tilespmem:s13], [sflag:$0x2], $0x80, v3, vm0, $0xb8;
	[tilespmem:$0x12400] =	vst v63  }
0x1af: {  	s26 =	simm.s32 $0xEC00  }
0x1b0: {  	[hbm4b:s4+s2] =	stream.indirect_vreg.scatter [tilespmem:s26], [sflag:$0x2], $0x80, v3, vm0, $0xb8;
	[tilespmem:$0x12400] =	vst v63  }
0x1b1: {  	s29 =	simm.s32 $0xF400  }
0x1b2: {  	[hbm4b:s5+s2] =	stream.indirect_vreg.scatter [tilespmem:s29], [sflag:$0x2], $0x80, v3, vm0, $0xb8;
	[tilespmem:$0x12400] =	vst v63  }
0x1b3: {  	s24 =	simm.s32 $0xFC00  }
0x1b4: {  	[hbm4b:s6+s2] =	stream.indirect_vreg.scatter [tilespmem:s24], [sflag:$0x2], $0x80, v3, vm0, $0xb8;
	[tilespmem:$0x12400] =	vst v63  }
0x1b5: {  	v3 =	vld.msk [tilespmem:$0x1C0], $0xff;
	_ =	sdelay $0x4  }
0x1b6: {  	v43 =	vshll.u32 v3, $0x3  }
0x1b7: {  	v3 =	vand.u32 $0x7, v3;
	v4 =	vand.u32 $0xFFFFFFC0, v43  }
0x1b8: {  	v3 =	vor.u32 v3, v4  }
0x1b9: {  	v3 =	vperm.xlane v3, v0;
	_ =	sdelay $0x1  }
0x1ba: {  	v3 =	vadd.s32 v1, v3;
	_ =	sdelay $0x3  }
0x1bb: {  	s14 =	simm.s32 $0x10400  }
0x1bc: {  	[hbm4b:s3+s2] =	stream.indirect_vreg.scatter [tilespmem:s14], [sflag:$0x2], $0x80, v3, vm0, $0xb8;
	[tilespmem:$0x12400] =	vst v63  }
0x1bd: {  	s30 =	simm.s32 $0x10C00  }
0x1be: {  	[hbm4b:s4+s2] =	stream.indirect_vreg.scatter [tilespmem:s30], [sflag:$0x2], $0x80, v3, vm0, $0xb8;
	[tilespmem:$0x12400] =	vst v63  }
0x1bf: {  	s31 =	simm.s32 $0x11400  }
0x1c0: {  	[hbm4b:s5+s2] =	stream.indirect_vreg.scatter [tilespmem:s31], [sflag:$0x2], $0x80, v3, vm0, $0xb8;
	[tilespmem:$0x12400] =	vst v63  }
0x1c1: {  	s15 =	simm.s32 $0x11C00  }
0x1c2: {  	[hbm4b:s6+s2] =	stream.indirect_vreg.scatter [tilespmem:s15], [sflag:$0x2], $0x80, v3, vm0, $0xb8;
	[tilespmem:$0x12400] =	vst v63  }
0x1c3: {  	_ =	swait.ge [sflag:s23], $0x12000  }
0x1c4: {  	[sflag:s23] =	ssyncset.done $0x0  }
0x1c5: {  	s24 =	rddreg [dreg:$0x8];
	[sflag:s23] =	ssyncadd.s32 $0xFFFEE000  }
0x1c6: {  	[tilespmem:s9], [sflag:$0x1] =	stream.linear.gather [hbm4b:s24+s2], $0x12000, $0x38;
	[tilespmem:$0x12400] =	vst v63  }
0x1c7: {  	_ =	swait.ge [sflag:s10], $0x12000  }
0x1c8: {  	[sflag:s10] =	ssyncset.done $0x0  }
0x1c9: {  	[sflag:s10] =	ssyncadd.s32 $0xFFFEE000  }
0x1ca: {  	v3 =	vld [tilespmem:$0x200];
	_ =	sdelay $0x4  }
0x1cb: {  	v44 =	vshll.u32 v3, $0x3  }
0x1cc: {  	v3 =	vand.u32 $0x7, v3;
	v4 =	vand.u32 $0xFFFFFFC0, v44  }
0x1cd: {  	v3 =	vor.u32 v3, v4  }
0x1ce: {  	v4 =	vperm.xlane v3, v0;
	_ =	sdelay $0x1  }
0x1cf: {  	v4 =	vadd.s32 v1, v4;
	_ =	sdelay $0x4  }
0x1d0: {  	[hbm4b:s3+s2] =	stream.indirect_vreg.scatter [tilespmem:s9], [sflag:$0x2], $0x80, v4, vm0, $0xb8;
	[tilespmem:$0x12400] =	vst v63  }
0x1d1: {  	s24 =	simm.s32 $0xC00;
	v3 =	vperm.xlane v3, v2  }
0x1d2: {  	[hbm4b:s4+s2] =	stream.indirect_vreg.scatter [tilespmem:s24], [sflag:$0x2], $0x80, v4, vm0, $0xb8;
	[tilespmem:$0x12400] =	vst v63  }
0x1d3: {  	v3 =	vadd.s32 v1, v3;
	s24 =	simm.s32 $0x1400  }
0x1d4: {  	[hbm4b:s5+s2] =	stream.indirect_vreg.scatter [tilespmem:s24], [sflag:$0x2], $0x80, v4, vm0, $0xb8;
	[tilespmem:$0x12400] =	vst v63  }
0x1d5: {  	s24 =	simm.s32 $0x1C00  }
0x1d6: {  	[hbm4b:s6+s2] =	stream.indirect_vreg.scatter [tilespmem:s24], [sflag:$0x2], $0x80, v4, vm0, $0xb8;
	[tilespmem:$0x12400] =	vst v63  }
0x1d7: {  	s24 =	simm.s32 $0x2400  }
0x1d8: {  	[hbm4b:s3+s2] =	stream.indirect_vreg.scatter [tilespmem:s24], [sflag:$0x2], $0x80, v3, vm0, $0xb8;
	[tilespmem:$0x12400] =	vst v63  }
0x1d9: {  	s24 =	simm.s32 $0x2C00  }
0x1da: {  	[hbm4b:s4+s2] =	stream.indirect_vreg.scatter [tilespmem:s24], [sflag:$0x2], $0x80, v3, vm0, $0xb8;
	[tilespmem:$0x12400] =	vst v63  }
0x1db: {  	s24 =	simm.s32 $0x3400  }
0x1dc: {  	[hbm4b:s5+s2] =	stream.indirect_vreg.scatter [tilespmem:s24], [sflag:$0x2], $0x80, v3, vm0, $0xb8;
	[tilespmem:$0x12400] =	vst v63  }
0x1dd: {  	s24 =	simm.s32 $0x3C00  }
0x1de: {  	[hbm4b:s6+s2] =	stream.indirect_vreg.scatter [tilespmem:s24], [sflag:$0x2], $0x80, v3, vm0, $0xb8;
	[tilespmem:$0x12400] =	vst v63  }
0x1df: {  	v3 =	vld [tilespmem:$0x210];
	_ =	sdelay $0x4  }
0x1e0: {  	v45 =	vshll.u32 v3, $0x3  }
0x1e1: {  	v3 =	vand.u32 $0x7, v3;
	v4 =	vand.u32 $0xFFFFFFC0, v45  }
0x1e2: {  	v3 =	vor.u32 v3, v4  }
0x1e3: {  	v4 =	vperm.xlane v3, v0;
	_ =	sdelay $0x1  }
0x1e4: {  	v4 =	vadd.s32 v1, v4;
	_ =	sdelay $0x3  }
0x1e5: {  	s24 =	simm.s32 $0x4400  }
0x1e6: {  	[hbm4b:s3+s2] =	stream.indirect_vreg.scatter [tilespmem:s24], [sflag:$0x2], $0x80, v4, vm0, $0xb8;
	[tilespmem:$0x12400] =	vst v63  }
0x1e7: {  	s28 =	simm.s32 $0x4C00;
	v3 =	vperm.xlane v3, v2  }
0x1e8: {  	[hbm4b:s4+s2] =	stream.indirect_vreg.scatter [tilespmem:s28], [sflag:$0x2], $0x80, v4, vm0, $0xb8;
	[tilespmem:$0x12400] =	vst v63  }
0x1e9: {  	s0 =	simm.s32 $0x5400;
	v3 =	vadd.s32 v1, v3  }
0x1ea: {  	[hbm4b:s5+s2] =	stream.indirect_vreg.scatter [tilespmem:s0], [sflag:$0x2], $0x80, v4, vm0, $0xb8;
	[tilespmem:$0x12400] =	vst v63  }
0x1eb: {  	s1 =	simm.s32 $0x5C00  }
0x1ec: {  	[hbm4b:s6+s2] =	stream.indirect_vreg.scatter [tilespmem:s1], [sflag:$0x2], $0x80, v4, vm0, $0xb8;
	[tilespmem:$0x12400] =	vst v63  }
0x1ed: {  	s7 =	simm.s32 $0x6400  }
0x1ee: {  	[hbm4b:s3+s2] =	stream.indirect_vreg.scatter [tilespmem:s7], [sflag:$0x2], $0x80, v3, vm0, $0xb8;
	[tilespmem:$0x12400] =	vst v63  }
0x1ef: {  	s8 =	simm.s32 $0x6C00  }
0x1f0: {  	[hbm4b:s4+s2] =	stream.indirect_vreg.scatter [tilespmem:s8], [sflag:$0x2], $0x80, v3, vm0, $0xb8;
	[tilespmem:$0x12400] =	vst v63  }
0x1f1: {  	s19 =	simm.s32 $0x7400  }
0x1f2: {  	[hbm4b:s5+s2] =	stream.indirect_vreg.scatter [tilespmem:s19], [sflag:$0x2], $0x80, v3, vm0, $0xb8;
	[tilespmem:$0x12400] =	vst v63  }
0x1f3: {  	s24 =	simm.s32 $0x7C00  }
0x1f4: {  	[hbm4b:s6+s2] =	stream.indirect_vreg.scatter [tilespmem:s24], [sflag:$0x2], $0x80, v3, vm0, $0xb8;
	[tilespmem:$0x12400] =	vst v63  }
0x1f5: {  	v3 =	vld [tilespmem:$0x220];
	_ =	sdelay $0x4  }
0x1f6: {  	v46 =	vshll.u32 v3, $0x3  }
0x1f7: {  	v3 =	vand.u32 $0x7, v3;
	v4 =	vand.u32 $0xFFFFFFC0, v46  }
0x1f8: {  	v3 =	vor.u32 v3, v4  }
0x1f9: {  	v4 =	vperm.xlane v3, v0;
	_ =	sdelay $0x1  }
0x1fa: {  	v4 =	vadd.s32 v1, v4;
	_ =	sdelay $0x3  }
0x1fb: {  	s17 =	simm.s32 $0x8400  }
0x1fc: {  	[hbm4b:s3+s2] =	stream.indirect_vreg.scatter [tilespmem:s17], [sflag:$0x2], $0x80, v4, vm0, $0xb8;
	[tilespmem:$0x12400] =	vst v63  }
0x1fd: {  	s18 =	simm.s32 $0x8C00;
	v3 =	vperm.xlane v3, v2  }
0x1fe: {  	[hbm4b:s4+s2] =	stream.indirect_vreg.scatter [tilespmem:s18], [sflag:$0x2], $0x80, v4, vm0, $0xb8;
	[tilespmem:$0x12400] =	vst v63  }
0x1ff: {  	s16 =	simm.s32 $0x9400;
	v3 =	vadd.s32 v1, v3  }
0x200: {  	[hbm4b:s5+s2] =	stream.indirect_vreg.scatter [tilespmem:s16], [sflag:$0x2], $0x80, v4, vm0, $0xb8;
	[tilespmem:$0x12400] =	vst v63  }
0x201: {  	s21 =	simm.s32 $0x9C00  }
0x202: {  	[hbm4b:s6+s2] =	stream.indirect_vreg.scatter [tilespmem:s21], [sflag:$0x2], $0x80, v4, vm0, $0xb8;
	[tilespmem:$0x12400] =	vst v63  }
0x203: {  	s22 =	simm.s32 $0xA400  }
0x204: {  	[hbm4b:s3+s2] =	stream.indirect_vreg.scatter [tilespmem:s22], [sflag:$0x2], $0x80, v3, vm0, $0xb8;
	[tilespmem:$0x12400] =	vst v63  }
0x205: {  	s24 =	simm.s32 $0xAC00  }
0x206: {  	[hbm4b:s4+s2] =	stream.indirect_vreg.scatter [tilespmem:s24], [sflag:$0x2], $0x80, v3, vm0, $0xb8;
	[tilespmem:$0x12400] =	vst v63  }
0x207: {  	s25 =	simm.s32 $0xB400  }
0x208: {  	[hbm4b:s5+s2] =	stream.indirect_vreg.scatter [tilespmem:s25], [sflag:$0x2], $0x80, v3, vm0, $0xb8;
	[tilespmem:$0x12400] =	vst v63  }
0x209: {  	s24 =	simm.s32 $0xBC00  }
0x20a: {  	[hbm4b:s6+s2] =	stream.indirect_vreg.scatter [tilespmem:s24], [sflag:$0x2], $0x80, v3, vm0, $0xb8;
	[tilespmem:$0x12400] =	vst v63  }
0x20b: {  	v3 =	vld [tilespmem:$0x230];
	_ =	sdelay $0x4  }
0x20c: {  	v47 =	vshll.u32 v3, $0x3  }
0x20d: {  	v3 =	vand.u32 $0x7, v3;
	v4 =	vand.u32 $0xFFFFFFC0, v47  }
0x20e: {  	v3 =	vor.u32 v3, v4  }
0x20f: {  	v4 =	vperm.xlane v3, v0;
	_ =	sdelay $0x1  }
0x210: {  	v4 =	vadd.s32 v1, v4;
	_ =	sdelay $0x3  }
0x211: {  	s24 =	simm.s32 $0xC400  }
0x212: {  	[hbm4b:s3+s2] =	stream.indirect_vreg.scatter [tilespmem:s24], [sflag:$0x2], $0x80, v4, vm0, $0xb8;
	[tilespmem:$0x12400] =	vst v63  }
0x213: {  	v3 =	vperm.xlane v3, v2;
	s24 =	simm.s32 $0xCC00  }
0x214: {  	[hbm4b:s4+s2] =	stream.indirect_vreg.scatter [tilespmem:s24], [sflag:$0x2], $0x80, v4, vm0, $0xb8;
	[tilespmem:$0x12400] =	vst v63  }
0x215: {  	s11 =	simm.s32 $0xD400;
	v3 =	vadd.s32 v1, v3  }
0x216: {  	[hbm4b:s5+s2] =	stream.indirect_vreg.scatter [tilespmem:s11], [sflag:$0x2], $0x80, v4, vm0, $0xb8;
	[tilespmem:$0x12400] =	vst v63  }
0x217: {  	s12 =	simm.s32 $0xDC00  }
0x218: {  	[hbm4b:s6+s2] =	stream.indirect_vreg.scatter [tilespmem:s12], [sflag:$0x2], $0x80, v4, vm0, $0xb8;
	[tilespmem:$0x12400] =	vst v63  }
0x219: {  	s13 =	simm.s32 $0xE400  }
0x21a: {  	[hbm4b:s3+s2] =	stream.indirect_vreg.scatter [tilespmem:s13], [sflag:$0x2], $0x80, v3, vm0, $0xb8;
	[tilespmem:$0x12400] =	vst v63  }
0x21b: {  	s26 =	simm.s32 $0xEC00  }
0x21c: {  	[hbm4b:s4+s2] =	stream.indirect_vreg.scatter [tilespmem:s26], [sflag:$0x2], $0x80, v3, vm0, $0xb8;
	[tilespmem:$0x12400] =	vst v63  }
0x21d: {  	s29 =	simm.s32 $0xF400  }
0x21e: {  	[hbm4b:s5+s2] =	stream.indirect_vreg.scatter [tilespmem:s29], [sflag:$0x2], $0x80, v3, vm0, $0xb8;
	[tilespmem:$0x12400] =	vst v63  }
0x21f: {  	s24 =	simm.s32 $0xFC00  }
0x220: {  	[hbm4b:s6+s2] =	stream.indirect_vreg.scatter [tilespmem:s24], [sflag:$0x2], $0x80, v3, vm0, $0xb8;
	[tilespmem:$0x12400] =	vst v63  }
0x221: {  	v3 =	vld.msk [tilespmem:$0x240], $0xff;
	_ =	sdelay $0x4  }
0x222: {  	v48 =	vshll.u32 v3, $0x3  }
0x223: {  	v3 =	vand.u32 $0x7, v3;
	v4 =	vand.u32 $0xFFFFFFC0, v48  }
0x224: {  	v3 =	vor.u32 v3, v4  }
0x225: {  	v3 =	vperm.xlane v3, v0;
	_ =	sdelay $0x1  }
0x226: {  	v3 =	vadd.s32 v1, v3;
	_ =	sdelay $0x3  }
0x227: {  	s14 =	simm.s32 $0x10400  }
0x228: {  	[hbm4b:s3+s2] =	stream.indirect_vreg.scatter [tilespmem:s14], [sflag:$0x2], $0x80, v3, vm0, $0xb8;
	[tilespmem:$0x12400] =	vst v63  }
0x229: {  	s30 =	simm.s32 $0x10C00  }
0x22a: {  	[hbm4b:s4+s2] =	stream.indirect_vreg.scatter [tilespmem:s30], [sflag:$0x2], $0x80, v3, vm0, $0xb8;
	[tilespmem:$0x12400] =	vst v63  }
0x22b: {  	s31 =	simm.s32 $0x11400  }
0x22c: {  	[hbm4b:s5+s2] =	stream.indirect_vreg.scatter [tilespmem:s31], [sflag:$0x2], $0x80, v3, vm0, $0xb8;
	[tilespmem:$0x12400] =	vst v63  }
0x22d: {  	s15 =	simm.s32 $0x11C00  }
0x22e: {  	[hbm4b:s6+s2] =	stream.indirect_vreg.scatter [tilespmem:s15], [sflag:$0x2], $0x80, v3, vm0, $0xb8;
	[tilespmem:$0x12400] =	vst v63  }
0x22f: {  	_ =	swait.ge [sflag:s23], $0x12000  }
0x230: {  	[sflag:s23] =	ssyncset.done $0x0  }
0x231: {  	s24 =	rddreg [dreg:$0x9];
	[sflag:s23] =	ssyncadd.s32 $0xFFFEE000  }
0x232: {  	[tilespmem:s9], [sflag:$0x1] =	stream.linear.gather [hbm4b:s24+s2], $0x12000, $0x38;
	[tilespmem:$0x12400] =	vst v63  }
0x233: {  	_ =	swait.ge [sflag:s10], $0x12000  }
0x234: {  	[sflag:s10] =	ssyncset.done $0x0  }
0x235: {  	[sflag:s10] =	ssyncadd.s32 $0xFFFEE000  }
0x236: {  	v3 =	vld [tilespmem:$0x280];
	_ =	sdelay $0x4  }
0x237: {  	v49 =	vshll.u32 v3, $0x3  }
0x238: {  	v3 =	vand.u32 $0x7, v3;
	v4 =	vand.u32 $0xFFFFFFC0, v49  }
0x239: {  	v3 =	vor.u32 v3, v4  }
0x23a: {  	v4 =	vperm.xlane v3, v0;
	_ =	sdelay $0x1  }
0x23b: {  	v4 =	vadd.s32 v1, v4;
	_ =	sdelay $0x4  }
0x23c: {  	[hbm4b:s3+s2] =	stream.indirect_vreg.scatter [tilespmem:s9], [sflag:$0x2], $0x80, v4, vm0, $0xb8;
	[tilespmem:$0x12400] =	vst v63  }
0x23d: {  	s24 =	simm.s32 $0xC00;
	v3 =	vperm.xlane v3, v2  }
0x23e: {  	[hbm4b:s4+s2] =	stream.indirect_vreg.scatter [tilespmem:s24], [sflag:$0x2], $0x80, v4, vm0, $0xb8;
	[tilespmem:$0x12400] =	vst v63  }
0x23f: {  	v3 =	vadd.s32 v1, v3;
	s24 =	simm.s32 $0x1400  }
0x240: {  	[hbm4b:s5+s2] =	stream.indirect_vreg.scatter [tilespmem:s24], [sflag:$0x2], $0x80, v4, vm0, $0xb8;
	[tilespmem:$0x12400] =	vst v63  }
0x241: {  	s24 =	simm.s32 $0x1C00  }
0x242: {  	[hbm4b:s6+s2] =	stream.indirect_vreg.scatter [tilespmem:s24], [sflag:$0x2], $0x80, v4, vm0, $0xb8;
	[tilespmem:$0x12400] =	vst v63  }
0x243: {  	s24 =	simm.s32 $0x2400  }
0x244: {  	[hbm4b:s3+s2] =	stream.indirect_vreg.scatter [tilespmem:s24], [sflag:$0x2], $0x80, v3, vm0, $0xb8;
	[tilespmem:$0x12400] =	vst v63  }
0x245: {  	s24 =	simm.s32 $0x2C00  }
0x246: {  	[hbm4b:s4+s2] =	stream.indirect_vreg.scatter [tilespmem:s24], [sflag:$0x2], $0x80, v3, vm0, $0xb8;
	[tilespmem:$0x12400] =	vst v63  }
0x247: {  	s24 =	simm.s32 $0x3400  }
0x248: {  	[hbm4b:s5+s2] =	stream.indirect_vreg.scatter [tilespmem:s24], [sflag:$0x2], $0x80, v3, vm0, $0xb8;
	[tilespmem:$0x12400] =	vst v63  }
0x249: {  	s24 =	simm.s32 $0x3C00  }
0x24a: {  	[hbm4b:s6+s2] =	stream.indirect_vreg.scatter [tilespmem:s24], [sflag:$0x2], $0x80, v3, vm0, $0xb8;
	[tilespmem:$0x12400] =	vst v63  }
0x24b: {  	v3 =	vld [tilespmem:$0x290];
	_ =	sdelay $0x4  }
0x24c: {  	v50 =	vshll.u32 v3, $0x3  }
0x24d: {  	v3 =	vand.u32 $0x7, v3;
	v4 =	vand.u32 $0xFFFFFFC0, v50  }
0x24e: {  	v3 =	vor.u32 v3, v4  }
0x24f: {  	v4 =	vperm.xlane v3, v0;
	_ =	sdelay $0x1  }
0x250: {  	v4 =	vadd.s32 v1, v4;
	_ =	sdelay $0x3  }
0x251: {  	s24 =	simm.s32 $0x4400  }
0x252: {  	[hbm4b:s3+s2] =	stream.indirect_vreg.scatter [tilespmem:s24], [sflag:$0x2], $0x80, v4, vm0, $0xb8;
	[tilespmem:$0x12400] =	vst v63  }
0x253: {  	s28 =	simm.s32 $0x4C00;
	v3 =	vperm.xlane v3, v2  }
0x254: {  	[hbm4b:s4+s2] =	stream.indirect_vreg.scatter [tilespmem:s28], [sflag:$0x2], $0x80, v4, vm0, $0xb8;
	[tilespmem:$0x12400] =	vst v63  }
0x255: {  	s0 =	simm.s32 $0x5400;
	v3 =	vadd.s32 v1, v3  }
0x256: {  	[hbm4b:s5+s2] =	stream.indirect_vreg.scatter [tilespmem:s0], [sflag:$0x2], $0x80, v4, vm0, $0xb8;
	[tilespmem:$0x12400] =	vst v63  }
0x257: {  	s1 =	simm.s32 $0x5C00  }
0x258: {  	[hbm4b:s6+s2] =	stream.indirect_vreg.scatter [tilespmem:s1], [sflag:$0x2], $0x80, v4, vm0, $0xb8;
	[tilespmem:$0x12400] =	vst v63  }
0x259: {  	s7 =	simm.s32 $0x6400  }
0x25a: {  	[hbm4b:s3+s2] =	stream.indirect_vreg.scatter [tilespmem:s7], [sflag:$0x2], $0x80, v3, vm0, $0xb8;
	[tilespmem:$0x12400] =	vst v63  }
0x25b: {  	s8 =	simm.s32 $0x6C00  }
0x25c: {  	[hbm4b:s4+s2] =	stream.indirect_vreg.scatter [tilespmem:s8], [sflag:$0x2], $0x80, v3, vm0, $0xb8;
	[tilespmem:$0x12400] =	vst v63  }
0x25d: {  	s19 =	simm.s32 $0x7400  }
0x25e: {  	[hbm4b:s5+s2] =	stream.indirect_vreg.scatter [tilespmem:s19], [sflag:$0x2], $0x80, v3, vm0, $0xb8;
	[tilespmem:$0x12400] =	vst v63  }
0x25f: {  	s24 =	simm.s32 $0x7C00  }
0x260: {  	[hbm4b:s6+s2] =	stream.indirect_vreg.scatter [tilespmem:s24], [sflag:$0x2], $0x80, v3, vm0, $0xb8;
	[tilespmem:$0x12400] =	vst v63  }
0x261: {  	v3 =	vld [tilespmem:$0x2A0];
	_ =	sdelay $0x4  }
0x262: {  	v51 =	vshll.u32 v3, $0x3  }
0x263: {  	v3 =	vand.u32 $0x7, v3;
	v4 =	vand.u32 $0xFFFFFFC0, v51  }
0x264: {  	v3 =	vor.u32 v3, v4  }
0x265: {  	v4 =	vperm.xlane v3, v0;
	_ =	sdelay $0x1  }
0x266: {  	v4 =	vadd.s32 v1, v4;
	_ =	sdelay $0x3  }
0x267: {  	s17 =	simm.s32 $0x8400  }
0x268: {  	[hbm4b:s3+s2] =	stream.indirect_vreg.scatter [tilespmem:s17], [sflag:$0x2], $0x80, v4, vm0, $0xb8;
	[tilespmem:$0x12400] =	vst v63  }
0x269: {  	s18 =	simm.s32 $0x8C00;
	v3 =	vperm.xlane v3, v2  }
0x26a: {  	[hbm4b:s4+s2] =	stream.indirect_vreg.scatter [tilespmem:s18], [sflag:$0x2], $0x80, v4, vm0, $0xb8;
	[tilespmem:$0x12400] =	vst v63  }
0x26b: {  	s16 =	simm.s32 $0x9400;
	v3 =	vadd.s32 v1, v3  }
0x26c: {  	[hbm4b:s5+s2] =	stream.indirect_vreg.scatter [tilespmem:s16], [sflag:$0x2], $0x80, v4, vm0, $0xb8;
	[tilespmem:$0x12400] =	vst v63  }
0x26d: {  	s21 =	simm.s32 $0x9C00  }
0x26e: {  	[hbm4b:s6+s2] =	stream.indirect_vreg.scatter [tilespmem:s21], [sflag:$0x2], $0x80, v4, vm0, $0xb8;
	[tilespmem:$0x12400] =	vst v63  }
0x26f: {  	s22 =	simm.s32 $0xA400  }
0x270: {  	[hbm4b:s3+s2] =	stream.indirect_vreg.scatter [tilespmem:s22], [sflag:$0x2], $0x80, v3, vm0, $0xb8;
	[tilespmem:$0x12400] =	vst v63  }
0x271: {  	s24 =	simm.s32 $0xAC00  }
0x272: {  	[hbm4b:s4+s2] =	stream.indirect_vreg.scatter [tilespmem:s24], [sflag:$0x2], $0x80, v3, vm0, $0xb8;
	[tilespmem:$0x12400] =	vst v63  }
0x273: {  	s25 =	simm.s32 $0xB400  }
0x274: {  	[hbm4b:s5+s2] =	stream.indirect_vreg.scatter [tilespmem:s25], [sflag:$0x2], $0x80, v3, vm0, $0xb8;
	[tilespmem:$0x12400] =	vst v63  }
0x275: {  	s24 =	simm.s32 $0xBC00  }
0x276: {  	[hbm4b:s6+s2] =	stream.indirect_vreg.scatter [tilespmem:s24], [sflag:$0x2], $0x80, v3, vm0, $0xb8;
	[tilespmem:$0x12400] =	vst v63  }
0x277: {  	v3 =	vld [tilespmem:$0x2B0];
	_ =	sdelay $0x4  }
0x278: {  	v52 =	vshll.u32 v3, $0x3  }
0x279: {  	v3 =	vand.u32 $0x7, v3;
	v4 =	vand.u32 $0xFFFFFFC0, v52  }
0x27a: {  	v3 =	vor.u32 v3, v4  }
0x27b: {  	v4 =	vperm.xlane v3, v0;
	_ =	sdelay $0x1  }
0x27c: {  	v4 =	vadd.s32 v1, v4;
	_ =	sdelay $0x3  }
0x27d: {  	s24 =	simm.s32 $0xC400  }
0x27e: {  	[hbm4b:s3+s2] =	stream.indirect_vreg.scatter [tilespmem:s24], [sflag:$0x2], $0x80, v4, vm0, $0xb8;
	[tilespmem:$0x12400] =	vst v63  }
0x27f: {  	v3 =	vperm.xlane v3, v2;
	s24 =	simm.s32 $0xCC00  }
0x280: {  	[hbm4b:s4+s2] =	stream.indirect_vreg.scatter [tilespmem:s24], [sflag:$0x2], $0x80, v4, vm0, $0xb8;
	[tilespmem:$0x12400] =	vst v63  }
0x281: {  	s11 =	simm.s32 $0xD400;
	v3 =	vadd.s32 v1, v3  }
0x282: {  	[hbm4b:s5+s2] =	stream.indirect_vreg.scatter [tilespmem:s11], [sflag:$0x2], $0x80, v4, vm0, $0xb8;
	[tilespmem:$0x12400] =	vst v63  }
0x283: {  	s12 =	simm.s32 $0xDC00  }
0x284: {  	[hbm4b:s6+s2] =	stream.indirect_vreg.scatter [tilespmem:s12], [sflag:$0x2], $0x80, v4, vm0, $0xb8;
	[tilespmem:$0x12400] =	vst v63  }
0x285: {  	s13 =	simm.s32 $0xE400  }
0x286: {  	[hbm4b:s3+s2] =	stream.indirect_vreg.scatter [tilespmem:s13], [sflag:$0x2], $0x80, v3, vm0, $0xb8;
	[tilespmem:$0x12400] =	vst v63  }
0x287: {  	s26 =	simm.s32 $0xEC00  }
0x288: {  	[hbm4b:s4+s2] =	stream.indirect_vreg.scatter [tilespmem:s26], [sflag:$0x2], $0x80, v3, vm0, $0xb8;
	[tilespmem:$0x12400] =	vst v63  }
0x289: {  	s29 =	simm.s32 $0xF400  }
0x28a: {  	[hbm4b:s5+s2] =	stream.indirect_vreg.scatter [tilespmem:s29], [sflag:$0x2], $0x80, v3, vm0, $0xb8;
	[tilespmem:$0x12400] =	vst v63  }
0x28b: {  	s24 =	simm.s32 $0xFC00  }
0x28c: {  	[hbm4b:s6+s2] =	stream.indirect_vreg.scatter [tilespmem:s24], [sflag:$0x2], $0x80, v3, vm0, $0xb8;
	[tilespmem:$0x12400] =	vst v63  }
0x28d: {  	v3 =	vld.msk [tilespmem:$0x2C0], $0xff;
	_ =	sdelay $0x4  }
0x28e: {  	v53 =	vshll.u32 v3, $0x3  }
0x28f: {  	v3 =	vand.u32 $0x7, v3;
	v4 =	vand.u32 $0xFFFFFFC0, v53  }
0x290: {  	v3 =	vor.u32 v3, v4  }
0x291: {  	v3 =	vperm.xlane v3, v0;
	_ =	sdelay $0x1  }
0x292: {  	v3 =	vadd.s32 v1, v3;
	_ =	sdelay $0x3  }
0x293: {  	s14 =	simm.s32 $0x10400  }
0x294: {  	[hbm4b:s3+s2] =	stream.indirect_vreg.scatter [tilespmem:s14], [sflag:$0x2], $0x80, v3, vm0, $0xb8;
	[tilespmem:$0x12400] =	vst v63  }
0x295: {  	s30 =	simm.s32 $0x10C00  }
0x296: {  	[hbm4b:s4+s2] =	stream.indirect_vreg.scatter [tilespmem:s30], [sflag:$0x2], $0x80, v3, vm0, $0xb8;
	[tilespmem:$0x12400] =	vst v63  }
0x297: {  	s31 =	simm.s32 $0x11400  }
0x298: {  	[hbm4b:s5+s2] =	stream.indirect_vreg.scatter [tilespmem:s31], [sflag:$0x2], $0x80, v3, vm0, $0xb8;
	[tilespmem:$0x12400] =	vst v63  }
0x299: {  	s15 =	simm.s32 $0x11C00  }
0x29a: {  	[hbm4b:s6+s2] =	stream.indirect_vreg.scatter [tilespmem:s15], [sflag:$0x2], $0x80, v3, vm0, $0xb8;
	[tilespmem:$0x12400] =	vst v63  }
0x29b: {  	_ =	swait.ge [sflag:s23], $0x12000  }
0x29c: {  	[sflag:s23] =	ssyncset.done $0x0  }
0x29d: {  	s15 =	rddreg [dreg:$0xa];
	[sflag:s23] =	ssyncadd.s32 $0xFFFEE000  }
0x29e: {  	[tilespmem:s9], [sflag:$0x1] =	stream.linear.gather [hbm4b:s15+s2], $0x12000, $0x38;
	[tilespmem:$0x12400] =	vst v63  }
0x29f: {  	_ =	swait.ge [sflag:s10], $0x12000  }
0x2a0: {  	[sflag:s10] =	ssyncset.done $0x0  }
0x2a1: {  	[sflag:s10] =	ssyncadd.s32 $0xFFFEE000  }
0x2a2: {  	v3 =	vld [tilespmem:$0x300];
	_ =	sdelay $0x4  }
0x2a3: {  	v54 =	vshll.u32 v3, $0x3  }
0x2a4: {  	v3 =	vand.u32 $0x7, v3;
	v4 =	vand.u32 $0xFFFFFFC0, v54  }
0x2a5: {  	v3 =	vor.u32 v3, v4  }
0x2a6: {  	v4 =	vperm.xlane v3, v0;
	_ =	sdelay $0x1  }
0x2a7: {  	v4 =	vadd.s32 v1, v4;
	_ =	sdelay $0x4  }
0x2a8: {  	[hbm4b:s3+s2] =	stream.indirect_vreg.scatter [tilespmem:s9], [sflag:$0x2], $0x80, v4, vm0, $0xb8;
	[tilespmem:$0x12400] =	vst v63  }
0x2a9: {  	s24 =	simm.s32 $0xC00;
	v3 =	vperm.xlane v3, v2  }
0x2aa: {  	[hbm4b:s4+s2] =	stream.indirect_vreg.scatter [tilespmem:s24], [sflag:$0x2], $0x80, v4, vm0, $0xb8;
	[tilespmem:$0x12400] =	vst v63  }
0x2ab: {  	s31 =	simm.s32 $0x1400;
	v3 =	vadd.s32 v1, v3  }
0x2ac: {  	[hbm4b:s5+s2] =	stream.indirect_vreg.scatter [tilespmem:s31], [sflag:$0x2], $0x80, v4, vm0, $0xb8;
	[tilespmem:$0x12400] =	vst v63  }
0x2ad: {  	s15 =	simm.s32 $0x1C00  }
0x2ae: {  	[hbm4b:s6+s2] =	stream.indirect_vreg.scatter [tilespmem:s15], [sflag:$0x2], $0x80, v4, vm0, $0xb8;
	[tilespmem:$0x12400] =	vst v63  }
0x2af: {  	s24 =	simm.s32 $0x2400  }
0x2b0: {  	[hbm4b:s3+s2] =	stream.indirect_vreg.scatter [tilespmem:s24], [sflag:$0x2], $0x80, v3, vm0, $0xb8;
	[tilespmem:$0x12400] =	vst v63  }
0x2b1: {  	s31 =	simm.s32 $0x2C00  }
0x2b2: {  	[hbm4b:s4+s2] =	stream.indirect_vreg.scatter [tilespmem:s31], [sflag:$0x2], $0x80, v3, vm0, $0xb8;
	[tilespmem:$0x12400] =	vst v63  }
0x2b3: {  	s15 =	simm.s32 $0x3400  }
0x2b4: {  	[hbm4b:s5+s2] =	stream.indirect_vreg.scatter [tilespmem:s15], [sflag:$0x2], $0x80, v3, vm0, $0xb8;
	[tilespmem:$0x12400] =	vst v63  }
0x2b5: {  	s24 =	simm.s32 $0x3C00  }
0x2b6: {  	[hbm4b:s6+s2] =	stream.indirect_vreg.scatter [tilespmem:s24], [sflag:$0x2], $0x80, v3, vm0, $0xb8;
	[tilespmem:$0x12400] =	vst v63  }
0x2b7: {  	v3 =	vld [tilespmem:$0x310];
	_ =	sdelay $0x4  }
0x2b8: {  	v55 =	vshll.u32 v3, $0x3  }
0x2b9: {  	v3 =	vand.u32 $0x7, v3;
	v4 =	vand.u32 $0xFFFFFFC0, v55  }
0x2ba: {  	v3 =	vor.u32 v3, v4  }
0x2bb: {  	v4 =	vperm.xlane v3, v0;
	_ =	sdelay $0x1  }
0x2bc: {  	v4 =	vadd.s32 v1, v4;
	_ =	sdelay $0x3  }
0x2bd: {  	s31 =	simm.s32 $0x4400  }
0x2be: {  	[hbm4b:s3+s2] =	stream.indirect_vreg.scatter [tilespmem:s31], [sflag:$0x2], $0x80, v4, vm0, $0xb8;
	[tilespmem:$0x12400] =	vst v63  }
0x2bf: {  	s28 =	simm.s32 $0x4C00;
	v3 =	vperm.xlane v3, v2  }
0x2c0: {  	[hbm4b:s4+s2] =	stream.indirect_vreg.scatter [tilespmem:s28], [sflag:$0x2], $0x80, v4, vm0, $0xb8;
	[tilespmem:$0x12400] =	vst v63  }
0x2c1: {  	s0 =	simm.s32 $0x5400;
	v3 =	vadd.s32 v1, v3  }
0x2c2: {  	[hbm4b:s5+s2] =	stream.indirect_vreg.scatter [tilespmem:s0], [sflag:$0x2], $0x80, v4, vm0, $0xb8;
	[tilespmem:$0x12400] =	vst v63  }
0x2c3: {  	s1 =	simm.s32 $0x5C00  }
0x2c4: {  	[hbm4b:s6+s2] =	stream.indirect_vreg.scatter [tilespmem:s1], [sflag:$0x2], $0x80, v4, vm0, $0xb8;
	[tilespmem:$0x12400] =	vst v63  }
0x2c5: {  	s7 =	simm.s32 $0x6400  }
0x2c6: {  	[hbm4b:s3+s2] =	stream.indirect_vreg.scatter [tilespmem:s7], [sflag:$0x2], $0x80, v3, vm0, $0xb8;
	[tilespmem:$0x12400] =	vst v63  }
0x2c7: {  	s8 =	simm.s32 $0x6C00  }
0x2c8: {  	[hbm4b:s4+s2] =	stream.indirect_vreg.scatter [tilespmem:s8], [sflag:$0x2], $0x80, v3, vm0, $0xb8;
	[tilespmem:$0x12400] =	vst v63  }
0x2c9: {  	s19 =	simm.s32 $0x7400  }
0x2ca: {  	[hbm4b:s5+s2] =	stream.indirect_vreg.scatter [tilespmem:s19], [sflag:$0x2], $0x80, v3, vm0, $0xb8;
	[tilespmem:$0x12400] =	vst v63  }
0x2cb: {  	s11 =	simm.s32 $0x7C00  }
0x2cc: {  	[hbm4b:s6+s2] =	stream.indirect_vreg.scatter [tilespmem:s11], [sflag:$0x2], $0x80, v3, vm0, $0xb8;
	[tilespmem:$0x12400] =	vst v63  }
0x2cd: {  	v3 =	vld [tilespmem:$0x320];
	_ =	sdelay $0x4  }
0x2ce: {  	v56 =	vshll.u32 v3, $0x3  }
0x2cf: {  	v3 =	vand.u32 $0x7, v3;
	v4 =	vand.u32 $0xFFFFFFC0, v56  }
0x2d0: {  	v3 =	vor.u32 v3, v4  }
0x2d1: {  	v4 =	vperm.xlane v3, v0;
	_ =	sdelay $0x1  }
0x2d2: {  	v4 =	vadd.s32 v1, v4;
	_ =	sdelay $0x3  }
0x2d3: {  	s17 =	simm.s32 $0x8400  }
0x2d4: {  	[hbm4b:s3+s2] =	stream.indirect_vreg.scatter [tilespmem:s17], [sflag:$0x2], $0x80, v4, vm0, $0xb8;
	[tilespmem:$0x12400] =	vst v63  }
0x2d5: {  	s18 =	simm.s32 $0x8C00;
	v3 =	vperm.xlane v3, v2  }
0x2d6: {  	[hbm4b:s4+s2] =	stream.indirect_vreg.scatter [tilespmem:s18], [sflag:$0x2], $0x80, v4, vm0, $0xb8;
	[tilespmem:$0x12400] =	vst v63  }
0x2d7: {  	s16 =	simm.s32 $0x9400;
	v3 =	vadd.s32 v1, v3  }
0x2d8: {  	[hbm4b:s5+s2] =	stream.indirect_vreg.scatter [tilespmem:s16], [sflag:$0x2], $0x80, v4, vm0, $0xb8;
	[tilespmem:$0x12400] =	vst v63  }
0x2d9: {  	s21 =	simm.s32 $0x9C00  }
0x2da: {  	[hbm4b:s6+s2] =	stream.indirect_vreg.scatter [tilespmem:s21], [sflag:$0x2], $0x80, v4, vm0, $0xb8;
	[tilespmem:$0x12400] =	vst v63  }
0x2db: {  	s22 =	simm.s32 $0xA400  }
0x2dc: {  	[hbm4b:s3+s2] =	stream.indirect_vreg.scatter [tilespmem:s22], [sflag:$0x2], $0x80, v3, vm0, $0xb8;
	[tilespmem:$0x12400] =	vst v63  }
0x2dd: {  	s22 =	simm.s32 $0xAC00  }
0x2de: {  	[hbm4b:s4+s2] =	stream.indirect_vreg.scatter [tilespmem:s22], [sflag:$0x2], $0x80, v3, vm0, $0xb8;
	[tilespmem:$0x12400] =	vst v63  }
0x2df: {  	s25 =	simm.s32 $0xB400  }
0x2e0: {  	[hbm4b:s5+s2] =	stream.indirect_vreg.scatter [tilespmem:s25], [sflag:$0x2], $0x80, v3, vm0, $0xb8;
	[tilespmem:$0x12400] =	vst v63  }
0x2e1: {  	s24 =	simm.s32 $0xBC00  }
0x2e2: {  	[hbm4b:s6+s2] =	stream.indirect_vreg.scatter [tilespmem:s24], [sflag:$0x2], $0x80, v3, vm0, $0xb8;
	[tilespmem:$0x12400] =	vst v63  }
0x2e3: {  	v3 =	vld [tilespmem:$0x330];
	_ =	sdelay $0x4  }
0x2e4: {  	v57 =	vshll.u32 v3, $0x3  }
0x2e5: {  	v3 =	vand.u32 $0x7, v3;
	v4 =	vand.u32 $0xFFFFFFC0, v57  }
0x2e6: {  	v3 =	vor.u32 v3, v4  }
0x2e7: {  	v4 =	vperm.xlane v3, v0;
	_ =	sdelay $0x1  }
0x2e8: {  	v4 =	vadd.s32 v1, v4;
	_ =	sdelay $0x3  }
0x2e9: {  	s25 =	simm.s32 $0xC400  }
0x2ea: {  	[hbm4b:s3+s2] =	stream.indirect_vreg.scatter [tilespmem:s25], [sflag:$0x2], $0x80, v4, vm0, $0xb8;
	[tilespmem:$0x12400] =	vst v63  }
0x2eb: {  	s24 =	simm.s32 $0xCC00;
	v3 =	vperm.xlane v3, v2  }
0x2ec: {  	[hbm4b:s4+s2] =	stream.indirect_vreg.scatter [tilespmem:s24], [sflag:$0x2], $0x80, v4, vm0, $0xb8;
	[tilespmem:$0x12400] =	vst v63  }
0x2ed: {  	v3 =	vadd.s32 v1, v3;
	s25 =	simm.s32 $0xD400  }
0x2ee: {  	[hbm4b:s5+s2] =	stream.indirect_vreg.scatter [tilespmem:s25], [sflag:$0x2], $0x80, v4, vm0, $0xb8;
	[tilespmem:$0x12400] =	vst v63  }
0x2ef: {  	s12 =	simm.s32 $0xDC00  }
0x2f0: {  	[hbm4b:s6+s2] =	stream.indirect_vreg.scatter [tilespmem:s12], [sflag:$0x2], $0x80, v4, vm0, $0xb8;
	[tilespmem:$0x12400] =	vst v63  }
0x2f1: {  	s13 =	simm.s32 $0xE400  }
0x2f2: {  	[hbm4b:s3+s2] =	stream.indirect_vreg.scatter [tilespmem:s13], [sflag:$0x2], $0x80, v3, vm0, $0xb8;
	[tilespmem:$0x12400] =	vst v63  }
0x2f3: {  	s26 =	simm.s32 $0xEC00  }
0x2f4: {  	[hbm4b:s4+s2] =	stream.indirect_vreg.scatter [tilespmem:s26], [sflag:$0x2], $0x80, v3, vm0, $0xb8;
	[tilespmem:$0x12400] =	vst v63  }
0x2f5: {  	s29 =	simm.s32 $0xF400  }
0x2f6: {  	[hbm4b:s5+s2] =	stream.indirect_vreg.scatter [tilespmem:s29], [sflag:$0x2], $0x80, v3, vm0, $0xb8;
	[tilespmem:$0x12400] =	vst v63  }
0x2f7: {  	s29 =	simm.s32 $0xFC00  }
0x2f8: {  	[hbm4b:s6+s2] =	stream.indirect_vreg.scatter [tilespmem:s29], [sflag:$0x2], $0x80, v3, vm0, $0xb8;
	[tilespmem:$0x12400] =	vst v63  }
0x2f9: {  	v3 =	vld.msk [tilespmem:$0x340], $0xff;
	_ =	sdelay $0x4  }
0x2fa: {  	v58 =	vshll.u32 v3, $0x3  }
0x2fb: {  	v3 =	vand.u32 $0x7, v3;
	v4 =	vand.u32 $0xFFFFFFC0, v58  }
0x2fc: {  	v3 =	vor.u32 v3, v4  }
0x2fd: {  	v3 =	vperm.xlane v3, v0;
	_ =	sdelay $0x1  }
0x2fe: {  	v3 =	vadd.s32 v1, v3;
	_ =	sdelay $0x3  }
0x2ff: {  	s14 =	simm.s32 $0x10400  }
0x300: {  	[hbm4b:s3+s2] =	stream.indirect_vreg.scatter [tilespmem:s14], [sflag:$0x2], $0x80, v3, vm0, $0xb8;
	[tilespmem:$0x12400] =	vst v63  }
0x301: {  	s30 =	simm.s32 $0x10C00  }
0x302: {  	[hbm4b:s4+s2] =	stream.indirect_vreg.scatter [tilespmem:s30], [sflag:$0x2], $0x80, v3, vm0, $0xb8;
	[tilespmem:$0x12400] =	vst v63  }
0x303: {  	s30 =	simm.s32 $0x11400  }
0x304: {  	[hbm4b:s5+s2] =	stream.indirect_vreg.scatter [tilespmem:s30], [sflag:$0x2], $0x80, v3, vm0, $0xb8;
	[tilespmem:$0x12400] =	vst v63  }
0x305: {  	s24 =	simm.s32 $0x11C00  }
0x306: {  	[hbm4b:s6+s2] =	stream.indirect_vreg.scatter [tilespmem:s24], [sflag:$0x2], $0x80, v3, vm0, $0xb8;
	[tilespmem:$0x12400] =	vst v63  }
0x307: {  	_ =	swait.ge [sflag:s23], $0x12000  }
0x308: {  	[sflag:s23] =	ssyncset.done $0x0  }
0x309: {  	s24 =	rddreg [dreg:$0xb];
	[sflag:s23] =	ssyncadd.s32 $0xFFFEE000  }
0x30a: {  	[tilespmem:s9], [sflag:$0x1] =	stream.linear.gather [hbm4b:s24+s2], $0x12000, $0x38;
	[tilespmem:$0x12400] =	vst v63  }
0x30b: {  	_ =	swait.ge [sflag:s10], $0x12000  }
0x30c: {  	[sflag:s10] =	ssyncset.done $0x0  }
0x30d: {  	[sflag:s10] =	ssyncadd.s32 $0xFFFEE000  }
0x30e: {  	v3 =	vld [tilespmem:$0x380];
	_ =	sdelay $0x4  }
0x30f: {  	v59 =	vshll.u32 v3, $0x3  }
0x310: {  	v3 =	vand.u32 $0x7, v3;
	v4 =	vand.u32 $0xFFFFFFC0, v59  }
0x311: {  	v3 =	vor.u32 v3, v4  }
0x312: {  	v4 =	vperm.xlane v3, v0;
	_ =	sdelay $0x1  }
0x313: {  	v4 =	vadd.s32 v1, v4;
	_ =	sdelay $0x4  }
0x314: {  	[hbm4b:s3+s2] =	stream.indirect_vreg.scatter [tilespmem:s9], [sflag:$0x2], $0x80, v4, vm0, $0xb8;
	[tilespmem:$0x12400] =	vst v63  }
0x315: {  	s24 =	simm.s32 $0xC00;
	v3 =	vperm.xlane v3, v2  }
0x316: {  	[hbm4b:s4+s2] =	stream.indirect_vreg.scatter [tilespmem:s24], [sflag:$0x2], $0x80, v4, vm0, $0xb8;
	[tilespmem:$0x12400] =	vst v63  }
0x317: {  	v3 =	vadd.s32 v1, v3;
	s24 =	simm.s32 $0x1400  }
0x318: {  	[hbm4b:s5+s2] =	stream.indirect_vreg.scatter [tilespmem:s24], [sflag:$0x2], $0x80, v4, vm0, $0xb8;
	[tilespmem:$0x12400] =	vst v63  }
0x319: {  	s24 =	simm.s32 $0x1C00  }
0x31a: {  	[hbm4b:s6+s2] =	stream.indirect_vreg.scatter [tilespmem:s24], [sflag:$0x2], $0x80, v4, vm0, $0xb8;
	[tilespmem:$0x12400] =	vst v63  }
0x31b: {  	s24 =	simm.s32 $0x2400  }
0x31c: {  	[hbm4b:s3+s2] =	stream.indirect_vreg.scatter [tilespmem:s24], [sflag:$0x2], $0x80, v3, vm0, $0xb8;
	[tilespmem:$0x12400] =	vst v63  }
0x31d: {  	s24 =	simm.s32 $0x2C00  }
0x31e: {  	[hbm4b:s4+s2] =	stream.indirect_vreg.scatter [tilespmem:s24], [sflag:$0x2], $0x80, v3, vm0, $0xb8;
	[tilespmem:$0x12400] =	vst v63  }
0x31f: {  	s24 =	simm.s32 $0x3400  }
0x320: {  	[hbm4b:s5+s2] =	stream.indirect_vreg.scatter [tilespmem:s24], [sflag:$0x2], $0x80, v3, vm0, $0xb8;
	[tilespmem:$0x12400] =	vst v63  }
0x321: {  	s24 =	simm.s32 $0x3C00  }
0x322: {  	[hbm4b:s6+s2] =	stream.indirect_vreg.scatter [tilespmem:s24], [sflag:$0x2], $0x80, v3, vm0, $0xb8;
	[tilespmem:$0x12400] =	vst v63  }
0x323: {  	v3 =	vld [tilespmem:$0x390];
	_ =	sdelay $0x4  }
0x324: {  	v60 =	vshll.u32 v3, $0x3  }
0x325: {  	v3 =	vand.u32 $0x7, v3;
	v4 =	vand.u32 $0xFFFFFFC0, v60  }
0x326: {  	v3 =	vor.u32 v3, v4  }
0x327: {  	v4 =	vperm.xlane v3, v0;
	_ =	sdelay $0x1  }
0x328: {  	v4 =	vadd.s32 v1, v4;
	_ =	sdelay $0x3  }
0x329: {  	s24 =	simm.s32 $0x4400  }
0x32a: {  	[hbm4b:s3+s2] =	stream.indirect_vreg.scatter [tilespmem:s24], [sflag:$0x2], $0x80, v4, vm0, $0xb8;
	[tilespmem:$0x12400] =	vst v63  }
0x32b: {  	s15 =	simm.s32 $0x4C00;
	v3 =	vperm.xlane v3, v2  }
0x32c: {  	[hbm4b:s4+s2] =	stream.indirect_vreg.scatter [tilespmem:s15], [sflag:$0x2], $0x80, v4, vm0, $0xb8;
	[tilespmem:$0x12400] =	vst v63  }
0x32d: {  	s28 =	simm.s32 $0x5400;
	v3 =	vadd.s32 v1, v3  }
0x32e: {  	[hbm4b:s5+s2] =	stream.indirect_vreg.scatter [tilespmem:s28], [sflag:$0x2], $0x80, v4, vm0, $0xb8;
	[tilespmem:$0x12400] =	vst v63  }
0x32f: {  	s0 =	simm.s32 $0x5C00  }
0x330: {  	[hbm4b:s6+s2] =	stream.indirect_vreg.scatter [tilespmem:s0], [sflag:$0x2], $0x80, v4, vm0, $0xb8;
	[tilespmem:$0x12400] =	vst v63  }
0x331: {  	s1 =	simm.s32 $0x6400  }
0x332: {  	[hbm4b:s3+s2] =	stream.indirect_vreg.scatter [tilespmem:s1], [sflag:$0x2], $0x80, v3, vm0, $0xb8;
	[tilespmem:$0x12400] =	vst v63  }
0x333: {  	s7 =	simm.s32 $0x6C00  }
0x334: {  	[hbm4b:s4+s2] =	stream.indirect_vreg.scatter [tilespmem:s7], [sflag:$0x2], $0x80, v3, vm0, $0xb8;
	[tilespmem:$0x12400] =	vst v63  }
0x335: {  	s8 =	simm.s32 $0x7400  }
0x336: {  	[hbm4b:s5+s2] =	stream.indirect_vreg.scatter [tilespmem:s8], [sflag:$0x2], $0x80, v3, vm0, $0xb8;
	[tilespmem:$0x12400] =	vst v63  }
0x337: {  	s31 =	simm.s32 $0x7C00  }
0x338: {  	[hbm4b:s6+s2] =	stream.indirect_vreg.scatter [tilespmem:s31], [sflag:$0x2], $0x80, v3, vm0, $0xb8;
	[tilespmem:$0x12400] =	vst v63  }
0x339: {  	v3 =	vld [tilespmem:$0x3A0];
	_ =	sdelay $0x4  }
0x33a: {  	v61 =	vshll.u32 v3, $0x3  }
0x33b: {  	v3 =	vand.u32 $0x7, v3;
	v4 =	vand.u32 $0xFFFFFFC0, v61  }
0x33c: {  	v3 =	vor.u32 v3, v4  }
0x33d: {  	v4 =	vperm.xlane v3, v0;
	_ =	sdelay $0x1  }
0x33e: {  	v4 =	vadd.s32 v1, v4;
	_ =	sdelay $0x3  }
0x33f: {  	s11 =	simm.s32 $0x8400  }
0x340: {  	[hbm4b:s3+s2] =	stream.indirect_vreg.scatter [tilespmem:s11], [sflag:$0x2], $0x80, v4, vm0, $0xb8;
	[tilespmem:$0x12400] =	vst v63  }
0x341: {  	s17 =	simm.s32 $0x8C00;
	v3 =	vperm.xlane v3, v2  }
0x342: {  	[hbm4b:s4+s2] =	stream.indirect_vreg.scatter [tilespmem:s17], [sflag:$0x2], $0x80, v4, vm0, $0xb8;
	[tilespmem:$0x12400] =	vst v63  }
0x343: {  	s19 =	simm.s32 $0x9400;
	v3 =	vadd.s32 v1, v3  }
0x344: {  	[hbm4b:s5+s2] =	stream.indirect_vreg.scatter [tilespmem:s19], [sflag:$0x2], $0x80, v4, vm0, $0xb8;
	[tilespmem:$0x12400] =	vst v63  }
0x345: {  	s16 =	simm.s32 $0x9C00  }
0x346: {  	[hbm4b:s6+s2] =	stream.indirect_vreg.scatter [tilespmem:s16], [sflag:$0x2], $0x80, v4, vm0, $0xb8;
	[tilespmem:$0x12400] =	vst v63  }
0x347: {  	s18 =	simm.s32 $0xA400  }
0x348: {  	[hbm4b:s3+s2] =	stream.indirect_vreg.scatter [tilespmem:s18], [sflag:$0x2], $0x80, v3, vm0, $0xb8;
	[tilespmem:$0x12400] =	vst v63  }
0x349: {  	s18 =	simm.s32 $0xAC00  }
0x34a: {  	[hbm4b:s4+s2] =	stream.indirect_vreg.scatter [tilespmem:s18], [sflag:$0x2], $0x80, v3, vm0, $0xb8;
	[tilespmem:$0x12400] =	vst v63  }
0x34b: {  	s21 =	simm.s32 $0xB400  }
0x34c: {  	[hbm4b:s5+s2] =	stream.indirect_vreg.scatter [tilespmem:s21], [sflag:$0x2], $0x80, v3, vm0, $0xb8;
	[tilespmem:$0x12400] =	vst v63  }
0x34d: {  	s19 =	simm.s32 $0xBC00  }
0x34e: {  	[hbm4b:s6+s2] =	stream.indirect_vreg.scatter [tilespmem:s19], [sflag:$0x2], $0x80, v3, vm0, $0xb8;
	[tilespmem:$0x12400] =	vst v63  }
0x34f: {  	v3 =	vld [tilespmem:$0x3B0];
	_ =	sdelay $0x4  }
0x350: {  	v62 =	vshll.u32 v3, $0x3  }
0x351: {  	v3 =	vand.u32 $0x7, v3;
	v4 =	vand.u32 $0xFFFFFFC0, v62  }
0x352: {  	v3 =	vor.u32 v3, v4  }
0x353: {  	v4 =	vperm.xlane v3, v0;
	_ =	sdelay $0x1  }
0x354: {  	v4 =	vadd.s32 v1, v4;
	_ =	sdelay $0x3  }
0x355: {  	s21 =	simm.s32 $0xC400  }
0x356: {  	[hbm4b:s3+s2] =	stream.indirect_vreg.scatter [tilespmem:s21], [sflag:$0x2], $0x80, v4, vm0, $0xb8;
	[tilespmem:$0x12400] =	vst v63  }
0x357: {  	s24 =	simm.s32 $0xCC00;
	v3 =	vperm.xlane v3, v2  }
0x358: {  	[hbm4b:s4+s2] =	stream.indirect_vreg.scatter [tilespmem:s24], [sflag:$0x2], $0x80, v4, vm0, $0xb8;
	[tilespmem:$0x12400] =	vst v63  }
0x359: {  	s22 =	simm.s32 $0xD400;
	v3 =	vadd.s32 v1, v3  }
0x35a: {  	[hbm4b:s5+s2] =	stream.indirect_vreg.scatter [tilespmem:s22], [sflag:$0x2], $0x80, v4, vm0, $0xb8;
	[tilespmem:$0x12400] =	vst v63  }
0x35b: {  	s25 =	simm.s32 $0xDC00  }
0x35c: {  	[hbm4b:s6+s2] =	stream.indirect_vreg.scatter [tilespmem:s25], [sflag:$0x2], $0x80, v4, vm0, $0xb8;
	[tilespmem:$0x12400] =	vst v63  }
0x35d: {  	s12 =	simm.s32 $0xE400  }
0x35e: {  	[hbm4b:s3+s2] =	stream.indirect_vreg.scatter [tilespmem:s12], [sflag:$0x2], $0x80, v3, vm0, $0xb8;
	[tilespmem:$0x12400] =	vst v63  }
0x35f: {  	s13 =	simm.s32 $0xEC00  }
0x360: {  	[hbm4b:s4+s2] =	stream.indirect_vreg.scatter [tilespmem:s13], [sflag:$0x2], $0x80, v3, vm0, $0xb8;
	[tilespmem:$0x12400] =	vst v63  }
0x361: {  	s26 =	simm.s32 $0xF400  }
0x362: {  	[hbm4b:s5+s2] =	stream.indirect_vreg.scatter [tilespmem:s26], [sflag:$0x2], $0x80, v3, vm0, $0xb8;
	[tilespmem:$0x12400] =	vst v63  }
0x363: {  	s28 =	simm.s32 $0xFC00  }
0x364: {  	[hbm4b:s6+s2] =	stream.indirect_vreg.scatter [tilespmem:s28], [sflag:$0x2], $0x80, v3, vm0, $0xb8;
	[tilespmem:$0x12400] =	vst v63  }
0x365: {  	v3 =	vld.msk [tilespmem:$0x3C0], $0xff;
	_ =	sdelay $0x4  }
0x366: {  	v63 =	vshll.u32 v3, $0x3  }
0x367: {  	v3 =	vand.u32 $0x7, v3;
	v4 =	vand.u32 $0xFFFFFFC0, v63  }
0x368: {  	v3 =	vor.u32 v3, v4  }
0x369: {  	v3 =	vperm.xlane v3, v0;
	_ =	sdelay $0x1  }
0x36a: {  	v3 =	vadd.s32 v1, v3;
	_ =	sdelay $0x3  }
0x36b: {  	s29 =	simm.s32 $0x10400  }
0x36c: {  	[hbm4b:s3+s2] =	stream.indirect_vreg.scatter [tilespmem:s29], [sflag:$0x2], $0x80, v3, vm0, $0xb8;
	[tilespmem:$0x12400] =	vst v63  }
0x36d: {  	s14 =	simm.s32 $0x10C00  }
0x36e: {  	[hbm4b:s4+s2] =	stream.indirect_vreg.scatter [tilespmem:s14], [sflag:$0x2], $0x80, v3, vm0, $0xb8;
	[tilespmem:$0x12400] =	vst v63  }
0x36f: {  	p0 =	sne.s32 s20, $0x1;
	s30 =	simm.s32 $0x11400  }
0x370: {  	[hbm4b:s5+s2] =	stream.indirect_vreg.scatter [tilespmem:s30], [sflag:$0x2], $0x80, v3, vm0, $0xb8;
	[tilespmem:$0x12400] =	vst v63  }
.Ltmp0:
0x371: {  	s31 =	simm.s32 $0x11C00;
	(pc) =	sbr.rel @p0 .LBB2_1-.Ltmp0, $4  }
0x372: {  	[hbm4b:s6+s2] =	stream.indirect_vreg.scatter [tilespmem:s31], [sflag:$0x2], $0x80, v3, vm0, $0xb8;
	[tilespmem:$0x12400] =	vst v63  }
0x373: {  	_ =	swait.ge [sflag:s23], $0x12000  }
0x374: {  	[sflag:s23] =	ssyncset.done $0x0  }
0x375: {  	s20 =	sadd.s32 $0xFFFFFFFF, s20;
	[sflag:s23] =	ssyncadd.s32 $0xFFFEE000  }
0x376: {  	_ =	sfence.sel $0x180000  }
0x377: {  	[bflag:$0x0] =	sbarrier.arrive $0xFFFF  }
0x378: {  	_ =	strace $0x90000056  }
0x379: {  	s0 =	stileid.u32;
	[bflag:$0x2] =	sbarrier.arrive $0xFFFF  }
0x37a: {  	p0 =	sne.s32 s0, $0x0;
	s0 =	rddreg [dreg:$0x2]  }
0x37b: {  	s0 =	sadd.s32 @!p0 $0x100000, s0  }
0x37c: {  	[sflag:s0] =	ssyncadd.tile.s32 @!p0 $0x1;
	_ =	shalt  }
.Lfunc_end2:
_tile_overlayer_lowered:
.L_overlay_start_2:
0x37d: {  	(tag) =	ssettag $0x2  }
0x37e: {  	s0 =	rddreg [dreg:$0x0];
	s2 =	stileid.u32  }
0x37f: {  	s1 =	rddreg [dreg:$0x1];
	p0 =	sne.s32 s2, $0x0  }
0x380: {  	s3 =	rddreg [dreg:$0x2];
	[bflag:$0x3] =	sbarrier.arrive $0xFFFF;
	s2 =	simm.s32 @!p0 $0x1C03  }
0x381: {  	[timem:s3], [sflag:s2] =	dma.local @!p0 [hbm:s0], s1  }
0x382: {  	s0 =	simm.s32 @!p0 $0x3  }
0x383: {  	_ =	swait.ge @!p0 [sflag:s0], s1  }
0x384: {  	s1 =	ssub.s32 @!p0 $0x0, s1;
	[sflag:s0] =	ssyncset.done @!p0 $0x0  }
0x385: {  	[sflag:s0] =	ssyncadd.s32 @!p0 s1  }
0x386: {  	[bflag:$0x3] =	sbarrier.arrive $0xFFFF  }
0x387: {  	_ =	shalt  }

</sc_bundles>
